<compile_context>
chip_gen: v7x
topology: tpu7x:2x2x1
jax: 0.10.2.dev20260603
libtpu: 0.0.44.dev20260713+nightly
codegen_flags: <defaults>
</compile_context>

<pallas_src>
import functools
import math

import jax
import jax.numpy as jnp
from jax import lax
from jax.experimental import pallas as pl
from jax.experimental.pallas import tpu as pltpu
from jax.experimental.pallas import tpu_sc as plsc

N = 50000
D = 128
H = 4
DH = D // H
E = 300000
L = 2

PROJ_BR = 2000
EPI_BR = 2000

CD = 512
SPAN = 16 * CD
NPASS = -(-N // SPAN)
NPAD = NPASS * SPAN
TILE_EDGES = 18816
NSTEP = TILE_EDGES // 128
EPAD = 301056


def _proj_body(x_ref, w_ref, b_ref, k_ref, q_ref, v_ref):
    o = (
        jnp.dot(x_ref[...], w_ref[...], preferred_element_type=jnp.float32)
        + b_ref[...]
    )
    k_ref[...] = o[:, :D]
    q_ref[...] = o[:, D : 2 * D]
    v_ref[...] = o[:, 2 * D :]


def _proj(x, w, b):
    n = x.shape[0]
    grid = n // PROJ_BR
    return pl.pallas_call(
        _proj_body,
        grid=(grid,),
        in_specs=[
            pl.BlockSpec((PROJ_BR, D), lambda i: (i, 0)),
            pl.BlockSpec((D, 3 * D), lambda i: (0, 0)),
            pl.BlockSpec((1, 3 * D), lambda i: (0, 0)),
        ],
        out_specs=[
            pl.BlockSpec((PROJ_BR, D), lambda i: (i, 0)),
            pl.BlockSpec((PROJ_BR, D), lambda i: (i, 0)),
            pl.BlockSpec((PROJ_BR, D), lambda i: (i, 0)),
        ],
        out_shape=[
            jax.ShapeDtypeStruct((n, D), jnp.float32),
            jax.ShapeDtypeStruct((n, D), jnp.float32),
            jax.ShapeDtypeStruct((n, D), jnp.float32),
        ],
    )(x, w, b)


def _epi_body(acc_ref, s_ref, x_ref, wa_ref, ba_ref, sk_ref, o_ref):
    acc = acc_ref[0]
    parts = []
    for h in range(H):
        sh = s_ref[0, :, h : h + 1] + 1e-16
        parts.append(acc[:, h * DH : (h + 1) * DH] / sh)
    out = jnp.concatenate(parts, axis=1)
    g = out * 0.5 * (1.0 + jax.lax.erf(out * 0.7071067811865476))
    o = jnp.dot(g, wa_ref[...], preferred_element_type=jnp.float32) + ba_ref[...]
    sa = sk_ref[0, 0]
    o_ref[...] = jnp.maximum(sa * o + (1.0 - sa) * x_ref[...], 0.0)


def _epilogue(acc, s, rsel, x_old, wa, ba, sa):
    n = x_old.shape[0]
    grid = n // EPI_BR
    return pl.pallas_call(
        _epi_body,
        grid=(grid,),
        in_specs=[
            pl.BlockSpec((1, EPI_BR, D), lambda i: (rsel, i, 0)),
            pl.BlockSpec((1, EPI_BR, 16), lambda i: (rsel, i, 0)),
            pl.BlockSpec((EPI_BR, D), lambda i: (i, 0)),
            pl.BlockSpec((D, D), lambda i: (0, 0)),
            pl.BlockSpec((1, D), lambda i: (0, 0)),
            pl.BlockSpec((1, 1), lambda i: (0, 0), memory_space=pltpu.SMEM),
        ],
        out_specs=pl.BlockSpec((EPI_BR, D), lambda i: (i, 0)),
        out_shape=jax.ShapeDtypeStruct((n, D), jnp.float32),
    )(acc, s, x_old, wa, ba, sa)



def _edge_stage(krel, qs, vrel, edge):
    src, dst = edge[0], edge[1]
    kh = krel.reshape(N, H, DH)
    qh = qs.reshape(N, H, DH)
    alpha = (kh[src] * qh[dst]).sum(-1)
    ex = jnp.exp(alpha)
    s = jax.ops.segment_sum(ex, dst, num_segments=N)
    msg = ex[:, :, None] * vrel.reshape(N, H, DH)[src]
    acc = jax.ops.segment_sum(msg, dst, num_segments=N)
    return acc.reshape(N, D), s


def kernel(x_author, x_paper, edge_writes, edge_rev, Wk, Wq, Wv, Wa, bk, bq, bv, ba, skip, a_rel, m_rel, p_rel):
    import math
    def bd(rel):
        return jax.scipy.linalg.block_diag(*[rel[h] for h in range(H)])
    sscale = 1.0 / math.sqrt(DH)
    xa, xp = x_author, x_paper
    for l in range(L):
        wk0 = Wk[l, 0] @ bd(a_rel[l, 0]); bk0 = bk[l, 0] @ bd(a_rel[l, 0])
        wk1 = Wk[l, 1] @ bd(a_rel[l, 1]); bk1 = bk[l, 1] @ bd(a_rel[l, 1])
        wv0 = Wv[l, 0] @ bd(m_rel[l, 0]); bv0 = bv[l, 0] @ bd(m_rel[l, 0])
        wv1 = Wv[l, 1] @ bd(m_rel[l, 1]); bv1 = bv[l, 1] @ bd(m_rel[l, 1])
        q0scale = jnp.repeat(p_rel[l, 0] * sscale, DH)
        q1scale = jnp.repeat(p_rel[l, 1] * sscale, DH)
        wq_r0 = Wq[l, 1] * q0scale[None, :]; bq_r0 = bq[l, 1] * q0scale
        wq_r1 = Wq[l, 0] * q1scale[None, :]; bq_r1 = bq[l, 0] * q1scale
        wcat_a = jnp.concatenate([wk0, wq_r1, wv0], axis=1)
        bcat_a = jnp.concatenate([bk0, bq_r1, bv0])[None, :]
        wcat_p = jnp.concatenate([wk1, wq_r0, wv1], axis=1)
        bcat_p = jnp.concatenate([bk1, bq_r0, bv1])[None, :]
        k0, qa, v0 = _proj(xa, wcat_a, bcat_a)
        k1, qp, v1 = _proj(xp, wcat_p, bcat_p)
        acc_p, s_p = _edge_stage(k0, qp, v0, edge_writes)
        acc_a, s_a = _edge_stage(k1, qa, v1, edge_rev)
        acc = jnp.stack([jnp.pad(acc_p, ((0, NPAD - N), (0, 0))), jnp.pad(acc_a, ((0, NPAD - N), (0, 0)))])
        exs = jnp.stack([jnp.pad(s_p, ((0, NPAD - N), (0, 12))), jnp.pad(s_a, ((0, NPAD - N), (0, 12)))])
        sa = jax.nn.sigmoid(skip[l, 0]).reshape(1, 1)
        sp = jax.nn.sigmoid(skip[l, 1]).reshape(1, 1)
        xa_new = _epilogue(acc, exs, 1, xa, Wa[l, 0], ba[l, 0][None, :], sa)
        xp_new = _epilogue(acc, exs, 0, xp, Wa[l, 1], ba[l, 1][None, :], sp)
        xa, xp = xa_new, xp_new
    return xa, xp

# --- scband reference (transcript-rebuilt; emitter-appended) ---
"""Pipeline reference for scband-hgtbackbone-17892833755510 (READ-ONLY COPY).

The authoritative reference and input builder live on the scoring server;
editing this copy changes nothing except your own understanding.
"""

import jax, jax.numpy as jnp
import numpy as np

N = 50000
D = 128
H = 4
DH = D // H
E = 300000
L = 2


def setup_inputs(seed: int = 0):
    key = jax.random.key(seed)
    ks = jax.random.split(key, 12)
    def nrm(k, shape, scale):
        return jax.random.normal(k, shape, jnp.float32) * scale
    inp = {}
    inp["x_author"] = nrm(ks[0], (N, D), 1.0)
    inp["x_paper"] = nrm(ks[1], (N, D), 1.0)
    inp["edge_writes"] = jax.random.randint(ks[2], (2, E), 0, N, jnp.int32)
    inp["edge_rev"] = jax.random.randint(ks[3], (2, E), 0, N, jnp.int32)
    sc = 1.0 / np.sqrt(D)
    inp["Wk"] = nrm(ks[4], (L, 2, D, D), sc)
    inp["Wq"] = nrm(ks[5], (L, 2, D, D), sc)
    inp["Wv"] = nrm(ks[6], (L, 2, D, D), sc)
    inp["Wa"] = nrm(ks[7], (L, 2, D, D), sc)
    inp["bk"] = jnp.zeros((L, 2, D), jnp.float32)
    inp["bq"] = jnp.zeros((L, 2, D), jnp.float32)
    inp["bv"] = jnp.zeros((L, 2, D), jnp.float32)
    inp["ba"] = jnp.zeros((L, 2, D), jnp.float32)
    inp["skip"] = jnp.ones((L, 2), jnp.float32)
    inp["a_rel"] = nrm(ks[8], (L, 2, H, DH, DH), 1.0 / np.sqrt(DH))
    inp["m_rel"] = nrm(ks[9], (L, 2, H, DH, DH), 1.0 / np.sqrt(DH))
    inp["p_rel"] = jnp.ones((L, 2, H), jnp.float32)
    return inp


def _segment_softmax(alpha, dst, num_segments):
    amax = jax.ops.segment_max(alpha, dst, num_segments=num_segments)
    amax = jnp.where(jnp.isfinite(amax), amax, 0.0)
    ex = jnp.exp(alpha - amax[dst])
    s = jax.ops.segment_sum(ex, dst, num_segments=num_segments)
    return ex / (s[dst] + 1e-16)


def _relation(x_src, x_dst, Wk, bk, Wq, bq, Wv, bv, arel, mrel, prel, edge):
    k = (x_src @ Wk + bk).reshape(-1, H, DH)
    q = (x_dst @ Wq + bq).reshape(-1, H, DH)
    v = (x_src @ Wv + bv).reshape(-1, H, DH)
    krel = jnp.einsum('nhd,hde->nhe', k, arel)
    vrel = jnp.einsum('nhd,hde->nhe', v, mrel)
    src, dst = edge[0], edge[1]
    alpha = (krel[src] * q[dst]).sum(-1) * prel / np.sqrt(DH)
    attn = _segment_softmax(alpha, dst, x_dst.shape[0])
    msg = attn[:, :, None] * vrel[src]
    out = jax.ops.segment_sum(msg, dst, num_segments=x_dst.shape[0])
    return out.reshape(-1, D)


def _forward(x_author, x_paper, Wk, Wq, Wv, Wa, bk, bq, bv, ba, skip, a_rel, m_rel, p_rel, edge_writes, edge_rev):
    xa, xp = x_author, x_paper
    for l in range(L):
        # relation 0: author -> paper
        out_p = _relation(xa, xp, Wk[l, 0], bk[l, 0], Wq[l, 1], bq[l, 1], Wv[l, 0], bv[l, 0], a_rel[l, 0], m_rel[l, 0], p_rel[l, 0], edge_writes)
        # relation 1: paper -> author
        out_a = _relation(xp, xa, Wk[l, 1], bk[l, 1], Wq[l, 0], bq[l, 0], Wv[l, 1], bv[l, 1], a_rel[l, 1], m_rel[l, 1], p_rel[l, 1], edge_rev)
        oa = jax.nn.gelu(out_a, approximate=False) @ Wa[l, 0] + ba[l, 0]
        op = jax.nn.gelu(out_p, approximate=False) @ Wa[l, 1] + ba[l, 1]
        sa = jax.nn.sigmoid(skip[l, 0])
        sp = jax.nn.sigmoid(skip[l, 1])
        xa = jax.nn.relu(sa * oa + (1.0 - sa) * xa)
        xp = jax.nn.relu(sp * op + (1.0 - sp) * xp)
        # dropout p=0.1 is identity in eval mode (training=False)
    return xa, xp


def reference(x_author, x_paper, edge_writes, edge_rev, Wk, Wq, Wv, Wa, bk, bq, bv, ba, skip, a_rel, m_rel, p_rel):
    return _forward(x_author, x_paper, Wk, Wq, Wv, Wa, bk, bq, bv, ba, skip, a_rel, m_rel, p_rel, edge_writes, edge_rev)

if __name__ == "__main__":
    import jax
    _d = setup_inputs()
    print(jax.jit(kernel)(*tuple(_d.values())))

</pallas_src>

<mosaic_0001>
module attributes {stable_mosaic.version = 14 : i64} {
  func.func @_proj_body(%arg0: i32, %arg1: memref<2000x128xf32, #tpu.memory_space<vmem>>, %arg2: memref<128x384xf32, #tpu.memory_space<vmem>>, %arg3: memref<1x384xf32, #tpu.memory_space<vmem>>, %arg4: memref<2000x128xf32, #tpu.memory_space<vmem>>, %arg5: memref<2000x128xf32, #tpu.memory_space<vmem>>, %arg6: memref<2000x128xf32, #tpu.memory_space<vmem>>) attributes {dimension_semantics = [#tpu.dimension_semantics<arbitrary>], iteration_bounds = array<i64: 25>, scalar_prefetch = 0 : i64, scratch_operands = 0 : i64, tpu.core_type = #tpu.core_type<tc>, window_params = [{transform_indices = @transform_0, window_bounds = array<i64: 2000, 128>}, {pipeline_mode = #tpu.pipeline_mode<synchronous>, transform_indices = @transform_1, window_bounds = array<i64: 128, 384>}, {pipeline_mode = #tpu.pipeline_mode<synchronous>, transform_indices = @transform_2, window_bounds = array<i64: 1, 384>}, {transform_indices = @transform_3, window_bounds = array<i64: 2000, 128>}, {transform_indices = @transform_4, window_bounds = array<i64: 2000, 128>}, {transform_indices = @transform_5, window_bounds = array<i64: 2000, 128>}]} {
    %get3A = arith.constant 0 : index
    %get3A_0 = arith.constant 0 : index
    %get3A_1 = vector.load %arg1[%get3A, %get3A_0] : memref<2000x128xf32, #tpu.memory_space<vmem>>, vector<2000x128xf32>
    %get3A_2 = arith.constant 0 : index
    %get3A_3 = arith.constant 0 : index
    %get3A_4 = vector.load %arg2[%get3A_2, %get3A_3] : memref<128x384xf32, #tpu.memory_space<vmem>>, vector<128x384xf32>
    %dot_general3A = arith.constant dense<0.000000e+00> : vector<2000x384xf32>
    %dot_general3A_5 = tpu.matmul %get3A_1, %get3A_4, %dot_general3A {dimension_numbers = #tpu.dot_dimension_numbers<[1], [0], [0], [1], [0, 0, 1, 1], [], []>, transpose_lhs_hint = false} : vector<2000x128xf32>, vector<128x384xf32>, vector<2000x384xf32> -> vector<2000x384xf32>
    %get3A_6 = arith.constant 0 : index
    %get3A_7 = arith.constant 0 : index
    %get3A_8 = vector.load %arg3[%get3A_6, %get3A_7] : memref<1x384xf32, #tpu.memory_space<vmem>>, vector<1x384xf32>
    %add3A = vector.broadcast %get3A_8 : vector<1x384xf32> to vector<2000x384xf32>
    %add3A_9 = arith.addf %dot_general3A_5, %add3A : vector<2000x384xf32>
    %slice3A = vector.extract_strided_slice %add3A_9 {offsets = [0, 0], sizes = [2000, 128], strides = [1, 1]} : vector<2000x384xf32> to vector<2000x128xf32>
    %swap3A = arith.constant 0 : index
    %swap3A_10 = arith.constant 0 : index
    %swap3A_11 = vector.load %arg4[%swap3A, %swap3A_10] : memref<2000x128xf32, #tpu.memory_space<vmem>>, vector<2000x128xf32>
    tpu.vector_store %arg4[%swap3A, %swap3A_10], %slice3A {strides = array<i32>} : memref<2000x128xf32, #tpu.memory_space<vmem>>, vector<2000x128xf32>,
    %slice3A_12 = vector.extract_strided_slice %add3A_9 {offsets = [0, 128], sizes = [2000, 128], strides = [1, 1]} : vector<2000x384xf32> to vector<2000x128xf32>
    %swap3A_13 = arith.constant 0 : index
    %swap3A_14 = arith.constant 0 : index
    %swap3A_15 = vector.load %arg5[%swap3A_13, %swap3A_14] : memref<2000x128xf32, #tpu.memory_space<vmem>>, vector<2000x128xf32>
    tpu.vector_store %arg5[%swap3A_13, %swap3A_14], %slice3A_12 {strides = array<i32>} : memref<2000x128xf32, #tpu.memory_space<vmem>>, vector<2000x128xf32>,
    %slice3A_16 = vector.extract_strided_slice %add3A_9 {offsets = [0, 256], sizes = [2000, 128], strides = [1, 1]} : vector<2000x384xf32> to vector<2000x128xf32>
    %swap3A_17 = arith.constant 0 : index
    %swap3A_18 = arith.constant 0 : index
    %swap3A_19 = vector.load %arg6[%swap3A_17, %swap3A_18] : memref<2000x128xf32, #tpu.memory_space<vmem>>, vector<2000x128xf32>
    tpu.vector_store %arg6[%swap3A_17, %swap3A_18], %slice3A_16 {strides = array<i32>} : memref<2000x128xf32, #tpu.memory_space<vmem>>, vector<2000x128xf32>,
    return
  }
  func.func @transform_0(%arg0: i32) -> (i32, i32) {
    %c0_i32 = arith.constant 0 : i32
    %c0_i32_0 = arith.constant 0 : i32
    return %arg0, %c0_i32 : i32, i32
  }
  func.func @transform_1(%arg0: i32) -> (i32, i32) {
    %c0_i32 = arith.constant 0 : i32
    %c0_i32_0 = arith.constant 0 : i32
    %c0_i32_1 = arith.constant 0 : i32
    return %c0_i32, %c0_i32_0 : i32, i32
  }
  func.func @transform_2(%arg0: i32) -> (i32, i32) {
    %c0_i32 = arith.constant 0 : i32
    %c0_i32_0 = arith.constant 0 : i32
    %c0_i32_1 = arith.constant 0 : i32
    return %c0_i32, %c0_i32_0 : i32, i32
  }
  func.func @transform_3(%arg0: i32) -> (i32, i32) {
    %c0_i32 = arith.constant 0 : i32
    %c0_i32_0 = arith.constant 0 : i32
    return %arg0, %c0_i32 : i32, i32
  }
  func.func @transform_4(%arg0: i32) -> (i32, i32) {
    %c0_i32 = arith.constant 0 : i32
    %c0_i32_0 = arith.constant 0 : i32
    return %arg0, %c0_i32 : i32, i32
  }
  func.func @transform_5(%arg0: i32) -> (i32, i32) {
    %c0_i32 = arith.constant 0 : i32
    %c0_i32_0 = arith.constant 0 : i32
    return %arg0, %c0_i32 : i32, i32
  }
}

module attributes {stable_mosaic.version = 14 : i64} {
  func.func @_epi_body(%arg0: i32, %arg1: memref<1x2000x128xf32, #tpu.memory_space<vmem>>, %arg2: memref<1x2000x16xf32, #tpu.memory_space<vmem>>, %arg3: memref<2000x128xf32, #tpu.memory_space<vmem>>, %arg4: memref<128x128xf32, #tpu.memory_space<vmem>>, %arg5: memref<1x128xf32, #tpu.memory_space<vmem>>, %arg6: memref<1x1xf32, #tpu.memory_space<smem>>, %arg7: memref<2000x128xf32, #tpu.memory_space<vmem>>) attributes {dimension_semantics = [#tpu.dimension_semantics<arbitrary>], iteration_bounds = array<i64: 25>, scalar_prefetch = 0 : i64, scratch_operands = 0 : i64, tpu.core_type = #tpu.core_type<tc>, window_params = [{transform_indices = @transform_0, window_bounds = array<i64: 1, 2000, 128>}, {transform_indices = @transform_1, window_bounds = array<i64: 1, 2000, 16>}, {transform_indices = @transform_2, window_bounds = array<i64: 2000, 128>}, {pipeline_mode = #tpu.pipeline_mode<synchronous>, transform_indices = @transform_3, window_bounds = array<i64: 128, 128>}, {pipeline_mode = #tpu.pipeline_mode<synchronous>, transform_indices = @transform_4, window_bounds = array<i64: 1, 128>}, {transform_indices = @transform_5, window_bounds = array<i64: 1, 1>}, {transform_indices = @transform_6, window_bounds = array<i64: 2000, 128>}]} {
    %get3A = arith.constant 0 : index
    %get3A_0 = arith.constant 0 : index
    %get3A_1 = arith.constant 0 : index
    %get3A_2 = vector.load %arg1[%get3A, %get3A_0, %get3A_1] : memref<1x2000x128xf32, #tpu.memory_space<vmem>>, vector<1x2000x128xf32>
    %get3A_3 = vector.shape_cast %get3A_2 : vector<1x2000x128xf32> to vector<2000x128xf32>
    %get3A_4 = arith.constant 0 : index
    %get3A_5 = arith.constant 0 : index
    %get3A_6 = arith.constant 0 : index
    %get3A_7 = vector.load %arg2[%get3A_4, %get3A_5, %get3A_6] : memref<1x2000x16xf32, #tpu.memory_space<vmem>>, vector<1x2000x1xf32>
    %get3A_8 = vector.shape_cast %get3A_7 : vector<1x2000x1xf32> to vector<2000x1xf32>
    %add3A = arith.constant 1.000000e-16 : f32
    %add3A_9 = vector.broadcast %add3A : f32 to vector<2000x1xf32>
    %add3A_10 = arith.addf %get3A_8, %add3A_9 : vector<2000x1xf32>
    %slice3A = vector.extract_strided_slice %get3A_3 {offsets = [0, 0], sizes = [2000, 32], strides = [1, 1]} : vector<2000x128xf32> to vector<2000x32xf32>
    %div3A = vector.broadcast %add3A_10 : vector<2000x1xf32> to vector<2000x32xf32>
    %div3A_11 = arith.divf %slice3A, %div3A : vector<2000x32xf32>
    %get3A_12 = arith.constant 0 : index
    %get3A_13 = arith.constant 0 : index
    %get3A_14 = arith.constant 1 : index
    %get3A_15 = vector.load %arg2[%get3A_12, %get3A_13, %get3A_14] : memref<1x2000x16xf32, #tpu.memory_space<vmem>>, vector<1x2000x1xf32>
    %get3A_16 = vector.shape_cast %get3A_15 : vector<1x2000x1xf32> to vector<2000x1xf32>
    %add3A_17 = arith.constant 1.000000e-16 : f32
    %add3A_18 = vector.broadcast %add3A_17 : f32 to vector<2000x1xf32>
    %add3A_19 = arith.addf %get3A_16, %add3A_18 : vector<2000x1xf32>
    %slice3A_20 = vector.extract_strided_slice %get3A_3 {offsets = [0, 32], sizes = [2000, 32], strides = [1, 1]} : vector<2000x128xf32> to vector<2000x32xf32>
    %div3A_21 = vector.broadcast %add3A_19 : vector<2000x1xf32> to vector<2000x32xf32>
    %div3A_22 = arith.divf %slice3A_20, %div3A_21 : vector<2000x32xf32>
    %get3A_23 = arith.constant 0 : index
    %get3A_24 = arith.constant 0 : index
    %get3A_25 = arith.constant 2 : index
    %get3A_26 = vector.load %arg2[%get3A_23, %get3A_24, %get3A_25] : memref<1x2000x16xf32, #tpu.memory_space<vmem>>, vector<1x2000x1xf32>
    %get3A_27 = vector.shape_cast %get3A_26 : vector<1x2000x1xf32> to vector<2000x1xf32>
    %add3A_28 = arith.constant 1.000000e-16 : f32
    %add3A_29 = vector.broadcast %add3A_28 : f32 to vector<2000x1xf32>
    %add3A_30 = arith.addf %get3A_27, %add3A_29 : vector<2000x1xf32>
    %slice3A_31 = vector.extract_strided_slice %get3A_3 {offsets = [0, 64], sizes = [2000, 32], strides = [1, 1]} : vector<2000x128xf32> to vector<2000x32xf32>
    %div3A_32 = vector.broadcast %add3A_30 : vector<2000x1xf32> to vector<2000x32xf32>
    %div3A_33 = arith.divf %slice3A_31, %div3A_32 : vector<2000x32xf32>
    %get3A_34 = arith.constant 0 : index
    %get3A_35 = arith.constant 0 : index
    %get3A_36 = arith.constant 3 : index
    %get3A_37 = vector.load %arg2[%get3A_34, %get3A_35, %get3A_36] : memref<1x2000x16xf32, #tpu.memory_space<vmem>>, vector<1x2000x1xf32>
    %get3A_38 = vector.shape_cast %get3A_37 : vector<1x2000x1xf32> to vector<2000x1xf32>
    %add3A_39 = arith.constant 1.000000e-16 : f32
    %add3A_40 = vector.broadcast %add3A_39 : f32 to vector<2000x1xf32>
    %add3A_41 = arith.addf %get3A_38, %add3A_40 : vector<2000x1xf32>
    %slice3A_42 = vector.extract_strided_slice %get3A_3 {offsets = [0, 96], sizes = [2000, 32], strides = [1, 1]} : vector<2000x128xf32> to vector<2000x32xf32>
    %div3A_43 = vector.broadcast %add3A_41 : vector<2000x1xf32> to vector<2000x32xf32>
    %div3A_44 = arith.divf %slice3A_42, %div3A_43 : vector<2000x32xf32>
    %concatenate3A = tpu.concatenate %div3A_11, %div3A_22, %div3A_33, %div3A_44 in 1 : vector<2000x32xf32>, vector<2000x32xf32>, vector<2000x32xf32>, vector<2000x32xf32> -> vector<2000x128xf32>
    %mul3A = arith.constant 5.000000e-01 : f32
    %mul3A_45 = vector.broadcast %mul3A : f32 to vector<2000x128xf32>
    %mul3A_46 = arith.mulf %concatenate3A, %mul3A_45 : vector<2000x128xf32>
    %mul3A_47 = arith.constant 0.707106769 : f32
    %mul3A_48 = vector.broadcast %mul3A_47 : f32 to vector<2000x128xf32>
    %mul3A_49 = arith.mulf %concatenate3A, %mul3A_48 : vector<2000x128xf32>
    %erf3A = math.erf %mul3A_49 : vector<2000x128xf32>
    %add3A_50 = arith.constant 1.000000e+00 : f32
    %add3A_51 = vector.broadcast %add3A_50 : f32 to vector<2000x128xf32>
    %add3A_52 = arith.addf %add3A_51, %erf3A : vector<2000x128xf32>
    %mul3A_53 = arith.mulf %mul3A_46, %add3A_52 : vector<2000x128xf32>
    %get3A_54 = arith.constant 0 : index
    %get3A_55 = arith.constant 0 : index
    %get3A_56 = vector.load %arg4[%get3A_54, %get3A_55] : memref<128x128xf32, #tpu.memory_space<vmem>>, vector<128x128xf32>
    %dot_general3A = arith.constant dense<0.000000e+00> : vector<2000x128xf32>
    %dot_general3A_57 = tpu.matmul %mul3A_53, %get3A_56, %dot_general3A {dimension_numbers = #tpu.dot_dimension_numbers<[1], [0], [0], [1], [0, 0, 1, 1], [], []>, transpose_lhs_hint = false} : vector<2000x128xf32>, vector<128x128xf32>, vector<2000x128xf32> -> vector<2000x128xf32>
    %get3A_58 = arith.constant 0 : index
    %get3A_59 = arith.constant 0 : index
    %get3A_60 = vector.load %arg5[%get3A_58, %get3A_59] : memref<1x128xf32, #tpu.memory_space<vmem>>, vector<1x128xf32>
    %add3A_61 = vector.broadcast %get3A_60 : vector<1x128xf32> to vector<2000x128xf32>
    %add3A_62 = arith.addf %dot_general3A_57, %add3A_61 : vector<2000x128xf32>
    %get3A_63 = arith.constant 0 : index
    %get3A_64 = arith.constant 0 : index
    %get3A_65 = memref.load %arg6[%get3A_63, %get3A_64] : memref<1x1xf32, #tpu.memory_space<smem>>
    %mul3A_66 = vector.broadcast %get3A_65 : f32 to vector<2000x128xf32>
    %mul3A_67 = arith.mulf %mul3A_66, %add3A_62 : vector<2000x128xf32>
    %sub3A = arith.constant 1.000000e+00 : f32
    %sub3A_68 = arith.subf %sub3A, %get3A_65 : f32
    %get3A_69 = arith.constant 0 : index
    %get3A_70 = arith.constant 0 : index
    %get3A_71 = vector.load %arg3[%get3A_69, %get3A_70] : memref<2000x128xf32, #tpu.memory_space<vmem>>, vector<2000x128xf32>
    %mul3A_72 = vector.broadcast %sub3A_68 : f32 to vector<2000x128xf32>
    %mul3A_73 = arith.mulf %mul3A_72, %get3A_71 : vector<2000x128xf32>
    %add3A_74 = arith.addf %mul3A_67, %mul3A_73 : vector<2000x128xf32>
    %max3A = arith.constant 0.000000e+00 : f32
    %max3A_75 = vector.broadcast %max3A : f32 to vector<2000x128xf32>
    %max3A_76 = arith.maximumf %add3A_74, %max3A_75 : vector<2000x128xf32>
    %swap3A = arith.constant 0 : index
    %swap3A_77 = arith.constant 0 : index
    %swap3A_78 = vector.load %arg7[%swap3A, %swap3A_77] : memref<2000x128xf32, #tpu.memory_space<vmem>>, vector<2000x128xf32>
    tpu.vector_store %arg7[%swap3A, %swap3A_77], %max3A_76 {strides = array<i32>} : memref<2000x128xf32, #tpu.memory_space<vmem>>, vector<2000x128xf32>,
    return
  }
  func.func @transform_0(%arg0: i32) -> (i32, i32, i32) {
    %c1_i32 = arith.constant 1 : i32
    %c0_i32 = arith.constant 0 : i32
    %c0_i32_0 = arith.constant 0 : i32
    return %c1_i32, %arg0, %c0_i32 : i32, i32, i32
  }
  func.func @transform_1(%arg0: i32) -> (i32, i32, i32) {
    %c1_i32 = arith.constant 1 : i32
    %c0_i32 = arith.constant 0 : i32
    %c0_i32_0 = arith.constant 0 : i32
    return %c1_i32, %arg0, %c0_i32 : i32, i32, i32
  }
  func.func @transform_2(%arg0: i32) -> (i32, i32) {
    %c0_i32 = arith.constant 0 : i32
    %c0_i32_0 = arith.constant 0 : i32
    return %arg0, %c0_i32 : i32, i32
  }
  func.func @transform_3(%arg0: i32) -> (i32, i32) {
    %c0_i32 = arith.constant 0 : i32
    %c0_i32_0 = arith.constant 0 : i32
    %c0_i32_1 = arith.constant 0 : i32
    return %c0_i32, %c0_i32_0 : i32, i32
  }
  func.func @transform_4(%arg0: i32) -> (i32, i32) {
    %c0_i32 = arith.constant 0 : i32
    %c0_i32_0 = arith.constant 0 : i32
    %c0_i32_1 = arith.constant 0 : i32
    return %c0_i32, %c0_i32_0 : i32, i32
  }
  func.func @transform_5(%arg0: i32) -> (i32, i32) {
    %c0_i32 = arith.constant 0 : i32
    %c0_i32_0 = arith.constant 0 : i32
    %c0_i32_1 = arith.constant 0 : i32
    return %c0_i32, %c0_i32_0 : i32, i32
  }
  func.func @transform_6(%arg0: i32) -> (i32, i32) {
    %c0_i32 = arith.constant 0 : i32
    %c0_i32_0 = arith.constant 0 : i32
    return %arg0, %c0_i32 : i32, i32
  }
}

module attributes {stable_mosaic.version = 14 : i64} {
  func.func @_epi_body(%arg0: i32, %arg1: memref<1x2000x128xf32, #tpu.memory_space<vmem>>, %arg2: memref<1x2000x16xf32, #tpu.memory_space<vmem>>, %arg3: memref<2000x128xf32, #tpu.memory_space<vmem>>, %arg4: memref<128x128xf32, #tpu.memory_space<vmem>>, %arg5: memref<1x128xf32, #tpu.memory_space<vmem>>, %arg6: memref<1x1xf32, #tpu.memory_space<smem>>, %arg7: memref<2000x128xf32, #tpu.memory_space<vmem>>) attributes {dimension_semantics = [#tpu.dimension_semantics<arbitrary>], iteration_bounds = array<i64: 25>, scalar_prefetch = 0 : i64, scratch_operands = 0 : i64, tpu.core_type = #tpu.core_type<tc>, window_params = [{transform_indices = @transform_0, window_bounds = array<i64: 1, 2000, 128>}, {transform_indices = @transform_1, window_bounds = array<i64: 1, 2000, 16>}, {transform_indices = @transform_2, window_bounds = array<i64: 2000, 128>}, {pipeline_mode = #tpu.pipeline_mode<synchronous>, transform_indices = @transform_3, window_bounds = array<i64: 128, 128>}, {pipeline_mode = #tpu.pipeline_mode<synchronous>, transform_indices = @transform_4, window_bounds = array<i64: 1, 128>}, {transform_indices = @transform_5, window_bounds = array<i64: 1, 1>}, {transform_indices = @transform_6, window_bounds = array<i64: 2000, 128>}]} {
    %get3A = arith.constant 0 : index
    %get3A_0 = arith.constant 0 : index
    %get3A_1 = arith.constant 0 : index
    %get3A_2 = vector.load %arg1[%get3A, %get3A_0, %get3A_1] : memref<1x2000x128xf32, #tpu.memory_space<vmem>>, vector<1x2000x128xf32>
    %get3A_3 = vector.shape_cast %get3A_2 : vector<1x2000x128xf32> to vector<2000x128xf32>
    %get3A_4 = arith.constant 0 : index
    %get3A_5 = arith.constant 0 : index
    %get3A_6 = arith.constant 0 : index
    %get3A_7 = vector.load %arg2[%get3A_4, %get3A_5, %get3A_6] : memref<1x2000x16xf32, #tpu.memory_space<vmem>>, vector<1x2000x1xf32>
    %get3A_8 = vector.shape_cast %get3A_7 : vector<1x2000x1xf32> to vector<2000x1xf32>
    %add3A = arith.constant 1.000000e-16 : f32
    %add3A_9 = vector.broadcast %add3A : f32 to vector<2000x1xf32>
    %add3A_10 = arith.addf %get3A_8, %add3A_9 : vector<2000x1xf32>
    %slice3A = vector.extract_strided_slice %get3A_3 {offsets = [0, 0], sizes = [2000, 32], strides = [1, 1]} : vector<2000x128xf32> to vector<2000x32xf32>
    %div3A = vector.broadcast %add3A_10 : vector<2000x1xf32> to vector<2000x32xf32>
    %div3A_11 = arith.divf %slice3A, %div3A : vector<2000x32xf32>
    %get3A_12 = arith.constant 0 : index
    %get3A_13 = arith.constant 0 : index
    %get3A_14 = arith.constant 1 : index
    %get3A_15 = vector.load %arg2[%get3A_12, %get3A_13, %get3A_14] : memref<1x2000x16xf32, #tpu.memory_space<vmem>>, vector<1x2000x1xf32>
    %get3A_16 = vector.shape_cast %get3A_15 : vector<1x2000x1xf32> to vector<2000x1xf32>
    %add3A_17 = arith.constant 1.000000e-16 : f32
    %add3A_18 = vector.broadcast %add3A_17 : f32 to vector<2000x1xf32>
    %add3A_19 = arith.addf %get3A_16, %add3A_18 : vector<2000x1xf32>
    %slice3A_20 = vector.extract_strided_slice %get3A_3 {offsets = [0, 32], sizes = [2000, 32], strides = [1, 1]} : vector<2000x128xf32> to vector<2000x32xf32>
    %div3A_21 = vector.broadcast %add3A_19 : vector<2000x1xf32> to vector<2000x32xf32>
    %div3A_22 = arith.divf %slice3A_20, %div3A_21 : vector<2000x32xf32>
    %get3A_23 = arith.constant 0 : index
    %get3A_24 = arith.constant 0 : index
    %get3A_25 = arith.constant 2 : index
    %get3A_26 = vector.load %arg2[%get3A_23, %get3A_24, %get3A_25] : memref<1x2000x16xf32, #tpu.memory_space<vmem>>, vector<1x2000x1xf32>
    %get3A_27 = vector.shape_cast %get3A_26 : vector<1x2000x1xf32> to vector<2000x1xf32>
    %add3A_28 = arith.constant 1.000000e-16 : f32
    %add3A_29 = vector.broadcast %add3A_28 : f32 to vector<2000x1xf32>
    %add3A_30 = arith.addf %get3A_27, %add3A_29 : vector<2000x1xf32>
    %slice3A_31 = vector.extract_strided_slice %get3A_3 {offsets = [0, 64], sizes = [2000, 32], strides = [1, 1]} : vector<2000x128xf32> to vector<2000x32xf32>
    %div3A_32 = vector.broadcast %add3A_30 : vector<2000x1xf32> to vector<2000x32xf32>
    %div3A_33 = arith.divf %slice3A_31, %div3A_32 : vector<2000x32xf32>
    %get3A_34 = arith.constant 0 : index
    %get3A_35 = arith.constant 0 : index
    %get3A_36 = arith.constant 3 : index
    %get3A_37 = vector.load %arg2[%get3A_34, %get3A_35, %get3A_36] : memref<1x2000x16xf32, #tpu.memory_space<vmem>>, vector<1x2000x1xf32>
    %get3A_38 = vector.shape_cast %get3A_37 : vector<1x2000x1xf32> to vector<2000x1xf32>
    %add3A_39 = arith.constant 1.000000e-16 : f32
    %add3A_40 = vector.broadcast %add3A_39 : f32 to vector<2000x1xf32>
    %add3A_41 = arith.addf %get3A_38, %add3A_40 : vector<2000x1xf32>
    %slice3A_42 = vector.extract_strided_slice %get3A_3 {offsets = [0, 96], sizes = [2000, 32], strides = [1, 1]} : vector<2000x128xf32> to vector<2000x32xf32>
    %div3A_43 = vector.broadcast %add3A_41 : vector<2000x1xf32> to vector<2000x32xf32>
    %div3A_44 = arith.divf %slice3A_42, %div3A_43 : vector<2000x32xf32>
    %concatenate3A = tpu.concatenate %div3A_11, %div3A_22, %div3A_33, %div3A_44 in 1 : vector<2000x32xf32>, vector<2000x32xf32>, vector<2000x32xf32>, vector<2000x32xf32> -> vector<2000x128xf32>
    %mul3A = arith.constant 5.000000e-01 : f32
    %mul3A_45 = vector.broadcast %mul3A : f32 to vector<2000x128xf32>
    %mul3A_46 = arith.mulf %concatenate3A, %mul3A_45 : vector<2000x128xf32>
    %mul3A_47 = arith.constant 0.707106769 : f32
    %mul3A_48 = vector.broadcast %mul3A_47 : f32 to vector<2000x128xf32>
    %mul3A_49 = arith.mulf %concatenate3A, %mul3A_48 : vector<2000x128xf32>
    %erf3A = math.erf %mul3A_49 : vector<2000x128xf32>
    %add3A_50 = arith.constant 1.000000e+00 : f32
    %add3A_51 = vector.broadcast %add3A_50 : f32 to vector<2000x128xf32>
    %add3A_52 = arith.addf %add3A_51, %erf3A : vector<2000x128xf32>
    %mul3A_53 = arith.mulf %mul3A_46, %add3A_52 : vector<2000x128xf32>
    %get3A_54 = arith.constant 0 : index
    %get3A_55 = arith.constant 0 : index
    %get3A_56 = vector.load %arg4[%get3A_54, %get3A_55] : memref<128x128xf32, #tpu.memory_space<vmem>>, vector<128x128xf32>
    %dot_general3A = arith.constant dense<0.000000e+00> : vector<2000x128xf32>
    %dot_general3A_57 = tpu.matmul %mul3A_53, %get3A_56, %dot_general3A {dimension_numbers = #tpu.dot_dimension_numbers<[1], [0], [0], [1], [0, 0, 1, 1], [], []>, transpose_lhs_hint = false} : vector<2000x128xf32>, vector<128x128xf32>, vector<2000x128xf32> -> vector<2000x128xf32>
    %get3A_58 = arith.constant 0 : index
    %get3A_59 = arith.constant 0 : index
    %get3A_60 = vector.load %arg5[%get3A_58, %get3A_59] : memref<1x128xf32, #tpu.memory_space<vmem>>, vector<1x128xf32>
    %add3A_61 = vector.broadcast %get3A_60 : vector<1x128xf32> to vector<2000x128xf32>
    %add3A_62 = arith.addf %dot_general3A_57, %add3A_61 : vector<2000x128xf32>
    %get3A_63 = arith.constant 0 : index
    %get3A_64 = arith.constant 0 : index
    %get3A_65 = memref.load %arg6[%get3A_63, %get3A_64] : memref<1x1xf32, #tpu.memory_space<smem>>
    %mul3A_66 = vector.broadcast %get3A_65 : f32 to vector<2000x128xf32>
    %mul3A_67 = arith.mulf %mul3A_66, %add3A_62 : vector<2000x128xf32>
    %sub3A = arith.constant 1.000000e+00 : f32
    %sub3A_68 = arith.subf %sub3A, %get3A_65 : f32
    %get3A_69 = arith.constant 0 : index
    %get3A_70 = arith.constant 0 : index
    %get3A_71 = vector.load %arg3[%get3A_69, %get3A_70] : memref<2000x128xf32, #tpu.memory_space<vmem>>, vector<2000x128xf32>
    %mul3A_72 = vector.broadcast %sub3A_68 : f32 to vector<2000x128xf32>
    %mul3A_73 = arith.mulf %mul3A_72, %get3A_71 : vector<2000x128xf32>
    %add3A_74 = arith.addf %mul3A_67, %mul3A_73 : vector<2000x128xf32>
    %max3A = arith.constant 0.000000e+00 : f32
    %max3A_75 = vector.broadcast %max3A : f32 to vector<2000x128xf32>
    %max3A_76 = arith.maximumf %add3A_74, %max3A_75 : vector<2000x128xf32>
    %swap3A = arith.constant 0 : index
    %swap3A_77 = arith.constant 0 : index
    %swap3A_78 = vector.load %arg7[%swap3A, %swap3A_77] : memref<2000x128xf32, #tpu.memory_space<vmem>>, vector<2000x128xf32>
    tpu.vector_store %arg7[%swap3A, %swap3A_77], %max3A_76 {strides = array<i32>} : memref<2000x128xf32, #tpu.memory_space<vmem>>, vector<2000x128xf32>,
    return
  }
  func.func @transform_0(%arg0: i32) -> (i32, i32, i32) {
    %c0_i32 = arith.constant 0 : i32
    %c0_i32_0 = arith.constant 0 : i32
    %c0_i32_1 = arith.constant 0 : i32
    return %c0_i32, %arg0, %c0_i32_0 : i32, i32, i32
  }
  func.func @transform_1(%arg0: i32) -> (i32, i32, i32) {
    %c0_i32 = arith.constant 0 : i32
    %c0_i32_0 = arith.constant 0 : i32
    %c0_i32_1 = arith.constant 0 : i32
    return %c0_i32, %arg0, %c0_i32_0 : i32, i32, i32
  }
  func.func @transform_2(%arg0: i32) -> (i32, i32) {
    %c0_i32 = arith.constant 0 : i32
    %c0_i32_0 = arith.constant 0 : i32
    return %arg0, %c0_i32 : i32, i32
  }
  func.func @transform_3(%arg0: i32) -> (i32, i32) {
    %c0_i32 = arith.constant 0 : i32
    %c0_i32_0 = arith.constant 0 : i32
    %c0_i32_1 = arith.constant 0 : i32
    return %c0_i32, %c0_i32_0 : i32, i32
  }
  func.func @transform_4(%arg0: i32) -> (i32, i32) {
    %c0_i32 = arith.constant 0 : i32
    %c0_i32_0 = arith.constant 0 : i32
    %c0_i32_1 = arith.constant 0 : i32
    return %c0_i32, %c0_i32_0 : i32, i32
  }
  func.func @transform_5(%arg0: i32) -> (i32, i32) {
    %c0_i32 = arith.constant 0 : i32
    %c0_i32_0 = arith.constant 0 : i32
    %c0_i32_1 = arith.constant 0 : i32
    return %c0_i32, %c0_i32_0 : i32, i32
  }
  func.func @transform_6(%arg0: i32) -> (i32, i32) {
    %c0_i32 = arith.constant 0 : i32
    %c0_i32_0 = arith.constant 0 : i32
    return %arg0, %c0_i32 : i32, i32
  }
}

</mosaic_0001>

<sc_bundles>
// kernel: scatter_offload_async_start.1
scs
__scs_entry_jumppad:
0x0: {  	(pc) =	sbr.rel $0x88, $3  }
0x1: {  	(tag) =	ssettag $0x0;
	lr =	simm.s32 $0x1  }
0x2: {  	[smem:$0x3F91] =	sst lr;
	_ =	strace $0xD0000000  }
0x3: {  	_ = 	snop  }
0x4: {  	_ = 	snop  }
0x5: {  	_ = 	snop  }
0x6: {  	_ = 	snop  }
0x7: {  	_ = 	snop  }
__scs_overlays_trampoline_lowered:
0x8: {  	[smem:$0x3FA0] =	sst s0  }
0x9: {  	[smem:$0x3FA1] =	sst s1  }
0xa: {  	[smem:$0x3FA2] =	sst s2  }
0xb: {  	[smem:$0x3FA3] =	sst s3  }
0xc: {  	[smem:$0x3FA4] =	sst s4  }
0xd: {  	[smem:$0x3FA5] =	sst s5  }
0xe: {  	[smem:$0x3FA6] =	sst s6  }
0xf: {  	[smem:$0x3FA7] =	sst s7  }
0x10: {  	[smem:$0x3FA8] =	sst s8  }
0x11: {  	[smem:$0x3FA9] =	sst s9;
	s0 =	simm.s32 @!p0 $0x0  }
0x12: {  	s1 =	sld [smem:$0x3F8F];
	s0 =	simm.s32 @p0 $0x1  }
0x13: {  	[smem:$0x3FAA] =	sst s0;
	s0 =	simm.s32 @!p1 $0x0  }
0x14: {  	s2 =	sld [smem:$0x3F8E];
	s0 =	simm.s32 @p1 $0x1  }
0x15: {  	[smem:$0x3FAB] =	sst s0;
	s0 =	simm.s32 @!p2 $0x0  }
0x16: {  	s3 =	sld [smem:$0x3FDB];
	s0 =	simm.s32 @p2 $0x1  }
0x17: {  	s4 =	simm.s32 $0x1BF5;
	[smem:$0x3FAD] =	sst s0  }
0x18: {  	s0 =	sld [smem:$0x3F90];
	_ =	swait.ge [sflag:s4], $0x0  }
0x19: {  	s7 =	sld [smem:$0x3F91]  }
0x1a: {  	s8 =	sadd.s32 $0xFFFFE003, lr  }
0x1b: {  	s9 =	sadd.s32 $0xFFFFFEF7, lr;
	s5 =	simm.s32 $0xFFFFFFFF;
	p2 =	slt.u32 s8, $0xFFFFF086  }
0x1c: {  	p1 =	slt.u32 s9, $0xF7A;
	s5 =	simm.s32 @!p2 $0x0  }
0x1d: {  	s5 =	simm.s32 @p1 $0x1;
	p0 =	seq.s32 s7, s2  }
0x1e: {  	s7 =	smul.u32 @!p0 $0xF7A, s2;
	p2 =	seq.s32 @!p0 s5, $0x0  }
0x1f: {  	s9 =	smul.u32 $0xF7A, s1;
	s8 =	simm.s32 @!p0 $0x1BF5;
	p2 =	por !p2, p0  }
0x20: {  	[sflag:s8] =	ssyncset.s32 @!p0 $0xFFFFF086;
	s6 =	sadd.s32 @!p0 s3, s7;
	s7 =	simm.s32 @!p0 $0x108  }
0x21: {  	s3 =	sadd.s32 s3, s9;
	s6 =	sadd.s32 @!p0 $0x88, s6;
	s7 =	simm.s32 @p2 $0x1082  }
0x22: {  	[simem:s7], [sflag:s8] =	dma.local @!p0 [hbm:s6], $0xF7A  }
0x23: {  	s9 =	sor.u32 $0xD0000000, s2;
	s6 =	simm.s32 $0x108;
	_ =	swait.ge @!p0 [sflag:s8], $0x0  }
0x24: {  	s3 =	sadd.s32 $0x88, s3;
	s6 =	simm.s32 @!p1 $0x1082;
	[sflag:s4] =	ssyncset.s32 $0xFFFFF086  }
0x25: {  	[simem:s6], [sflag:s4] =	dma.local [hbm:s3], $0xF7A  }
0x26: {  	[smem:$0x3F91] =	sst s1;
	(tag) =	ssettag s2;
	_ =	strace s9  }
0x27: {  	s1 =	sld [smem:$0x3FA1]  }
0x28: {  	s2 =	sld [smem:$0x3FA2]  }
0x29: {  	s4 =	sld [smem:$0x3FA4]  }
0x2a: {  	p0 =	seq.s32 s5, $0x0;
	s5 =	sld [smem:$0x3FA5]  }
0x2b: {  	s6 =	sld [smem:$0x3FA6]  }
0x2c: {  	s7 =	sld [smem:$0x3FA7]  }
0x2d: {  	s3 =	simm.s32 $0x108;
	s8 =	sld [smem:$0x3FA8]  }
0x2e: {  	s3 =	simm.s32 @!p0 $0x1082;
	s9 =	sld [smem:$0x3FA9]  }
0x2f: {  	lr =	sadd.s32 s0, s3;
	s0 =	sld [smem:$0x3FA0]  }
0x30: {  	s3 =	sld [smem:$0x3FA3]  }
0x31: {  	[smem:$0x3FAC] =	sst s10  }
0x32: {  	s10 =	sld [smem:$0x3FAA];
	_ =	sdelay $0x3  }
0x33: {  	p0 =	seq.s32 s10, $0x1;
	s10 =	sld [smem:$0x3FAC];
	_ =	sdelay $0x3  }
0x34: {  	[smem:$0x3FAC] =	sst s10  }
0x35: {  	s10 =	sld [smem:$0x3FAB];
	_ =	sdelay $0x3  }
0x36: {  	p1 =	seq.s32 s10, $0x1;
	s10 =	sld [smem:$0x3FAC];
	_ =	sdelay $0x3  }
0x37: {  	[smem:$0x3FAC] =	sst s10  }
0x38: {  	s10 =	sld [smem:$0x3FAD]  }
0x39: {  	_ = 	snop;
	(pc) =	sbr.ind lr, $3  }
0x3a: {  	_ = 	snop  }
0x3b: {  	_ = 	snop  }
0x3c: {  	p2 =	seq.s32 s10, $0x1;
	s10 =	sld [smem:$0x3FAC]  }
0x3d: {  	_ =	shalt  }
0x3e: {  	_ =	shalt  }
0x3f: {  	_ =	shalt  }
0x40: {  	_ =	shalt  }
0x41: {  	_ =	shalt  }
0x42: {  	_ =	shalt  }
0x43: {  	_ =	shalt  }
0x44: {  	_ =	shalt  }
0x45: {  	_ =	shalt  }
0x46: {  	_ =	shalt  }
0x47: {  	_ =	shalt  }
0x48: {  	_ =	shalt  }
0x49: {  	_ =	shalt  }
0x4a: {  	_ =	shalt  }
0x4b: {  	_ =	shalt  }
0x4c: {  	_ =	shalt  }
0x4d: {  	_ =	shalt  }
0x4e: {  	_ =	shalt  }
0x4f: {  	_ =	shalt  }
0x50: {  	_ =	shalt  }
0x51: {  	_ =	shalt  }
0x52: {  	_ =	shalt  }
0x53: {  	_ =	shalt  }
0x54: {  	_ =	shalt  }
0x55: {  	_ =	shalt  }
0x56: {  	_ =	shalt  }
0x57: {  	_ =	shalt  }
0x58: {  	_ =	shalt  }
0x59: {  	_ =	shalt  }
0x5a: {  	_ =	shalt  }
0x5b: {  	_ =	shalt  }
0x5c: {  	_ =	shalt  }
0x5d: {  	_ =	shalt  }
0x5e: {  	_ =	shalt  }
0x5f: {  	_ =	shalt  }
0x60: {  	_ =	shalt  }
0x61: {  	_ =	shalt  }
0x62: {  	_ =	shalt  }
0x63: {  	_ =	shalt  }
0x64: {  	_ =	shalt  }
0x65: {  	_ =	shalt  }
0x66: {  	_ =	shalt  }
0x67: {  	_ =	shalt  }
0x68: {  	_ =	shalt  }
0x69: {  	_ =	shalt  }
0x6a: {  	_ =	shalt  }
0x6b: {  	_ =	shalt  }
0x6c: {  	_ =	shalt  }
0x6d: {  	_ =	shalt  }
0x6e: {  	_ =	shalt  }
0x6f: {  	_ =	shalt  }
0x70: {  	_ =	shalt  }
0x71: {  	_ =	shalt  }
0x72: {  	_ =	shalt  }
0x73: {  	_ =	shalt  }
0x74: {  	_ =	shalt  }
0x75: {  	_ =	shalt  }
0x76: {  	_ =	shalt  }
0x77: {  	_ =	shalt  }
0x78: {  	_ =	shalt  }
0x79: {  	_ =	shalt  }
0x7a: {  	_ =	shalt  }
0x7b: {  	_ =	shalt  }
0x7c: {  	_ =	shalt  }
0x7d: {  	_ =	shalt  }
0x7e: {  	_ =	shalt  }
0x7f: {  	_ =	shalt  }
0x80: {  	_ =	shalt  }
0x81: {  	_ =	shalt  }
0x82: {  	_ =	shalt  }
0x83: {  	_ =	shalt  }
0x84: {  	_ =	shalt  }
0x85: {  	_ =	shalt  }
0x86: {  	_ =	shalt  }
0x87: {  	_ =	shalt  }
.Lfunc_end0:
.L_simem_size_0:
called_computation.1_lowered:
.L_overlay_start_0:
0x88: {  	s2 =	sld [smem:$0x3FD9]  }
0x89: {  	s3 =	sld [smem:$0x3FFE];
	_ =	sdelay $0x1  }
0x8a: {  	s1 =	srdreg.scid  }
0x8b: {  	s0 =	sand.u32 $0x1, s1  }
0x8c: {  	s13 =	sshll.u32 s0, $0xA;
	s2 =	sadd.s32 s3, s2  }
0x8d: {  	s2 =	sadd.s32 s2, s13  }
0x8e: {  	[smem:$0x3FB8] =	sst s2  }
0x8f: {  	_ = 	snop  }
0x90: {  	s2 =	sld [smem:$0x3FD0];
	_ =	sdelay $0x2  }
0x91: {  	s14 =	simm.s32 $0xD;
	s4 =	simm.s32 $0x10  }
0x92: {  	[smem:s4], [sflag:s14] =	dma.local [hbm:s2], $0x1  }
0x93: {  	_ =	swait.eq [sflag:s14], $0x1  }
0x94: {  	[sflag:s14] =	ssyncset.done $0x0  }
0x95: {  	[sflag:s14] =	ssyncadd.s32 $0xFFFFFFFF  }
0x96: {  	s15 =	sld [smem:$0x10];
	(tm) =	ssettm $0x1  }
0x97: {  	s16 =	sld [smem:$0x3FFB];
	_ =	sdelay $0x3  }
0x98: {  	_ =	strace s16  }
0x99: {  	s2 =	sld [smem:$0x3FFC];
	_ =	sdelay $0x3  }
0x9a: {  	_ =	strace s2  }
0x9b: {  	s2 =	sld [smem:$0x3FFD];
	_ =	sdelay $0x3  }
0x9c: {  	_ =	strace s2  }
0x9d: {  	_ =	strace $0x8FFFFFFF  }
0x9e: {  	s17 =	sld [smem:$0x3FDB];
	_ =	sdelay $0x1  }
0x9f: {  	s18 =	simm.s32 $_scs_section_size  }
0xa0: {  	s5 =	simm.s32 $_size__tile_overlayer_lowered;
	s6 =	simm.s32 $_tile_overlayer_lowered  }
0xa1: {  	s7 =	simm.s32 $0x1BFF;
	s19 =	sshll.u32 s6, $0x1;
	s4 =	sadd.s32 s18, s17  }
0xa2: {  	s20 =	simm.s32 $0x0;
	s5 =	sshll.u32 s5, $0x1;
	s6 =	sadd.s32 s19, s4  }
0xa3: {  	[timem:s20], [sflag:s7] =	dma.local [hbm:s6], s5  }
0xa4: {  	_ =	swait.ge [sflag:s7], s5  }
0xa5: {  	s5 =	ssub.s32 $0x0, s5;
	[sflag:s7] =	ssyncset.done $0x0  }
0xa6: {  	[sflag:s7] =	ssyncadd.s32 s5;
	_ =	sdelay $0x1  }
0xa7: {  	s21 =	simm.s32 $0x1B8B  }
0xa8: {  	_ =	swait.ge [sflag:s21], $0x1  }
0xa9: {  	[sflag:s21] =	ssyncset.done $0x0  }
0xaa: {  	s22 =	sld [smem:$0x3FFE];
	[sflag:s21] =	ssyncadd.s32 $0xFFFFFFFF  }
0xab: {  	s24 =	simm.s32 $0x1B8E;
	s23 =	sld [smem:$0x0]  }
0xac: {  	s25 =	simm.s32 $execute0_lowered;
	[smem:$0x3FD2] =	sst s24  }
0xad: {  	s7 =	sshll.u32 s25, $0x1;
	_ =	strace $0x80000046;
	[dreg:$0x1] =	wrdreg $0xFFFFFFFF  }
0xae: {  	s8 =	simm.s32 $_size_execute0_lowered;
	s7 =	sadd.s32 s4, s7;
	[dreg:$0x0] =	wrdreg $0x0  }
0xaf: {  	s8 =	sshll.u32 s8, $0x1;
	[dreg:$0x2] =	wrdreg s7  }
0xb0: {  	[dreg:$0x3] =	wrdreg s8  }
0xb1: {  	[dreg:$0x4] =	wrdreg $0xC0  }
0xb2: {  	s26 =	simm.s32 $execute1_lowered;
	_ =	task [dreg:s20], $0x5FFFF  }
0xb3: {  	s7 =	sshll.u32 s26, $0x1;
	[dreg:$0x1] =	wrdreg $0xFFFFFFFF  }
0xb4: {  	s4 =	sadd.s32 s4, s7;
	[dreg:$0x0] =	wrdreg $0x60  }
0xb5: {  	[dreg:$0x2] =	wrdreg s4  }
0xb6: {  	[dreg:$0x3] =	wrdreg s15  }
0xb7: {  	[dreg:$0x4] =	wrdreg s22  }
0xb8: {  	[dreg:$0x5] =	wrdreg $0xB  }
0xb9: {  	_ =	task.clear_ibuf [dreg:s20], $0x6FFFF;
	_ =	strace $0x90000046  }
0xba: {  	s28 =	simm.s32 $0xB;
	_ =	strace $0x80000048  }
0xbb: {  	_ =	swait.ge [sflag:s28], $0x1  }
0xbc: {  	[sflag:s28] =	ssyncadd.s32 $0xFFFFFFFF  }
0xbd: {  	_ =	strace $0x90000048  }
0xbe: {  	s3 =	sld [smem:$0x0]  }
0xbf: {  	s4 =	sand.u32 $0xFFFFFFFE, s1  }
0xc0: {  	p0 =	sne.s32 s1, s4  }
0xc1: {  	s4 =	sshll.u32 @p0 s4, $0xE  }
0xc2: {  	s4 =	sadd.s32 @p0 $0x11BF3, s4;
	s7 =	sshll.u32 @p0 s3, $0x11  }
0xc3: {  	s4 =	sor.u32 @p0 s7, s4  }
0xc4: {  	[sflag:s4] =	ssyncadd.remote.s32 @p0 $0x1;
	_ =	sdelay $0x1  }
0xc5: {  	s4 =	simm.s32 @p0 $0x1BF3  }
0xc6: {  	_ =	swait.eq @p0 [sflag:s4], $0x1  }
0xc7: {  	[sflag:s4] =	ssyncadd.s32 @p0 $0xFFFFFFFF  }
0xc8: {  	s7 =	sshll.u32 @!p0 s1, $0xE  }
0xc9: {  	s7 =	sor.u32 @!p0 $0x4000, s7;
	s4 =	simm.s32 @!p0 $0x1BF3  }
0xca: {  	s3 =	sshll.u32 @!p0 s3, $0x11;
	s7 =	sadd.s32 @!p0 $0x11BF3, s7;
	_ =	swait.eq @!p0 [sflag:s4], $0x1  }
0xcb: {  	s3 =	sor.u32 @!p0 s3, s7;
	[sflag:s4] =	ssyncadd.s32 @!p0 $0xFFFFFFFF  }
0xcc: {  	[sflag:s3] =	ssyncadd.remote.s32 @!p0 $0x1  }
0xcd: {  	_ =	strace $0x80000049;
	[dreg:$0x1] =	wrdreg $0xFFFFFFFF  }
0xce: {  	[dreg:$0x0] =	wrdreg $0x2030  }
0xcf: {  	[dreg:$0x2] =	wrdreg s22  }
0xd0: {  	[dreg:$0x3] =	wrdreg s1  }
0xd1: {  	[dreg:$0x4] =	wrdreg s23  }
0xd2: {  	[dreg:$0x5] =	wrdreg $0xC  }
0xd3: {  	_ =	task.clear_ibuf [dreg:s20], $0x6FFFF;
	_ =	strace $0x90000049  }
0xd4: {  	s29 =	simm.s32 $0xC;
	_ =	strace $0x8000004B  }
0xd5: {  	_ =	swait.ge [sflag:s29], $0x1  }
0xd6: {  	[sflag:s29] =	ssyncadd.s32 $0xFFFFFFFF  }
0xd7: {  	_ =	strace $0x9000004B  }
0xd8: {  	_ =	sfence  }
0xd9: {  	s30 =	sld [smem:$0x0];
	_ =	sdelay $0x2  }
0xda: {  	s31 =	sshll.u32 s1, $0xD;
	s1 =	sshrl.u32 s1, $0x2  }
0xdb: {  	s4 =	sand.u32 $0x4000, s31;
	s1 =	sadd.s32 s1, s30  }
0xdc: {  	s0 =	sor.u32 s4, s0;
	s1 =	sshll.u32 s1, $0x11  }
0xdd: {  	s0 =	sor.u32 s1, s0  }
0xde: {  	s0 =	sadd.s32 $0x8F2B, s0  }
0xdf: {  	[sflag:s0] =	ssyncadd.remote.s32 $0x1  }
0xe0: {  	_ =	sfence.sel $0xFFFF  }
0xe1: {  	[dreg:$0x0] =	wrdreg $0xFFFFFFFF;
	(pc) =	sbr.abs _section_cstart, $3  }
0xe2: {  	[dreg:$0x1] =	wrdreg $0xFFFFFFFF  }
0xe3: {  	_ =	task.clear_ibuf [dreg:s20], $0x2FFFF;
	_ =	strace $0x9FFFFFFF  }
0xe4: {  	(tm) =	ssettm $0x7FFFFFFF  }
0xe5: {  	_ =	shalt  }
tec
execute0_lowered:
.L_overlay_start_1:
0x0: {  	(tag) =	ssettag $0x1  }
0x1: {  	s3 =	rddreg [dreg:$0x0]  }
0x2: {  	s2 =	rddreg [dreg:$0x1]  }
0x3: {  	s5 =	rddreg [dreg:$0x2]  }
0x4: {  	s0 =	rddreg [dreg:$0x3];
	s4 =	stileid.u32  }
0x5: {  	[bflag:$0x3] =	sbarrier.arrive $0xFFFF;
	s1 =	simm.s32 $_size_execute1_lowered;
	s29 =	srdreg.scid  }
0x6: {  	s30 =	simm.s32 $0x2;
	s13 =	simm.s32 $0x0;
	p0 =	sne.s32 s4, $0x0  }
0x7: {  	s1 =	sshll.u32 s1, $0x1;
	s6 =	simm.s32 @!p0 $0x1C3F;
	s7 =	simm.s32 @!p0 $0x4060  }
0x8: {  	[timem:s7], [sflag:s6] =	dma.local @!p0 [hbm:s3], s1  }
0x9: {  	s8 =	simm.s32 $0x20;
	s9 =	simm.s32 $0x80;
	s3 =	sshll.u32 s29, $0x9  }
.Ltmp0:
0xa: {  	s4 =	sshll.u32 s4, $0xA;
	s3 =	sand.u32 $0x200, s3;
	(pc) =	sbr.rel .LBB2_1-.Ltmp0, $4  }
0xb: {  	s11 =	simm.s32 $0x0;
	s12 =	simm.s32 $0x0;
	s3 =	sor.u32 s4, s3  }
0xc: {  	_ =	strace $0x80000047;
	s4 =	simm.s32 $0x1;
	s31 =	ssub.s32 $0xC200, s3  }
0xd: {  	s5 =	sadd.s32 $0x41C200, s5;
	[sflag:s4] =	ssyncpa.u1 $0x0;
	s6 =	sshrl.u32 s31, $0xE  }
0xe: {  	s10 =	smov.u32 s3;
	[sflag:s30] =	ssyncpa.u1 $0x0;
	s7 =	sadd.s32 $0x2, s6  }
.LBB2_5:
0xf: {  	_ =	sdelay $0x3  }
0x10: {  	[tilespmem:v1+s16+$0x0 ss:$0x1] =	vst.idx.msk $0xffff, v2  }
.LBB2_6:
0x11: {  	s16 =	sand.u32 $0x1FFFFFF, s11  }
0x12: {  	s17 =	smulhi.u32 $0x14F8B59, s16;
	_ =	sdelay $0x1  }
0x13: {  	s17 =	sshrl.u32 s17, $0x8  }
0x14: {  	s17 =	smul.u32 $0xC350, s17;
	_ =	sdelay $0x1  }
0x15: {  	s16 =	ssub.s32 s16, s17  }
0x16: {  	s16 =	sshll.u32 s16, $0x4  }
0x17: {  	s16 =	sadd.s32 s5, s16  }
0x18: {  	[hbm4b:s16+s8] =	stream.strided.scatter [tilespmem:s15], [sflag:$0x2], s14, s9, s8, $0x38;
	[tilespmem:$0x10000] =	vst v63  }
.LBB2_7:
0x19: {  	p1 =	slt.u32 s12, $0x2  }
0x1a: {  	p2 =	sgt.s32 @!p1 s13, $0xC150  }
0x1b: {  	s14 =	smov.u32 s13;
	s15 =	sshra.s32 @!p1 s13, $0x1F;
	p2 =	por !p2, p1  }
0x1c: {  	s13 =	sand.u32 @!p1 s15, s13;
	s14 =	simm.s32 @p2 $0xC150  }
0x1d: {  	s13 =	ssub.s32 @!p1 s14, s13  }
0x1e: {  	s13 =	sadd.s32 @!p1 $0xFFFF3EB0, s13  }
0x1f: {  	s14 =	sshll.u32 @!p1 s13, $0x7  }
0x20: {  	p2 =	sgt.s32 @!p1 s13, $0x1FF;
	s13 =	ssub.s32 @!p1 $0x10000, s14  }
0x21: {  	s15 =	sadd.s32 $0x4000, s10;
	p2 =	por !p2, p1;
	s13 =	sshrl.u32 @!p1 s13, $0x2  }
0x22: {  	s13 =	simm.s32 @!p2 $0x0;
	p2 =	sgt.s32 s15, $0xC34F  }
0x23: {  	s15 =	smov.u32 @p2 s3;
	p2 =	sne.s32 s12, s7  }
.Ltmp1:
0x24: {  	_ = 	snop;
	(pc) =	sbr.rel @!p2 .LBB2_8-.Ltmp1, $4  }
0x25: {  	s14 =	simm.s32 @!p1 $0x2  }
0x26: {  	_ =	swait.ge @!p1 [sflag:s14], s13;
	s16 =	ssub.s32 @!p1 $0x0, s13  }
0x27: {  	s13 =	smov.u32 s11;
	s12 =	sadd.s32 $0x1, s12;
	[sflag:s14] =	ssyncset.done @!p1 $0x0  }
0x28: {  	s11 =	smov.u32 s10;
	s10 =	smov.u32 s15;
	[sflag:s14] =	ssyncadd.s32 @!p1 s16  }
.LBB2_1:
0x29: {  	p1 =	sgt.u32 s12, s6  }
0x2a: {  	s15 =	smov.u32 s10;
	p2 =	sgt.s32 @!p1 s10, $0xC150  }
0x2b: {  	s14 =	sand.u32 @!p1 $0x1FFFFFF, s10;
	s16 =	sshra.s32 @!p1 s10, $0x1F;
	p2 =	por !p2, p1  }
0x2c: {  	s17 =	smulhi.u32 @!p1 $0x14F8B59, s14;
	s16 =	sand.u32 @!p1 s16, s10;
	s15 =	simm.s32 @p2 $0xC150  }
0x2d: {  	s15 =	ssub.s32 @!p1 s15, s16  }
0x2e: {  	s16 =	sshrl.u32 @!p1 s17, $0x8;
	s15 =	sadd.s32 @!p1 $0xFFFF3EB0, s15  }
0x2f: {  	s17 =	sxor.u32 @!p1 $0xFFFFFFFF, s12;
	s16 =	smul.u32 @!p1 $0xC350, s16;
	s18 =	sshll.u32 @!p1 s15, $0x7  }
0x30: {  	s17 =	sshll.u32 @!p1 s17, $0xE;
	p2 =	sgt.s32 @!p1 s15, $0x1FF;
	s15 =	ssub.s32 @!p1 $0x10000, s18  }
0x31: {  	s14 =	ssub.s32 @!p1 s14, s16;
	p2 =	por !p2, p1;
	s16 =	sand.u32 @!p1 $0x4000, s17  }
0x32: {  	s17 =	simm.s32 @!p1 $0x20;
	s15 =	sshrl.u32 @!p1 s15, $0x2;
	s14 =	sshll.u32 @!p1 s14, $0x4  }
0x33: {  	s18 =	simm.s32 @!p1 $0x80;
	s15 =	simm.s32 @!p2 $0x0;
	s14 =	sadd.s32 @!p1 s2, s14  }
0x34: {  	[tilespmem:s16], [sflag:$0x1] =	stream.strided.gather @!p1 [hbm4b:s14+s17], s15, s18, s17, $0x38;
	[tilespmem:$0x10000] =	vst v63  }
0x35: {  	p1 =	seq.s32 s12, $0x0  }
0x36: {  	p2 =	sge.u32 @!p1 s12, s7  }
0x37: {  	p1 =	por p1, p2  }
.Ltmp2:
0x38: {  	_ = 	snop;
	(pc) =	sbr.rel @p1 .LBB2_7-.Ltmp2, $1  }
0x39: {  	_ =	sdelay $0x3  }
0x3a: {  	p1 =	sgt.s32 s11, $0xC150;
	s14 =	smov.u32 s11;
	s15 =	sshra.s32 s11, $0x1F  }
0x3b: {  	s14 =	simm.s32 @!p1 $0xC150;
	s15 =	sand.u32 s15, s11  }
0x3c: {  	s14 =	ssub.s32 s14, s15  }
0x3d: {  	s14 =	sadd.s32 $0xFFFF3EB0, s14  }
0x3e: {  	s31 =	sshll.u32 s14, $0x7  }
0x3f: {  	s15 =	ssub.s32 $0x10000, s31  }
0x40: {  	p1 =	sgt.s32 s14, $0x1FF;
	s14 =	sshrl.u32 s15, $0x2;
	s15 =	sadd.s32 $0x200, s11  }
0x41: {  	s14 =	simm.s32 @p1 $0x0;
	p1 =	slt.s32 s15, $0xC350  }
0x42: {  	s15 =	simm.s32 @!p1 $0xC350  }
0x43: {  	s17 =	ssub.s32 s15, s11  }
0x44: {  	p1 =	slt.s32 s17, $0x1  }
.Ltmp3:
0x45: {  	_ = 	snop;
	(pc) =	sbr.rel @p1 .LBB2_6-.Ltmp3, $4  }
0x46: {  	_ = 	snop  }
0x47: {  	s16 =	sshll.u32 s12, $0xE;
	_ =	swait.ge [sflag:s4], s14  }
0x48: {  	s16 =	sand.u32 $0x4000, s16;
	s18 =	ssub.s32 $0x0, s14;
	[sflag:s4] =	ssyncset.done $0x0  }
0x49: {  	s15 =	sor.u32 $0x8000, s16;
	[sflag:s4] =	ssyncadd.s32 s18  }
0x4a: {  	v0 =	vmov s16;
	_ =	sdelay $0x2  }
0x4b: {  	s31 =	simm.s32 $0x0;
	p1 =	sne.s32 s17, $0x1  }
.Ltmp4:
0x4c: {  	s16 =	sand.u32 $0x3FE0, s31;
	(pc) =	sbr.rel @!p1 .LBB2_5-.Ltmp4, $2  }
0x4d: {  	v1 =	vmov s15;
	v2 =	vld.idx.msk [tilespmem:v0+s16+$0x0 ss:$0x1], $0xffff;
	_ =	sdelay $0x2  }
0x4e: {  	s17 =	sadd.s32 $0xFFFFFFFF, s17;
	s18 =	simm.s32 $0x20  }
.LBB2_4:
0x4f: {  	s19 =	sand.u32 $0x3FE0, s18;
	p1 =	sne.s32 s17, $0x1;
	s17 =	sadd.s32 $0xFFFFFFFF, s17  }
.Ltmp5:
0x50: {  	[tilespmem:v1+s16+$0x0 ss:$0x1] =	vst.idx.msk $0xffff, v2;
	v2 =	vld.idx.msk [tilespmem:v0+s19+$0x0 ss:$0x1], $0xffff;
	s16 =	smov.u32 s19;
	(pc) =	sbr.rel @p1 .LBB2_4-.Ltmp5, $2  }
0x51: {  	_ =	sdelay $0x2  }
0x52: {  	s18 =	sadd.s32 $0x20, s18  }
.Ltmp6:
0x53: {  	_ = 	snop;
	(pc) =	sbr.rel .LBB2_5-.Ltmp6, $1  }
0x54: {  	_ =	sdelay $0x3  }
.LBB2_8:
0x55: {  	_ =	sfence.sel $0x180000  }
0x56: {  	s2 =	simm.s32 $0x1;
	[bflag:$0x0] =	sbarrier.arrive $0xFFFF  }
0x57: {  	s31 =	simm.s32 $0x2;
	[sflag:s2] =	ssyncpa.u1 $0x1  }
0x58: {  	[sflag:s31] =	ssyncpa.u1 $0x1  }
0x59: {  	_ =	strace $0x90000047  }
0x5a: {  	s0 =	sadd.s32 @!p0 $0x100000, s0;
	[bflag:$0x2] =	sbarrier.arrive $0xFFFF  }
0x5b: {  	[sflag:s0] =	ssyncadd.tile.s32 @!p0 $0x1;
	s0 =	simm.s32 @!p0 $0x3F  }
0x5c: {  	_ =	swait.ge @!p0 [sflag:s0], s1  }
0x5d: {  	s1 =	ssub.s32 @!p0 $0x0, s1;
	[sflag:s0] =	ssyncset.done @!p0 $0x0  }
0x5e: {  	[sflag:s0] =	ssyncadd.s32 @!p0 s1  }
0x5f: {  	[bflag:$0x3] =	sbarrier.arrive $0xFFFF  }
0x60: {  	_ =	shalt  }
.Lfunc_end2:
execute1_lowered:
.L_overlay_start_2:
0x61: {  	(tag) =	ssettag $0x2  }
0x62: {  	s11 =	rddreg [dreg:$0x0]  }
0x63: {  	s2 =	rddreg [dreg:$0x1];
	_ =	strace $0x8000004A;
	s12 =	simm.s32 $0x1  }
0x64: {  	v0 =	vimm.s32 $0x0;
	[sflag:s12] =	ssyncpa.u1 $0x0  }
0x65: {  	[tilespmem:$0x28] =	vst v0  }
0x66: {  	[tilespmem:$0x38] =	vst v0  }
0x67: {  	[tilespmem:$0x48] =	vst v0  }
0x68: {  	[tilespmem:$0x58] =	vst v0  }
0x69: {  	[tilespmem:$0x68] =	vst v0  }
0x6a: {  	[tilespmem:$0x78] =	vst v0  }
0x6b: {  	[tilespmem:$0x88] =	vst v0  }
0x6c: {  	[tilespmem:$0x98] =	vst v0  }
0x6d: {  	[tilespmem:$0xA8] =	vst v0  }
0x6e: {  	[tilespmem:$0xB8] =	vst v0  }
0x6f: {  	[tilespmem:$0xC8] =	vst v0  }
0x70: {  	[tilespmem:$0xD8] =	vst v0  }
0x71: {  	[tilespmem:$0xE8] =	vst v0  }
0x72: {  	[tilespmem:$0xF8] =	vst v0  }
0x73: {  	[tilespmem:$0x108] =	vst v0  }
0x74: {  	[tilespmem:$0x118] =	vst v0  }
0x75: {  	[tilespmem:$0x128] =	vst v0  }
0x76: {  	[tilespmem:$0x138] =	vst v0  }
0x77: {  	[tilespmem:$0x148] =	vst v0  }
0x78: {  	[tilespmem:$0x158] =	vst v0  }
0x79: {  	[tilespmem:$0x168] =	vst v0  }
0x7a: {  	[tilespmem:$0x178] =	vst v0  }
0x7b: {  	[tilespmem:$0x188] =	vst v0  }
0x7c: {  	[tilespmem:$0x198] =	vst v0  }
0x7d: {  	[tilespmem:$0x1A8] =	vst v0  }
0x7e: {  	[tilespmem:$0x1B8] =	vst v0  }
0x7f: {  	[tilespmem:$0x1C8] =	vst v0  }
0x80: {  	[tilespmem:$0x1D8] =	vst v0  }
0x81: {  	[tilespmem:$0x1E8] =	vst v0  }
0x82: {  	[tilespmem:$0x1F8] =	vst v0  }
0x83: {  	[tilespmem:$0x208] =	vst v0  }
0x84: {  	[tilespmem:$0x218] =	vst v0  }
0x85: {  	[tilespmem:$0x228] =	vst v0  }
0x86: {  	[tilespmem:$0x238] =	vst v0  }
0x87: {  	[tilespmem:$0x248] =	vst v0  }
0x88: {  	[tilespmem:$0x258] =	vst v0  }
0x89: {  	[tilespmem:$0x268] =	vst v0  }
0x8a: {  	[tilespmem:$0x278] =	vst v0  }
0x8b: {  	[tilespmem:$0x288] =	vst v0  }
0x8c: {  	[tilespmem:$0x298] =	vst v0  }
0x8d: {  	[tilespmem:$0x2A8] =	vst v0  }
0x8e: {  	[tilespmem:$0x2B8] =	vst v0  }
0x8f: {  	[tilespmem:$0x2C8] =	vst v0  }
0x90: {  	[tilespmem:$0x2D8] =	vst v0  }
0x91: {  	[tilespmem:$0x2E8] =	vst v0  }
0x92: {  	[tilespmem:$0x2F8] =	vst v0  }
0x93: {  	[tilespmem:$0x308] =	vst v0  }
0x94: {  	[tilespmem:$0x318] =	vst v0  }
0x95: {  	[tilespmem:$0x328] =	vst v0  }
0x96: {  	[tilespmem:$0x338] =	vst v0  }
0x97: {  	[tilespmem:$0x348] =	vst v0  }
0x98: {  	[tilespmem:$0x358] =	vst v0  }
0x99: {  	[tilespmem:$0x368] =	vst v0  }
0x9a: {  	[tilespmem:$0x378] =	vst v0  }
0x9b: {  	[tilespmem:$0x388] =	vst v0  }
0x9c: {  	[tilespmem:$0x398] =	vst v0  }
0x9d: {  	[tilespmem:$0x3A8] =	vst v0  }
0x9e: {  	[tilespmem:$0x3B8] =	vst v0  }
0x9f: {  	[tilespmem:$0x3C8] =	vst v0  }
0xa0: {  	[tilespmem:$0x3D8] =	vst v0  }
0xa1: {  	[tilespmem:$0x3E8] =	vst v0  }
0xa2: {  	[tilespmem:$0x3F8] =	vst v0  }
0xa3: {  	[tilespmem:$0x408] =	vst v0  }
0xa4: {  	[tilespmem:$0x418] =	vst v0  }
0xa5: {  	[tilespmem:$0x428] =	vst v0  }
0xa6: {  	[tilespmem:$0x438] =	vst v0  }
0xa7: {  	[tilespmem:$0x448] =	vst v0  }
0xa8: {  	[tilespmem:$0x458] =	vst v0  }
0xa9: {  	[tilespmem:$0x468] =	vst v0  }
0xaa: {  	[tilespmem:$0x478] =	vst v0  }
0xab: {  	[tilespmem:$0x488] =	vst v0  }
0xac: {  	[tilespmem:$0x498] =	vst v0  }
0xad: {  	[tilespmem:$0x4A8] =	vst v0  }
0xae: {  	[tilespmem:$0x4B8] =	vst v0  }
0xaf: {  	[tilespmem:$0x4C8] =	vst v0  }
0xb0: {  	[tilespmem:$0x4D8] =	vst v0  }
0xb1: {  	[tilespmem:$0x4E8] =	vst v0  }
0xb2: {  	[tilespmem:$0x4F8] =	vst v0  }
0xb3: {  	[tilespmem:$0x508] =	vst v0  }
0xb4: {  	[tilespmem:$0x518] =	vst v0  }
0xb5: {  	[tilespmem:$0x528] =	vst v0  }
0xb6: {  	[tilespmem:$0x538] =	vst v0  }
0xb7: {  	[tilespmem:$0x548] =	vst v0  }
0xb8: {  	[tilespmem:$0x558] =	vst v0  }
0xb9: {  	[tilespmem:$0x568] =	vst v0  }
0xba: {  	[tilespmem:$0x578] =	vst v0  }
0xbb: {  	[tilespmem:$0x588] =	vst v0  }
0xbc: {  	[tilespmem:$0x598] =	vst v0  }
0xbd: {  	[tilespmem:$0x5A8] =	vst v0  }
0xbe: {  	[tilespmem:$0x5B8] =	vst v0  }
0xbf: {  	[tilespmem:$0x5C8] =	vst v0  }
0xc0: {  	[tilespmem:$0x5D8] =	vst v0  }
0xc1: {  	[tilespmem:$0x5E8] =	vst v0  }
0xc2: {  	[tilespmem:$0x5F8] =	vst v0  }
0xc3: {  	[tilespmem:$0x608] =	vst v0  }
0xc4: {  	[tilespmem:$0x618] =	vst v0  }
0xc5: {  	[tilespmem:$0x628] =	vst v0  }
0xc6: {  	[tilespmem:$0x638] =	vst v0  }
0xc7: {  	[tilespmem:$0x648] =	vst v0  }
0xc8: {  	[tilespmem:$0x658] =	vst v0  }
0xc9: {  	[tilespmem:$0x668] =	vst v0  }
0xca: {  	[tilespmem:$0x678] =	vst v0  }
0xcb: {  	[tilespmem:$0x688] =	vst v0  }
0xcc: {  	[tilespmem:$0x698] =	vst v0  }
0xcd: {  	[tilespmem:$0x6A8] =	vst v0  }
0xce: {  	[tilespmem:$0x6B8] =	vst v0  }
0xcf: {  	[tilespmem:$0x6C8] =	vst v0  }
0xd0: {  	[tilespmem:$0x6D8] =	vst v0  }
0xd1: {  	[tilespmem:$0x6E8] =	vst v0  }
0xd2: {  	[tilespmem:$0x6F8] =	vst v0  }
0xd3: {  	[tilespmem:$0x708] =	vst v0  }
0xd4: {  	[tilespmem:$0x718] =	vst v0  }
0xd5: {  	[tilespmem:$0x728] =	vst v0  }
0xd6: {  	[tilespmem:$0x738] =	vst v0  }
0xd7: {  	[tilespmem:$0x748] =	vst v0  }
0xd8: {  	[tilespmem:$0x758] =	vst v0  }
0xd9: {  	[tilespmem:$0x768] =	vst v0  }
0xda: {  	[tilespmem:$0x778] =	vst v0  }
0xdb: {  	[tilespmem:$0x788] =	vst v0  }
0xdc: {  	[tilespmem:$0x798] =	vst v0  }
0xdd: {  	[tilespmem:$0x7A8] =	vst v0  }
0xde: {  	[tilespmem:$0x7B8] =	vst v0  }
0xdf: {  	[tilespmem:$0x7C8] =	vst v0  }
0xe0: {  	[tilespmem:$0x7D8] =	vst v0  }
0xe1: {  	[tilespmem:$0x7E8] =	vst v0  }
0xe2: {  	[tilespmem:$0x7F8] =	vst v0  }
0xe3: {  	[tilespmem:$0x808] =	vst v0  }
0xe4: {  	[tilespmem:$0x818] =	vst v0  }
0xe5: {  	[tilespmem:$0x828] =	vst v0  }
0xe6: {  	[tilespmem:$0x838] =	vst v0  }
0xe7: {  	[tilespmem:$0x848] =	vst v0  }
0xe8: {  	[tilespmem:$0x858] =	vst v0  }
0xe9: {  	[tilespmem:$0x868] =	vst v0  }
0xea: {  	[tilespmem:$0x878] =	vst v0  }
0xeb: {  	[tilespmem:$0x888] =	vst v0  }
0xec: {  	[tilespmem:$0x898] =	vst v0  }
0xed: {  	[tilespmem:$0x8A8] =	vst v0  }
0xee: {  	[tilespmem:$0x8B8] =	vst v0  }
0xef: {  	[tilespmem:$0x8C8] =	vst v0  }
0xf0: {  	[tilespmem:$0x8D8] =	vst v0  }
0xf1: {  	[tilespmem:$0x8E8] =	vst v0  }
0xf2: {  	[tilespmem:$0x8F8] =	vst v0  }
0xf3: {  	[tilespmem:$0x908] =	vst v0  }
0xf4: {  	[tilespmem:$0x918] =	vst v0  }
0xf5: {  	[tilespmem:$0x928] =	vst v0  }
0xf6: {  	[tilespmem:$0x938] =	vst v0  }
0xf7: {  	[tilespmem:$0x948] =	vst v0  }
0xf8: {  	[tilespmem:$0x958] =	vst v0  }
0xf9: {  	[tilespmem:$0x968] =	vst v0  }
0xfa: {  	[tilespmem:$0x978] =	vst v0  }
0xfb: {  	[tilespmem:$0x988] =	vst v0  }
0xfc: {  	[tilespmem:$0x998] =	vst v0  }
0xfd: {  	[tilespmem:$0x9A8] =	vst v0  }
0xfe: {  	[tilespmem:$0x9B8] =	vst v0  }
0xff: {  	[tilespmem:$0x9C8] =	vst v0  }
0x100: {  	[tilespmem:$0x9D8] =	vst v0  }
0x101: {  	[tilespmem:$0x9E8] =	vst v0  }
0x102: {  	[tilespmem:$0x9F8] =	vst v0  }
0x103: {  	[tilespmem:$0xA08] =	vst v0  }
0x104: {  	[tilespmem:$0xA18] =	vst v0  }
0x105: {  	[tilespmem:$0xA28] =	vst v0  }
0x106: {  	[tilespmem:$0xA38] =	vst v0  }
0x107: {  	[tilespmem:$0xA48] =	vst v0  }
0x108: {  	[tilespmem:$0xA58] =	vst v0  }
0x109: {  	[tilespmem:$0xA68] =	vst v0  }
0x10a: {  	[tilespmem:$0xA78] =	vst v0  }
0x10b: {  	[tilespmem:$0xA88] =	vst v0  }
0x10c: {  	[tilespmem:$0xA98] =	vst v0  }
0x10d: {  	[tilespmem:$0xAA8] =	vst v0  }
0x10e: {  	[tilespmem:$0xAB8] =	vst v0  }
0x10f: {  	[tilespmem:$0xAC8] =	vst v0  }
0x110: {  	[tilespmem:$0xAD8] =	vst v0  }
0x111: {  	[tilespmem:$0xAE8] =	vst v0  }
0x112: {  	[tilespmem:$0xAF8] =	vst v0  }
0x113: {  	[tilespmem:$0xB08] =	vst v0  }
0x114: {  	[tilespmem:$0xB18] =	vst v0  }
0x115: {  	[tilespmem:$0xB28] =	vst v0  }
0x116: {  	[tilespmem:$0xB38] =	vst v0  }
0x117: {  	[tilespmem:$0xB48] =	vst v0  }
0x118: {  	[tilespmem:$0xB58] =	vst v0  }
0x119: {  	[tilespmem:$0xB68] =	vst v0  }
0x11a: {  	[tilespmem:$0xB78] =	vst v0  }
0x11b: {  	[tilespmem:$0xB88] =	vst v0  }
0x11c: {  	[tilespmem:$0xB98] =	vst v0  }
0x11d: {  	[tilespmem:$0xBA8] =	vst v0  }
0x11e: {  	[tilespmem:$0xBB8] =	vst v0  }
0x11f: {  	[tilespmem:$0xBC8] =	vst v0  }
0x120: {  	[tilespmem:$0xBD8] =	vst v0  }
0x121: {  	[tilespmem:$0xBE8] =	vst v0  }
0x122: {  	[tilespmem:$0xBF8] =	vst v0  }
0x123: {  	[tilespmem:$0xC08] =	vst v0  }
0x124: {  	[tilespmem:$0xC18] =	vst v0  }
0x125: {  	[tilespmem:$0xC28] =	vst v0  }
0x126: {  	[tilespmem:$0xC38] =	vst v0  }
0x127: {  	[tilespmem:$0xC48] =	vst v0  }
0x128: {  	[tilespmem:$0xC58] =	vst v0  }
0x129: {  	[tilespmem:$0xC68] =	vst v0  }
0x12a: {  	[tilespmem:$0xC78] =	vst v0  }
0x12b: {  	[tilespmem:$0xC88] =	vst v0  }
0x12c: {  	[tilespmem:$0xC98] =	vst v0  }
0x12d: {  	[tilespmem:$0xCA8] =	vst v0  }
0x12e: {  	[tilespmem:$0xCB8] =	vst v0  }
0x12f: {  	[tilespmem:$0xCC8] =	vst v0  }
0x130: {  	[tilespmem:$0xCD8] =	vst v0  }
0x131: {  	[tilespmem:$0xCE8] =	vst v0  }
0x132: {  	[tilespmem:$0xCF8] =	vst v0  }
0x133: {  	[tilespmem:$0xD08] =	vst v0  }
0x134: {  	[tilespmem:$0xD18] =	vst v0  }
0x135: {  	[tilespmem:$0xD28] =	vst v0  }
0x136: {  	[tilespmem:$0xD38] =	vst v0  }
0x137: {  	[tilespmem:$0xD48] =	vst v0  }
0x138: {  	[tilespmem:$0xD58] =	vst v0  }
0x139: {  	[tilespmem:$0xD68] =	vst v0  }
0x13a: {  	[tilespmem:$0xD78] =	vst v0  }
0x13b: {  	[tilespmem:$0xD88] =	vst v0  }
0x13c: {  	[tilespmem:$0xD98] =	vst v0  }
0x13d: {  	[tilespmem:$0xDA8] =	vst v0  }
0x13e: {  	[tilespmem:$0xDB8] =	vst v0  }
0x13f: {  	[tilespmem:$0xDC8] =	vst v0  }
0x140: {  	[tilespmem:$0xDD8] =	vst v0  }
0x141: {  	[tilespmem:$0xDE8] =	vst v0  }
0x142: {  	[tilespmem:$0xDF8] =	vst v0  }
0x143: {  	[tilespmem:$0xE08] =	vst v0  }
0x144: {  	[tilespmem:$0xE18] =	vst v0  }
0x145: {  	[tilespmem:$0xE28] =	vst v0  }
0x146: {  	[tilespmem:$0xE38] =	vst v0  }
0x147: {  	[tilespmem:$0xE48] =	vst v0  }
0x148: {  	[tilespmem:$0xE58] =	vst v0  }
0x149: {  	[tilespmem:$0xE68] =	vst v0  }
0x14a: {  	[tilespmem:$0xE78] =	vst v0  }
0x14b: {  	[tilespmem:$0xE88] =	vst v0  }
0x14c: {  	[tilespmem:$0xE98] =	vst v0  }
0x14d: {  	[tilespmem:$0xEA8] =	vst v0  }
0x14e: {  	[tilespmem:$0xEB8] =	vst v0  }
0x14f: {  	[tilespmem:$0xEC8] =	vst v0  }
0x150: {  	[tilespmem:$0xED8] =	vst v0  }
0x151: {  	[tilespmem:$0xEE8] =	vst v0  }
0x152: {  	[tilespmem:$0xEF8] =	vst v0  }
0x153: {  	[tilespmem:$0xF08] =	vst v0  }
0x154: {  	[tilespmem:$0xF18] =	vst v0  }
0x155: {  	[tilespmem:$0xF28] =	vst v0  }
0x156: {  	[tilespmem:$0xF38] =	vst v0  }
0x157: {  	[tilespmem:$0xF48] =	vst v0  }
0x158: {  	[tilespmem:$0xF58] =	vst v0  }
0x159: {  	[tilespmem:$0xF68] =	vst v0  }
0x15a: {  	[tilespmem:$0xF78] =	vst v0  }
0x15b: {  	[tilespmem:$0xF88] =	vst v0  }
0x15c: {  	[tilespmem:$0xF98] =	vst v0  }
0x15d: {  	[tilespmem:$0xFA8] =	vst v0  }
0x15e: {  	[tilespmem:$0xFB8] =	vst v0  }
0x15f: {  	[tilespmem:$0xFC8] =	vst v0  }
0x160: {  	[tilespmem:$0xFD8] =	vst v0  }
0x161: {  	[tilespmem:$0xFE8] =	vst v0  }
0x162: {  	[tilespmem:$0xFF8] =	vst v0  }
0x163: {  	[tilespmem:$0x1028] =	vst v0  }
0x164: {  	[tilespmem:$0x10E8] =	vst v0  }
0x165: {  	[tilespmem:$0x1068] =	vst v0  }
0x166: {  	[tilespmem:$0x1B28] =	vst v0  }
0x167: {  	[tilespmem:$0x1B18] =	vst v0  }
0x168: {  	[tilespmem:$0x1B08] =	vst v0  }
0x169: {  	[tilespmem:$0x1AF8] =	vst v0  }
0x16a: {  	[tilespmem:$0x1AE8] =	vst v0  }
0x16b: {  	[tilespmem:$0x1AD8] =	vst v0  }
0x16c: {  	[tilespmem:$0x1AC8] =	vst v0  }
0x16d: {  	[tilespmem:$0x1AB8] =	vst v0  }
0x16e: {  	[tilespmem:$0x1AA8] =	vst v0  }
0x16f: {  	[tilespmem:$0x1A98] =	vst v0  }
0x170: {  	[tilespmem:$0x1A88] =	vst v0  }
0x171: {  	[tilespmem:$0x1A78] =	vst v0  }
0x172: {  	[tilespmem:$0x1A68] =	vst v0  }
0x173: {  	[tilespmem:$0x1A58] =	vst v0  }
0x174: {  	[tilespmem:$0x1A48] =	vst v0  }
0x175: {  	[tilespmem:$0x1A38] =	vst v0  }
0x176: {  	[tilespmem:$0x1A28] =	vst v0  }
0x177: {  	[tilespmem:$0x1A18] =	vst v0  }
0x178: {  	[tilespmem:$0x1A08] =	vst v0  }
0x179: {  	[tilespmem:$0x19F8] =	vst v0  }
0x17a: {  	[tilespmem:$0x19E8] =	vst v0  }
0x17b: {  	[tilespmem:$0x19D8] =	vst v0  }
0x17c: {  	[tilespmem:$0x19C8] =	vst v0  }
0x17d: {  	[tilespmem:$0x19B8] =	vst v0  }
0x17e: {  	[tilespmem:$0x19A8] =	vst v0  }
0x17f: {  	[tilespmem:$0x1998] =	vst v0  }
0x180: {  	[tilespmem:$0x1988] =	vst v0  }
0x181: {  	[tilespmem:$0x1978] =	vst v0  }
0x182: {  	[tilespmem:$0x1968] =	vst v0  }
0x183: {  	[tilespmem:$0x1958] =	vst v0  }
0x184: {  	[tilespmem:$0x1948] =	vst v0  }
0x185: {  	[tilespmem:$0x1938] =	vst v0  }
0x186: {  	[tilespmem:$0x1928] =	vst v0  }
0x187: {  	[tilespmem:$0x1918] =	vst v0  }
0x188: {  	[tilespmem:$0x1908] =	vst v0  }
0x189: {  	[tilespmem:$0x18F8] =	vst v0  }
0x18a: {  	[tilespmem:$0x18E8] =	vst v0  }
0x18b: {  	[tilespmem:$0x18D8] =	vst v0  }
0x18c: {  	[tilespmem:$0x18C8] =	vst v0  }
0x18d: {  	[tilespmem:$0x18B8] =	vst v0  }
0x18e: {  	[tilespmem:$0x18A8] =	vst v0  }
0x18f: {  	[tilespmem:$0x1898] =	vst v0  }
0x190: {  	[tilespmem:$0x1888] =	vst v0  }
0x191: {  	[tilespmem:$0x1878] =	vst v0  }
0x192: {  	[tilespmem:$0x1868] =	vst v0  }
0x193: {  	[tilespmem:$0x1858] =	vst v0  }
0x194: {  	[tilespmem:$0x1848] =	vst v0  }
0x195: {  	[tilespmem:$0x1838] =	vst v0  }
0x196: {  	[tilespmem:$0x1828] =	vst v0  }
0x197: {  	[tilespmem:$0x1818] =	vst v0  }
0x198: {  	[tilespmem:$0x1808] =	vst v0  }
0x199: {  	[tilespmem:$0x17F8] =	vst v0  }
0x19a: {  	[tilespmem:$0x17E8] =	vst v0  }
0x19b: {  	[tilespmem:$0x17D8] =	vst v0  }
0x19c: {  	[tilespmem:$0x17C8] =	vst v0  }
0x19d: {  	[tilespmem:$0x17B8] =	vst v0  }
0x19e: {  	[tilespmem:$0x17A8] =	vst v0  }
0x19f: {  	[tilespmem:$0x1798] =	vst v0  }
0x1a0: {  	[tilespmem:$0x1788] =	vst v0  }
0x1a1: {  	[tilespmem:$0x1778] =	vst v0  }
0x1a2: {  	[tilespmem:$0x1768] =	vst v0  }
0x1a3: {  	[tilespmem:$0x1758] =	vst v0  }
0x1a4: {  	[tilespmem:$0x1748] =	vst v0  }
0x1a5: {  	[tilespmem:$0x1738] =	vst v0  }
0x1a6: {  	[tilespmem:$0x1728] =	vst v0  }
0x1a7: {  	[tilespmem:$0x1718] =	vst v0  }
0x1a8: {  	[tilespmem:$0x1708] =	vst v0  }
0x1a9: {  	[tilespmem:$0x16F8] =	vst v0  }
0x1aa: {  	[tilespmem:$0x16E8] =	vst v0  }
0x1ab: {  	[tilespmem:$0x16D8] =	vst v0  }
0x1ac: {  	[tilespmem:$0x16C8] =	vst v0  }
0x1ad: {  	[tilespmem:$0x16B8] =	vst v0  }
0x1ae: {  	[tilespmem:$0x16A8] =	vst v0  }
0x1af: {  	[tilespmem:$0x1698] =	vst v0  }
0x1b0: {  	[tilespmem:$0x1688] =	vst v0  }
0x1b1: {  	[tilespmem:$0x1678] =	vst v0  }
0x1b2: {  	[tilespmem:$0x1668] =	vst v0  }
0x1b3: {  	[tilespmem:$0x1658] =	vst v0  }
0x1b4: {  	[tilespmem:$0x1648] =	vst v0  }
0x1b5: {  	[tilespmem:$0x1638] =	vst v0  }
0x1b6: {  	[tilespmem:$0x1628] =	vst v0  }
0x1b7: {  	[tilespmem:$0x1618] =	vst v0  }
0x1b8: {  	[tilespmem:$0x1608] =	vst v0  }
0x1b9: {  	[tilespmem:$0x15F8] =	vst v0  }
0x1ba: {  	[tilespmem:$0x15E8] =	vst v0  }
0x1bb: {  	[tilespmem:$0x15D8] =	vst v0  }
0x1bc: {  	[tilespmem:$0x15C8] =	vst v0  }
0x1bd: {  	[tilespmem:$0x15B8] =	vst v0  }
0x1be: {  	[tilespmem:$0x15A8] =	vst v0  }
0x1bf: {  	[tilespmem:$0x1598] =	vst v0  }
0x1c0: {  	[tilespmem:$0x1588] =	vst v0  }
0x1c1: {  	[tilespmem:$0x1578] =	vst v0  }
0x1c2: {  	[tilespmem:$0x1568] =	vst v0  }
0x1c3: {  	[tilespmem:$0x1558] =	vst v0  }
0x1c4: {  	[tilespmem:$0x1548] =	vst v0  }
0x1c5: {  	[tilespmem:$0x1538] =	vst v0  }
0x1c6: {  	[tilespmem:$0x1528] =	vst v0  }
0x1c7: {  	[tilespmem:$0x1518] =	vst v0  }
0x1c8: {  	[tilespmem:$0x1508] =	vst v0  }
0x1c9: {  	[tilespmem:$0x14F8] =	vst v0  }
0x1ca: {  	[tilespmem:$0x14E8] =	vst v0  }
0x1cb: {  	[tilespmem:$0x14D8] =	vst v0  }
0x1cc: {  	[tilespmem:$0x14C8] =	vst v0  }
0x1cd: {  	[tilespmem:$0x14B8] =	vst v0  }
0x1ce: {  	[tilespmem:$0x14A8] =	vst v0  }
0x1cf: {  	[tilespmem:$0x1498] =	vst v0  }
0x1d0: {  	[tilespmem:$0x1488] =	vst v0  }
0x1d1: {  	[tilespmem:$0x1478] =	vst v0  }
0x1d2: {  	[tilespmem:$0x1468] =	vst v0  }
0x1d3: {  	[tilespmem:$0x1458] =	vst v0  }
0x1d4: {  	[tilespmem:$0x1448] =	vst v0  }
0x1d5: {  	[tilespmem:$0x1438] =	vst v0  }
0x1d6: {  	[tilespmem:$0x1428] =	vst v0  }
0x1d7: {  	[tilespmem:$0x1418] =	vst v0  }
0x1d8: {  	[tilespmem:$0x1408] =	vst v0  }
0x1d9: {  	[tilespmem:$0x13F8] =	vst v0  }
0x1da: {  	[tilespmem:$0x13E8] =	vst v0  }
0x1db: {  	[tilespmem:$0x13D8] =	vst v0  }
0x1dc: {  	[tilespmem:$0x13C8] =	vst v0  }
0x1dd: {  	[tilespmem:$0x13B8] =	vst v0  }
0x1de: {  	[tilespmem:$0x13A8] =	vst v0  }
0x1df: {  	[tilespmem:$0x1398] =	vst v0  }
0x1e0: {  	[tilespmem:$0x1388] =	vst v0  }
0x1e1: {  	[tilespmem:$0x1378] =	vst v0  }
0x1e2: {  	[tilespmem:$0x1368] =	vst v0  }
0x1e3: {  	[tilespmem:$0x1358] =	vst v0  }
0x1e4: {  	[tilespmem:$0x1348] =	vst v0  }
0x1e5: {  	[tilespmem:$0x1338] =	vst v0  }
0x1e6: {  	[tilespmem:$0x1328] =	vst v0  }
0x1e7: {  	[tilespmem:$0x1318] =	vst v0  }
0x1e8: {  	[tilespmem:$0x1308] =	vst v0  }
0x1e9: {  	[tilespmem:$0x12F8] =	vst v0  }
0x1ea: {  	[tilespmem:$0x12E8] =	vst v0  }
0x1eb: {  	[tilespmem:$0x12D8] =	vst v0  }
0x1ec: {  	[tilespmem:$0x12C8] =	vst v0  }
0x1ed: {  	[tilespmem:$0x12B8] =	vst v0  }
0x1ee: {  	[tilespmem:$0x12A8] =	vst v0  }
0x1ef: {  	[tilespmem:$0x1298] =	vst v0  }
0x1f0: {  	[tilespmem:$0x1288] =	vst v0  }
0x1f1: {  	[tilespmem:$0x1278] =	vst v0  }
0x1f2: {  	[tilespmem:$0x1268] =	vst v0  }
0x1f3: {  	[tilespmem:$0x1258] =	vst v0  }
0x1f4: {  	[tilespmem:$0x1248] =	vst v0  }
0x1f5: {  	[tilespmem:$0x1238] =	vst v0  }
0x1f6: {  	[tilespmem:$0x1228] =	vst v0  }
0x1f7: {  	[tilespmem:$0x1218] =	vst v0  }
0x1f8: {  	[tilespmem:$0x1208] =	vst v0  }
0x1f9: {  	[tilespmem:$0x11F8] =	vst v0  }
0x1fa: {  	[tilespmem:$0x11E8] =	vst v0  }
0x1fb: {  	[tilespmem:$0x11D8] =	vst v0  }
0x1fc: {  	[tilespmem:$0x11C8] =	vst v0  }
0x1fd: {  	[tilespmem:$0x11B8] =	vst v0  }
0x1fe: {  	[tilespmem:$0x11A8] =	vst v0  }
0x1ff: {  	[tilespmem:$0x1198] =	vst v0  }
0x200: {  	[tilespmem:$0x1188] =	vst v0  }
0x201: {  	[tilespmem:$0x1178] =	vst v0  }
0x202: {  	[tilespmem:$0x1168] =	vst v0  }
0x203: {  	[tilespmem:$0x1158] =	vst v0  }
0x204: {  	[tilespmem:$0x1148] =	vst v0  }
0x205: {  	[tilespmem:$0x1138] =	vst v0  }
0x206: {  	[tilespmem:$0x1128] =	vst v0  }
0x207: {  	[tilespmem:$0x1118] =	vst v0  }
0x208: {  	s4 =	stileid.u32;
	[tilespmem:$0x1108] =	vst v0  }
0x209: {  	s0 =	smul.u32 $0x15, s4;
	[tilespmem:$0x10F8] =	vst v0  }
0x20a: {  	s1 =	smin.u32 s4, $0xC;
	[tilespmem:$0x10C8] =	vst v0  }
0x20b: {  	[tilespmem:$0x10D8] =	vst v0;
	s0 =	sadd.s32 s1, s0  }
0x20c: {  	p0 =	slt.u32 s4, $0xC;
	[tilespmem:$0x10B8] =	vst v0;
	s1 =	simm.s32 $0x2520;
	s6 =	smul.u32 $0x1B0, s0  }
0x20d: {  	s1 =	simm.s32 @!p0 $0x2370;
	[tilespmem:$0x1038] =	vst v0  }
0x20e: {  	[tilespmem:$0x10A8] =	vst v0;
	s0 =	sadd.s32 s1, s6  }
0x20f: {  	s3 =	simm.s32 $0x2;
	s8 =	simm.s32 $0x9;
	[tilespmem:$0x1098] =	vst v0;
	s7 =	smin.u32 s0, $0x249F0  }
0x210: {  	s10 =	simm.s32 $0xA;
	s30 =	simm.s32 $0xB;
	[tilespmem:$0x1088] =	vst v0;
	s0 =	ssub.s32 s7, s6  }
0x211: {  	s16 =	simm.s32 $0x0;
	p4 =	por $0x0, $0x0;
	[tilespmem:$0x1078] =	vst v0;
	p0 =	sgt.s32 s0, $0x0  }
0x212: {  	s17 =	simm.s32 $0xC;
	s21 =	simm.s32 $0x0;
	[tilespmem:$0x1058] =	vst v0;
	s0 =	simm.s32 @!p0 $0x0  }
0x213: {  	s18 =	simm.s32 $0x0;
	s2 =	sand.u32 $0x1, s2;
	[tilespmem:$0x1048] =	vst v0;
	s29 =	smulhi.u32 $0x4BDA12F7, s0  }
0x214: {  	s20 =	simm.s32 $0x0;
	s31 =	sshll.u32 s4, $0x5;
	[tilespmem:$0x1018] =	vst v0;
	[dreg:$0x5] =	wrdreg s2  }
0x215: {  	s2 =	smul.u32 $0x493E, s2;
	[tilespmem:$0x1008] =	vst v0;
	[sflag:s3] =	ssyncpa.u1 $0x0;
	s1 =	sshrl.u32 s29, $0x7  }
0x216: {  	v0 =	vimm.s32 $0xFFFFFFFF;
	s3 =	sadd.s32 $0x41C200, s11;
	[dreg:$0x4] =	wrdreg s31;
	s5 =	smul.u32 $0x1B0, s1  }
.Ltmp7:
0x217: {  	[tilespmem:$0x3648] =	vst v0;
	[sflag:s8] =	ssyncpa.u1 $0x0;
	s2 =	sadd.s32 s2, s11;
	(pc) =	sbr.rel .LBB3_1-.Ltmp7, $4  }
0x218: {  	[sflag:s10] =	ssyncpa.u1 $0x0;
	s11 =	sadd.s32 $0x2D20E00, s11;
	p0 =	sne.s32 s0, s5  }
0x219: {  	[sflag:s30] =	ssyncpa.u1 $0x0;
	s14 =	sadd.s32 $0x412E00, s2;
	s12 =	simm.s32 @!p0 $0x0  }
0x21a: {  	s15 =	sadd.s32 $0x409A00, s2;
	s19 =	smov.u32 s6;
	s12 =	sadd.s32 s12, s1  }
0x21b: {  	v0 =	vlaneseq.u32;
	[dreg:$0x6] =	wrdreg s6;
	p0 =	por $0x1, $0x1;
	s4 =	sadd.s32 $0x1, s12  }
.LBB3_18:
0x21c: {  	s0 =	simm.s32 $0x2  }
0x21d: {  	_ =	swait.ge [sflag:s0], $0x0  }
0x21e: {  	[sflag:s0] =	ssyncset.done $0x0;
	s0 =	simm.s32 $0x0  }
.LBB3_19:
0x21f: {  	_ =	swait.ge [sflag:s17], s0  }
0x220: {  	s31 =	ssub.s32 $0x0, s0;
	v1 =	vmov s23;
	vm0 =	veq.s32 v0, $0x0;
	[sflag:s17] =	ssyncset.done $0x0  }
0x221: {  	vm15 =	veq.s32 v0, $0x2;
	v1 =	vsel vm0, s28, v1;
	[sflag:s17] =	ssyncadd.s32 s31  }
0x222: {  	v1 =	vsel vm15, s21, v1;
	[sflag:s17] =	ssyncpa.u1 $0x1  }
0x223: {  	[tilespmem:$0x3648] =	vst v1  }
.LBB3_20:
0x224: {  	s0 =	sadd.s32 $0x1B0, s19  }
0x225: {  	s1 =	smov.u32 s6;
	p1 =	slt.s32 s0, s7  }
0x226: {  	s1 =	smov.u32 @p1 s0;
	p1 =	sne.s32 s20, s4  }
.Ltmp8:
0x227: {  	_ = 	snop;
	(pc) =	sbr.rel @!p1 .LBB3_21-.Ltmp8, $4  }
0x228: {  	_ = 	snop  }
0x229: {  	s21 =	smov.u32 s18  }
0x22a: {  	s31 =	sadd.s32 $0x1, s20;
	s18 =	smov.u32 s19;
	p0 =	por !p0, !p0  }
0x22b: {  	p4 =	por !p4, !p4;
	s20 =	smov.u32 s31;
	s19 =	smov.u32 s1  }
.LBB3_1:
0x22c: {  	p2 =	sge.u32 s20, s12  }
0x22d: {  	s0 =	smulhi.u32 @!p2 $0xAAAAAAAB, s20  }
0x22e: {  	s1 =	smov.u32 s19;
	p3 =	sgt.s32 @!p2 s19, $0x24840  }
0x22f: {  	s2 =	sshra.s32 @!p2 s19, $0x1F;
	p3 =	por !p3, p2;
	s0 =	sshrl.u32 @!p2 s0, $0x1  }
0x230: {  	s2 =	sand.u32 @!p2 s2, s19;
	s1 =	simm.s32 @p3 $0x24840;
	s0 =	smul.u32 @!p2 $0x3, s0  }
0x231: {  	s1 =	ssub.s32 @!p2 s1, s2  }
0x232: {  	s23 =	sadd.s32 $0xFFFFFFFF, s20;
	s1 =	sadd.s32 @!p2 $0xFFFDB7C0, s1;
	s0 =	ssub.s32 @!p2 s20, s0  }
0x233: {  	s2 =	sshll.u32 @!p2 s1, $0x2;
	p3 =	sgt.s32 @!p2 s1, $0x1AF;
	s0 =	smul.u32 @!p2 $0x6C0, s0  }
0x234: {  	s5 =	sand.u32 @!p2 $0x7, s19;
	s1 =	ssub.s32 @!p2 $0x6C0, s2;
	p3 =	por !p3, p2  }
0x235: {  	s2 =	sshrl.u32 @!p2 s19, $0x3;
	s1 =	sshrl.u32 @!p2 s1, $0x2;
	s0 =	sshrl.u32 @!p2 s0, $0x2  }
0x236: {  	s2 =	sadd.s32 @!p2 s2, s14;
	s1 =	simm.s32 @!p3 $0x0;
	s0 =	sadd.s32 @!p2 $0x3888, s0  }
0x237: {  	[tilespmem:s0], [sflag:$0xA] =	stream.linear.gather @!p2 [hbm4b:s2+s5], s1, $0x38;
	[tilespmem:$0x1F0F8] =	vst v63  }
0x238: {  	p2 =	sge.u32 s23, s12  }
0x239: {  	p3 =	sgt.s32 @!p2 s18, $0x24840  }
0x23a: {  	s0 =	smov.u32 s18;
	s1 =	sshra.s32 @!p2 s18, $0x1F;
	p3 =	por !p3, p2  }
0x23b: {  	s1 =	sand.u32 @!p2 s1, s18;
	s0 =	simm.s32 @p3 $0x24840  }
0x23c: {  	s0 =	ssub.s32 @!p2 s0, s1  }
0x23d: {  	s0 =	sadd.s32 @!p2 $0xFFFDB7C0, s0  }
0x23e: {  	s1 =	sshll.u32 @!p2 s0, $0x2  }
0x23f: {  	p3 =	sgt.s32 @!p2 s0, $0x1AF;
	s0 =	ssub.s32 @!p2 $0x6C0, s1  }
0x240: {  	s22 =	ssub.s32 @!p2 $0x249F0, s18;
	p3 =	por !p3, p2;
	s0 =	sshrl.u32 @!p2 s0, $0x2  }
0x241: {  	s1 =	sand.u32 @!p2 $0x1, s23;
	s0 =	simm.s32 @!p3 $0x0;
	p3 =	slt.s32 @!p2 s22, $0x1  }
0x242: {  	s2 =	simm.s32 @!p2 $0xA;
	s1 =	smul.u32 @!p2 $0x6C0, s1;
	p3 =	por p2, p3  }
.Ltmp9:
0x243: {  	_ =	swait.ge @!p2 [sflag:s2], s0;
	(pc) =	sbr.rel @p3 .LBB3_7-.Ltmp9, $4  }
0x244: {  	s5 =	ssub.s32 @!p2 $0x0, s0;
	[sflag:s2] =	ssyncset.done @!p2 $0x0  }
0x245: {  	s1 =	sshrl.u32 @!p2 s1, $0x2;
	[sflag:s2] =	ssyncadd.s32 @!p2 s5;
	s2 =	sshrl.u32 @!p2 s18, $0x3  }
0x246: {  	s1 =	sadd.s32 @!p2 $0x3D98, s1;
	s5 =	sand.u32 @!p2 $0x7, s18;
	s2 =	sadd.s32 @!p2 s2, s15  }
0x247: {  	[tilespmem:s1], [sflag:$0xB] =	stream.linear.gather @!p2 [hbm4b:s2+s5], s0, $0x38;
	[tilespmem:$0x1F0F8] =	vst v63  }
0x248: {  	s0 =	smulhi.u32 $0xAAAAAAAB, s23;
	_ =	sdelay $0x1  }
0x249: {  	s0 =	sshrl.u32 s0, $0x1  }
0x24a: {  	s0 =	smul.u32 $0x3, s0;
	_ =	sdelay $0x1  }
0x24b: {  	s0 =	ssub.s32 s23, s0  }
0x24c: {  	s1 =	simm.s32 $0x1;
	s0 =	smul.u32 $0x6C0, s0  }
.Ltmp10:
0x24d: {  	s1 =	simm.s32 @!p0 $0x0;
	(pc) =	sbr.rel .LBB3_4-.Ltmp10, $4  }
0x24e: {  	s1 =	smul.u32 $0x36000, s1  }
0x24f: {  	p3 =	slt.s32 @!p2 s22, $0x1B0;
	s0 =	sshrl.u32 s0, $0x2  }
0x250: {  	p2 =	por !p3, p2;
	s1 =	sshrl.u32 s1, $0x2;
	s0 =	sadd.s32 $0x3888, s0  }
0x251: {  	s24 =	simm.s32 $0x0;
	s22 =	simm.s32 @p2 $0x1B0;
	s23 =	sadd.s32 $0x40F8, s1;
	v1 =	vmov s0  }
.LBB3_3:
0x252: {  	p2 =	sge.s32 s24, s22  }
.Ltmp11:
0x253: {  	_ = 	snop;
	(pc) =	sbr.rel @p2 .LBB3_7-.Ltmp11, $2  }
0x254: {  	_ =	sdelay $0x2  }
0x255: {  	s23 =	sadd.s32 $0x800, s23  }
.LBB3_4:
0x256: {  	p2 =	sle.s32 s22, s24  }
.Ltmp12:
0x257: {  	_ = 	snop;
	(pc) =	sbr.rel @p2 .LBB3_3-.Ltmp12, $2  }
0x258: {  	_ =	sdelay $0x2  }
0x259: {  	s0 =	smov.u32 s24;
	s24 =	sadd.s32 $0x10, s24  }
0x25a: {  	s1 =	ssub.s32 s22, s0  }
0x25b: {  	p2 =	slt.s32 s1, $0x10  }
0x25c: {  	s1 =	simm.s32 @!p2 $0x10  }
0x25d: {  	v2 =	vmov s1  }
0x25e: {  	vm0 =	vgt.s32 v2, v0;
	_ =	sdelay $0x5  }
0x25f: {  	v2 =	vld.idx.msk [tilespmem:v1+s0+$0x0 ss:$0x1], vm0;
	_ =	sdelay $0x2  }
0x260: {  	p2 =	slt.s32 s24, s22;
	s1 =	smov.u32 s22  }
0x261: {  	s2 =	smov.u32 s23;
	s25 =	simm.s32 $0x0;
	s1 =	smov.u32 @p2 s24  }
.LBB3_6:
0x262: {  	(v2sf) =	vpush v2, s25;
	_ =	sdelay $0xc  }
0x263: {  	s25 =	sadd.s32 $0x1, s25  }
0x264: {  	s31 =	sadd.s32 s25, s0  }
0x265: {  	p2 =	slt.s32 s31, s1;
	s5 =	spop (v2sf)  }
.Ltmp13:
0x266: {  	s5 =	sshll.u32 s5, $0x4;
	(pc) =	sbr.rel @p2 .LBB3_6-.Ltmp13, $4  }
0x267: {  	s5 =	sand.u32 $0x1FFFFFF0, s5  }
0x268: {  	s5 =	sadd.s32 s11, s5  }
0x269: {  	[tilespmem:s2], [sflag:$0x9] =	stream.linear.gather [hbm4b:s5+s16], $0x4, $0x38;
	[tilespmem:$0x1F0F8] =	vst v63  }
0x26a: {  	s2 =	sadd.s32 $0x80, s2  }
.Ltmp14:
0x26b: {  	_ = 	snop;
	(pc) =	sbr.rel .LBB3_3-.Ltmp14, $1  }
0x26c: {  	_ =	sdelay $0x3  }
.LBB3_7:
0x26d: {  	p2 =	slt.u32 s20, $0x2  }
.Ltmp15:
0x26e: {  	_ = 	snop;
	(pc) =	sbr.rel @p2 .LBB3_20-.Ltmp15, $1  }
0x26f: {  	_ =	sdelay $0x3  }
0x270: {  	p2 =	sgt.s32 s21, $0x24840  }
0x271: {  	s0 =	smov.u32 s21;
	s1 =	sshra.s32 s21, $0x1F;
	s2 =	ssub.s32 $0x249F0, s21  }
0x272: {  	s0 =	simm.s32 @!p2 $0x24840;
	s1 =	sand.u32 s1, s21;
	p2 =	slt.s32 s2, $0x1B0  }
0x273: {  	s0 =	ssub.s32 s0, s1;
	s2 =	simm.s32 @!p2 $0x1B0  }
0x274: {  	s0 =	sadd.s32 $0xFFFDB7C0, s0;
	s24 =	sshll.u32 s2, $0x2  }
0x275: {  	s28 =	simm.s32 $0x9;
	s25 =	sshll.u32 s0, $0x2;
	s1 =	sand.u32 $0x3FFFFFFC, s24  }
0x276: {  	p2 =	sgt.s32 s0, $0x1AF;
	s26 =	ssub.s32 $0x6C0, s25;
	_ =	swait.ge [sflag:s28], s1  }
0x277: {  	s1 =	ssub.s32 $0x0, s1;
	[sflag:s28] =	ssyncset.done $0x0;
	s0 =	sshrl.u32 s26, $0x2  }
0x278: {  	s30 =	simm.s32 $0xB;
	[sflag:s28] =	ssyncadd.s32 s1;
	s0 =	simm.s32 @p2 $0x0  }
0x279: {  	_ =	swait.ge [sflag:s30], s0  }
0x27a: {  	s0 =	ssub.s32 $0x0, s0;
	[sflag:s30] =	ssyncset.done $0x0  }
0x27b: {  	[sflag:s30] =	ssyncadd.s32 s0  }
0x27c: {  	v1 =	vld [tilespmem:$0x3648];
	_ =	sdelay $0x4  }
0x27d: {  	(v2sf) =	vpush v1, $0x0  }
0x27e: {  	(v2sf) =	vpush v1, $0x1  }
0x27f: {  	(v2sf) =	vpush v1, $0x2;
	_ =	sdelay $0x3  }
0x280: {  	s0 =	sadd.s32 $0x1B0, s21  }
0x281: {  	s1 =	ssub.s32 $0x493E0, s21;
	p2 =	slt.s32 s7, s0  }
0x282: {  	s0 =	smov.u32 @p2 s7;
	p2 =	sgt.s32 s1, $0x0  }
0x283: {  	s25 =	ssub.s32 s0, s21;
	s1 =	simm.s32 @!p2 $0x0  }
0x284: {  	p2 =	slt.s32 s1, s25  }
0x285: {  	s25 =	smov.u32 @p2 s1  }
0x286: {  	s24 =	simm.s32 $0x1;
	p2 =	slt.s32 s25, $0x1  }
.Ltmp16:
0x287: {  	s24 =	simm.s32 @!p4 $0x0;
	(pc) =	sbr.rel @p2 .LBB3_12-.Ltmp16, $4  }
0x288: {  	s31 =	smul.u32 $0x6C0, s24  }
0x289: {  	s26 =	spop (v2sf)  }
0x28a: {  	s0 =	sshrl.u32 s31, $0x2;
	s29 =	spop (v2sf)  }
0x28b: {  	s22 =	sadd.s32 $0x3D98, s0;
	s21 =	spop (v2sf)  }
0x28c: {  	s0 =	smin.u32 s25, $0x10  }
0x28d: {  	v1 =	vmov s0  }
0x28e: {  	p3 =	sgt.s32 s25, $0x10;
	vm1 =	vgt.u32 v1, v0  }
.Ltmp17:
0x28f: {  	_ = 	snop;
	(pc) =	sbr.rel @!p3 .LBB3_11-.Ltmp17, $2  }
0x290: {  	_ =	sdelay $0x2  }
0x291: {  	s23 =	simm.s32 $0x10;
	s28 =	sadd.s32 $0xFFFFFFF0, s25;
	s0 =	smov.u32 s22;
	vm0 =	vmmov vm1  }
.LBB3_10:
0x292: {  	s1 =	smin.u32 s28, $0x10;
	s23 =	sadd.s32 $0x10, s23;
	v1 =	vld.msk [tilespmem:s0+$0x0 ss:$0x1], vm1  }
0x293: {  	v2 =	vmov s1;
	p3 =	slt.s32 s23, s25  }
0x294: {  	vm1 =	vgt.u32 v2, v0  }
.Ltmp18:
0x295: {  	(pc) =	sbr.rel @p3 .LBB3_10-.Ltmp18, $3  }
0x296: {  	_ =	sdelay $0x1  }
0x297: {  	v1 =	vshll.u32 v1, $0x4  }
0x298: {  	s28 =	sadd.s32 $0xFFFFFFF0, s28;
	[tilespmem:s0+$0x0] =	vst.msk vm0, v1;
	s0 =	sadd.s32 $0x10, s0;
	vm0 =	vmmov vm1  }
.LBB3_11:
0x299: {  	_ =	sdelay $0x4  }
0x29a: {  	v1 =	vld.msk [tilespmem:s0+$0x0 ss:$0x1], vm1;
	_ =	sdelay $0x4  }
0x29b: {  	v1 =	vshll.u32 v1, $0x4  }
0x29c: {  	[tilespmem:s0+$0x0] =	vst.msk vm0, v1  }
.LBB3_12:
0x29d: {  	s0 =	sand.u32 $0x1, s20  }
0x29e: {  	s0 =	smul.u32 $0x1B0, s0  }
0x29f: {  	p3 =	sne.s32 s29, $0xFFFFFFFF  }
0x2a0: {  	v1 =	vld.msk @!p3 [tilespmem:s0+$0x3D98], $0x1;
	_ =	sdelay $0x4  }
0x2a1: {  	(v2sf) =	vpush @!p3 v1, $0x0;
	_ =	sdelay $0xc  }
.Ltmp19:
0x2a2: {  	_ = 	snop;
	(pc) =	sbr.rel @p2 .LBB3_18-.Ltmp19, $4  }
0x2a3: {  	_ = 	snop  }
0x2a4: {  	s28 =	spop @!p3 (v2sf)  }
0x2a5: {  	s21 =	simm.s32 @!p3 $0x0;
	s23 =	smov.u32 s28  }
0x2a6: {  	[sflag:s17] =	ssyncpa.u1 $0x0;
	s28 =	smov.u32 @p3 s26;
	s23 =	smov.u32 @p3 s29  }
0x2a7: {  	v1 =	vld.msk [tilespmem:s22+$0x0], $0x1;
	_ =	sdelay $0x4  }
0x2a8: {  	(v2sf) =	vpush v1, $0x0;
	_ =	sdelay $0xe  }
0x2a9: {  	s0 =	simm.s32 @!p4 $0x0;
	s26 =	smul.u32 $0x36000, s24;
	s31 =	spop (v2sf)  }
0x2aa: {  	s29 =	ssub.s32 $0x0, s25;
	s0 =	simm.s32 @p4 $0x1;
	p2 =	seq.s32 s28, s31  }
0x2ab: {  	s1 =	smov.u32 s28;
	[smem:$0x7FD] =	sst s0;
	p3 =	sgt.s32 @!p2 s28, $0x0  }
0x2ac: {  	s0 =	sshrl.u32 s26, $0x2;
	s26 =	sadd.s32 $0x1, s29;
	p3 =	por !p3, p2  }
0x2ad: {  	s1 =	simm.s32 @p3 $0x0;
	p3 =	seq.s32 s26, $0x0  }
.Ltmp20:
0x2ae: {  	_ = 	snop;
	(pc) =	sbr.rel @p3 .LBB3_15-.Ltmp20, $4  }
0x2af: {  	s6 =	smov.u32 s4;
	s25 =	simm.s32 $0x0  }
0x2b0: {  	s24 =	sadd.s32 $0x40F8, s0;
	s0 =	simm.s32 @!p2 $0x1;
	s2 =	smin.u32 @!p2 s1, $0xC34FF  }
0x2b1: {  	s30 =	sadd.s32 $0x1, s22;
	s0 =	smov.u32 @p2 s25;
	s5 =	sand.u32 @!p2 $0xFFFF8, s2  }
0x2b2: {  	s1 =	simm.s32 @!p2 $0x1B38;
	s2 =	sand.u32 @!p2 $0x7, s2;
	s5 =	sadd.s32 @!p2 s3, s5  }
.LBB3_14:
0x2b3: {  	s4 =	smov.u32 s0  }
0x2b4: {  	[tilespmem:s1], [sflag:$0x2] =	stream.linear.gather @!p2 [hbm4b:s5+s2], $0x4, $0x38;
	[tilespmem:$0x1F0F8] =	vst v63  }
0x2b5: {  	s26 =	sadd.s32 $0x1, s26;
	s2 =	smov.u32 s31;
	v1 =	vld.msk [tilespmem:s30+$0x0], $0x1  }
0x2b6: {  	p3 =	seq.s32 s26, $0x0;
	_ =	sdelay $0x3  }
0x2b7: {  	(v2sf) =	vpush v1, $0x0;
	_ =	sdelay $0xe  }
0x2b8: {  	s31 =	spop (v2sf)  }
0x2b9: {  	p2 =	seq.s32 s2, s31  }
0x2ba: {  	p4 =	sgt.s32 @!p2 s2, $0x0;
	s1 =	sshll.u32 @!p2 s0, $0x6;
	s0 =	sadd.s32 @!p2 $0x1, s0  }
.Ltmp21:
0x2bb: {  	p4 =	por !p4, p2;
	s1 =	sshra.s32 @!p2 s1, $0x2;
	(pc) =	sbr.rel @!p3 .LBB3_14-.Ltmp21, $4  }
0x2bc: {  	s0 =	smov.u32 @p2 s4;
	s2 =	simm.s32 @p4 $0x0;
	s1 =	sadd.s32 @!p2 $0x1B38, s1  }
0x2bd: {  	s2 =	smin.u32 @!p2 s2, $0xC34FF  }
0x2be: {  	s4 =	sand.u32 @!p2 $0xFFFF8, s2;
	s2 =	sand.u32 @!p2 $0x7, s2  }
0x2bf: {  	s30 =	sadd.s32 $0x1, s30;
	s5 =	sadd.s32 @!p2 s3, s4  }
.LBB3_15:
0x2c0: {  	[tilespmem:s1], [sflag:$0x2] =	stream.linear.gather @!p2 [hbm4b:s5+s2], $0x4, $0x38;
	[tilespmem:$0x1F0F8] =	vst v63  }
0x2c1: {  	s0 =	sshll.u32 s0, $0x2  }
0x2c2: {  	s31 =	simm.s32 $0x2;
	s0 =	sand.u32 $0x3FFFFFFC, s0  }
0x2c3: {  	_ =	swait.ge [sflag:s31], s0  }
0x2c4: {  	s0 =	ssub.s32 $0x0, s0;
	[sflag:s31] =	ssyncset.done $0x0  }
0x2c5: {  	[sflag:s31] =	ssyncadd.s32 s0  }
0x2c6: {  	v1 =	vld.msk [tilespmem:s22+$0x0], $0x1;
	_ =	sdelay $0x4  }
0x2c7: {  	(v2sf) =	vpush v1, $0x0;
	_ =	sdelay $0xe  }
0x2c8: {  	s26 =	spop (v2sf)  }
0x2c9: {  	p2 =	sne.s32 s28, s26  }
0x2ca: {  	p4 =	sne.s32 @p2 s28, s23  }
0x2cb: {  	p3 =	por !p4, !p2  }
0x2cc: {  	s0 =	simm.s32 @!p3 $0x0  }
0x2cd: {  	v1 =	vld.msk @!p3 [tilespmem:s0+$0x1B38], $0xf  }
0x2ce: {  	p5 =	sgt.u32 @!p3 s28, $0xC34FF  }
0x2cf: {  	s1 =	sshll.u32 @!p3 s21, $0x6;
	p6 =	por @p2 p5, !p4  }
0x2d0: {  	s1 =	sshra.s32 @!p3 s1, $0x2;
	p1 =	por p6, !p2;
	p6 =	por p4, !p2  }
0x2d1: {  	s2 =	sadd.s32 @!p3 $0x28, s1;
	s4 =	sand.u32 @!p1 $0xFFFF8, s28;
	s5 =	sshll.u32 @!p6 s21, $0x6  }
0x2d2: {  	s28 =	sand.u32 @!p1 $0x7, s28;
	[tilespmem:s1+$0x28] =	vst.add.f32.msk @!p3 $0xf, v1;
	s1 =	sadd.s32 @!p1 s3, s4;
	s4 =	sshra.s32 @!p6 s5, $0x2  }
0x2d3: {  	[hbm4b:s1+s28] =	stream.linear.scatter @!p1 [tilespmem:s2], [sflag:$0xC], $0x4, $0x38;
	[tilespmem:$0x1F0F8] =	vst v63  }
0x2d4: {  	s0 =	rddreg [dreg:$0x4];
	s1 =	sadd.s32 @!p6 $0x28, s4;
	s2 =	simm.s32 @!p6 $0x1  }
0x2d5: {  	[spmem:s0] =	stream.linear.scatter @!p6 [tilespmem:s1], [sflag:$0x1], $0x4, $0x38;
	[tilespmem:$0x1F0F8] =	vst v63  }
0x2d6: {  	s0 =	sadd.s32 @p2 $0x1, s21;
	_ =	swait.ge @!p6 [sflag:s2], $0x4  }
0x2d7: {  	s1 =	sshrl.u32 @p2 s0, $0x4;
	[sflag:s2] =	ssyncset.done @!p6 $0x0  }
0x2d8: {  	s1 =	smulhi.u32 @p2 $0x97B425F, s1;
	[sflag:s2] =	ssyncadd.s32 @!p6 $0xFFFFFFFC  }
0x2d9: {  	s28 =	sadd.s32 $0x1, s29;
	v1 =	vld.msk @p2 [tilespmem:s24+$0x0], $0xf  }
0x2da: {  	p1 =	por @p2 !p5, !p4;
	p4 =	seq.s32 s28, $0x0;
	s1 =	smul.u32 @p2 $0x1B0, s1  }
.Ltmp22:
0x2db: {  	p1 =	por !p1, !p2;
	s2 =	simm.s32 @!p3 $0x0;
	(pc) =	sbr.rel @p4 .LBB3_17-.Ltmp22, $4  }
0x2dc: {  	s4 =	sshll.u32 @!p2 s21, $0x6;
	s2 =	simm.s32 @!p1 $0x10;
	s0 =	ssub.s32 @p2 s0, s1  }
0x2dd: {  	s29 =	simm.s32 $0x0;
	s2 =	sadd.s32 @!p3 $0x0, s2;
	s5 =	sshll.u32 @p2 s0, $0x4  }
0x2de: {  	s30 =	sshra.s32 @!p2 s4, $0x2;
	s1 =	simm.s32 @p2 $0x1;
	s2 =	smov.u32 @p3 s25;
	[tilespmem:s5+$0x28] =	vst.msk @p2 $0xf, v1  }
0x2df: {  	s21 =	smov.u32 @p2 s0;
	s29 =	smov.u32 @p2 s2;
	s25 =	smov.u32 @p2 s1;
	v1 =	vld.msk @!p2 [tilespmem:s24+$0x0], $0xf  }
.LBB3_16:
0x2e0: {  	_ =	sdelay $0x3  }
0x2e1: {  	s22 =	sadd.s32 $0x1, s22;
	[tilespmem:s30+$0x28] =	vst.add.f32.msk @!p2 $0xf, v1  }
0x2e2: {  	v1 =	vld.msk [tilespmem:s22+$0x0], $0x1;
	_ =	sdelay $0x4  }
0x2e3: {  	(v2sf) =	vpush v1, $0x0;
	_ =	sdelay $0xe  }
0x2e4: {  	s0 =	smov.u32 s26;
	s26 =	spop (v2sf)  }
0x2e5: {  	p2 =	sne.s32 s0, s26  }
0x2e6: {  	p5 =	sne.s32 @p2 s0, s23  }
0x2e7: {  	s4 =	sshll.u32 @!p2 s21, $0x6;
	p4 =	por !p5, !p2  }
0x2e8: {  	s30 =	sshra.s32 @!p2 s4, $0x2;
	s4 =	sshll.u32 @!p4 s25, $0x6  }
0x2e9: {  	s4 =	sshra.s32 @!p4 s4, $0x2  }
0x2ea: {  	p1 =	sgt.u32 @!p4 s0, $0xC34FF;
	v1 =	vld.msk @!p4 [tilespmem:s4+$0x1B38], $0xf  }
0x2eb: {  	s31 =	sshll.u32 @!p4 s21, $0x6;
	p6 =	por @p2 p1, !p5;
	p1 =	por @p2 !p1, !p5  }
0x2ec: {  	s8 =	simm.s32 @!p4 $0x0;
	s31 =	sshra.s32 @!p4 s31, $0x2;
	p1 =	por !p1, !p2  }
0x2ed: {  	p5 =	por p5, !p2;
	s8 =	simm.s32 @!p1 $0x10;
	p1 =	por p6, !p2  }
0x2ee: {  	s4 =	sadd.s32 @!p4 $0x28, s31;
	s13 =	sshll.u32 @!p5 s21, $0x6;
	s10 =	sand.u32 @!p1 $0xFFFF8, s0  }
0x2ef: {  	s13 =	sshra.s32 @!p5 s13, $0x2;
	s0 =	sand.u32 @!p1 $0x7, s0;
	s10 =	sadd.s32 @!p1 s3, s10;
	[tilespmem:s31+$0x28] =	vst.add.f32.msk @!p4 $0xf, v1  }
0x2f0: {  	[hbm4b:s10+s0] =	stream.linear.scatter @!p1 [tilespmem:s4], [sflag:$0xC], $0x4, $0x38;
	[tilespmem:$0x1F0F8] =	vst v63  }
0x2f1: {  	s1 =	rddreg [dreg:$0x4];
	s0 =	sadd.s32 @!p5 $0x28, s13;
	s4 =	simm.s32 @!p5 $0x1  }
0x2f2: {  	[spmem:s1] =	stream.linear.scatter @!p5 [tilespmem:s0], [sflag:$0x1], $0x4, $0x38;
	[tilespmem:$0x1F0F8] =	vst v63  }
0x2f3: {  	s2 =	sadd.s32 @p2 $0x1, s21;
	_ =	swait.ge @!p5 [sflag:s4], $0x4  }
0x2f4: {  	s5 =	sshrl.u32 @p2 s2, $0x4;
	[sflag:s4] =	ssyncset.done @!p5 $0x0  }
0x2f5: {  	s24 =	sadd.s32 $0x80, s24;
	s5 =	smulhi.u32 @p2 $0x97B425F, s5;
	[sflag:s4] =	ssyncadd.s32 @!p5 $0xFFFFFFFC  }
0x2f6: {  	s28 =	sadd.s32 $0x1, s28;
	v1 =	vld.msk @p2 [tilespmem:s24+$0x0], $0xf  }
0x2f7: {  	p3 =	seq.s32 s28, $0x0;
	s5 =	smul.u32 @p2 $0x1B0, s5  }
.Ltmp23:
0x2f8: {  	_ = 	snop;
	(pc) =	sbr.rel @!p3 .LBB3_16-.Ltmp23, $4  }
0x2f9: {  	s2 =	ssub.s32 @p2 s2, s5  }
0x2fa: {  	s8 =	sadd.s32 @!p4 s8, s29;
	s5 =	sshll.u32 @p2 s2, $0x4  }
0x2fb: {  	s9 =	sadd.s32 @p2 $0x1, s25;
	s8 =	smov.u32 @p4 s29;
	[tilespmem:s5+$0x28] =	vst.msk @p2 $0xf, v1  }
0x2fc: {  	s25 =	smov.u32 @p2 s9;
	s21 =	smov.u32 @p2 s2;
	s29 =	smov.u32 @p2 s8;
	v1 =	vld.msk @!p2 [tilespmem:s24+$0x0], $0xf  }
.LBB3_17:
.Ltmp24:
0x2fd: {  	_ = 	snop;
	(pc) =	sbr.rel .LBB3_19-.Ltmp24, $3  }
0x2fe: {  	s1 =	sld [smem:$0x7FD];
	_ =	sdelay $0x1  }
0x2ff: {  	s0 =	sshrl.u32 s29, $0x2;
	s28 =	smov.u32 s26  }
0x300: {  	s4 =	smov.u32 s6;
	s6 =	rddreg [dreg:$0x6];
	p4 =	seq.s32 s1, $0x1;
	[tilespmem:s30+$0x28] =	vst.add.f32.msk @!p2 $0xf, v1  }
.LBB3_21:
0x301: {  	_ =	sfence.sel $0x180000  }
0x302: {  	s0 =	simm.s32 $0x9;
	[bflag:$0x0] =	sbarrier.arrive $0xFFFF  }
0x303: {  	s24 =	simm.s32 $0xA;
	[sflag:s0] =	ssyncpa.u1 $0x1  }
0x304: {  	s25 =	simm.s32 $0xB;
	[sflag:s24] =	ssyncpa.u1 $0x1  }
0x305: {  	s26 =	simm.s32 $0x2;
	[sflag:s25] =	ssyncpa.u1 $0x1  }
0x306: {  	[sflag:s26] =	ssyncpa.u1 $0x1  }
0x307: {  	v0 =	vld [tilespmem:$0x3648];
	_ =	sdelay $0x4  }
0x308: {  	(v2sf) =	vpush v0, $0x0  }
0x309: {  	(v2sf) =	vpush v0, $0x1;
	_ =	sdelay $0x1  }
0x30a: {  	(v2sf) =	vpush v0, $0x2;
	_ =	sdelay $0xb  }
0x30b: {  	s0 =	spop (v2sf)  }
0x30c: {  	s1 =	spop (v2sf)  }
0x30d: {  	s2 =	smov.u32 s0;
	p0 =	sne.s32 s0, s1  }
0x30e: {  	s4 =	spop (v2sf);
	s2 =	simm.s32 @!p0 $0xFFFFFFFF  }
0x30f: {  	v2 =	vimm.s32 $0x1;
	v3 =	vlaneseq.u32;
	p0 =	seq.s32 s4, $0xFFFFFFFF;
	v1 =	vmov s2  }
0x310: {  	s16 =	stileid.u32;
	v0 =	vperm.xlane v0, v2;
	p1 =	sne.s32 @!p0 s0, s1;
	v1 =	vperm.xlane v1, v3  }
0x311: {  	vm0 =	vcmask $0x3F04;
	s6 =	simm.s32 $0x3648;
	s0 =	simm.s32 @!p0 $0x1;
	p1 =	por !p1, p0  }
0x312: {  	s2 =	sshll.u32 s16, $0x1;
	s1 =	sshll.u32 @!p0 s4, $0x6;
	s0 =	simm.s32 @p1 $0x0;
	v0 =	vsel vm0, v1, v0  }
0x313: {  	s5 =	sor.u32 $0x200, s2;
	s1 =	sshra.s32 @!p0 s1, $0x2;
	s0 =	sor.u32 @!p0 s0, s2;
	[tilespmem:$0x3648] =	vst v0  }
0x314: {  	[spmem:s5] =	stream.linear.scatter [tilespmem:s6], [sflag:$0x1], $0x2, $0x38;
	[tilespmem:$0x1F0F8] =	vst v63  }
0x315: {  	s1 =	sadd.s32 @!p0 $0x28, s1;
	s0 =	sshll.u32 @!p0 s0, $0x4  }
0x316: {  	[spmem:s0] =	stream.linear.scatter @!p0 [tilespmem:s1], [sflag:$0x1], $0x10, $0x38;
	[tilespmem:$0x1F0F8] =	vst v63  }
0x317: {  	s0 =	simm.s32 @!p0 $0x12  }
0x318: {  	s28 =	simm.s32 $0x1;
	s0 =	simm.s32 @p0 $0x2  }
0x319: {  	_ =	swait.ge [sflag:s28], s0  }
0x31a: {  	s0 =	ssub.s32 $0x0, s0;
	[sflag:s28] =	ssyncset.done $0x0  }
0x31b: {  	p0 =	sne.s32 s16, $0x0;
	[sflag:s28] =	ssyncadd.s32 s0  }
.Ltmp25:
0x31c: {  	_ =	sfence.stream.spmem;
	(pc) =	sbr.rel @p0 .LBB3_38-.Ltmp25, $4  }
0x31d: {  	s29 =	simm.s32 $0x3;
	[bflag:$0x0] =	sbarrier.arrive $0xFFFF  }
0x31e: {  	s30 =	simm.s32 $0x4;
	[sflag:s29] =	ssyncpa.u1 $0x1  }
0x31f: {  	s31 =	simm.s32 $0x3C;
	[sflag:s30] =	ssyncpa.u1 $0x1  }
0x320: {  	s17 =	rddreg [dreg:$0x5];
	[sflag:s31] =	ssyncpa.u1 $0x1  }
0x321: {  	_ =	sfence.stream.spmem;
	s0 =	simm.s32 $0x5  }
0x322: {  	s1 =	simm.s32 $0x200;
	s2 =	simm.s32 $0x3658;
	[sflag:s0] =	ssyncpa.u1 $0x0  }
0x323: {  	[tilespmem:s2], [sflag:$0x5] =	stream.linear.gather [spmem:s1], $0x20, $0x38;
	[tilespmem:$0x1F0F8] =	vst v63  }
0x324: {  	s26 =	simm.s32 $0x0;
	s28 =	simm.s32 $0x3678  }
0x325: {  	[tilespmem:s28], [sflag:$0x5] =	stream.linear.gather [spmem:s26], $0x200, $0x38;
	[tilespmem:$0x1F0F8] =	vst v63  }
0x326: {  	_ =	swait.ge [sflag:s0], $0x220  }
0x327: {  	[sflag:s0] =	ssyncset.done $0x0  }
0x328: {  	s29 =	simm.s32 $0x0;
	[sflag:s0] =	ssyncadd.s32 $0xFFFFFDE0  }
0x329: {  	v0 =	vld.msk [tilespmem:s29+$0x3658], $0x1;
	_ =	sdelay $0x1  }
0x32a: {  	s30 =	simm.s32 $0x1  }
0x32b: {  	v1 =	vld.msk [tilespmem:s30+$0x3658], $0x1;
	_ =	sdelay $0x1  }
0x32c: {  	(v2sf) =	vpush v0, $0x0;
	_ =	sdelay $0x2  }
0x32d: {  	(v2sf) =	vpush v1, $0x0;
	_ =	sdelay $0x2  }
0x32e: {  	s31 =	simm.s32 $0x2  }
0x32f: {  	v0 =	vld.msk [tilespmem:s31+$0x3658], $0x1;
	_ =	sdelay $0x2  }
0x330: {  	s6 =	simm.s32 $0xFFFFFFFF;
	s1 =	simm.s32 $0xFFFFFFFF;
	s0 =	simm.s32 $0xC  }
.LBB3_23:
0x331: {  	s2 =	smov.u32 s6;
	s4 =	smov.u32 s1  }
0x332: {  	s1 =	sshra.s32 s0, $0x2;
	p1 =	sne.s32 s0, $0x7C;
	s0 =	sadd.s32 $0x4, s0;
	(v2sf) =	vpush v0, $0x0  }
0x333: {  	v0 =	vld.msk [tilespmem:s1+$0x3658], $0x1  }
.Ltmp26:
0x334: {  	(pc) =	sbr.rel @p1 .LBB3_23-.Ltmp26, $4  }
0x335: {  	s6 =	spop (v2sf)  }
0x336: {  	p2 =	sne.s32 s4, $0xFFFFFFFF;
	s1 =	smov.u32 s6  }
0x337: {  	p3 =	seq.s32 s6, $0xFFFFFFFF;
	s1 =	smov.u32 @p2 s4  }
0x338: {  	s6 =	smov.u32 @p3 s2;
	s1 =	smov.u32 @p3 s4  }
0x339: {  	(v2sf) =	vpush v0, $0x0;
	_ =	sdelay $0x8  }
0x33a: {  	s0 =	spop (v2sf)  }
0x33b: {  	p1 =	sne.s32 s1, $0xFFFFFFFF;
	s2 =	smov.u32 s0  }
0x33c: {  	s9 =	simm.s32 $0x6;
	p2 =	seq.s32 s0, $0xFFFFFFFF;
	s2 =	smov.u32 @p1 s1  }
0x33d: {  	s10 =	simm.s32 $0x3638;
	s2 =	smov.u32 @p2 s1;
	s1 =	spop (v2sf)  }
0x33e: {  	s0 =	smov.u32 @p2 s6;
	p1 =	sne.s32 s2, $0xFFFFFFFF;
	s4 =	smov.u32 s1  }
.Ltmp27:
0x33f: {  	p2 =	seq.s32 s1, $0xFFFFFFFF;
	s4 =	smov.u32 @p1 s2;
	(pc) =	sbr.rel .LBB3_25-.Ltmp27, $4  }
0x340: {  	s11 =	simm.s32 $0x0;
	s4 =	smov.u32 @p2 s2;
	s7 =	spop (v2sf)  }
0x341: {  	[sflag:s9] =	ssyncpa.u1 $0x0;
	p1 =	sne.s32 s4, $0xFFFFFFFF;
	s8 =	smov.u32 s7  }
0x342: {  	s1 =	smov.u32 @p2 s0;
	p2 =	seq.s32 s7, $0xFFFFFFFF;
	s8 =	smov.u32 @p1 s4  }
0x343: {  	s6 =	simm.s32 $0x0;
	s7 =	smov.u32 @p2 s1;
	s8 =	smov.u32 @p2 s4  }
.LBB3_30:
0x344: {  	p1 =	sgt.u32 s12, $0xC34FF  }
0x345: {  	p2 =	seq.s32 @!p1 s12, s8  }
0x346: {  	p1 =	por p1, p2  }
0x347: {  	p2 =	sne.s32 @!p1 s12, s7  }
0x348: {  	p1 =	por p1, !p2  }
0x349: {  	s0 =	sshll.u32 @p1 s11, $0x6  }
0x34a: {  	s0 =	sand.u32 @!p1 $0xFFFF8, s12  }
0x34b: {  	s1 =	sand.u32 @!p1 $0x7, s12;
	s0 =	sadd.s32 @!p1 s3, s0  }
0x34c: {  	[tilespmem:s10], [sflag:$0x6] =	stream.linear.gather @!p1 [hbm4b:s0+s1], $0x4, $0x38;
	[tilespmem:$0x1F0F8] =	vst v63  }
0x34d: {  	_ =	swait.ge @!p1 [sflag:s9], $0x4  }
0x34e: {  	[sflag:s9] =	ssyncset.done @!p1 $0x0  }
0x34f: {  	[sflag:s9] =	ssyncadd.s32 @!p1 $0xFFFFFFFC  }
0x350: {  	v1 =	vld @!p1 [tilespmem:$0x3638];
	_ =	sdelay $0x2  }
0x351: {  	s0 =	sshll.u32 @!p1 s11, $0x6  }
0x352: {  	s1 =	sshrl.u32 @!p1 s0, $0x2  }
0x353: {  	[tilespmem:s1+$0x3678] =	vst.add.f32.msk @!p1 $0xffff, v1  }
0x354: {  	s0 =	sshrl.u32 s0, $0x2;
	[tilespmem:s6+$0x3658] =	vst.msk $0x1, v0  }
0x355: {  	v0 =	vld [tilespmem:s0+$0x3678];
	_ =	sdelay $0x2  }
0x356: {  	s31 =	sshll.u32 s6, $0x6  }
0x357: {  	s0 =	sshra.s32 s31, $0x2  }
0x358: {  	s6 =	sadd.s32 $0x1, s6;
	[tilespmem:s0+$0x3678] =	vst v0  }
.LBB3_32:
0x359: {  	s11 =	sadd.s32 $0x1, s11  }
0x35a: {  	p1 =	sne.s32 s11, $0x20  }
.Ltmp28:
0x35b: {  	_ = 	snop;
	(pc) =	sbr.rel @!p1 .LBB3_33-.Ltmp28, $1  }
0x35c: {  	_ =	sdelay $0x3  }
.LBB3_25:
0x35d: {  	v0 =	vld.msk [tilespmem:s11+$0x3658], $0x1;
	_ =	sdelay $0x4  }
0x35e: {  	(v2sf) =	vpush v0, $0x0;
	_ =	sdelay $0xe  }
0x35f: {  	s12 =	spop (v2sf)  }
0x360: {  	p1 =	seq.s32 s12, $0xFFFFFFFF  }
.Ltmp29:
0x361: {  	_ = 	snop;
	(pc) =	sbr.rel @p1 .LBB3_32-.Ltmp29, $1  }
0x362: {  	_ =	sdelay $0x3  }
0x363: {  	p1 =	slt.s32 s6, $0x1  }
.Ltmp30:
0x364: {  	_ = 	snop;
	(pc) =	sbr.rel @p1 .LBB3_30-.Ltmp30, $1  }
0x365: {  	_ =	sdelay $0x3  }
0x366: {  	s13 =	simm.s32 $0x3658;
	p1 =	por $0x0, $0x0  }
0x367: {  	v1 =	vld.msk @!p1 [tilespmem:s13+$0x0], $0x1;
	_ =	sdelay $0x4  }
0x368: {  	(v2sf) =	vpush @!p1 v1, $0x0;
	_ =	sdelay $0xd  }
0x369: {  	p3 =	sne.s32 s6, $0x1  }
.Ltmp31:
0x36a: {  	s0 =	spop @!p1 (v2sf);
	(pc) =	sbr.rel @!p3 .LBB3_29-.Ltmp31, $4  }
0x36b: {  	p2 =	seq.s32 @!p1 s12, s0  }
0x36c: {  	s14 =	simm.s32 $0x0;
	p2 =	por !p2, p1  }
0x36d: {  	s0 =	simm.s32 $0xFFFFFFFF;
	s14 =	simm.s32 @p2 $0xFFFFFFFF  }
0x36e: {  	s15 =	simm.s32 $0x1;
	s14 =	smov.u32 @p1 s0  }
.LBB3_28:
0x36f: {  	s0 =	smov.u32 s14;
	p1 =	sne.s32 s14, $0xFFFFFFFF  }
0x370: {  	s13 =	sadd.s32 $0x1, s13;
	s14 =	smov.u32 s15;
	s15 =	sadd.s32 $0x1, s15  }
0x371: {  	p2 =	sne.s32 s6, s15;
	v1 =	vld.msk @!p1 [tilespmem:s13+$0x0], $0x1;
	_ =	sdelay $0x4  }
0x372: {  	(v2sf) =	vpush @!p1 v1, $0x0;
	_ =	sdelay $0xe  }
.Ltmp32:
0x373: {  	s1 =	spop @!p1 (v2sf);
	(pc) =	sbr.rel @p2 .LBB3_28-.Ltmp32, $4  }
0x374: {  	p3 =	seq.s32 @!p1 s12, s1  }
0x375: {  	p3 =	por !p3, p1  }
0x376: {  	s14 =	simm.s32 @p3 $0xFFFFFFFF  }
0x377: {  	s14 =	smov.u32 @p1 s0  }
.LBB3_29:
0x378: {  	p1 =	sne.s32 s14, $0xFFFFFFFF  }
.Ltmp33:
0x379: {  	_ = 	snop;
	(pc) =	sbr.rel @!p1 .LBB3_30-.Ltmp33, $1  }
0x37a: {  	_ =	sdelay $0x3  }
0x37b: {  	s0 =	sshll.u32 s11, $0x4  }
0x37c: {  	s0 =	sand.u32 $0x3FFFFFF0, s0  }
0x37d: {  	v0 =	vld [tilespmem:s0+$0x3678]  }
.Ltmp34:
0x37e: {  	_ = 	snop;
	(pc) =	sbr.rel .LBB3_32-.Ltmp34, $4  }
0x37f: {  	_ = 	snop  }
0x380: {  	s31 =	sshll.u32 s14, $0x6  }
0x381: {  	s0 =	sshra.s32 s31, $0x2  }
0x382: {  	[tilespmem:s0+$0x3678] =	vst.add.f32.msk $0xffff, v0  }
.LBB3_33:
0x383: {  	s0 =	simm.s32 $0x6;
	p1 =	seq.s32 s6, $0x0  }
0x384: {  	[sflag:s0] =	ssyncpa.u1 $0x1;
	v0 =	vimm.s32 @p1 $0xFFFFFFFF  }
0x385: {  	s9 =	sadd.s32 $0xFFFFFFFF, s6;
	[tilespmem:$0x3878] =	vst @p1 v0  }
0x386: {  	v0 =	vld.msk @!p1 [tilespmem:s9+$0x3658], $0x1;
	_ =	sdelay $0x1  }
0x387: {  	v1 =	vld.msk @!p1 [tilespmem:$0x3658], $0x1;
	_ =	sdelay $0x2  }
0x388: {  	p2 =	seq.s32 @!p1 s9, $0x0;
	v0 =	vbroadcast @!p1 v0, $0x0  }
0x389: {  	vm0 =	vmmov @!p1 $0x1;
	p2 =	por !p2, p1  }
0x38a: {  	v1 =	vnsel @!p1 vm0, $0xFFFFFFFF, v1;
	vm0 =	vcmask @!p1 $0x308;
	v0 =	vpsel !p2, $0xFFFFFFFF, v0  }
0x38b: {  	p2 =	sne.s32 @!p1 s8, s7;
	v0 =	vsel @!p1 vm0, v1, v0  }
0x38c: {  	s0 =	simm.s32 @!p1 $0x3678;
	s1 =	simm.s32 @!p1 $0x0;
	p3 =	por !p2, p1;
	[tilespmem:$0x3878] =	vst @!p1 v0  }
0x38d: {  	[spmem:s1] =	stream.linear.scatter @!p1 [tilespmem:s0], [sflag:$0x1], $0x10, $0x38;
	[tilespmem:$0x1F0F8] =	vst v63  }
0x38e: {  	s0 =	sshll.u32 @!p3 s9, $0x6  }
0x38f: {  	s0 =	sshra.s32 @!p3 s0, $0x2  }
0x390: {  	s1 =	simm.s32 @!p3 $0x10;
	s0 =	sadd.s32 @!p3 $0x3678, s0  }
0x391: {  	[spmem:s1] =	stream.linear.scatter @!p3 [tilespmem:s0], [sflag:$0x1], $0x10, $0x38;
	[tilespmem:$0x1F0F8] =	vst v63  }
0x392: {  	s0 =	simm.s32 @!p3 $0x1  }
0x393: {  	_ =	swait.ge @!p3 [sflag:s0], $0x20  }
0x394: {  	p1 =	por p2, p1;
	[sflag:s0] =	ssyncset.done @!p3 $0x0  }
0x395: {  	[sflag:s0] =	ssyncadd.s32 @!p3 $0xFFFFFFE0;
	s0 =	simm.s32 @!p1 $0x1  }
0x396: {  	_ =	swait.ge @!p1 [sflag:s0], $0x10  }
0x397: {  	s29 =	simm.s32 $0x3878;
	[sflag:s0] =	ssyncset.done @!p1 $0x0  }
0x398: {  	s30 =	simm.s32 $0x200;
	s31 =	simm.s32 $0x1;
	[sflag:s0] =	ssyncadd.s32 @!p1 $0xFFFFFFF0  }
0x399: {  	[spmem:s30] =	stream.linear.scatter [tilespmem:s29], [sflag:$0x1], $0x10, $0x38;
	[tilespmem:$0x1F0F8] =	vst v63  }
0x39a: {  	_ =	swait.ge [sflag:s31], $0x10  }
0x39b: {  	[sflag:s31] =	ssyncset.done $0x0  }
0x39c: {  	p1 =	seq.s32 s17, $0x0;
	s8 =	rddreg [dreg:$0x1];
	[sflag:s31] =	ssyncadd.s32 $0xFFFFFFF0  }
0x39d: {  	s1 =	sshll.u32 @p1 s8, $0xE;
	s7 =	rddreg [dreg:$0x2]  }
0x39e: {  	s0 =	sadd.s32 @p1 $0x15C3C, s1;
	s1 =	sshll.u32 @p1 s7, $0x11  }
0x39f: {  	_ =	sfence.stream.spmem;
	s0 =	sor.u32 @p1 s1, s0  }
0x3a0: {  	[sflag:s0] =	ssyncadd.remote.s32 @p1 $0x1;
	s0 =	simm.s32 @p1 $0x4  }
0x3a1: {  	s2 =	simm.s32 @!p1 $0x3C;
	s1 =	sand.u32 $0xFFFFFFFE, s8;
	_ =	swait.ge @p1 [sflag:s0], $0x6  }
0x3a2: {  	s4 =	simm.s32 @!p1 $0x0;
	s1 =	sadd.s32 @!p1 $0x4, s1;
	[sflag:s0] =	ssyncset.done @p1 $0x0  }
0x3a3: {  	s5 =	simm.s32 @!p1 $0x20;
	[sflag:s0] =	ssyncadd.s32 @p1 $0xFFFFFFFA;
	s0 =	sshll.u32 @!p1 s1, $0x1A  }
0x3a4: {  	s1 =	sshll.u32 @!p1 s1, $0xD;
	s0 =	sor.u32 @!p1 s0, s7;
	_ =	swait.eq @!p1 [sflag:s2], $0x1  }
0x3a5: {  	s1 =	sor.u32 @!p1 $0x1C04, s1;
	s2 =	simm.s32 @!p1 $0x1C03;
	s0 =	sor.u32 @!p1 $0x80004000, s0  }
0x3a6: {  	[spmem:s5], [sflag:s1] =	dma.general @!p1 [spmem:s4], [sflag:s2], length:$0x4, [dreg:$0x0], stride_count:$0x0, ici_dest:s0, dma_misc:DstOpCode:WRITE  }
0x3a7: {  	p2 =	slt.s32 s9, $0x2;
	s4 =	simm.s32 @!p1 $0x40;
	s5 =	simm.s32 @!p1 $0x42  }
0x3a8: {  	[spmem:s5], [sflag:s1] =	dma.general @!p1 [spmem:s4], [sflag:s2], length:$0x2, [dreg:$0x0], stride_count:$0x0, ici_dest:s0, dma_misc:DstOpCode:WRITE  }
.Ltmp35:
0x3a9: {  	s0 =	simm.s32 @!p1 $0x3;
	(pc) =	sbr.rel @p2 .LBB3_37-.Ltmp35, $4  }
0x3aa: {  	s1 =	sshll.u32 @!p1 s8, $0xE;
	_ =	swait.ge @!p1 [sflag:s0], $0x6  }
0x3ab: {  	s2 =	sshll.u32 @!p1 s7, $0x11;
	s1 =	sadd.s32 @!p1 $0x11C3C, s1;
	[sflag:s0] =	ssyncset.done @!p1 $0x0  }
0x3ac: {  	[sflag:s0] =	ssyncadd.s32 @!p1 $0xFFFFFFFA;
	s0 =	sor.u32 @!p1 s2, s1  }
0x3ad: {  	[sflag:s0] =	ssyncadd.remote.s32 @!p1 $0xFFFFFFFF;
	s0 =	simm.s32 $0x0  }
0x3ae: {  	s0 =	simm.s32 $0x3659  }
0x3af: {  	v0 =	vld.msk [tilespmem:s0+$0x0], $0x1;
	_ =	sdelay $0x4  }
0x3b0: {  	(v2sf) =	vpush v0, $0x0;
	_ =	sdelay $0xd  }
0x3b1: {  	s2 =	sadd.s32 $0xFFFFFFFE, s6  }
0x3b2: {  	s2 =	sadd.s32 $0xFFFFFFFF, s2;
	s0 =	spop (v2sf)  }
0x3b3: {  	p2 =	sne.s32 s2, $0x0;
	p1 =	sgt.u32 s0, $0xC34FF  }
.Ltmp36:
0x3b4: {  	s4 =	sand.u32 @!p1 $0xFFFF8, s0;
	(pc) =	sbr.rel @!p2 .LBB3_36-.Ltmp36, $4  }
0x3b5: {  	s1 =	simm.s32 $0x3688;
	s0 =	sand.u32 @!p1 $0x7, s0;
	s4 =	sadd.s32 @!p1 s3, s4  }
0x3b6: {  	[hbm4b:s4+s0] =	stream.linear.scatter @!p1 [tilespmem:s1], [sflag:$0x5], $0x4, $0x38;
	[tilespmem:$0x1F0F8] =	vst v63  }
0x3b7: {  	s0 =	simm.s32 $0x0  }
0x3b8: {  	s6 =	simm.s32 $0x0;
	s7 =	simm.s32 $0x365A;
	s0 =	simm.s32 @!p1 $0x10  }
.LBB3_35:
0x3b9: {  	v0 =	vld.msk [tilespmem:s7+$0x0], $0x1;
	s2 =	sadd.s32 $0xFFFFFFFF, s2;
	s6 =	sadd.s32 s6, s0  }
0x3ba: {  	p1 =	sne.s32 s2, $0x0;
	_ =	sdelay $0x3  }
0x3bb: {  	(v2sf) =	vpush v0, $0x0;
	_ =	sdelay $0xe  }
.Ltmp37:
0x3bc: {  	s4 =	spop (v2sf);
	(pc) =	sbr.rel @p1 .LBB3_35-.Ltmp37, $4  }
0x3bd: {  	s0 =	simm.s32 $0x0;
	p2 =	sgt.u32 s4, $0xC34FF  }
0x3be: {  	s1 =	sadd.s32 $0x10, s1;
	s0 =	simm.s32 @!p2 $0x10;
	s5 =	sand.u32 @!p2 $0xFFFF8, s4  }
0x3bf: {  	s7 =	sadd.s32 $0x1, s7;
	s4 =	sand.u32 @!p2 $0x7, s4;
	s5 =	sadd.s32 @!p2 s3, s5  }
0x3c0: {  	[hbm4b:s5+s4] =	stream.linear.scatter @!p2 [tilespmem:s1], [sflag:$0x5], $0x4, $0x38;
	[tilespmem:$0x1F0F8] =	vst v63  }
.LBB3_36:
0x3c1: {  	s0 =	sadd.s32 s6, s0  }
0x3c2: {  	s0 =	sshrl.u32 s0, $0x2  }
.LBB3_37:
0x3c3: {  	s1 =	simm.s32 $0x5  }
0x3c4: {  	_ =	swait.ge [sflag:s1], s0  }
0x3c5: {  	s31 =	ssub.s32 $0x0, s0;
	[sflag:s1] =	ssyncset.done $0x0  }
0x3c6: {  	[sflag:s1] =	ssyncadd.s32 s31  }
0x3c7: {  	[sflag:s1] =	ssyncpa.u1 $0x1  }
.LBB3_38:
0x3c8: {  	s0 =	sor.u32 s17, s16  }
0x3c9: {  	p1 =	sne.s32 s0, $0x0  }
.Ltmp38:
0x3ca: {  	_ = 	snop;
	(pc) =	sbr.rel @p1 .LBB3_53-.Ltmp38, $3  }
0x3cb: {  	_ =	sdelay $0x1  }
0x3cc: {  	[bflag:$0x0] =	sbarrier.arrive $0xFFFF  }
0x3cd: {  	_ =	sfence  }
0x3ce: {  	s0 =	simm.s32 $0x7  }
0x3cf: {  	s1 =	simm.s32 $0x200;
	s2 =	simm.s32 $0x3658;
	[sflag:s0] =	ssyncpa.u1 $0x0  }
0x3d0: {  	[tilespmem:s2], [sflag:$0x7] =	stream.linear.gather [spmem:s1], $0x20, $0x38;
	[tilespmem:$0x1F0F8] =	vst v63  }
0x3d1: {  	s30 =	simm.s32 $0x3678;
	s1 =	simm.s32 $0x0  }
0x3d2: {  	[tilespmem:s30], [sflag:$0x7] =	stream.linear.gather [spmem:s1], $0x200, $0x38;
	[tilespmem:$0x1F0F8] =	vst v63  }
.Ltmp39:
0x3d3: {  	_ = 	snop;
	(pc) =	sbr.rel .LBB3_40-.Ltmp39, $4  }
0x3d4: {  	_ =	swait.ge [sflag:s0], $0x220  }
0x3d5: {  	[sflag:s0] =	ssyncset.done $0x0  }
0x3d6: {  	s31 =	simm.s32 $0x8;
	[sflag:s0] =	ssyncadd.s32 $0xFFFFFDE0  }
0x3d7: {  	s2 =	simm.s32 $0x0;
	[sflag:s31] =	ssyncpa.u1 $0x0  }
.LBB3_45:
0x3d8: {  	p1 =	slt.u32 s4, $0xC3500  }
0x3d9: {  	s0 =	sand.u32 @p1 $0xFFFF8, s4  }
0x3da: {  	s4 =	sand.u32 @p1 $0x7, s4;
	s5 =	simm.s32 @p1 $0x3638;
	s0 =	sadd.s32 @p1 s3, s0  }
0x3db: {  	[tilespmem:s5], [sflag:$0x8] =	stream.linear.gather @p1 [hbm4b:s0+s4], $0x4, $0x38;
	[tilespmem:$0x1F0F8] =	vst v63  }
0x3dc: {  	s0 =	simm.s32 @p1 $0x8  }
0x3dd: {  	_ =	swait.ge @p1 [sflag:s0], $0x4  }
0x3de: {  	[sflag:s0] =	ssyncset.done @p1 $0x0  }
0x3df: {  	[sflag:s0] =	ssyncadd.s32 @p1 $0xFFFFFFFC  }
0x3e0: {  	v1 =	vld @p1 [tilespmem:$0x3638];
	_ =	sdelay $0x2  }
0x3e1: {  	s0 =	sshll.u32 @p1 s2, $0x6  }
0x3e2: {  	s5 =	sshll.u32 @!p1 s2, $0x6;
	s4 =	sshrl.u32 @p1 s0, $0x2  }
0x3e3: {  	s5 =	smov.u32 @p1 s0;
	[tilespmem:s4+$0x3678] =	vst.add.f32.msk @p1 $0xffff, v1  }
0x3e4: {  	s0 =	sshrl.u32 s5, $0x2;
	[tilespmem:s1+$0x3658] =	vst.msk $0x1, v0  }
0x3e5: {  	v0 =	vld [tilespmem:s0+$0x3678];
	_ =	sdelay $0x2  }
0x3e6: {  	s31 =	sshll.u32 s1, $0x6  }
0x3e7: {  	s0 =	sshra.s32 s31, $0x2  }
0x3e8: {  	s1 =	sadd.s32 $0x1, s1;
	[tilespmem:s0+$0x3678] =	vst v0  }
.LBB3_47:
0x3e9: {  	s2 =	sadd.s32 $0x1, s2  }
0x3ea: {  	p1 =	sne.s32 s2, $0x20  }
.Ltmp40:
0x3eb: {  	_ = 	snop;
	(pc) =	sbr.rel @!p1 .LBB3_48-.Ltmp40, $1  }
0x3ec: {  	_ =	sdelay $0x3  }
.LBB3_40:
0x3ed: {  	v0 =	vld.msk [tilespmem:s2+$0x3658], $0x1;
	_ =	sdelay $0x4  }
0x3ee: {  	(v2sf) =	vpush v0, $0x0;
	_ =	sdelay $0xe  }
0x3ef: {  	s4 =	spop (v2sf)  }
0x3f0: {  	p1 =	seq.s32 s4, $0xFFFFFFFF  }
.Ltmp41:
0x3f1: {  	_ = 	snop;
	(pc) =	sbr.rel @p1 .LBB3_47-.Ltmp41, $1  }
0x3f2: {  	_ =	sdelay $0x3  }
0x3f3: {  	p1 =	slt.s32 s1, $0x1  }
.Ltmp42:
0x3f4: {  	_ = 	snop;
	(pc) =	sbr.rel @p1 .LBB3_45-.Ltmp42, $1  }
0x3f5: {  	_ =	sdelay $0x3  }
0x3f6: {  	s5 =	simm.s32 $0x3658;
	p1 =	por $0x0, $0x0  }
0x3f7: {  	v1 =	vld.msk @!p1 [tilespmem:s5+$0x0], $0x1;
	_ =	sdelay $0x4  }
0x3f8: {  	(v2sf) =	vpush @!p1 v1, $0x0;
	_ =	sdelay $0xd  }
0x3f9: {  	p3 =	sne.s32 s1, $0x1  }
.Ltmp43:
0x3fa: {  	s0 =	spop @!p1 (v2sf);
	(pc) =	sbr.rel @!p3 .LBB3_44-.Ltmp43, $4  }
0x3fb: {  	p2 =	seq.s32 @!p1 s4, s0  }
0x3fc: {  	s6 =	simm.s32 $0x0;
	p2 =	por !p2, p1  }
0x3fd: {  	s0 =	simm.s32 $0xFFFFFFFF;
	s6 =	simm.s32 @p2 $0xFFFFFFFF  }
0x3fe: {  	s7 =	simm.s32 $0x1;
	s6 =	smov.u32 @p1 s0  }
.LBB3_43:
0x3ff: {  	s0 =	smov.u32 s6;
	p1 =	sne.s32 s6, $0xFFFFFFFF  }
0x400: {  	s5 =	sadd.s32 $0x1, s5;
	s6 =	smov.u32 s7;
	s7 =	sadd.s32 $0x1, s7  }
0x401: {  	p2 =	sne.s32 s1, s7;
	v1 =	vld.msk @!p1 [tilespmem:s5+$0x0], $0x1;
	_ =	sdelay $0x4  }
0x402: {  	(v2sf) =	vpush @!p1 v1, $0x0;
	_ =	sdelay $0xe  }
.Ltmp44:
0x403: {  	s8 =	spop @!p1 (v2sf);
	(pc) =	sbr.rel @p2 .LBB3_43-.Ltmp44, $4  }
0x404: {  	p3 =	seq.s32 @!p1 s4, s8  }
0x405: {  	p3 =	por !p3, p1  }
0x406: {  	s6 =	simm.s32 @p3 $0xFFFFFFFF  }
0x407: {  	s6 =	smov.u32 @p1 s0  }
.LBB3_44:
0x408: {  	p1 =	sne.s32 s6, $0xFFFFFFFF  }
.Ltmp45:
0x409: {  	_ = 	snop;
	(pc) =	sbr.rel @!p1 .LBB3_45-.Ltmp45, $1  }
0x40a: {  	_ =	sdelay $0x3  }
0x40b: {  	s0 =	sshll.u32 s2, $0x4  }
0x40c: {  	s0 =	sand.u32 $0x3FFFFFF0, s0  }
0x40d: {  	v0 =	vld [tilespmem:s0+$0x3678]  }
.Ltmp46:
0x40e: {  	_ = 	snop;
	(pc) =	sbr.rel .LBB3_47-.Ltmp46, $4  }
0x40f: {  	_ = 	snop  }
0x410: {  	s31 =	sshll.u32 s6, $0x6  }
0x411: {  	s0 =	sshra.s32 s31, $0x2  }
0x412: {  	[tilespmem:s0+$0x3678] =	vst.add.f32.msk $0xffff, v0  }
.LBB3_48:
0x413: {  	p1 =	slt.s32 s1, $0x1  }
.Ltmp47:
0x414: {  	_ = 	snop;
	(pc) =	sbr.rel @p1 .LBB3_52-.Ltmp47, $3  }
0x415: {  	_ =	sdelay $0x1  }
0x416: {  	s0 =	simm.s32 $0x8  }
0x417: {  	s2 =	simm.s32 $0x0;
	[sflag:s0] =	ssyncpa.u1 $0x1  }
0x418: {  	s0 =	simm.s32 $0x3658  }
0x419: {  	v0 =	vld.msk [tilespmem:s0+$0x0], $0x1;
	_ =	sdelay $0x4  }
0x41a: {  	(v2sf) =	vpush v0, $0x0;
	_ =	sdelay $0xe  }
0x41b: {  	s1 =	sadd.s32 $0xFFFFFFFF, s1;
	s0 =	spop (v2sf)  }
0x41c: {  	p2 =	sne.s32 s1, $0x0;
	p1 =	sgt.u32 s0, $0xC34FF  }
.Ltmp48:
0x41d: {  	s5 =	sand.u32 @!p1 $0xFFFF8, s0;
	(pc) =	sbr.rel @!p2 .LBB3_51-.Ltmp48, $4  }
0x41e: {  	s4 =	simm.s32 $0x3678;
	s0 =	sand.u32 @!p1 $0x7, s0;
	s5 =	sadd.s32 @!p1 s3, s5  }
0x41f: {  	[hbm4b:s5+s0] =	stream.linear.scatter @!p1 [tilespmem:s4], [sflag:$0x7], $0x4, $0x38;
	[tilespmem:$0x1F0F8] =	vst v63  }
0x420: {  	s0 =	simm.s32 $0x0  }
0x421: {  	s5 =	simm.s32 $0x3659;
	s0 =	simm.s32 @!p1 $0x10  }
.LBB3_50:
0x422: {  	v0 =	vld.msk [tilespmem:s5+$0x0], $0x1;
	s1 =	sadd.s32 $0xFFFFFFFF, s1;
	s2 =	sadd.s32 s2, s0  }
0x423: {  	p1 =	sne.s32 s1, $0x0;
	_ =	sdelay $0x3  }
0x424: {  	(v2sf) =	vpush v0, $0x0;
	_ =	sdelay $0xe  }
.Ltmp49:
0x425: {  	s6 =	spop (v2sf);
	(pc) =	sbr.rel @p1 .LBB3_50-.Ltmp49, $4  }
0x426: {  	s0 =	simm.s32 $0x0;
	p2 =	sgt.u32 s6, $0xC34FF  }
0x427: {  	s4 =	sadd.s32 $0x10, s4;
	s0 =	simm.s32 @!p2 $0x10;
	s7 =	sand.u32 @!p2 $0xFFFF8, s6  }
0x428: {  	s5 =	sadd.s32 $0x1, s5;
	s6 =	sand.u32 @!p2 $0x7, s6;
	s7 =	sadd.s32 @!p2 s3, s7  }
0x429: {  	[hbm4b:s7+s6] =	stream.linear.scatter @!p2 [tilespmem:s4], [sflag:$0x7], $0x4, $0x38;
	[tilespmem:$0x1F0F8] =	vst v63  }
.LBB3_51:
0x42a: {  	s0 =	sadd.s32 s2, s0  }
0x42b: {  	s2 =	sshrl.u32 s0, $0x2  }
.LBB3_52:
0x42c: {  	s0 =	simm.s32 $0x7  }
0x42d: {  	_ =	swait.ge [sflag:s0], s2  }
0x42e: {  	s1 =	ssub.s32 $0x0, s2;
	[sflag:s0] =	ssyncset.done $0x0  }
0x42f: {  	[sflag:s0] =	ssyncadd.s32 s1  }
0x430: {  	[sflag:s0] =	ssyncpa.u1 $0x1  }
.LBB3_53:
0x431: {  	_ =	sfence;
	s0 =	simm.s32 $0x1  }
0x432: {  	[sflag:s0] =	ssyncpa.u1 $0x1  }
0x433: {  	_ =	strace $0x9000004A  }
0x434: {  	[bflag:$0x2] =	sbarrier.arrive $0xFFFF  }
0x435: {  	s0 =	rddreg [dreg:$0x3]  }
0x436: {  	s0 =	sadd.s32 @!p0 $0x100000, s0  }
0x437: {  	[sflag:s0] =	ssyncadd.tile.s32 @!p0 $0x1;
	_ =	shalt  }
.Lfunc_end3:
_tile_overlayer_lowered:
.L_overlay_start_3:
0x438: {  	(tag) =	ssettag $0x3  }
0x439: {  	s0 =	rddreg [dreg:$0x0];
	s2 =	stileid.u32  }
0x43a: {  	s1 =	rddreg [dreg:$0x1];
	p0 =	sne.s32 s2, $0x0  }
0x43b: {  	s3 =	rddreg [dreg:$0x2];
	[bflag:$0x3] =	sbarrier.arrive $0xFFFF;
	s2 =	simm.s32 @!p0 $0x1C01  }
0x43c: {  	[timem:s3], [sflag:s2] =	dma.local @!p0 [hbm:s0], s1  }
0x43d: {  	s0 =	simm.s32 @!p0 $0x1  }
0x43e: {  	_ =	swait.ge @!p0 [sflag:s0], s1  }
0x43f: {  	s1 =	ssub.s32 @!p0 $0x0, s1;
	[sflag:s0] =	ssyncset.done @!p0 $0x0  }
0x440: {  	[sflag:s0] =	ssyncadd.s32 @!p0 s1  }
0x441: {  	[bflag:$0x3] =	sbarrier.arrive $0xFFFF  }
0x442: {  	_ =	shalt  }

// kernel: scatter_offload_async_start.2
scs
__scs_entry_jumppad:
0x0: {  	(pc) =	sbr.rel $0x88, $3  }
0x1: {  	(tag) =	ssettag $0x0;
	lr =	simm.s32 $0x1  }
0x2: {  	[smem:$0x3F91] =	sst lr;
	_ =	strace $0xD0000000  }
0x3: {  	_ = 	snop  }
0x4: {  	_ = 	snop  }
0x5: {  	_ = 	snop  }
0x6: {  	_ = 	snop  }
0x7: {  	_ = 	snop  }
__scs_overlays_trampoline_lowered:
0x8: {  	[smem:$0x3FA0] =	sst s0  }
0x9: {  	[smem:$0x3FA1] =	sst s1  }
0xa: {  	[smem:$0x3FA2] =	sst s2  }
0xb: {  	[smem:$0x3FA3] =	sst s3  }
0xc: {  	[smem:$0x3FA4] =	sst s4  }
0xd: {  	[smem:$0x3FA5] =	sst s5  }
0xe: {  	[smem:$0x3FA6] =	sst s6  }
0xf: {  	[smem:$0x3FA7] =	sst s7  }
0x10: {  	[smem:$0x3FA8] =	sst s8  }
0x11: {  	[smem:$0x3FA9] =	sst s9;
	s0 =	simm.s32 @!p0 $0x0  }
0x12: {  	s1 =	sld [smem:$0x3F8F];
	s0 =	simm.s32 @p0 $0x1  }
0x13: {  	[smem:$0x3FAA] =	sst s0;
	s0 =	simm.s32 @!p1 $0x0  }
0x14: {  	s2 =	sld [smem:$0x3F8E];
	s0 =	simm.s32 @p1 $0x1  }
0x15: {  	[smem:$0x3FAB] =	sst s0;
	s0 =	simm.s32 @!p2 $0x0  }
0x16: {  	s3 =	sld [smem:$0x3FDB];
	s0 =	simm.s32 @p2 $0x1  }
0x17: {  	s4 =	simm.s32 $0x1BF5;
	[smem:$0x3FAD] =	sst s0  }
0x18: {  	s0 =	sld [smem:$0x3F90];
	_ =	swait.ge [sflag:s4], $0x0  }
0x19: {  	s7 =	sld [smem:$0x3F91]  }
0x1a: {  	s8 =	sadd.s32 $0xFFFFE003, lr  }
0x1b: {  	s9 =	sadd.s32 $0xFFFFFEF7, lr;
	s5 =	simm.s32 $0xFFFFFFFF;
	p2 =	slt.u32 s8, $0xFFFFF086  }
0x1c: {  	p1 =	slt.u32 s9, $0xF7A;
	s5 =	simm.s32 @!p2 $0x0  }
0x1d: {  	s5 =	simm.s32 @p1 $0x1;
	p0 =	seq.s32 s7, s2  }
0x1e: {  	s7 =	smul.u32 @!p0 $0xF7A, s2;
	p2 =	seq.s32 @!p0 s5, $0x0  }
0x1f: {  	s9 =	smul.u32 $0xF7A, s1;
	s8 =	simm.s32 @!p0 $0x1BF5;
	p2 =	por !p2, p0  }
0x20: {  	[sflag:s8] =	ssyncset.s32 @!p0 $0xFFFFF086;
	s6 =	sadd.s32 @!p0 s3, s7;
	s7 =	simm.s32 @!p0 $0x108  }
0x21: {  	s3 =	sadd.s32 s3, s9;
	s6 =	sadd.s32 @!p0 $0x88, s6;
	s7 =	simm.s32 @p2 $0x1082  }
0x22: {  	[simem:s7], [sflag:s8] =	dma.local @!p0 [hbm:s6], $0xF7A  }
0x23: {  	s9 =	sor.u32 $0xD0000000, s2;
	s6 =	simm.s32 $0x108;
	_ =	swait.ge @!p0 [sflag:s8], $0x0  }
0x24: {  	s3 =	sadd.s32 $0x88, s3;
	s6 =	simm.s32 @!p1 $0x1082;
	[sflag:s4] =	ssyncset.s32 $0xFFFFF086  }
0x25: {  	[simem:s6], [sflag:s4] =	dma.local [hbm:s3], $0xF7A  }
0x26: {  	[smem:$0x3F91] =	sst s1;
	(tag) =	ssettag s2;
	_ =	strace s9  }
0x27: {  	s1 =	sld [smem:$0x3FA1]  }
0x28: {  	s2 =	sld [smem:$0x3FA2]  }
0x29: {  	s4 =	sld [smem:$0x3FA4]  }
0x2a: {  	p0 =	seq.s32 s5, $0x0;
	s5 =	sld [smem:$0x3FA5]  }
0x2b: {  	s6 =	sld [smem:$0x3FA6]  }
0x2c: {  	s7 =	sld [smem:$0x3FA7]  }
0x2d: {  	s3 =	simm.s32 $0x108;
	s8 =	sld [smem:$0x3FA8]  }
0x2e: {  	s3 =	simm.s32 @!p0 $0x1082;
	s9 =	sld [smem:$0x3FA9]  }
0x2f: {  	lr =	sadd.s32 s0, s3;
	s0 =	sld [smem:$0x3FA0]  }
0x30: {  	s3 =	sld [smem:$0x3FA3]  }
0x31: {  	[smem:$0x3FAC] =	sst s10  }
0x32: {  	s10 =	sld [smem:$0x3FAA];
	_ =	sdelay $0x3  }
0x33: {  	p0 =	seq.s32 s10, $0x1;
	s10 =	sld [smem:$0x3FAC];
	_ =	sdelay $0x3  }
0x34: {  	[smem:$0x3FAC] =	sst s10  }
0x35: {  	s10 =	sld [smem:$0x3FAB];
	_ =	sdelay $0x3  }
0x36: {  	p1 =	seq.s32 s10, $0x1;
	s10 =	sld [smem:$0x3FAC];
	_ =	sdelay $0x3  }
0x37: {  	[smem:$0x3FAC] =	sst s10  }
0x38: {  	s10 =	sld [smem:$0x3FAD]  }
0x39: {  	_ = 	snop;
	(pc) =	sbr.ind lr, $3  }
0x3a: {  	_ = 	snop  }
0x3b: {  	_ = 	snop  }
0x3c: {  	p2 =	seq.s32 s10, $0x1;
	s10 =	sld [smem:$0x3FAC]  }
0x3d: {  	_ =	shalt  }
0x3e: {  	_ =	shalt  }
0x3f: {  	_ =	shalt  }
0x40: {  	_ =	shalt  }
0x41: {  	_ =	shalt  }
0x42: {  	_ =	shalt  }
0x43: {  	_ =	shalt  }
0x44: {  	_ =	shalt  }
0x45: {  	_ =	shalt  }
0x46: {  	_ =	shalt  }
0x47: {  	_ =	shalt  }
0x48: {  	_ =	shalt  }
0x49: {  	_ =	shalt  }
0x4a: {  	_ =	shalt  }
0x4b: {  	_ =	shalt  }
0x4c: {  	_ =	shalt  }
0x4d: {  	_ =	shalt  }
0x4e: {  	_ =	shalt  }
0x4f: {  	_ =	shalt  }
0x50: {  	_ =	shalt  }
0x51: {  	_ =	shalt  }
0x52: {  	_ =	shalt  }
0x53: {  	_ =	shalt  }
0x54: {  	_ =	shalt  }
0x55: {  	_ =	shalt  }
0x56: {  	_ =	shalt  }
0x57: {  	_ =	shalt  }
0x58: {  	_ =	shalt  }
0x59: {  	_ =	shalt  }
0x5a: {  	_ =	shalt  }
0x5b: {  	_ =	shalt  }
0x5c: {  	_ =	shalt  }
0x5d: {  	_ =	shalt  }
0x5e: {  	_ =	shalt  }
0x5f: {  	_ =	shalt  }
0x60: {  	_ =	shalt  }
0x61: {  	_ =	shalt  }
0x62: {  	_ =	shalt  }
0x63: {  	_ =	shalt  }
0x64: {  	_ =	shalt  }
0x65: {  	_ =	shalt  }
0x66: {  	_ =	shalt  }
0x67: {  	_ =	shalt  }
0x68: {  	_ =	shalt  }
0x69: {  	_ =	shalt  }
0x6a: {  	_ =	shalt  }
0x6b: {  	_ =	shalt  }
0x6c: {  	_ =	shalt  }
0x6d: {  	_ =	shalt  }
0x6e: {  	_ =	shalt  }
0x6f: {  	_ =	shalt  }
0x70: {  	_ =	shalt  }
0x71: {  	_ =	shalt  }
0x72: {  	_ =	shalt  }
0x73: {  	_ =	shalt  }
0x74: {  	_ =	shalt  }
0x75: {  	_ =	shalt  }
0x76: {  	_ =	shalt  }
0x77: {  	_ =	shalt  }
0x78: {  	_ =	shalt  }
0x79: {  	_ =	shalt  }
0x7a: {  	_ =	shalt  }
0x7b: {  	_ =	shalt  }
0x7c: {  	_ =	shalt  }
0x7d: {  	_ =	shalt  }
0x7e: {  	_ =	shalt  }
0x7f: {  	_ =	shalt  }
0x80: {  	_ =	shalt  }
0x81: {  	_ =	shalt  }
0x82: {  	_ =	shalt  }
0x83: {  	_ =	shalt  }
0x84: {  	_ =	shalt  }
0x85: {  	_ =	shalt  }
0x86: {  	_ =	shalt  }
0x87: {  	_ =	shalt  }
.Lfunc_end0:
.L_simem_size_0:
called_computation.2_lowered:
.L_overlay_start_0:
0x88: {  	s2 =	sld [smem:$0x3FD9]  }
0x89: {  	s3 =	sld [smem:$0x3FFE];
	_ =	sdelay $0x1  }
0x8a: {  	s1 =	srdreg.scid  }
0x8b: {  	s0 =	sand.u32 $0x1, s1  }
0x8c: {  	s13 =	sshll.u32 s0, $0xA;
	s2 =	sadd.s32 s3, s2  }
0x8d: {  	s2 =	sadd.s32 s2, s13  }
0x8e: {  	[smem:$0x3FB8] =	sst s2  }
0x8f: {  	_ = 	snop  }
0x90: {  	s2 =	sld [smem:$0x3FD0];
	_ =	sdelay $0x2  }
0x91: {  	s14 =	simm.s32 $0xD;
	s4 =	simm.s32 $0x10  }
0x92: {  	[smem:s4], [sflag:s14] =	dma.local [hbm:s2], $0x1  }
0x93: {  	_ =	swait.eq [sflag:s14], $0x1  }
0x94: {  	[sflag:s14] =	ssyncset.done $0x0  }
0x95: {  	[sflag:s14] =	ssyncadd.s32 $0xFFFFFFFF  }
0x96: {  	s15 =	sld [smem:$0x10];
	(tm) =	ssettm $0x1  }
0x97: {  	s16 =	sld [smem:$0x3FFB];
	_ =	sdelay $0x3  }
0x98: {  	_ =	strace s16  }
0x99: {  	s2 =	sld [smem:$0x3FFC];
	_ =	sdelay $0x3  }
0x9a: {  	_ =	strace s2  }
0x9b: {  	s2 =	sld [smem:$0x3FFD];
	_ =	sdelay $0x3  }
0x9c: {  	_ =	strace s2  }
0x9d: {  	_ =	strace $0x8FFFFFFF  }
0x9e: {  	s17 =	sld [smem:$0x3FDB];
	_ =	sdelay $0x1  }
0x9f: {  	s18 =	simm.s32 $_scs_section_size  }
0xa0: {  	s5 =	simm.s32 $_size__tile_overlayer_lowered;
	s6 =	simm.s32 $_tile_overlayer_lowered  }
0xa1: {  	s7 =	simm.s32 $0x1BFF;
	s19 =	sshll.u32 s6, $0x1;
	s4 =	sadd.s32 s18, s17  }
0xa2: {  	s20 =	simm.s32 $0x0;
	s5 =	sshll.u32 s5, $0x1;
	s6 =	sadd.s32 s19, s4  }
0xa3: {  	[timem:s20], [sflag:s7] =	dma.local [hbm:s6], s5  }
0xa4: {  	_ =	swait.ge [sflag:s7], s5  }
0xa5: {  	s5 =	ssub.s32 $0x0, s5;
	[sflag:s7] =	ssyncset.done $0x0  }
0xa6: {  	[sflag:s7] =	ssyncadd.s32 s5;
	_ =	sdelay $0x1  }
0xa7: {  	s21 =	simm.s32 $0x1B8B  }
0xa8: {  	_ =	swait.ge [sflag:s21], $0x1  }
0xa9: {  	[sflag:s21] =	ssyncset.done $0x0  }
0xaa: {  	s22 =	sld [smem:$0x3FFE];
	[sflag:s21] =	ssyncadd.s32 $0xFFFFFFFF  }
0xab: {  	s24 =	simm.s32 $0x1B8E;
	s23 =	sld [smem:$0x0]  }
0xac: {  	s25 =	simm.s32 $execute0_lowered;
	[smem:$0x3FD2] =	sst s24  }
0xad: {  	s7 =	sshll.u32 s25, $0x1;
	_ =	strace $0x80000052;
	[dreg:$0x1] =	wrdreg $0xFFFFFFFF  }
0xae: {  	s8 =	simm.s32 $_size_execute0_lowered;
	s7 =	sadd.s32 s4, s7;
	[dreg:$0x0] =	wrdreg $0x0  }
0xaf: {  	s8 =	sshll.u32 s8, $0x1;
	[dreg:$0x2] =	wrdreg s7  }
0xb0: {  	[dreg:$0x3] =	wrdreg s8  }
0xb1: {  	[dreg:$0x4] =	wrdreg $0xC0  }
0xb2: {  	s26 =	simm.s32 $execute1_lowered;
	_ =	task [dreg:s20], $0x5FFFF  }
0xb3: {  	s7 =	sshll.u32 s26, $0x1;
	[dreg:$0x1] =	wrdreg $0xFFFFFFFF  }
0xb4: {  	s4 =	sadd.s32 s4, s7;
	[dreg:$0x0] =	wrdreg $0x60  }
0xb5: {  	[dreg:$0x2] =	wrdreg s4  }
0xb6: {  	[dreg:$0x3] =	wrdreg s15  }
0xb7: {  	[dreg:$0x4] =	wrdreg s22  }
0xb8: {  	[dreg:$0x5] =	wrdreg $0x9  }
0xb9: {  	_ =	task.clear_ibuf [dreg:s20], $0x6FFFF;
	_ =	strace $0x90000052  }
0xba: {  	s28 =	simm.s32 $0x9;
	_ =	strace $0x80000054  }
0xbb: {  	_ =	swait.ge [sflag:s28], $0x1  }
0xbc: {  	[sflag:s28] =	ssyncadd.s32 $0xFFFFFFFF  }
0xbd: {  	_ =	strace $0x90000054  }
0xbe: {  	s3 =	sld [smem:$0x0]  }
0xbf: {  	s4 =	sand.u32 $0xFFFFFFFE, s1  }
0xc0: {  	p0 =	sne.s32 s1, s4  }
0xc1: {  	s4 =	sshll.u32 @p0 s4, $0xE  }
0xc2: {  	s4 =	sadd.s32 @p0 $0x11BF3, s4;
	s7 =	sshll.u32 @p0 s3, $0x11  }
0xc3: {  	s4 =	sor.u32 @p0 s7, s4  }
0xc4: {  	[sflag:s4] =	ssyncadd.remote.s32 @p0 $0x1;
	_ =	sdelay $0x1  }
0xc5: {  	s4 =	simm.s32 @p0 $0x1BF3  }
0xc6: {  	_ =	swait.eq @p0 [sflag:s4], $0x1  }
0xc7: {  	[sflag:s4] =	ssyncadd.s32 @p0 $0xFFFFFFFF  }
0xc8: {  	s7 =	sshll.u32 @!p0 s1, $0xE  }
0xc9: {  	s7 =	sor.u32 @!p0 $0x4000, s7;
	s4 =	simm.s32 @!p0 $0x1BF3  }
0xca: {  	s3 =	sshll.u32 @!p0 s3, $0x11;
	s7 =	sadd.s32 @!p0 $0x11BF3, s7;
	_ =	swait.eq @!p0 [sflag:s4], $0x1  }
0xcb: {  	s3 =	sor.u32 @!p0 s3, s7;
	[sflag:s4] =	ssyncadd.s32 @!p0 $0xFFFFFFFF  }
0xcc: {  	[sflag:s3] =	ssyncadd.remote.s32 @!p0 $0x1  }
0xcd: {  	_ =	strace $0x80000055;
	[dreg:$0x1] =	wrdreg $0xFFFFFFFF  }
0xce: {  	[dreg:$0x0] =	wrdreg $0x2030  }
0xcf: {  	[dreg:$0x2] =	wrdreg s22  }
0xd0: {  	[dreg:$0x3] =	wrdreg s1  }
0xd1: {  	[dreg:$0x4] =	wrdreg s23  }
0xd2: {  	[dreg:$0x5] =	wrdreg $0xA  }
0xd3: {  	_ =	task.clear_ibuf [dreg:s20], $0x6FFFF;
	_ =	strace $0x90000055  }
0xd4: {  	s29 =	simm.s32 $0xA;
	_ =	strace $0x80000057  }
0xd5: {  	_ =	swait.ge [sflag:s29], $0x1  }
0xd6: {  	[sflag:s29] =	ssyncadd.s32 $0xFFFFFFFF  }
0xd7: {  	_ =	strace $0x90000057  }
0xd8: {  	_ =	sfence  }
0xd9: {  	s30 =	sld [smem:$0x0];
	_ =	sdelay $0x2  }
0xda: {  	s31 =	sshll.u32 s1, $0xD;
	s1 =	sshrl.u32 s1, $0x2  }
0xdb: {  	s4 =	sand.u32 $0x4000, s31;
	s1 =	sadd.s32 s1, s30  }
0xdc: {  	s0 =	sor.u32 s4, s0;
	s1 =	sshll.u32 s1, $0x11  }
0xdd: {  	s0 =	sor.u32 s1, s0  }
0xde: {  	s0 =	sadd.s32 $0x8F2B, s0  }
0xdf: {  	[sflag:s0] =	ssyncadd.remote.s32 $0x1  }
0xe0: {  	_ =	sfence.sel $0xFFFF  }
0xe1: {  	[dreg:$0x0] =	wrdreg $0xFFFFFFFF;
	(pc) =	sbr.abs _section_cstart, $3  }
0xe2: {  	[dreg:$0x1] =	wrdreg $0xFFFFFFFF  }
0xe3: {  	_ =	task.clear_ibuf [dreg:s20], $0x2FFFF;
	_ =	strace $0x9FFFFFFF  }
0xe4: {  	(tm) =	ssettm $0x7FFFFFFF  }
0xe5: {  	_ =	shalt  }
tec
execute0_lowered:
.L_overlay_start_1:
0x0: {  	(tag) =	ssettag $0x1  }
0x1: {  	s3 =	rddreg [dreg:$0x0]  }
0x2: {  	s2 =	rddreg [dreg:$0x1]  }
0x3: {  	s5 =	rddreg [dreg:$0x2]  }
0x4: {  	s0 =	rddreg [dreg:$0x3];
	s4 =	stileid.u32  }
0x5: {  	[bflag:$0x3] =	sbarrier.arrive $0xFFFF;
	s1 =	simm.s32 $_size_execute1_lowered;
	s29 =	srdreg.scid  }
0x6: {  	s30 =	simm.s32 $0x2;
	s13 =	simm.s32 $0x0;
	p0 =	sne.s32 s4, $0x0  }
0x7: {  	s1 =	sshll.u32 s1, $0x1;
	s6 =	simm.s32 @!p0 $0x1C3F;
	s7 =	simm.s32 @!p0 $0x4060  }
0x8: {  	[timem:s7], [sflag:s6] =	dma.local @!p0 [hbm:s3], s1  }
0x9: {  	s8 =	simm.s32 $0x20;
	s9 =	simm.s32 $0x80;
	s3 =	sshll.u32 s29, $0x9  }
.Ltmp0:
0xa: {  	s4 =	sshll.u32 s4, $0xA;
	s3 =	sand.u32 $0x200, s3;
	(pc) =	sbr.rel .LBB2_1-.Ltmp0, $4  }
0xb: {  	s11 =	simm.s32 $0x0;
	s12 =	simm.s32 $0x0;
	s3 =	sor.u32 s4, s3  }
0xc: {  	_ =	strace $0x80000053;
	s4 =	simm.s32 $0x1;
	s31 =	ssub.s32 $0xC200, s3  }
0xd: {  	s5 =	sadd.s32 $0x2D58600, s5;
	[sflag:s4] =	ssyncpa.u1 $0x0;
	s6 =	sshrl.u32 s31, $0xE  }
0xe: {  	s10 =	smov.u32 s3;
	[sflag:s30] =	ssyncpa.u1 $0x0;
	s7 =	sadd.s32 $0x2, s6  }
.LBB2_5:
0xf: {  	_ =	sdelay $0x3  }
0x10: {  	[tilespmem:v1+s16+$0x0 ss:$0x1] =	vst.idx.msk $0xffff, v2  }
.LBB2_6:
0x11: {  	s16 =	sand.u32 $0x1FFFFFF, s11  }
0x12: {  	s17 =	smulhi.u32 $0x14F8B59, s16;
	_ =	sdelay $0x1  }
0x13: {  	s17 =	sshrl.u32 s17, $0x8  }
0x14: {  	s17 =	smul.u32 $0xC350, s17;
	_ =	sdelay $0x1  }
0x15: {  	s16 =	ssub.s32 s16, s17  }
0x16: {  	s16 =	sshll.u32 s16, $0x4  }
0x17: {  	s16 =	sadd.s32 s5, s16  }
0x18: {  	[hbm4b:s16+s8] =	stream.strided.scatter [tilespmem:s15], [sflag:$0x2], s14, s9, s8, $0x38;
	[tilespmem:$0x10000] =	vst v63  }
.LBB2_7:
0x19: {  	p1 =	slt.u32 s12, $0x2  }
0x1a: {  	p2 =	sgt.s32 @!p1 s13, $0xC150  }
0x1b: {  	s14 =	smov.u32 s13;
	s15 =	sshra.s32 @!p1 s13, $0x1F;
	p2 =	por !p2, p1  }
0x1c: {  	s13 =	sand.u32 @!p1 s15, s13;
	s14 =	simm.s32 @p2 $0xC150  }
0x1d: {  	s13 =	ssub.s32 @!p1 s14, s13  }
0x1e: {  	s13 =	sadd.s32 @!p1 $0xFFFF3EB0, s13  }
0x1f: {  	s14 =	sshll.u32 @!p1 s13, $0x7  }
0x20: {  	p2 =	sgt.s32 @!p1 s13, $0x1FF;
	s13 =	ssub.s32 @!p1 $0x10000, s14  }
0x21: {  	s15 =	sadd.s32 $0x4000, s10;
	p2 =	por !p2, p1;
	s13 =	sshrl.u32 @!p1 s13, $0x2  }
0x22: {  	s13 =	simm.s32 @!p2 $0x0;
	p2 =	sgt.s32 s15, $0xC34F  }
0x23: {  	s15 =	smov.u32 @p2 s3;
	p2 =	sne.s32 s12, s7  }
.Ltmp1:
0x24: {  	_ = 	snop;
	(pc) =	sbr.rel @!p2 .LBB2_8-.Ltmp1, $4  }
0x25: {  	s14 =	simm.s32 @!p1 $0x2  }
0x26: {  	_ =	swait.ge @!p1 [sflag:s14], s13;
	s16 =	ssub.s32 @!p1 $0x0, s13  }
0x27: {  	s13 =	smov.u32 s11;
	s12 =	sadd.s32 $0x1, s12;
	[sflag:s14] =	ssyncset.done @!p1 $0x0  }
0x28: {  	s11 =	smov.u32 s10;
	s10 =	smov.u32 s15;
	[sflag:s14] =	ssyncadd.s32 @!p1 s16  }
.LBB2_1:
0x29: {  	p1 =	sgt.u32 s12, s6  }
0x2a: {  	s15 =	smov.u32 s10;
	p2 =	sgt.s32 @!p1 s10, $0xC150  }
0x2b: {  	s14 =	sand.u32 @!p1 $0x1FFFFFF, s10;
	s16 =	sshra.s32 @!p1 s10, $0x1F;
	p2 =	por !p2, p1  }
0x2c: {  	s17 =	smulhi.u32 @!p1 $0x14F8B59, s14;
	s16 =	sand.u32 @!p1 s16, s10;
	s15 =	simm.s32 @p2 $0xC150  }
0x2d: {  	s15 =	ssub.s32 @!p1 s15, s16  }
0x2e: {  	s16 =	sshrl.u32 @!p1 s17, $0x8;
	s15 =	sadd.s32 @!p1 $0xFFFF3EB0, s15  }
0x2f: {  	s17 =	sxor.u32 @!p1 $0xFFFFFFFF, s12;
	s16 =	smul.u32 @!p1 $0xC350, s16;
	s18 =	sshll.u32 @!p1 s15, $0x7  }
0x30: {  	s17 =	sshll.u32 @!p1 s17, $0xE;
	p2 =	sgt.s32 @!p1 s15, $0x1FF;
	s15 =	ssub.s32 @!p1 $0x10000, s18  }
0x31: {  	s14 =	ssub.s32 @!p1 s14, s16;
	p2 =	por !p2, p1;
	s16 =	sand.u32 @!p1 $0x4000, s17  }
0x32: {  	s17 =	simm.s32 @!p1 $0x20;
	s15 =	sshrl.u32 @!p1 s15, $0x2;
	s14 =	sshll.u32 @!p1 s14, $0x4  }
0x33: {  	s18 =	simm.s32 @!p1 $0x80;
	s15 =	simm.s32 @!p2 $0x0;
	s14 =	sadd.s32 @!p1 s2, s14  }
0x34: {  	[tilespmem:s16], [sflag:$0x1] =	stream.strided.gather @!p1 [hbm4b:s14+s17], s15, s18, s17, $0x38;
	[tilespmem:$0x10000] =	vst v63  }
0x35: {  	p1 =	seq.s32 s12, $0x0  }
0x36: {  	p2 =	sge.u32 @!p1 s12, s7  }
0x37: {  	p1 =	por p1, p2  }
.Ltmp2:
0x38: {  	_ = 	snop;
	(pc) =	sbr.rel @p1 .LBB2_7-.Ltmp2, $1  }
0x39: {  	_ =	sdelay $0x3  }
0x3a: {  	p1 =	sgt.s32 s11, $0xC150;
	s14 =	smov.u32 s11;
	s15 =	sshra.s32 s11, $0x1F  }
0x3b: {  	s14 =	simm.s32 @!p1 $0xC150;
	s15 =	sand.u32 s15, s11  }
0x3c: {  	s14 =	ssub.s32 s14, s15  }
0x3d: {  	s14 =	sadd.s32 $0xFFFF3EB0, s14  }
0x3e: {  	s31 =	sshll.u32 s14, $0x7  }
0x3f: {  	s15 =	ssub.s32 $0x10000, s31  }
0x40: {  	p1 =	sgt.s32 s14, $0x1FF;
	s14 =	sshrl.u32 s15, $0x2;
	s15 =	sadd.s32 $0x200, s11  }
0x41: {  	s14 =	simm.s32 @p1 $0x0;
	p1 =	slt.s32 s15, $0xC350  }
0x42: {  	s15 =	simm.s32 @!p1 $0xC350  }
0x43: {  	s17 =	ssub.s32 s15, s11  }
0x44: {  	p1 =	slt.s32 s17, $0x1  }
.Ltmp3:
0x45: {  	_ = 	snop;
	(pc) =	sbr.rel @p1 .LBB2_6-.Ltmp3, $4  }
0x46: {  	_ = 	snop  }
0x47: {  	s16 =	sshll.u32 s12, $0xE;
	_ =	swait.ge [sflag:s4], s14  }
0x48: {  	s16 =	sand.u32 $0x4000, s16;
	s18 =	ssub.s32 $0x0, s14;
	[sflag:s4] =	ssyncset.done $0x0  }
0x49: {  	s15 =	sor.u32 $0x8000, s16;
	[sflag:s4] =	ssyncadd.s32 s18  }
0x4a: {  	v0 =	vmov s16;
	_ =	sdelay $0x2  }
0x4b: {  	s31 =	simm.s32 $0x0;
	p1 =	sne.s32 s17, $0x1  }
.Ltmp4:
0x4c: {  	s16 =	sand.u32 $0x3FE0, s31;
	(pc) =	sbr.rel @!p1 .LBB2_5-.Ltmp4, $2  }
0x4d: {  	v1 =	vmov s15;
	v2 =	vld.idx.msk [tilespmem:v0+s16+$0x0 ss:$0x1], $0xffff;
	_ =	sdelay $0x2  }
0x4e: {  	s17 =	sadd.s32 $0xFFFFFFFF, s17;
	s18 =	simm.s32 $0x20  }
.LBB2_4:
0x4f: {  	s19 =	sand.u32 $0x3FE0, s18;
	p1 =	sne.s32 s17, $0x1;
	s17 =	sadd.s32 $0xFFFFFFFF, s17  }
.Ltmp5:
0x50: {  	[tilespmem:v1+s16+$0x0 ss:$0x1] =	vst.idx.msk $0xffff, v2;
	v2 =	vld.idx.msk [tilespmem:v0+s19+$0x0 ss:$0x1], $0xffff;
	s16 =	smov.u32 s19;
	(pc) =	sbr.rel @p1 .LBB2_4-.Ltmp5, $2  }
0x51: {  	_ =	sdelay $0x2  }
0x52: {  	s18 =	sadd.s32 $0x20, s18  }
.Ltmp6:
0x53: {  	_ = 	snop;
	(pc) =	sbr.rel .LBB2_5-.Ltmp6, $1  }
0x54: {  	_ =	sdelay $0x3  }
.LBB2_8:
0x55: {  	_ =	sfence.sel $0x180000  }
0x56: {  	s2 =	simm.s32 $0x1;
	[bflag:$0x0] =	sbarrier.arrive $0xFFFF  }
0x57: {  	s31 =	simm.s32 $0x2;
	[sflag:s2] =	ssyncpa.u1 $0x1  }
0x58: {  	[sflag:s31] =	ssyncpa.u1 $0x1  }
0x59: {  	_ =	strace $0x90000053  }
0x5a: {  	s0 =	sadd.s32 @!p0 $0x100000, s0;
	[bflag:$0x2] =	sbarrier.arrive $0xFFFF  }
0x5b: {  	[sflag:s0] =	ssyncadd.tile.s32 @!p0 $0x1;
	s0 =	simm.s32 @!p0 $0x3F  }
0x5c: {  	_ =	swait.ge @!p0 [sflag:s0], s1  }
0x5d: {  	s1 =	ssub.s32 @!p0 $0x0, s1;
	[sflag:s0] =	ssyncset.done @!p0 $0x0  }
0x5e: {  	[sflag:s0] =	ssyncadd.s32 @!p0 s1  }
0x5f: {  	[bflag:$0x3] =	sbarrier.arrive $0xFFFF  }
0x60: {  	_ =	shalt  }
.Lfunc_end2:
execute1_lowered:
.L_overlay_start_2:
0x61: {  	(tag) =	ssettag $0x2  }
0x62: {  	s11 =	rddreg [dreg:$0x0]  }
0x63: {  	s2 =	rddreg [dreg:$0x1];
	_ =	strace $0x80000056;
	s12 =	simm.s32 $0x1  }
0x64: {  	v0 =	vimm.s32 $0x0;
	[sflag:s12] =	ssyncpa.u1 $0x0  }
0x65: {  	[tilespmem:$0x28] =	vst v0  }
0x66: {  	[tilespmem:$0x38] =	vst v0  }
0x67: {  	[tilespmem:$0x48] =	vst v0  }
0x68: {  	[tilespmem:$0x58] =	vst v0  }
0x69: {  	[tilespmem:$0x68] =	vst v0  }
0x6a: {  	[tilespmem:$0x78] =	vst v0  }
0x6b: {  	[tilespmem:$0x88] =	vst v0  }
0x6c: {  	[tilespmem:$0x98] =	vst v0  }
0x6d: {  	[tilespmem:$0xA8] =	vst v0  }
0x6e: {  	[tilespmem:$0xB8] =	vst v0  }
0x6f: {  	[tilespmem:$0xC8] =	vst v0  }
0x70: {  	[tilespmem:$0xD8] =	vst v0  }
0x71: {  	[tilespmem:$0xE8] =	vst v0  }
0x72: {  	[tilespmem:$0xF8] =	vst v0  }
0x73: {  	[tilespmem:$0x108] =	vst v0  }
0x74: {  	[tilespmem:$0x118] =	vst v0  }
0x75: {  	[tilespmem:$0x128] =	vst v0  }
0x76: {  	[tilespmem:$0x138] =	vst v0  }
0x77: {  	[tilespmem:$0x148] =	vst v0  }
0x78: {  	[tilespmem:$0x158] =	vst v0  }
0x79: {  	[tilespmem:$0x168] =	vst v0  }
0x7a: {  	[tilespmem:$0x178] =	vst v0  }
0x7b: {  	[tilespmem:$0x188] =	vst v0  }
0x7c: {  	[tilespmem:$0x198] =	vst v0  }
0x7d: {  	[tilespmem:$0x1A8] =	vst v0  }
0x7e: {  	[tilespmem:$0x1B8] =	vst v0  }
0x7f: {  	[tilespmem:$0x1C8] =	vst v0  }
0x80: {  	[tilespmem:$0x1D8] =	vst v0  }
0x81: {  	[tilespmem:$0x1E8] =	vst v0  }
0x82: {  	[tilespmem:$0x1F8] =	vst v0  }
0x83: {  	[tilespmem:$0x208] =	vst v0  }
0x84: {  	[tilespmem:$0x218] =	vst v0  }
0x85: {  	[tilespmem:$0x228] =	vst v0  }
0x86: {  	[tilespmem:$0x238] =	vst v0  }
0x87: {  	[tilespmem:$0x248] =	vst v0  }
0x88: {  	[tilespmem:$0x258] =	vst v0  }
0x89: {  	[tilespmem:$0x268] =	vst v0  }
0x8a: {  	[tilespmem:$0x278] =	vst v0  }
0x8b: {  	[tilespmem:$0x288] =	vst v0  }
0x8c: {  	[tilespmem:$0x298] =	vst v0  }
0x8d: {  	[tilespmem:$0x2A8] =	vst v0  }
0x8e: {  	[tilespmem:$0x2B8] =	vst v0  }
0x8f: {  	[tilespmem:$0x2C8] =	vst v0  }
0x90: {  	[tilespmem:$0x2D8] =	vst v0  }
0x91: {  	[tilespmem:$0x2E8] =	vst v0  }
0x92: {  	[tilespmem:$0x2F8] =	vst v0  }
0x93: {  	[tilespmem:$0x308] =	vst v0  }
0x94: {  	[tilespmem:$0x318] =	vst v0  }
0x95: {  	[tilespmem:$0x328] =	vst v0  }
0x96: {  	[tilespmem:$0x338] =	vst v0  }
0x97: {  	[tilespmem:$0x348] =	vst v0  }
0x98: {  	[tilespmem:$0x358] =	vst v0  }
0x99: {  	[tilespmem:$0x368] =	vst v0  }
0x9a: {  	[tilespmem:$0x378] =	vst v0  }
0x9b: {  	[tilespmem:$0x388] =	vst v0  }
0x9c: {  	[tilespmem:$0x398] =	vst v0  }
0x9d: {  	[tilespmem:$0x3A8] =	vst v0  }
0x9e: {  	[tilespmem:$0x3B8] =	vst v0  }
0x9f: {  	[tilespmem:$0x3C8] =	vst v0  }
0xa0: {  	[tilespmem:$0x3D8] =	vst v0  }
0xa1: {  	[tilespmem:$0x3E8] =	vst v0  }
0xa2: {  	[tilespmem:$0x3F8] =	vst v0  }
0xa3: {  	[tilespmem:$0x408] =	vst v0  }
0xa4: {  	[tilespmem:$0x418] =	vst v0  }
0xa5: {  	[tilespmem:$0x428] =	vst v0  }
0xa6: {  	[tilespmem:$0x438] =	vst v0  }
0xa7: {  	[tilespmem:$0x448] =	vst v0  }
0xa8: {  	[tilespmem:$0x458] =	vst v0  }
0xa9: {  	[tilespmem:$0x468] =	vst v0  }
0xaa: {  	[tilespmem:$0x478] =	vst v0  }
0xab: {  	[tilespmem:$0x488] =	vst v0  }
0xac: {  	[tilespmem:$0x498] =	vst v0  }
0xad: {  	[tilespmem:$0x4A8] =	vst v0  }
0xae: {  	[tilespmem:$0x4B8] =	vst v0  }
0xaf: {  	[tilespmem:$0x4C8] =	vst v0  }
0xb0: {  	[tilespmem:$0x4D8] =	vst v0  }
0xb1: {  	[tilespmem:$0x4E8] =	vst v0  }
0xb2: {  	[tilespmem:$0x4F8] =	vst v0  }
0xb3: {  	[tilespmem:$0x508] =	vst v0  }
0xb4: {  	[tilespmem:$0x518] =	vst v0  }
0xb5: {  	[tilespmem:$0x528] =	vst v0  }
0xb6: {  	[tilespmem:$0x538] =	vst v0  }
0xb7: {  	[tilespmem:$0x548] =	vst v0  }
0xb8: {  	[tilespmem:$0x558] =	vst v0  }
0xb9: {  	[tilespmem:$0x568] =	vst v0  }
0xba: {  	[tilespmem:$0x578] =	vst v0  }
0xbb: {  	[tilespmem:$0x588] =	vst v0  }
0xbc: {  	[tilespmem:$0x598] =	vst v0  }
0xbd: {  	[tilespmem:$0x5A8] =	vst v0  }
0xbe: {  	[tilespmem:$0x5B8] =	vst v0  }
0xbf: {  	[tilespmem:$0x5C8] =	vst v0  }
0xc0: {  	[tilespmem:$0x5D8] =	vst v0  }
0xc1: {  	[tilespmem:$0x5E8] =	vst v0  }
0xc2: {  	[tilespmem:$0x5F8] =	vst v0  }
0xc3: {  	[tilespmem:$0x608] =	vst v0  }
0xc4: {  	[tilespmem:$0x618] =	vst v0  }
0xc5: {  	[tilespmem:$0x628] =	vst v0  }
0xc6: {  	[tilespmem:$0x638] =	vst v0  }
0xc7: {  	[tilespmem:$0x648] =	vst v0  }
0xc8: {  	[tilespmem:$0x658] =	vst v0  }
0xc9: {  	[tilespmem:$0x668] =	vst v0  }
0xca: {  	[tilespmem:$0x678] =	vst v0  }
0xcb: {  	[tilespmem:$0x688] =	vst v0  }
0xcc: {  	[tilespmem:$0x698] =	vst v0  }
0xcd: {  	[tilespmem:$0x6A8] =	vst v0  }
0xce: {  	[tilespmem:$0x6B8] =	vst v0  }
0xcf: {  	[tilespmem:$0x6C8] =	vst v0  }
0xd0: {  	[tilespmem:$0x6D8] =	vst v0  }
0xd1: {  	[tilespmem:$0x6E8] =	vst v0  }
0xd2: {  	[tilespmem:$0x6F8] =	vst v0  }
0xd3: {  	[tilespmem:$0x708] =	vst v0  }
0xd4: {  	[tilespmem:$0x718] =	vst v0  }
0xd5: {  	[tilespmem:$0x728] =	vst v0  }
0xd6: {  	[tilespmem:$0x738] =	vst v0  }
0xd7: {  	[tilespmem:$0x748] =	vst v0  }
0xd8: {  	[tilespmem:$0x758] =	vst v0  }
0xd9: {  	[tilespmem:$0x768] =	vst v0  }
0xda: {  	[tilespmem:$0x778] =	vst v0  }
0xdb: {  	[tilespmem:$0x788] =	vst v0  }
0xdc: {  	[tilespmem:$0x798] =	vst v0  }
0xdd: {  	[tilespmem:$0x7A8] =	vst v0  }
0xde: {  	[tilespmem:$0x7B8] =	vst v0  }
0xdf: {  	[tilespmem:$0x7C8] =	vst v0  }
0xe0: {  	[tilespmem:$0x7D8] =	vst v0  }
0xe1: {  	[tilespmem:$0x7E8] =	vst v0  }
0xe2: {  	[tilespmem:$0x7F8] =	vst v0  }
0xe3: {  	[tilespmem:$0x808] =	vst v0  }
0xe4: {  	[tilespmem:$0x818] =	vst v0  }
0xe5: {  	[tilespmem:$0x828] =	vst v0  }
0xe6: {  	[tilespmem:$0x838] =	vst v0  }
0xe7: {  	[tilespmem:$0x848] =	vst v0  }
0xe8: {  	[tilespmem:$0x858] =	vst v0  }
0xe9: {  	[tilespmem:$0x868] =	vst v0  }
0xea: {  	[tilespmem:$0x878] =	vst v0  }
0xeb: {  	[tilespmem:$0x888] =	vst v0  }
0xec: {  	[tilespmem:$0x898] =	vst v0  }
0xed: {  	[tilespmem:$0x8A8] =	vst v0  }
0xee: {  	[tilespmem:$0x8B8] =	vst v0  }
0xef: {  	[tilespmem:$0x8C8] =	vst v0  }
0xf0: {  	[tilespmem:$0x8D8] =	vst v0  }
0xf1: {  	[tilespmem:$0x8E8] =	vst v0  }
0xf2: {  	[tilespmem:$0x8F8] =	vst v0  }
0xf3: {  	[tilespmem:$0x908] =	vst v0  }
0xf4: {  	[tilespmem:$0x918] =	vst v0  }
0xf5: {  	[tilespmem:$0x928] =	vst v0  }
0xf6: {  	[tilespmem:$0x938] =	vst v0  }
0xf7: {  	[tilespmem:$0x948] =	vst v0  }
0xf8: {  	[tilespmem:$0x958] =	vst v0  }
0xf9: {  	[tilespmem:$0x968] =	vst v0  }
0xfa: {  	[tilespmem:$0x978] =	vst v0  }
0xfb: {  	[tilespmem:$0x988] =	vst v0  }
0xfc: {  	[tilespmem:$0x998] =	vst v0  }
0xfd: {  	[tilespmem:$0x9A8] =	vst v0  }
0xfe: {  	[tilespmem:$0x9B8] =	vst v0  }
0xff: {  	[tilespmem:$0x9C8] =	vst v0  }
0x100: {  	[tilespmem:$0x9D8] =	vst v0  }
0x101: {  	[tilespmem:$0x9E8] =	vst v0  }
0x102: {  	[tilespmem:$0x9F8] =	vst v0  }
0x103: {  	[tilespmem:$0xA08] =	vst v0  }
0x104: {  	[tilespmem:$0xA18] =	vst v0  }
0x105: {  	[tilespmem:$0xA28] =	vst v0  }
0x106: {  	[tilespmem:$0xA38] =	vst v0  }
0x107: {  	[tilespmem:$0xA48] =	vst v0  }
0x108: {  	[tilespmem:$0xA58] =	vst v0  }
0x109: {  	[tilespmem:$0xA68] =	vst v0  }
0x10a: {  	[tilespmem:$0xA78] =	vst v0  }
0x10b: {  	[tilespmem:$0xA88] =	vst v0  }
0x10c: {  	[tilespmem:$0xA98] =	vst v0  }
0x10d: {  	[tilespmem:$0xAA8] =	vst v0  }
0x10e: {  	[tilespmem:$0xAB8] =	vst v0  }
0x10f: {  	[tilespmem:$0xAC8] =	vst v0  }
0x110: {  	[tilespmem:$0xAD8] =	vst v0  }
0x111: {  	[tilespmem:$0xAE8] =	vst v0  }
0x112: {  	[tilespmem:$0xAF8] =	vst v0  }
0x113: {  	[tilespmem:$0xB08] =	vst v0  }
0x114: {  	[tilespmem:$0xB18] =	vst v0  }
0x115: {  	[tilespmem:$0xB28] =	vst v0  }
0x116: {  	[tilespmem:$0xB38] =	vst v0  }
0x117: {  	[tilespmem:$0xB48] =	vst v0  }
0x118: {  	[tilespmem:$0xB58] =	vst v0  }
0x119: {  	[tilespmem:$0xB68] =	vst v0  }
0x11a: {  	[tilespmem:$0xB78] =	vst v0  }
0x11b: {  	[tilespmem:$0xB88] =	vst v0  }
0x11c: {  	[tilespmem:$0xB98] =	vst v0  }
0x11d: {  	[tilespmem:$0xBA8] =	vst v0  }
0x11e: {  	[tilespmem:$0xBB8] =	vst v0  }
0x11f: {  	[tilespmem:$0xBC8] =	vst v0  }
0x120: {  	[tilespmem:$0xBD8] =	vst v0  }
0x121: {  	[tilespmem:$0xBE8] =	vst v0  }
0x122: {  	[tilespmem:$0xBF8] =	vst v0  }
0x123: {  	[tilespmem:$0xC08] =	vst v0  }
0x124: {  	[tilespmem:$0xC18] =	vst v0  }
0x125: {  	[tilespmem:$0xC28] =	vst v0  }
0x126: {  	[tilespmem:$0xC38] =	vst v0  }
0x127: {  	[tilespmem:$0xC48] =	vst v0  }
0x128: {  	[tilespmem:$0xC58] =	vst v0  }
0x129: {  	[tilespmem:$0xC68] =	vst v0  }
0x12a: {  	[tilespmem:$0xC78] =	vst v0  }
0x12b: {  	[tilespmem:$0xC88] =	vst v0  }
0x12c: {  	[tilespmem:$0xC98] =	vst v0  }
0x12d: {  	[tilespmem:$0xCA8] =	vst v0  }
0x12e: {  	[tilespmem:$0xCB8] =	vst v0  }
0x12f: {  	[tilespmem:$0xCC8] =	vst v0  }
0x130: {  	[tilespmem:$0xCD8] =	vst v0  }
0x131: {  	[tilespmem:$0xCE8] =	vst v0  }
0x132: {  	[tilespmem:$0xCF8] =	vst v0  }
0x133: {  	[tilespmem:$0xD08] =	vst v0  }
0x134: {  	[tilespmem:$0xD18] =	vst v0  }
0x135: {  	[tilespmem:$0xD28] =	vst v0  }
0x136: {  	[tilespmem:$0xD38] =	vst v0  }
0x137: {  	[tilespmem:$0xD48] =	vst v0  }
0x138: {  	[tilespmem:$0xD58] =	vst v0  }
0x139: {  	[tilespmem:$0xD68] =	vst v0  }
0x13a: {  	[tilespmem:$0xD78] =	vst v0  }
0x13b: {  	[tilespmem:$0xD88] =	vst v0  }
0x13c: {  	[tilespmem:$0xD98] =	vst v0  }
0x13d: {  	[tilespmem:$0xDA8] =	vst v0  }
0x13e: {  	[tilespmem:$0xDB8] =	vst v0  }
0x13f: {  	[tilespmem:$0xDC8] =	vst v0  }
0x140: {  	[tilespmem:$0xDD8] =	vst v0  }
0x141: {  	[tilespmem:$0xDE8] =	vst v0  }
0x142: {  	[tilespmem:$0xDF8] =	vst v0  }
0x143: {  	[tilespmem:$0xE08] =	vst v0  }
0x144: {  	[tilespmem:$0xE18] =	vst v0  }
0x145: {  	[tilespmem:$0xE28] =	vst v0  }
0x146: {  	[tilespmem:$0xE38] =	vst v0  }
0x147: {  	[tilespmem:$0xE48] =	vst v0  }
0x148: {  	[tilespmem:$0xE58] =	vst v0  }
0x149: {  	[tilespmem:$0xE68] =	vst v0  }
0x14a: {  	[tilespmem:$0xE78] =	vst v0  }
0x14b: {  	[tilespmem:$0xE88] =	vst v0  }
0x14c: {  	[tilespmem:$0xE98] =	vst v0  }
0x14d: {  	[tilespmem:$0xEA8] =	vst v0  }
0x14e: {  	[tilespmem:$0xEB8] =	vst v0  }
0x14f: {  	[tilespmem:$0xEC8] =	vst v0  }
0x150: {  	[tilespmem:$0xED8] =	vst v0  }
0x151: {  	[tilespmem:$0xEE8] =	vst v0  }
0x152: {  	[tilespmem:$0xEF8] =	vst v0  }
0x153: {  	[tilespmem:$0xF08] =	vst v0  }
0x154: {  	[tilespmem:$0xF18] =	vst v0  }
0x155: {  	[tilespmem:$0xF28] =	vst v0  }
0x156: {  	[tilespmem:$0xF38] =	vst v0  }
0x157: {  	[tilespmem:$0xF48] =	vst v0  }
0x158: {  	[tilespmem:$0xF58] =	vst v0  }
0x159: {  	[tilespmem:$0xF68] =	vst v0  }
0x15a: {  	[tilespmem:$0xF78] =	vst v0  }
0x15b: {  	[tilespmem:$0xF88] =	vst v0  }
0x15c: {  	[tilespmem:$0xF98] =	vst v0  }
0x15d: {  	[tilespmem:$0xFA8] =	vst v0  }
0x15e: {  	[tilespmem:$0xFB8] =	vst v0  }
0x15f: {  	[tilespmem:$0xFC8] =	vst v0  }
0x160: {  	[tilespmem:$0xFD8] =	vst v0  }
0x161: {  	[tilespmem:$0xFE8] =	vst v0  }
0x162: {  	[tilespmem:$0xFF8] =	vst v0  }
0x163: {  	[tilespmem:$0x1028] =	vst v0  }
0x164: {  	[tilespmem:$0x10E8] =	vst v0  }
0x165: {  	[tilespmem:$0x1068] =	vst v0  }
0x166: {  	[tilespmem:$0x1B28] =	vst v0  }
0x167: {  	[tilespmem:$0x1B18] =	vst v0  }
0x168: {  	[tilespmem:$0x1B08] =	vst v0  }
0x169: {  	[tilespmem:$0x1AF8] =	vst v0  }
0x16a: {  	[tilespmem:$0x1AE8] =	vst v0  }
0x16b: {  	[tilespmem:$0x1AD8] =	vst v0  }
0x16c: {  	[tilespmem:$0x1AC8] =	vst v0  }
0x16d: {  	[tilespmem:$0x1AB8] =	vst v0  }
0x16e: {  	[tilespmem:$0x1AA8] =	vst v0  }
0x16f: {  	[tilespmem:$0x1A98] =	vst v0  }
0x170: {  	[tilespmem:$0x1A88] =	vst v0  }
0x171: {  	[tilespmem:$0x1A78] =	vst v0  }
0x172: {  	[tilespmem:$0x1A68] =	vst v0  }
0x173: {  	[tilespmem:$0x1A58] =	vst v0  }
0x174: {  	[tilespmem:$0x1A48] =	vst v0  }
0x175: {  	[tilespmem:$0x1A38] =	vst v0  }
0x176: {  	[tilespmem:$0x1A28] =	vst v0  }
0x177: {  	[tilespmem:$0x1A18] =	vst v0  }
0x178: {  	[tilespmem:$0x1A08] =	vst v0  }
0x179: {  	[tilespmem:$0x19F8] =	vst v0  }
0x17a: {  	[tilespmem:$0x19E8] =	vst v0  }
0x17b: {  	[tilespmem:$0x19D8] =	vst v0  }
0x17c: {  	[tilespmem:$0x19C8] =	vst v0  }
0x17d: {  	[tilespmem:$0x19B8] =	vst v0  }
0x17e: {  	[tilespmem:$0x19A8] =	vst v0  }
0x17f: {  	[tilespmem:$0x1998] =	vst v0  }
0x180: {  	[tilespmem:$0x1988] =	vst v0  }
0x181: {  	[tilespmem:$0x1978] =	vst v0  }
0x182: {  	[tilespmem:$0x1968] =	vst v0  }
0x183: {  	[tilespmem:$0x1958] =	vst v0  }
0x184: {  	[tilespmem:$0x1948] =	vst v0  }
0x185: {  	[tilespmem:$0x1938] =	vst v0  }
0x186: {  	[tilespmem:$0x1928] =	vst v0  }
0x187: {  	[tilespmem:$0x1918] =	vst v0  }
0x188: {  	[tilespmem:$0x1908] =	vst v0  }
0x189: {  	[tilespmem:$0x18F8] =	vst v0  }
0x18a: {  	[tilespmem:$0x18E8] =	vst v0  }
0x18b: {  	[tilespmem:$0x18D8] =	vst v0  }
0x18c: {  	[tilespmem:$0x18C8] =	vst v0  }
0x18d: {  	[tilespmem:$0x18B8] =	vst v0  }
0x18e: {  	[tilespmem:$0x18A8] =	vst v0  }
0x18f: {  	[tilespmem:$0x1898] =	vst v0  }
0x190: {  	[tilespmem:$0x1888] =	vst v0  }
0x191: {  	[tilespmem:$0x1878] =	vst v0  }
0x192: {  	[tilespmem:$0x1868] =	vst v0  }
0x193: {  	[tilespmem:$0x1858] =	vst v0  }
0x194: {  	[tilespmem:$0x1848] =	vst v0  }
0x195: {  	[tilespmem:$0x1838] =	vst v0  }
0x196: {  	[tilespmem:$0x1828] =	vst v0  }
0x197: {  	[tilespmem:$0x1818] =	vst v0  }
0x198: {  	[tilespmem:$0x1808] =	vst v0  }
0x199: {  	[tilespmem:$0x17F8] =	vst v0  }
0x19a: {  	[tilespmem:$0x17E8] =	vst v0  }
0x19b: {  	[tilespmem:$0x17D8] =	vst v0  }
0x19c: {  	[tilespmem:$0x17C8] =	vst v0  }
0x19d: {  	[tilespmem:$0x17B8] =	vst v0  }
0x19e: {  	[tilespmem:$0x17A8] =	vst v0  }
0x19f: {  	[tilespmem:$0x1798] =	vst v0  }
0x1a0: {  	[tilespmem:$0x1788] =	vst v0  }
0x1a1: {  	[tilespmem:$0x1778] =	vst v0  }
0x1a2: {  	[tilespmem:$0x1768] =	vst v0  }
0x1a3: {  	[tilespmem:$0x1758] =	vst v0  }
0x1a4: {  	[tilespmem:$0x1748] =	vst v0  }
0x1a5: {  	[tilespmem:$0x1738] =	vst v0  }
0x1a6: {  	[tilespmem:$0x1728] =	vst v0  }
0x1a7: {  	[tilespmem:$0x1718] =	vst v0  }
0x1a8: {  	[tilespmem:$0x1708] =	vst v0  }
0x1a9: {  	[tilespmem:$0x16F8] =	vst v0  }
0x1aa: {  	[tilespmem:$0x16E8] =	vst v0  }
0x1ab: {  	[tilespmem:$0x16D8] =	vst v0  }
0x1ac: {  	[tilespmem:$0x16C8] =	vst v0  }
0x1ad: {  	[tilespmem:$0x16B8] =	vst v0  }
0x1ae: {  	[tilespmem:$0x16A8] =	vst v0  }
0x1af: {  	[tilespmem:$0x1698] =	vst v0  }
0x1b0: {  	[tilespmem:$0x1688] =	vst v0  }
0x1b1: {  	[tilespmem:$0x1678] =	vst v0  }
0x1b2: {  	[tilespmem:$0x1668] =	vst v0  }
0x1b3: {  	[tilespmem:$0x1658] =	vst v0  }
0x1b4: {  	[tilespmem:$0x1648] =	vst v0  }
0x1b5: {  	[tilespmem:$0x1638] =	vst v0  }
0x1b6: {  	[tilespmem:$0x1628] =	vst v0  }
0x1b7: {  	[tilespmem:$0x1618] =	vst v0  }
0x1b8: {  	[tilespmem:$0x1608] =	vst v0  }
0x1b9: {  	[tilespmem:$0x15F8] =	vst v0  }
0x1ba: {  	[tilespmem:$0x15E8] =	vst v0  }
0x1bb: {  	[tilespmem:$0x15D8] =	vst v0  }
0x1bc: {  	[tilespmem:$0x15C8] =	vst v0  }
0x1bd: {  	[tilespmem:$0x15B8] =	vst v0  }
0x1be: {  	[tilespmem:$0x15A8] =	vst v0  }
0x1bf: {  	[tilespmem:$0x1598] =	vst v0  }
0x1c0: {  	[tilespmem:$0x1588] =	vst v0  }
0x1c1: {  	[tilespmem:$0x1578] =	vst v0  }
0x1c2: {  	[tilespmem:$0x1568] =	vst v0  }
0x1c3: {  	[tilespmem:$0x1558] =	vst v0  }
0x1c4: {  	[tilespmem:$0x1548] =	vst v0  }
0x1c5: {  	[tilespmem:$0x1538] =	vst v0  }
0x1c6: {  	[tilespmem:$0x1528] =	vst v0  }
0x1c7: {  	[tilespmem:$0x1518] =	vst v0  }
0x1c8: {  	[tilespmem:$0x1508] =	vst v0  }
0x1c9: {  	[tilespmem:$0x14F8] =	vst v0  }
0x1ca: {  	[tilespmem:$0x14E8] =	vst v0  }
0x1cb: {  	[tilespmem:$0x14D8] =	vst v0  }
0x1cc: {  	[tilespmem:$0x14C8] =	vst v0  }
0x1cd: {  	[tilespmem:$0x14B8] =	vst v0  }
0x1ce: {  	[tilespmem:$0x14A8] =	vst v0  }
0x1cf: {  	[tilespmem:$0x1498] =	vst v0  }
0x1d0: {  	[tilespmem:$0x1488] =	vst v0  }
0x1d1: {  	[tilespmem:$0x1478] =	vst v0  }
0x1d2: {  	[tilespmem:$0x1468] =	vst v0  }
0x1d3: {  	[tilespmem:$0x1458] =	vst v0  }
0x1d4: {  	[tilespmem:$0x1448] =	vst v0  }
0x1d5: {  	[tilespmem:$0x1438] =	vst v0  }
0x1d6: {  	[tilespmem:$0x1428] =	vst v0  }
0x1d7: {  	[tilespmem:$0x1418] =	vst v0  }
0x1d8: {  	[tilespmem:$0x1408] =	vst v0  }
0x1d9: {  	[tilespmem:$0x13F8] =	vst v0  }
0x1da: {  	[tilespmem:$0x13E8] =	vst v0  }
0x1db: {  	[tilespmem:$0x13D8] =	vst v0  }
0x1dc: {  	[tilespmem:$0x13C8] =	vst v0  }
0x1dd: {  	[tilespmem:$0x13B8] =	vst v0  }
0x1de: {  	[tilespmem:$0x13A8] =	vst v0  }
0x1df: {  	[tilespmem:$0x1398] =	vst v0  }
0x1e0: {  	[tilespmem:$0x1388] =	vst v0  }
0x1e1: {  	[tilespmem:$0x1378] =	vst v0  }
0x1e2: {  	[tilespmem:$0x1368] =	vst v0  }
0x1e3: {  	[tilespmem:$0x1358] =	vst v0  }
0x1e4: {  	[tilespmem:$0x1348] =	vst v0  }
0x1e5: {  	[tilespmem:$0x1338] =	vst v0  }
0x1e6: {  	[tilespmem:$0x1328] =	vst v0  }
0x1e7: {  	[tilespmem:$0x1318] =	vst v0  }
0x1e8: {  	[tilespmem:$0x1308] =	vst v0  }
0x1e9: {  	[tilespmem:$0x12F8] =	vst v0  }
0x1ea: {  	[tilespmem:$0x12E8] =	vst v0  }
0x1eb: {  	[tilespmem:$0x12D8] =	vst v0  }
0x1ec: {  	[tilespmem:$0x12C8] =	vst v0  }
0x1ed: {  	[tilespmem:$0x12B8] =	vst v0  }
0x1ee: {  	[tilespmem:$0x12A8] =	vst v0  }
0x1ef: {  	[tilespmem:$0x1298] =	vst v0  }
0x1f0: {  	[tilespmem:$0x1288] =	vst v0  }
0x1f1: {  	[tilespmem:$0x1278] =	vst v0  }
0x1f2: {  	[tilespmem:$0x1268] =	vst v0  }
0x1f3: {  	[tilespmem:$0x1258] =	vst v0  }
0x1f4: {  	[tilespmem:$0x1248] =	vst v0  }
0x1f5: {  	[tilespmem:$0x1238] =	vst v0  }
0x1f6: {  	[tilespmem:$0x1228] =	vst v0  }
0x1f7: {  	[tilespmem:$0x1218] =	vst v0  }
0x1f8: {  	[tilespmem:$0x1208] =	vst v0  }
0x1f9: {  	[tilespmem:$0x11F8] =	vst v0  }
0x1fa: {  	[tilespmem:$0x11E8] =	vst v0  }
0x1fb: {  	[tilespmem:$0x11D8] =	vst v0  }
0x1fc: {  	[tilespmem:$0x11C8] =	vst v0  }
0x1fd: {  	[tilespmem:$0x11B8] =	vst v0  }
0x1fe: {  	[tilespmem:$0x11A8] =	vst v0  }
0x1ff: {  	[tilespmem:$0x1198] =	vst v0  }
0x200: {  	[tilespmem:$0x1188] =	vst v0  }
0x201: {  	[tilespmem:$0x1178] =	vst v0  }
0x202: {  	[tilespmem:$0x1168] =	vst v0  }
0x203: {  	[tilespmem:$0x1158] =	vst v0  }
0x204: {  	[tilespmem:$0x1148] =	vst v0  }
0x205: {  	[tilespmem:$0x1138] =	vst v0  }
0x206: {  	[tilespmem:$0x1128] =	vst v0  }
0x207: {  	[tilespmem:$0x1118] =	vst v0  }
0x208: {  	s4 =	stileid.u32;
	[tilespmem:$0x1108] =	vst v0  }
0x209: {  	s0 =	smul.u32 $0x15, s4;
	[tilespmem:$0x10F8] =	vst v0  }
0x20a: {  	s1 =	smin.u32 s4, $0xC;
	[tilespmem:$0x10C8] =	vst v0  }
0x20b: {  	[tilespmem:$0x10D8] =	vst v0;
	s0 =	sadd.s32 s1, s0  }
0x20c: {  	p0 =	slt.u32 s4, $0xC;
	[tilespmem:$0x10B8] =	vst v0;
	s1 =	simm.s32 $0x2520;
	s6 =	smul.u32 $0x1B0, s0  }
0x20d: {  	s1 =	simm.s32 @!p0 $0x2370;
	[tilespmem:$0x1038] =	vst v0  }
0x20e: {  	[tilespmem:$0x10A8] =	vst v0;
	s0 =	sadd.s32 s1, s6  }
0x20f: {  	s3 =	simm.s32 $0x2;
	s8 =	simm.s32 $0x9;
	[tilespmem:$0x1098] =	vst v0;
	s7 =	smin.u32 s0, $0x249F0  }
0x210: {  	s10 =	simm.s32 $0xA;
	s30 =	simm.s32 $0xB;
	[tilespmem:$0x1088] =	vst v0;
	s0 =	ssub.s32 s7, s6  }
0x211: {  	s16 =	simm.s32 $0x0;
	p4 =	por $0x0, $0x0;
	[tilespmem:$0x1078] =	vst v0;
	p0 =	sgt.s32 s0, $0x0  }
0x212: {  	s17 =	simm.s32 $0xC;
	s21 =	simm.s32 $0x0;
	[tilespmem:$0x1058] =	vst v0;
	s0 =	simm.s32 @!p0 $0x0  }
0x213: {  	s18 =	simm.s32 $0x0;
	s2 =	sand.u32 $0x1, s2;
	[tilespmem:$0x1048] =	vst v0;
	s29 =	smulhi.u32 $0x4BDA12F7, s0  }
0x214: {  	s20 =	simm.s32 $0x0;
	s31 =	sshll.u32 s4, $0x5;
	[tilespmem:$0x1018] =	vst v0;
	[dreg:$0x5] =	wrdreg s2  }
0x215: {  	s2 =	smul.u32 $0x493E, s2;
	[tilespmem:$0x1008] =	vst v0;
	[sflag:s3] =	ssyncpa.u1 $0x0;
	s1 =	sshrl.u32 s29, $0x7  }
0x216: {  	v0 =	vimm.s32 $0xFFFFFFFF;
	s3 =	sadd.s32 $0x2D58600, s11;
	[dreg:$0x4] =	wrdreg s31;
	s5 =	smul.u32 $0x1B0, s1  }
.Ltmp7:
0x217: {  	[tilespmem:$0x3648] =	vst v0;
	[sflag:s8] =	ssyncpa.u1 $0x0;
	s2 =	sadd.s32 s2, s11;
	(pc) =	sbr.rel .LBB3_1-.Ltmp7, $4  }
0x218: {  	[sflag:s10] =	ssyncpa.u1 $0x0;
	s11 =	sadd.s32 $0x2FA2400, s11;
	p0 =	sne.s32 s0, s5  }
0x219: {  	[sflag:s30] =	ssyncpa.u1 $0x0;
	s14 =	sadd.s32 $0x1D400, s2;
	s12 =	simm.s32 @!p0 $0x0  }
0x21a: {  	s15 =	sadd.s32 $0x14000, s2;
	s19 =	smov.u32 s6;
	s12 =	sadd.s32 s12, s1  }
0x21b: {  	v0 =	vlaneseq.u32;
	[dreg:$0x6] =	wrdreg s6;
	p0 =	por $0x1, $0x1;
	s4 =	sadd.s32 $0x1, s12  }
.LBB3_18:
0x21c: {  	s0 =	simm.s32 $0x2  }
0x21d: {  	_ =	swait.ge [sflag:s0], $0x0  }
0x21e: {  	[sflag:s0] =	ssyncset.done $0x0;
	s0 =	simm.s32 $0x0  }
.LBB3_19:
0x21f: {  	_ =	swait.ge [sflag:s17], s0  }
0x220: {  	s31 =	ssub.s32 $0x0, s0;
	v1 =	vmov s23;
	vm0 =	veq.s32 v0, $0x0;
	[sflag:s17] =	ssyncset.done $0x0  }
0x221: {  	vm15 =	veq.s32 v0, $0x2;
	v1 =	vsel vm0, s28, v1;
	[sflag:s17] =	ssyncadd.s32 s31  }
0x222: {  	v1 =	vsel vm15, s21, v1;
	[sflag:s17] =	ssyncpa.u1 $0x1  }
0x223: {  	[tilespmem:$0x3648] =	vst v1  }
.LBB3_20:
0x224: {  	s0 =	sadd.s32 $0x1B0, s19  }
0x225: {  	s1 =	smov.u32 s6;
	p1 =	slt.s32 s0, s7  }
0x226: {  	s1 =	smov.u32 @p1 s0;
	p1 =	sne.s32 s20, s4  }
.Ltmp8:
0x227: {  	_ = 	snop;
	(pc) =	sbr.rel @!p1 .LBB3_21-.Ltmp8, $4  }
0x228: {  	_ = 	snop  }
0x229: {  	s21 =	smov.u32 s18  }
0x22a: {  	s31 =	sadd.s32 $0x1, s20;
	s18 =	smov.u32 s19;
	p0 =	por !p0, !p0  }
0x22b: {  	p4 =	por !p4, !p4;
	s20 =	smov.u32 s31;
	s19 =	smov.u32 s1  }
.LBB3_1:
0x22c: {  	p2 =	sge.u32 s20, s12  }
0x22d: {  	s0 =	smulhi.u32 @!p2 $0xAAAAAAAB, s20  }
0x22e: {  	s1 =	smov.u32 s19;
	p3 =	sgt.s32 @!p2 s19, $0x24840  }
0x22f: {  	s2 =	sshra.s32 @!p2 s19, $0x1F;
	p3 =	por !p3, p2;
	s0 =	sshrl.u32 @!p2 s0, $0x1  }
0x230: {  	s2 =	sand.u32 @!p2 s2, s19;
	s1 =	simm.s32 @p3 $0x24840;
	s0 =	smul.u32 @!p2 $0x3, s0  }
0x231: {  	s1 =	ssub.s32 @!p2 s1, s2  }
0x232: {  	s23 =	sadd.s32 $0xFFFFFFFF, s20;
	s1 =	sadd.s32 @!p2 $0xFFFDB7C0, s1;
	s0 =	ssub.s32 @!p2 s20, s0  }
0x233: {  	s2 =	sshll.u32 @!p2 s1, $0x2;
	p3 =	sgt.s32 @!p2 s1, $0x1AF;
	s0 =	smul.u32 @!p2 $0x6C0, s0  }
0x234: {  	s5 =	sand.u32 @!p2 $0x7, s19;
	s1 =	ssub.s32 @!p2 $0x6C0, s2;
	p3 =	por !p3, p2  }
0x235: {  	s2 =	sshrl.u32 @!p2 s19, $0x3;
	s1 =	sshrl.u32 @!p2 s1, $0x2;
	s0 =	sshrl.u32 @!p2 s0, $0x2  }
0x236: {  	s2 =	sadd.s32 @!p2 s2, s14;
	s1 =	simm.s32 @!p3 $0x0;
	s0 =	sadd.s32 @!p2 $0x3888, s0  }
0x237: {  	[tilespmem:s0], [sflag:$0xA] =	stream.linear.gather @!p2 [hbm4b:s2+s5], s1, $0x38;
	[tilespmem:$0x1F0F8] =	vst v63  }
0x238: {  	p2 =	sge.u32 s23, s12  }
0x239: {  	p3 =	sgt.s32 @!p2 s18, $0x24840  }
0x23a: {  	s0 =	smov.u32 s18;
	s1 =	sshra.s32 @!p2 s18, $0x1F;
	p3 =	por !p3, p2  }
0x23b: {  	s1 =	sand.u32 @!p2 s1, s18;
	s0 =	simm.s32 @p3 $0x24840  }
0x23c: {  	s0 =	ssub.s32 @!p2 s0, s1  }
0x23d: {  	s0 =	sadd.s32 @!p2 $0xFFFDB7C0, s0  }
0x23e: {  	s1 =	sshll.u32 @!p2 s0, $0x2  }
0x23f: {  	p3 =	sgt.s32 @!p2 s0, $0x1AF;
	s0 =	ssub.s32 @!p2 $0x6C0, s1  }
0x240: {  	s22 =	ssub.s32 @!p2 $0x249F0, s18;
	p3 =	por !p3, p2;
	s0 =	sshrl.u32 @!p2 s0, $0x2  }
0x241: {  	s1 =	sand.u32 @!p2 $0x1, s23;
	s0 =	simm.s32 @!p3 $0x0;
	p3 =	slt.s32 @!p2 s22, $0x1  }
0x242: {  	s2 =	simm.s32 @!p2 $0xA;
	s1 =	smul.u32 @!p2 $0x6C0, s1;
	p3 =	por p2, p3  }
.Ltmp9:
0x243: {  	_ =	swait.ge @!p2 [sflag:s2], s0;
	(pc) =	sbr.rel @p3 .LBB3_7-.Ltmp9, $4  }
0x244: {  	s5 =	ssub.s32 @!p2 $0x0, s0;
	[sflag:s2] =	ssyncset.done @!p2 $0x0  }
0x245: {  	s1 =	sshrl.u32 @!p2 s1, $0x2;
	[sflag:s2] =	ssyncadd.s32 @!p2 s5;
	s2 =	sshrl.u32 @!p2 s18, $0x3  }
0x246: {  	s1 =	sadd.s32 @!p2 $0x3D98, s1;
	s5 =	sand.u32 @!p2 $0x7, s18;
	s2 =	sadd.s32 @!p2 s2, s15  }
0x247: {  	[tilespmem:s1], [sflag:$0xB] =	stream.linear.gather @!p2 [hbm4b:s2+s5], s0, $0x38;
	[tilespmem:$0x1F0F8] =	vst v63  }
0x248: {  	s0 =	smulhi.u32 $0xAAAAAAAB, s23;
	_ =	sdelay $0x1  }
0x249: {  	s0 =	sshrl.u32 s0, $0x1  }
0x24a: {  	s0 =	smul.u32 $0x3, s0;
	_ =	sdelay $0x1  }
0x24b: {  	s0 =	ssub.s32 s23, s0  }
0x24c: {  	s1 =	simm.s32 $0x1;
	s0 =	smul.u32 $0x6C0, s0  }
.Ltmp10:
0x24d: {  	s1 =	simm.s32 @!p0 $0x0;
	(pc) =	sbr.rel .LBB3_4-.Ltmp10, $4  }
0x24e: {  	s1 =	smul.u32 $0x36000, s1  }
0x24f: {  	p3 =	slt.s32 @!p2 s22, $0x1B0;
	s0 =	sshrl.u32 s0, $0x2  }
0x250: {  	p2 =	por !p3, p2;
	s1 =	sshrl.u32 s1, $0x2;
	s0 =	sadd.s32 $0x3888, s0  }
0x251: {  	s24 =	simm.s32 $0x0;
	s22 =	simm.s32 @p2 $0x1B0;
	s23 =	sadd.s32 $0x40F8, s1;
	v1 =	vmov s0  }
.LBB3_3:
0x252: {  	p2 =	sge.s32 s24, s22  }
.Ltmp11:
0x253: {  	_ = 	snop;
	(pc) =	sbr.rel @p2 .LBB3_7-.Ltmp11, $2  }
0x254: {  	_ =	sdelay $0x2  }
0x255: {  	s23 =	sadd.s32 $0x800, s23  }
.LBB3_4:
0x256: {  	p2 =	sle.s32 s22, s24  }
.Ltmp12:
0x257: {  	_ = 	snop;
	(pc) =	sbr.rel @p2 .LBB3_3-.Ltmp12, $2  }
0x258: {  	_ =	sdelay $0x2  }
0x259: {  	s0 =	smov.u32 s24;
	s24 =	sadd.s32 $0x10, s24  }
0x25a: {  	s1 =	ssub.s32 s22, s0  }
0x25b: {  	p2 =	slt.s32 s1, $0x10  }
0x25c: {  	s1 =	simm.s32 @!p2 $0x10  }
0x25d: {  	v2 =	vmov s1  }
0x25e: {  	vm0 =	vgt.s32 v2, v0;
	_ =	sdelay $0x5  }
0x25f: {  	v2 =	vld.idx.msk [tilespmem:v1+s0+$0x0 ss:$0x1], vm0;
	_ =	sdelay $0x2  }
0x260: {  	p2 =	slt.s32 s24, s22;
	s1 =	smov.u32 s22  }
0x261: {  	s2 =	smov.u32 s23;
	s25 =	simm.s32 $0x0;
	s1 =	smov.u32 @p2 s24  }
.LBB3_6:
0x262: {  	(v2sf) =	vpush v2, s25;
	_ =	sdelay $0xc  }
0x263: {  	s25 =	sadd.s32 $0x1, s25  }
0x264: {  	s31 =	sadd.s32 s25, s0  }
0x265: {  	p2 =	slt.s32 s31, s1;
	s5 =	spop (v2sf)  }
.Ltmp13:
0x266: {  	s5 =	sshll.u32 s5, $0x4;
	(pc) =	sbr.rel @p2 .LBB3_6-.Ltmp13, $4  }
0x267: {  	s5 =	sand.u32 $0x1FFFFFF0, s5  }
0x268: {  	s5 =	sadd.s32 s11, s5  }
0x269: {  	[tilespmem:s2], [sflag:$0x9] =	stream.linear.gather [hbm4b:s5+s16], $0x4, $0x38;
	[tilespmem:$0x1F0F8] =	vst v63  }
0x26a: {  	s2 =	sadd.s32 $0x80, s2  }
.Ltmp14:
0x26b: {  	_ = 	snop;
	(pc) =	sbr.rel .LBB3_3-.Ltmp14, $1  }
0x26c: {  	_ =	sdelay $0x3  }
.LBB3_7:
0x26d: {  	p2 =	slt.u32 s20, $0x2  }
.Ltmp15:
0x26e: {  	_ = 	snop;
	(pc) =	sbr.rel @p2 .LBB3_20-.Ltmp15, $1  }
0x26f: {  	_ =	sdelay $0x3  }
0x270: {  	p2 =	sgt.s32 s21, $0x24840  }
0x271: {  	s0 =	smov.u32 s21;
	s1 =	sshra.s32 s21, $0x1F;
	s2 =	ssub.s32 $0x249F0, s21  }
0x272: {  	s0 =	simm.s32 @!p2 $0x24840;
	s1 =	sand.u32 s1, s21;
	p2 =	slt.s32 s2, $0x1B0  }
0x273: {  	s0 =	ssub.s32 s0, s1;
	s2 =	simm.s32 @!p2 $0x1B0  }
0x274: {  	s0 =	sadd.s32 $0xFFFDB7C0, s0;
	s24 =	sshll.u32 s2, $0x2  }
0x275: {  	s28 =	simm.s32 $0x9;
	s25 =	sshll.u32 s0, $0x2;
	s1 =	sand.u32 $0x3FFFFFFC, s24  }
0x276: {  	p2 =	sgt.s32 s0, $0x1AF;
	s26 =	ssub.s32 $0x6C0, s25;
	_ =	swait.ge [sflag:s28], s1  }
0x277: {  	s1 =	ssub.s32 $0x0, s1;
	[sflag:s28] =	ssyncset.done $0x0;
	s0 =	sshrl.u32 s26, $0x2  }
0x278: {  	s30 =	simm.s32 $0xB;
	[sflag:s28] =	ssyncadd.s32 s1;
	s0 =	simm.s32 @p2 $0x0  }
0x279: {  	_ =	swait.ge [sflag:s30], s0  }
0x27a: {  	s0 =	ssub.s32 $0x0, s0;
	[sflag:s30] =	ssyncset.done $0x0  }
0x27b: {  	[sflag:s30] =	ssyncadd.s32 s0  }
0x27c: {  	v1 =	vld [tilespmem:$0x3648];
	_ =	sdelay $0x4  }
0x27d: {  	(v2sf) =	vpush v1, $0x0  }
0x27e: {  	(v2sf) =	vpush v1, $0x1  }
0x27f: {  	(v2sf) =	vpush v1, $0x2;
	_ =	sdelay $0x3  }
0x280: {  	s0 =	sadd.s32 $0x1B0, s21  }
0x281: {  	s1 =	ssub.s32 $0x493E0, s21;
	p2 =	slt.s32 s7, s0  }
0x282: {  	s0 =	smov.u32 @p2 s7;
	p2 =	sgt.s32 s1, $0x0  }
0x283: {  	s25 =	ssub.s32 s0, s21;
	s1 =	simm.s32 @!p2 $0x0  }
0x284: {  	p2 =	slt.s32 s1, s25  }
0x285: {  	s25 =	smov.u32 @p2 s1  }
0x286: {  	s24 =	simm.s32 $0x1;
	p2 =	slt.s32 s25, $0x1  }
.Ltmp16:
0x287: {  	s24 =	simm.s32 @!p4 $0x0;
	(pc) =	sbr.rel @p2 .LBB3_12-.Ltmp16, $4  }
0x288: {  	s31 =	smul.u32 $0x6C0, s24  }
0x289: {  	s26 =	spop (v2sf)  }
0x28a: {  	s0 =	sshrl.u32 s31, $0x2;
	s29 =	spop (v2sf)  }
0x28b: {  	s22 =	sadd.s32 $0x3D98, s0;
	s21 =	spop (v2sf)  }
0x28c: {  	s0 =	smin.u32 s25, $0x10  }
0x28d: {  	v1 =	vmov s0  }
0x28e: {  	p3 =	sgt.s32 s25, $0x10;
	vm1 =	vgt.u32 v1, v0  }
.Ltmp17:
0x28f: {  	_ = 	snop;
	(pc) =	sbr.rel @!p3 .LBB3_11-.Ltmp17, $2  }
0x290: {  	_ =	sdelay $0x2  }
0x291: {  	s23 =	simm.s32 $0x10;
	s28 =	sadd.s32 $0xFFFFFFF0, s25;
	s0 =	smov.u32 s22;
	vm0 =	vmmov vm1  }
.LBB3_10:
0x292: {  	s1 =	smin.u32 s28, $0x10;
	s23 =	sadd.s32 $0x10, s23;
	v1 =	vld.msk [tilespmem:s0+$0x0 ss:$0x1], vm1  }
0x293: {  	v2 =	vmov s1;
	p3 =	slt.s32 s23, s25  }
0x294: {  	vm1 =	vgt.u32 v2, v0  }
.Ltmp18:
0x295: {  	(pc) =	sbr.rel @p3 .LBB3_10-.Ltmp18, $3  }
0x296: {  	_ =	sdelay $0x1  }
0x297: {  	v1 =	vshll.u32 v1, $0x4  }
0x298: {  	s28 =	sadd.s32 $0xFFFFFFF0, s28;
	[tilespmem:s0+$0x0] =	vst.msk vm0, v1;
	s0 =	sadd.s32 $0x10, s0;
	vm0 =	vmmov vm1  }
.LBB3_11:
0x299: {  	_ =	sdelay $0x4  }
0x29a: {  	v1 =	vld.msk [tilespmem:s0+$0x0 ss:$0x1], vm1;
	_ =	sdelay $0x4  }
0x29b: {  	v1 =	vshll.u32 v1, $0x4  }
0x29c: {  	[tilespmem:s0+$0x0] =	vst.msk vm0, v1  }
.LBB3_12:
0x29d: {  	s0 =	sand.u32 $0x1, s20  }
0x29e: {  	s0 =	smul.u32 $0x1B0, s0  }
0x29f: {  	p3 =	sne.s32 s29, $0xFFFFFFFF  }
0x2a0: {  	v1 =	vld.msk @!p3 [tilespmem:s0+$0x3D98], $0x1;
	_ =	sdelay $0x4  }
0x2a1: {  	(v2sf) =	vpush @!p3 v1, $0x0;
	_ =	sdelay $0xc  }
.Ltmp19:
0x2a2: {  	_ = 	snop;
	(pc) =	sbr.rel @p2 .LBB3_18-.Ltmp19, $4  }
0x2a3: {  	_ = 	snop  }
0x2a4: {  	s28 =	spop @!p3 (v2sf)  }
0x2a5: {  	s21 =	simm.s32 @!p3 $0x0;
	s23 =	smov.u32 s28  }
0x2a6: {  	[sflag:s17] =	ssyncpa.u1 $0x0;
	s28 =	smov.u32 @p3 s26;
	s23 =	smov.u32 @p3 s29  }
0x2a7: {  	v1 =	vld.msk [tilespmem:s22+$0x0], $0x1;
	_ =	sdelay $0x4  }
0x2a8: {  	(v2sf) =	vpush v1, $0x0;
	_ =	sdelay $0xe  }
0x2a9: {  	s0 =	simm.s32 @!p4 $0x0;
	s26 =	smul.u32 $0x36000, s24;
	s31 =	spop (v2sf)  }
0x2aa: {  	s29 =	ssub.s32 $0x0, s25;
	s0 =	simm.s32 @p4 $0x1;
	p2 =	seq.s32 s28, s31  }
0x2ab: {  	s1 =	smov.u32 s28;
	[smem:$0x7FD] =	sst s0;
	p3 =	sgt.s32 @!p2 s28, $0x0  }
0x2ac: {  	s0 =	sshrl.u32 s26, $0x2;
	s26 =	sadd.s32 $0x1, s29;
	p3 =	por !p3, p2  }
0x2ad: {  	s1 =	simm.s32 @p3 $0x0;
	p3 =	seq.s32 s26, $0x0  }
.Ltmp20:
0x2ae: {  	_ = 	snop;
	(pc) =	sbr.rel @p3 .LBB3_15-.Ltmp20, $4  }
0x2af: {  	s6 =	smov.u32 s4;
	s25 =	simm.s32 $0x0  }
0x2b0: {  	s24 =	sadd.s32 $0x40F8, s0;
	s0 =	simm.s32 @!p2 $0x1;
	s2 =	smin.u32 @!p2 s1, $0xC34FF  }
0x2b1: {  	s30 =	sadd.s32 $0x1, s22;
	s0 =	smov.u32 @p2 s25;
	s5 =	sand.u32 @!p2 $0xFFFF8, s2  }
0x2b2: {  	s1 =	simm.s32 @!p2 $0x1B38;
	s2 =	sand.u32 @!p2 $0x7, s2;
	s5 =	sadd.s32 @!p2 s3, s5  }
.LBB3_14:
0x2b3: {  	s4 =	smov.u32 s0  }
0x2b4: {  	[tilespmem:s1], [sflag:$0x2] =	stream.linear.gather @!p2 [hbm4b:s5+s2], $0x4, $0x38;
	[tilespmem:$0x1F0F8] =	vst v63  }
0x2b5: {  	s26 =	sadd.s32 $0x1, s26;
	s2 =	smov.u32 s31;
	v1 =	vld.msk [tilespmem:s30+$0x0], $0x1  }
0x2b6: {  	p3 =	seq.s32 s26, $0x0;
	_ =	sdelay $0x3  }
0x2b7: {  	(v2sf) =	vpush v1, $0x0;
	_ =	sdelay $0xe  }
0x2b8: {  	s31 =	spop (v2sf)  }
0x2b9: {  	p2 =	seq.s32 s2, s31  }
0x2ba: {  	p4 =	sgt.s32 @!p2 s2, $0x0;
	s1 =	sshll.u32 @!p2 s0, $0x6;
	s0 =	sadd.s32 @!p2 $0x1, s0  }
.Ltmp21:
0x2bb: {  	p4 =	por !p4, p2;
	s1 =	sshra.s32 @!p2 s1, $0x2;
	(pc) =	sbr.rel @!p3 .LBB3_14-.Ltmp21, $4  }
0x2bc: {  	s0 =	smov.u32 @p2 s4;
	s2 =	simm.s32 @p4 $0x0;
	s1 =	sadd.s32 @!p2 $0x1B38, s1  }
0x2bd: {  	s2 =	smin.u32 @!p2 s2, $0xC34FF  }
0x2be: {  	s4 =	sand.u32 @!p2 $0xFFFF8, s2;
	s2 =	sand.u32 @!p2 $0x7, s2  }
0x2bf: {  	s30 =	sadd.s32 $0x1, s30;
	s5 =	sadd.s32 @!p2 s3, s4  }
.LBB3_15:
0x2c0: {  	[tilespmem:s1], [sflag:$0x2] =	stream.linear.gather @!p2 [hbm4b:s5+s2], $0x4, $0x38;
	[tilespmem:$0x1F0F8] =	vst v63  }
0x2c1: {  	s0 =	sshll.u32 s0, $0x2  }
0x2c2: {  	s31 =	simm.s32 $0x2;
	s0 =	sand.u32 $0x3FFFFFFC, s0  }
0x2c3: {  	_ =	swait.ge [sflag:s31], s0  }
0x2c4: {  	s0 =	ssub.s32 $0x0, s0;
	[sflag:s31] =	ssyncset.done $0x0  }
0x2c5: {  	[sflag:s31] =	ssyncadd.s32 s0  }
0x2c6: {  	v1 =	vld.msk [tilespmem:s22+$0x0], $0x1;
	_ =	sdelay $0x4  }
0x2c7: {  	(v2sf) =	vpush v1, $0x0;
	_ =	sdelay $0xe  }
0x2c8: {  	s26 =	spop (v2sf)  }
0x2c9: {  	p2 =	sne.s32 s28, s26  }
0x2ca: {  	p4 =	sne.s32 @p2 s28, s23  }
0x2cb: {  	p3 =	por !p4, !p2  }
0x2cc: {  	s0 =	simm.s32 @!p3 $0x0  }
0x2cd: {  	v1 =	vld.msk @!p3 [tilespmem:s0+$0x1B38], $0xf  }
0x2ce: {  	p5 =	sgt.u32 @!p3 s28, $0xC34FF  }
0x2cf: {  	s1 =	sshll.u32 @!p3 s21, $0x6;
	p6 =	por @p2 p5, !p4  }
0x2d0: {  	s1 =	sshra.s32 @!p3 s1, $0x2;
	p1 =	por p6, !p2;
	p6 =	por p4, !p2  }
0x2d1: {  	s2 =	sadd.s32 @!p3 $0x28, s1;
	s4 =	sand.u32 @!p1 $0xFFFF8, s28;
	s5 =	sshll.u32 @!p6 s21, $0x6  }
0x2d2: {  	s28 =	sand.u32 @!p1 $0x7, s28;
	[tilespmem:s1+$0x28] =	vst.add.f32.msk @!p3 $0xf, v1;
	s1 =	sadd.s32 @!p1 s3, s4;
	s4 =	sshra.s32 @!p6 s5, $0x2  }
0x2d3: {  	[hbm4b:s1+s28] =	stream.linear.scatter @!p1 [tilespmem:s2], [sflag:$0xC], $0x4, $0x38;
	[tilespmem:$0x1F0F8] =	vst v63  }
0x2d4: {  	s0 =	rddreg [dreg:$0x4];
	s1 =	sadd.s32 @!p6 $0x28, s4;
	s2 =	simm.s32 @!p6 $0x1  }
0x2d5: {  	[spmem:s0] =	stream.linear.scatter @!p6 [tilespmem:s1], [sflag:$0x1], $0x4, $0x38;
	[tilespmem:$0x1F0F8] =	vst v63  }
0x2d6: {  	s0 =	sadd.s32 @p2 $0x1, s21;
	_ =	swait.ge @!p6 [sflag:s2], $0x4  }
0x2d7: {  	s1 =	sshrl.u32 @p2 s0, $0x4;
	[sflag:s2] =	ssyncset.done @!p6 $0x0  }
0x2d8: {  	s1 =	smulhi.u32 @p2 $0x97B425F, s1;
	[sflag:s2] =	ssyncadd.s32 @!p6 $0xFFFFFFFC  }
0x2d9: {  	s28 =	sadd.s32 $0x1, s29;
	v1 =	vld.msk @p2 [tilespmem:s24+$0x0], $0xf  }
0x2da: {  	p1 =	por @p2 !p5, !p4;
	p4 =	seq.s32 s28, $0x0;
	s1 =	smul.u32 @p2 $0x1B0, s1  }
.Ltmp22:
0x2db: {  	p1 =	por !p1, !p2;
	s2 =	simm.s32 @!p3 $0x0;
	(pc) =	sbr.rel @p4 .LBB3_17-.Ltmp22, $4  }
0x2dc: {  	s4 =	sshll.u32 @!p2 s21, $0x6;
	s2 =	simm.s32 @!p1 $0x10;
	s0 =	ssub.s32 @p2 s0, s1  }
0x2dd: {  	s29 =	simm.s32 $0x0;
	s2 =	sadd.s32 @!p3 $0x0, s2;
	s5 =	sshll.u32 @p2 s0, $0x4  }
0x2de: {  	s30 =	sshra.s32 @!p2 s4, $0x2;
	s1 =	simm.s32 @p2 $0x1;
	s2 =	smov.u32 @p3 s25;
	[tilespmem:s5+$0x28] =	vst.msk @p2 $0xf, v1  }
0x2df: {  	s21 =	smov.u32 @p2 s0;
	s29 =	smov.u32 @p2 s2;
	s25 =	smov.u32 @p2 s1;
	v1 =	vld.msk @!p2 [tilespmem:s24+$0x0], $0xf  }
.LBB3_16:
0x2e0: {  	_ =	sdelay $0x3  }
0x2e1: {  	s22 =	sadd.s32 $0x1, s22;
	[tilespmem:s30+$0x28] =	vst.add.f32.msk @!p2 $0xf, v1  }
0x2e2: {  	v1 =	vld.msk [tilespmem:s22+$0x0], $0x1;
	_ =	sdelay $0x4  }
0x2e3: {  	(v2sf) =	vpush v1, $0x0;
	_ =	sdelay $0xe  }
0x2e4: {  	s0 =	smov.u32 s26;
	s26 =	spop (v2sf)  }
0x2e5: {  	p2 =	sne.s32 s0, s26  }
0x2e6: {  	p5 =	sne.s32 @p2 s0, s23  }
0x2e7: {  	s4 =	sshll.u32 @!p2 s21, $0x6;
	p4 =	por !p5, !p2  }
0x2e8: {  	s30 =	sshra.s32 @!p2 s4, $0x2;
	s4 =	sshll.u32 @!p4 s25, $0x6  }
0x2e9: {  	s4 =	sshra.s32 @!p4 s4, $0x2  }
0x2ea: {  	p1 =	sgt.u32 @!p4 s0, $0xC34FF;
	v1 =	vld.msk @!p4 [tilespmem:s4+$0x1B38], $0xf  }
0x2eb: {  	s31 =	sshll.u32 @!p4 s21, $0x6;
	p6 =	por @p2 p1, !p5;
	p1 =	por @p2 !p1, !p5  }
0x2ec: {  	s8 =	simm.s32 @!p4 $0x0;
	s31 =	sshra.s32 @!p4 s31, $0x2;
	p1 =	por !p1, !p2  }
0x2ed: {  	p5 =	por p5, !p2;
	s8 =	simm.s32 @!p1 $0x10;
	p1 =	por p6, !p2  }
0x2ee: {  	s4 =	sadd.s32 @!p4 $0x28, s31;
	s13 =	sshll.u32 @!p5 s21, $0x6;
	s10 =	sand.u32 @!p1 $0xFFFF8, s0  }
0x2ef: {  	s13 =	sshra.s32 @!p5 s13, $0x2;
	s0 =	sand.u32 @!p1 $0x7, s0;
	s10 =	sadd.s32 @!p1 s3, s10;
	[tilespmem:s31+$0x28] =	vst.add.f32.msk @!p4 $0xf, v1  }
0x2f0: {  	[hbm4b:s10+s0] =	stream.linear.scatter @!p1 [tilespmem:s4], [sflag:$0xC], $0x4, $0x38;
	[tilespmem:$0x1F0F8] =	vst v63  }
0x2f1: {  	s1 =	rddreg [dreg:$0x4];
	s0 =	sadd.s32 @!p5 $0x28, s13;
	s4 =	simm.s32 @!p5 $0x1  }
0x2f2: {  	[spmem:s1] =	stream.linear.scatter @!p5 [tilespmem:s0], [sflag:$0x1], $0x4, $0x38;
	[tilespmem:$0x1F0F8] =	vst v63  }
0x2f3: {  	s2 =	sadd.s32 @p2 $0x1, s21;
	_ =	swait.ge @!p5 [sflag:s4], $0x4  }
0x2f4: {  	s5 =	sshrl.u32 @p2 s2, $0x4;
	[sflag:s4] =	ssyncset.done @!p5 $0x0  }
0x2f5: {  	s24 =	sadd.s32 $0x80, s24;
	s5 =	smulhi.u32 @p2 $0x97B425F, s5;
	[sflag:s4] =	ssyncadd.s32 @!p5 $0xFFFFFFFC  }
0x2f6: {  	s28 =	sadd.s32 $0x1, s28;
	v1 =	vld.msk @p2 [tilespmem:s24+$0x0], $0xf  }
0x2f7: {  	p3 =	seq.s32 s28, $0x0;
	s5 =	smul.u32 @p2 $0x1B0, s5  }
.Ltmp23:
0x2f8: {  	_ = 	snop;
	(pc) =	sbr.rel @!p3 .LBB3_16-.Ltmp23, $4  }
0x2f9: {  	s2 =	ssub.s32 @p2 s2, s5  }
0x2fa: {  	s8 =	sadd.s32 @!p4 s8, s29;
	s5 =	sshll.u32 @p2 s2, $0x4  }
0x2fb: {  	s9 =	sadd.s32 @p2 $0x1, s25;
	s8 =	smov.u32 @p4 s29;
	[tilespmem:s5+$0x28] =	vst.msk @p2 $0xf, v1  }
0x2fc: {  	s25 =	smov.u32 @p2 s9;
	s21 =	smov.u32 @p2 s2;
	s29 =	smov.u32 @p2 s8;
	v1 =	vld.msk @!p2 [tilespmem:s24+$0x0], $0xf  }
.LBB3_17:
.Ltmp24:
0x2fd: {  	_ = 	snop;
	(pc) =	sbr.rel .LBB3_19-.Ltmp24, $3  }
0x2fe: {  	s1 =	sld [smem:$0x7FD];
	_ =	sdelay $0x1  }
0x2ff: {  	s0 =	sshrl.u32 s29, $0x2;
	s28 =	smov.u32 s26  }
0x300: {  	s4 =	smov.u32 s6;
	s6 =	rddreg [dreg:$0x6];
	p4 =	seq.s32 s1, $0x1;
	[tilespmem:s30+$0x28] =	vst.add.f32.msk @!p2 $0xf, v1  }
.LBB3_21:
0x301: {  	_ =	sfence.sel $0x180000  }
0x302: {  	s0 =	simm.s32 $0x9;
	[bflag:$0x0] =	sbarrier.arrive $0xFFFF  }
0x303: {  	s24 =	simm.s32 $0xA;
	[sflag:s0] =	ssyncpa.u1 $0x1  }
0x304: {  	s25 =	simm.s32 $0xB;
	[sflag:s24] =	ssyncpa.u1 $0x1  }
0x305: {  	s26 =	simm.s32 $0x2;
	[sflag:s25] =	ssyncpa.u1 $0x1  }
0x306: {  	[sflag:s26] =	ssyncpa.u1 $0x1  }
0x307: {  	v0 =	vld [tilespmem:$0x3648];
	_ =	sdelay $0x4  }
0x308: {  	(v2sf) =	vpush v0, $0x0  }
0x309: {  	(v2sf) =	vpush v0, $0x1;
	_ =	sdelay $0x1  }
0x30a: {  	(v2sf) =	vpush v0, $0x2;
	_ =	sdelay $0xb  }
0x30b: {  	s0 =	spop (v2sf)  }
0x30c: {  	s1 =	spop (v2sf)  }
0x30d: {  	s2 =	smov.u32 s0;
	p0 =	sne.s32 s0, s1  }
0x30e: {  	s4 =	spop (v2sf);
	s2 =	simm.s32 @!p0 $0xFFFFFFFF  }
0x30f: {  	v2 =	vimm.s32 $0x1;
	v3 =	vlaneseq.u32;
	p0 =	seq.s32 s4, $0xFFFFFFFF;
	v1 =	vmov s2  }
0x310: {  	s16 =	stileid.u32;
	v0 =	vperm.xlane v0, v2;
	p1 =	sne.s32 @!p0 s0, s1;
	v1 =	vperm.xlane v1, v3  }
0x311: {  	vm0 =	vcmask $0x3F04;
	s6 =	simm.s32 $0x3648;
	s0 =	simm.s32 @!p0 $0x1;
	p1 =	por !p1, p0  }
0x312: {  	s2 =	sshll.u32 s16, $0x1;
	s1 =	sshll.u32 @!p0 s4, $0x6;
	s0 =	simm.s32 @p1 $0x0;
	v0 =	vsel vm0, v1, v0  }
0x313: {  	s5 =	sor.u32 $0x200, s2;
	s1 =	sshra.s32 @!p0 s1, $0x2;
	s0 =	sor.u32 @!p0 s0, s2;
	[tilespmem:$0x3648] =	vst v0  }
0x314: {  	[spmem:s5] =	stream.linear.scatter [tilespmem:s6], [sflag:$0x1], $0x2, $0x38;
	[tilespmem:$0x1F0F8] =	vst v63  }
0x315: {  	s1 =	sadd.s32 @!p0 $0x28, s1;
	s0 =	sshll.u32 @!p0 s0, $0x4  }
0x316: {  	[spmem:s0] =	stream.linear.scatter @!p0 [tilespmem:s1], [sflag:$0x1], $0x10, $0x38;
	[tilespmem:$0x1F0F8] =	vst v63  }
0x317: {  	s0 =	simm.s32 @!p0 $0x12  }
0x318: {  	s28 =	simm.s32 $0x1;
	s0 =	simm.s32 @p0 $0x2  }
0x319: {  	_ =	swait.ge [sflag:s28], s0  }
0x31a: {  	s0 =	ssub.s32 $0x0, s0;
	[sflag:s28] =	ssyncset.done $0x0  }
0x31b: {  	p0 =	sne.s32 s16, $0x0;
	[sflag:s28] =	ssyncadd.s32 s0  }
.Ltmp25:
0x31c: {  	_ =	sfence.stream.spmem;
	(pc) =	sbr.rel @p0 .LBB3_38-.Ltmp25, $4  }
0x31d: {  	s29 =	simm.s32 $0x3;
	[bflag:$0x0] =	sbarrier.arrive $0xFFFF  }
0x31e: {  	s30 =	simm.s32 $0x4;
	[sflag:s29] =	ssyncpa.u1 $0x1  }
0x31f: {  	s31 =	simm.s32 $0x3C;
	[sflag:s30] =	ssyncpa.u1 $0x1  }
0x320: {  	s17 =	rddreg [dreg:$0x5];
	[sflag:s31] =	ssyncpa.u1 $0x1  }
0x321: {  	_ =	sfence.stream.spmem;
	s0 =	simm.s32 $0x5  }
0x322: {  	s1 =	simm.s32 $0x200;
	s2 =	simm.s32 $0x3658;
	[sflag:s0] =	ssyncpa.u1 $0x0  }
0x323: {  	[tilespmem:s2], [sflag:$0x5] =	stream.linear.gather [spmem:s1], $0x20, $0x38;
	[tilespmem:$0x1F0F8] =	vst v63  }
0x324: {  	s26 =	simm.s32 $0x0;
	s28 =	simm.s32 $0x3678  }
0x325: {  	[tilespmem:s28], [sflag:$0x5] =	stream.linear.gather [spmem:s26], $0x200, $0x38;
	[tilespmem:$0x1F0F8] =	vst v63  }
0x326: {  	_ =	swait.ge [sflag:s0], $0x220  }
0x327: {  	[sflag:s0] =	ssyncset.done $0x0  }
0x328: {  	s29 =	simm.s32 $0x0;
	[sflag:s0] =	ssyncadd.s32 $0xFFFFFDE0  }
0x329: {  	v0 =	vld.msk [tilespmem:s29+$0x3658], $0x1;
	_ =	sdelay $0x1  }
0x32a: {  	s30 =	simm.s32 $0x1  }
0x32b: {  	v1 =	vld.msk [tilespmem:s30+$0x3658], $0x1;
	_ =	sdelay $0x1  }
0x32c: {  	(v2sf) =	vpush v0, $0x0;
	_ =	sdelay $0x2  }
0x32d: {  	(v2sf) =	vpush v1, $0x0;
	_ =	sdelay $0x2  }
0x32e: {  	s31 =	simm.s32 $0x2  }
0x32f: {  	v0 =	vld.msk [tilespmem:s31+$0x3658], $0x1;
	_ =	sdelay $0x2  }
0x330: {  	s6 =	simm.s32 $0xFFFFFFFF;
	s1 =	simm.s32 $0xFFFFFFFF;
	s0 =	simm.s32 $0xC  }
.LBB3_23:
0x331: {  	s2 =	smov.u32 s6;
	s4 =	smov.u32 s1  }
0x332: {  	s1 =	sshra.s32 s0, $0x2;
	p1 =	sne.s32 s0, $0x7C;
	s0 =	sadd.s32 $0x4, s0;
	(v2sf) =	vpush v0, $0x0  }
0x333: {  	v0 =	vld.msk [tilespmem:s1+$0x3658], $0x1  }
.Ltmp26:
0x334: {  	(pc) =	sbr.rel @p1 .LBB3_23-.Ltmp26, $4  }
0x335: {  	s6 =	spop (v2sf)  }
0x336: {  	p2 =	sne.s32 s4, $0xFFFFFFFF;
	s1 =	smov.u32 s6  }
0x337: {  	p3 =	seq.s32 s6, $0xFFFFFFFF;
	s1 =	smov.u32 @p2 s4  }
0x338: {  	s6 =	smov.u32 @p3 s2;
	s1 =	smov.u32 @p3 s4  }
0x339: {  	(v2sf) =	vpush v0, $0x0;
	_ =	sdelay $0x8  }
0x33a: {  	s0 =	spop (v2sf)  }
0x33b: {  	p1 =	sne.s32 s1, $0xFFFFFFFF;
	s2 =	smov.u32 s0  }
0x33c: {  	s9 =	simm.s32 $0x6;
	p2 =	seq.s32 s0, $0xFFFFFFFF;
	s2 =	smov.u32 @p1 s1  }
0x33d: {  	s10 =	simm.s32 $0x3638;
	s2 =	smov.u32 @p2 s1;
	s1 =	spop (v2sf)  }
0x33e: {  	s0 =	smov.u32 @p2 s6;
	p1 =	sne.s32 s2, $0xFFFFFFFF;
	s4 =	smov.u32 s1  }
.Ltmp27:
0x33f: {  	p2 =	seq.s32 s1, $0xFFFFFFFF;
	s4 =	smov.u32 @p1 s2;
	(pc) =	sbr.rel .LBB3_25-.Ltmp27, $4  }
0x340: {  	s11 =	simm.s32 $0x0;
	s4 =	smov.u32 @p2 s2;
	s7 =	spop (v2sf)  }
0x341: {  	[sflag:s9] =	ssyncpa.u1 $0x0;
	p1 =	sne.s32 s4, $0xFFFFFFFF;
	s8 =	smov.u32 s7  }
0x342: {  	s1 =	smov.u32 @p2 s0;
	p2 =	seq.s32 s7, $0xFFFFFFFF;
	s8 =	smov.u32 @p1 s4  }
0x343: {  	s6 =	simm.s32 $0x0;
	s7 =	smov.u32 @p2 s1;
	s8 =	smov.u32 @p2 s4  }
.LBB3_30:
0x344: {  	p1 =	sgt.u32 s12, $0xC34FF  }
0x345: {  	p2 =	seq.s32 @!p1 s12, s8  }
0x346: {  	p1 =	por p1, p2  }
0x347: {  	p2 =	sne.s32 @!p1 s12, s7  }
0x348: {  	p1 =	por p1, !p2  }
0x349: {  	s0 =	sshll.u32 @p1 s11, $0x6  }
0x34a: {  	s0 =	sand.u32 @!p1 $0xFFFF8, s12  }
0x34b: {  	s1 =	sand.u32 @!p1 $0x7, s12;
	s0 =	sadd.s32 @!p1 s3, s0  }
0x34c: {  	[tilespmem:s10], [sflag:$0x6] =	stream.linear.gather @!p1 [hbm4b:s0+s1], $0x4, $0x38;
	[tilespmem:$0x1F0F8] =	vst v63  }
0x34d: {  	_ =	swait.ge @!p1 [sflag:s9], $0x4  }
0x34e: {  	[sflag:s9] =	ssyncset.done @!p1 $0x0  }
0x34f: {  	[sflag:s9] =	ssyncadd.s32 @!p1 $0xFFFFFFFC  }
0x350: {  	v1 =	vld @!p1 [tilespmem:$0x3638];
	_ =	sdelay $0x2  }
0x351: {  	s0 =	sshll.u32 @!p1 s11, $0x6  }
0x352: {  	s1 =	sshrl.u32 @!p1 s0, $0x2  }
0x353: {  	[tilespmem:s1+$0x3678] =	vst.add.f32.msk @!p1 $0xffff, v1  }
0x354: {  	s0 =	sshrl.u32 s0, $0x2;
	[tilespmem:s6+$0x3658] =	vst.msk $0x1, v0  }
0x355: {  	v0 =	vld [tilespmem:s0+$0x3678];
	_ =	sdelay $0x2  }
0x356: {  	s31 =	sshll.u32 s6, $0x6  }
0x357: {  	s0 =	sshra.s32 s31, $0x2  }
0x358: {  	s6 =	sadd.s32 $0x1, s6;
	[tilespmem:s0+$0x3678] =	vst v0  }
.LBB3_32:
0x359: {  	s11 =	sadd.s32 $0x1, s11  }
0x35a: {  	p1 =	sne.s32 s11, $0x20  }
.Ltmp28:
0x35b: {  	_ = 	snop;
	(pc) =	sbr.rel @!p1 .LBB3_33-.Ltmp28, $1  }
0x35c: {  	_ =	sdelay $0x3  }
.LBB3_25:
0x35d: {  	v0 =	vld.msk [tilespmem:s11+$0x3658], $0x1;
	_ =	sdelay $0x4  }
0x35e: {  	(v2sf) =	vpush v0, $0x0;
	_ =	sdelay $0xe  }
0x35f: {  	s12 =	spop (v2sf)  }
0x360: {  	p1 =	seq.s32 s12, $0xFFFFFFFF  }
.Ltmp29:
0x361: {  	_ = 	snop;
	(pc) =	sbr.rel @p1 .LBB3_32-.Ltmp29, $1  }
0x362: {  	_ =	sdelay $0x3  }
0x363: {  	p1 =	slt.s32 s6, $0x1  }
.Ltmp30:
0x364: {  	_ = 	snop;
	(pc) =	sbr.rel @p1 .LBB3_30-.Ltmp30, $1  }
0x365: {  	_ =	sdelay $0x3  }
0x366: {  	s13 =	simm.s32 $0x3658;
	p1 =	por $0x0, $0x0  }
0x367: {  	v1 =	vld.msk @!p1 [tilespmem:s13+$0x0], $0x1;
	_ =	sdelay $0x4  }
0x368: {  	(v2sf) =	vpush @!p1 v1, $0x0;
	_ =	sdelay $0xd  }
0x369: {  	p3 =	sne.s32 s6, $0x1  }
.Ltmp31:
0x36a: {  	s0 =	spop @!p1 (v2sf);
	(pc) =	sbr.rel @!p3 .LBB3_29-.Ltmp31, $4  }
0x36b: {  	p2 =	seq.s32 @!p1 s12, s0  }
0x36c: {  	s14 =	simm.s32 $0x0;
	p2 =	por !p2, p1  }
0x36d: {  	s0 =	simm.s32 $0xFFFFFFFF;
	s14 =	simm.s32 @p2 $0xFFFFFFFF  }
0x36e: {  	s15 =	simm.s32 $0x1;
	s14 =	smov.u32 @p1 s0  }
.LBB3_28:
0x36f: {  	s0 =	smov.u32 s14;
	p1 =	sne.s32 s14, $0xFFFFFFFF  }
0x370: {  	s13 =	sadd.s32 $0x1, s13;
	s14 =	smov.u32 s15;
	s15 =	sadd.s32 $0x1, s15  }
0x371: {  	p2 =	sne.s32 s6, s15;
	v1 =	vld.msk @!p1 [tilespmem:s13+$0x0], $0x1;
	_ =	sdelay $0x4  }
0x372: {  	(v2sf) =	vpush @!p1 v1, $0x0;
	_ =	sdelay $0xe  }
.Ltmp32:
0x373: {  	s1 =	spop @!p1 (v2sf);
	(pc) =	sbr.rel @p2 .LBB3_28-.Ltmp32, $4  }
0x374: {  	p3 =	seq.s32 @!p1 s12, s1  }
0x375: {  	p3 =	por !p3, p1  }
0x376: {  	s14 =	simm.s32 @p3 $0xFFFFFFFF  }
0x377: {  	s14 =	smov.u32 @p1 s0  }
.LBB3_29:
0x378: {  	p1 =	sne.s32 s14, $0xFFFFFFFF  }
.Ltmp33:
0x379: {  	_ = 	snop;
	(pc) =	sbr.rel @!p1 .LBB3_30-.Ltmp33, $1  }
0x37a: {  	_ =	sdelay $0x3  }
0x37b: {  	s0 =	sshll.u32 s11, $0x4  }
0x37c: {  	s0 =	sand.u32 $0x3FFFFFF0, s0  }
0x37d: {  	v0 =	vld [tilespmem:s0+$0x3678]  }
.Ltmp34:
0x37e: {  	_ = 	snop;
	(pc) =	sbr.rel .LBB3_32-.Ltmp34, $4  }
0x37f: {  	_ = 	snop  }
0x380: {  	s31 =	sshll.u32 s14, $0x6  }
0x381: {  	s0 =	sshra.s32 s31, $0x2  }
0x382: {  	[tilespmem:s0+$0x3678] =	vst.add.f32.msk $0xffff, v0  }
.LBB3_33:
0x383: {  	s0 =	simm.s32 $0x6;
	p1 =	seq.s32 s6, $0x0  }
0x384: {  	[sflag:s0] =	ssyncpa.u1 $0x1;
	v0 =	vimm.s32 @p1 $0xFFFFFFFF  }
0x385: {  	s9 =	sadd.s32 $0xFFFFFFFF, s6;
	[tilespmem:$0x3878] =	vst @p1 v0  }
0x386: {  	v0 =	vld.msk @!p1 [tilespmem:s9+$0x3658], $0x1;
	_ =	sdelay $0x1  }
0x387: {  	v1 =	vld.msk @!p1 [tilespmem:$0x3658], $0x1;
	_ =	sdelay $0x2  }
0x388: {  	p2 =	seq.s32 @!p1 s9, $0x0;
	v0 =	vbroadcast @!p1 v0, $0x0  }
0x389: {  	vm0 =	vmmov @!p1 $0x1;
	p2 =	por !p2, p1  }
0x38a: {  	v1 =	vnsel @!p1 vm0, $0xFFFFFFFF, v1;
	vm0 =	vcmask @!p1 $0x308;
	v0 =	vpsel !p2, $0xFFFFFFFF, v0  }
0x38b: {  	p2 =	sne.s32 @!p1 s8, s7;
	v0 =	vsel @!p1 vm0, v1, v0  }
0x38c: {  	s0 =	simm.s32 @!p1 $0x3678;
	s1 =	simm.s32 @!p1 $0x0;
	p3 =	por !p2, p1;
	[tilespmem:$0x3878] =	vst @!p1 v0  }
0x38d: {  	[spmem:s1] =	stream.linear.scatter @!p1 [tilespmem:s0], [sflag:$0x1], $0x10, $0x38;
	[tilespmem:$0x1F0F8] =	vst v63  }
0x38e: {  	s0 =	sshll.u32 @!p3 s9, $0x6  }
0x38f: {  	s0 =	sshra.s32 @!p3 s0, $0x2  }
0x390: {  	s1 =	simm.s32 @!p3 $0x10;
	s0 =	sadd.s32 @!p3 $0x3678, s0  }
0x391: {  	[spmem:s1] =	stream.linear.scatter @!p3 [tilespmem:s0], [sflag:$0x1], $0x10, $0x38;
	[tilespmem:$0x1F0F8] =	vst v63  }
0x392: {  	s0 =	simm.s32 @!p3 $0x1  }
0x393: {  	_ =	swait.ge @!p3 [sflag:s0], $0x20  }
0x394: {  	p1 =	por p2, p1;
	[sflag:s0] =	ssyncset.done @!p3 $0x0  }
0x395: {  	[sflag:s0] =	ssyncadd.s32 @!p3 $0xFFFFFFE0;
	s0 =	simm.s32 @!p1 $0x1  }
0x396: {  	_ =	swait.ge @!p1 [sflag:s0], $0x10  }
0x397: {  	s29 =	simm.s32 $0x3878;
	[sflag:s0] =	ssyncset.done @!p1 $0x0  }
0x398: {  	s30 =	simm.s32 $0x200;
	s31 =	simm.s32 $0x1;
	[sflag:s0] =	ssyncadd.s32 @!p1 $0xFFFFFFF0  }
0x399: {  	[spmem:s30] =	stream.linear.scatter [tilespmem:s29], [sflag:$0x1], $0x10, $0x38;
	[tilespmem:$0x1F0F8] =	vst v63  }
0x39a: {  	_ =	swait.ge [sflag:s31], $0x10  }
0x39b: {  	[sflag:s31] =	ssyncset.done $0x0  }
0x39c: {  	p1 =	seq.s32 s17, $0x0;
	s8 =	rddreg [dreg:$0x1];
	[sflag:s31] =	ssyncadd.s32 $0xFFFFFFF0  }
0x39d: {  	s1 =	sshll.u32 @p1 s8, $0xE;
	s7 =	rddreg [dreg:$0x2]  }
0x39e: {  	s0 =	sadd.s32 @p1 $0x15C3C, s1;
	s1 =	sshll.u32 @p1 s7, $0x11  }
0x39f: {  	_ =	sfence.stream.spmem;
	s0 =	sor.u32 @p1 s1, s0  }
0x3a0: {  	[sflag:s0] =	ssyncadd.remote.s32 @p1 $0x1;
	s0 =	simm.s32 @p1 $0x4  }
0x3a1: {  	s2 =	simm.s32 @!p1 $0x3C;
	s1 =	sand.u32 $0xFFFFFFFE, s8;
	_ =	swait.ge @p1 [sflag:s0], $0x6  }
0x3a2: {  	s4 =	simm.s32 @!p1 $0x0;
	s1 =	sadd.s32 @!p1 $0x4, s1;
	[sflag:s0] =	ssyncset.done @p1 $0x0  }
0x3a3: {  	s5 =	simm.s32 @!p1 $0x20;
	[sflag:s0] =	ssyncadd.s32 @p1 $0xFFFFFFFA;
	s0 =	sshll.u32 @!p1 s1, $0x1A  }
0x3a4: {  	s1 =	sshll.u32 @!p1 s1, $0xD;
	s0 =	sor.u32 @!p1 s0, s7;
	_ =	swait.eq @!p1 [sflag:s2], $0x1  }
0x3a5: {  	s1 =	sor.u32 @!p1 $0x1C04, s1;
	s2 =	simm.s32 @!p1 $0x1C03;
	s0 =	sor.u32 @!p1 $0x80004000, s0  }
0x3a6: {  	[spmem:s5], [sflag:s1] =	dma.general @!p1 [spmem:s4], [sflag:s2], length:$0x4, [dreg:$0x0], stride_count:$0x0, ici_dest:s0, dma_misc:DstOpCode:WRITE  }
0x3a7: {  	p2 =	slt.s32 s9, $0x2;
	s4 =	simm.s32 @!p1 $0x40;
	s5 =	simm.s32 @!p1 $0x42  }
0x3a8: {  	[spmem:s5], [sflag:s1] =	dma.general @!p1 [spmem:s4], [sflag:s2], length:$0x2, [dreg:$0x0], stride_count:$0x0, ici_dest:s0, dma_misc:DstOpCode:WRITE  }
.Ltmp35:
0x3a9: {  	s0 =	simm.s32 @!p1 $0x3;
	(pc) =	sbr.rel @p2 .LBB3_37-.Ltmp35, $4  }
0x3aa: {  	s1 =	sshll.u32 @!p1 s8, $0xE;
	_ =	swait.ge @!p1 [sflag:s0], $0x6  }
0x3ab: {  	s2 =	sshll.u32 @!p1 s7, $0x11;
	s1 =	sadd.s32 @!p1 $0x11C3C, s1;
	[sflag:s0] =	ssyncset.done @!p1 $0x0  }
0x3ac: {  	[sflag:s0] =	ssyncadd.s32 @!p1 $0xFFFFFFFA;
	s0 =	sor.u32 @!p1 s2, s1  }
0x3ad: {  	[sflag:s0] =	ssyncadd.remote.s32 @!p1 $0xFFFFFFFF;
	s0 =	simm.s32 $0x0  }
0x3ae: {  	s0 =	simm.s32 $0x3659  }
0x3af: {  	v0 =	vld.msk [tilespmem:s0+$0x0], $0x1;
	_ =	sdelay $0x4  }
0x3b0: {  	(v2sf) =	vpush v0, $0x0;
	_ =	sdelay $0xd  }
0x3b1: {  	s2 =	sadd.s32 $0xFFFFFFFE, s6  }
0x3b2: {  	s2 =	sadd.s32 $0xFFFFFFFF, s2;
	s0 =	spop (v2sf)  }
0x3b3: {  	p2 =	sne.s32 s2, $0x0;
	p1 =	sgt.u32 s0, $0xC34FF  }
.Ltmp36:
0x3b4: {  	s4 =	sand.u32 @!p1 $0xFFFF8, s0;
	(pc) =	sbr.rel @!p2 .LBB3_36-.Ltmp36, $4  }
0x3b5: {  	s1 =	simm.s32 $0x3688;
	s0 =	sand.u32 @!p1 $0x7, s0;
	s4 =	sadd.s32 @!p1 s3, s4  }
0x3b6: {  	[hbm4b:s4+s0] =	stream.linear.scatter @!p1 [tilespmem:s1], [sflag:$0x5], $0x4, $0x38;
	[tilespmem:$0x1F0F8] =	vst v63  }
0x3b7: {  	s0 =	simm.s32 $0x0  }
0x3b8: {  	s6 =	simm.s32 $0x0;
	s7 =	simm.s32 $0x365A;
	s0 =	simm.s32 @!p1 $0x10  }
.LBB3_35:
0x3b9: {  	v0 =	vld.msk [tilespmem:s7+$0x0], $0x1;
	s2 =	sadd.s32 $0xFFFFFFFF, s2;
	s6 =	sadd.s32 s6, s0  }
0x3ba: {  	p1 =	sne.s32 s2, $0x0;
	_ =	sdelay $0x3  }
0x3bb: {  	(v2sf) =	vpush v0, $0x0;
	_ =	sdelay $0xe  }
.Ltmp37:
0x3bc: {  	s4 =	spop (v2sf);
	(pc) =	sbr.rel @p1 .LBB3_35-.Ltmp37, $4  }
0x3bd: {  	s0 =	simm.s32 $0x0;
	p2 =	sgt.u32 s4, $0xC34FF  }
0x3be: {  	s1 =	sadd.s32 $0x10, s1;
	s0 =	simm.s32 @!p2 $0x10;
	s5 =	sand.u32 @!p2 $0xFFFF8, s4  }
0x3bf: {  	s7 =	sadd.s32 $0x1, s7;
	s4 =	sand.u32 @!p2 $0x7, s4;
	s5 =	sadd.s32 @!p2 s3, s5  }
0x3c0: {  	[hbm4b:s5+s4] =	stream.linear.scatter @!p2 [tilespmem:s1], [sflag:$0x5], $0x4, $0x38;
	[tilespmem:$0x1F0F8] =	vst v63  }
.LBB3_36:
0x3c1: {  	s0 =	sadd.s32 s6, s0  }
0x3c2: {  	s0 =	sshrl.u32 s0, $0x2  }
.LBB3_37:
0x3c3: {  	s1 =	simm.s32 $0x5  }
0x3c4: {  	_ =	swait.ge [sflag:s1], s0  }
0x3c5: {  	s31 =	ssub.s32 $0x0, s0;
	[sflag:s1] =	ssyncset.done $0x0  }
0x3c6: {  	[sflag:s1] =	ssyncadd.s32 s31  }
0x3c7: {  	[sflag:s1] =	ssyncpa.u1 $0x1  }
.LBB3_38:
0x3c8: {  	s0 =	sor.u32 s17, s16  }
0x3c9: {  	p1 =	sne.s32 s0, $0x0  }
.Ltmp38:
0x3ca: {  	_ = 	snop;
	(pc) =	sbr.rel @p1 .LBB3_53-.Ltmp38, $3  }
0x3cb: {  	_ =	sdelay $0x1  }
0x3cc: {  	[bflag:$0x0] =	sbarrier.arrive $0xFFFF  }
0x3cd: {  	_ =	sfence  }
0x3ce: {  	s0 =	simm.s32 $0x7  }
0x3cf: {  	s1 =	simm.s32 $0x200;
	s2 =	simm.s32 $0x3658;
	[sflag:s0] =	ssyncpa.u1 $0x0  }
0x3d0: {  	[tilespmem:s2], [sflag:$0x7] =	stream.linear.gather [spmem:s1], $0x20, $0x38;
	[tilespmem:$0x1F0F8] =	vst v63  }
0x3d1: {  	s30 =	simm.s32 $0x3678;
	s1 =	simm.s32 $0x0  }
0x3d2: {  	[tilespmem:s30], [sflag:$0x7] =	stream.linear.gather [spmem:s1], $0x200, $0x38;
	[tilespmem:$0x1F0F8] =	vst v63  }
.Ltmp39:
0x3d3: {  	_ = 	snop;
	(pc) =	sbr.rel .LBB3_40-.Ltmp39, $4  }
0x3d4: {  	_ =	swait.ge [sflag:s0], $0x220  }
0x3d5: {  	[sflag:s0] =	ssyncset.done $0x0  }
0x3d6: {  	s31 =	simm.s32 $0x8;
	[sflag:s0] =	ssyncadd.s32 $0xFFFFFDE0  }
0x3d7: {  	s2 =	simm.s32 $0x0;
	[sflag:s31] =	ssyncpa.u1 $0x0  }
.LBB3_45:
0x3d8: {  	p1 =	slt.u32 s4, $0xC3500  }
0x3d9: {  	s0 =	sand.u32 @p1 $0xFFFF8, s4  }
0x3da: {  	s4 =	sand.u32 @p1 $0x7, s4;
	s5 =	simm.s32 @p1 $0x3638;
	s0 =	sadd.s32 @p1 s3, s0  }
0x3db: {  	[tilespmem:s5], [sflag:$0x8] =	stream.linear.gather @p1 [hbm4b:s0+s4], $0x4, $0x38;
	[tilespmem:$0x1F0F8] =	vst v63  }
0x3dc: {  	s0 =	simm.s32 @p1 $0x8  }
0x3dd: {  	_ =	swait.ge @p1 [sflag:s0], $0x4  }
0x3de: {  	[sflag:s0] =	ssyncset.done @p1 $0x0  }
0x3df: {  	[sflag:s0] =	ssyncadd.s32 @p1 $0xFFFFFFFC  }
0x3e0: {  	v1 =	vld @p1 [tilespmem:$0x3638];
	_ =	sdelay $0x2  }
0x3e1: {  	s0 =	sshll.u32 @p1 s2, $0x6  }
0x3e2: {  	s5 =	sshll.u32 @!p1 s2, $0x6;
	s4 =	sshrl.u32 @p1 s0, $0x2  }
0x3e3: {  	s5 =	smov.u32 @p1 s0;
	[tilespmem:s4+$0x3678] =	vst.add.f32.msk @p1 $0xffff, v1  }
0x3e4: {  	s0 =	sshrl.u32 s5, $0x2;
	[tilespmem:s1+$0x3658] =	vst.msk $0x1, v0  }
0x3e5: {  	v0 =	vld [tilespmem:s0+$0x3678];
	_ =	sdelay $0x2  }
0x3e6: {  	s31 =	sshll.u32 s1, $0x6  }
0x3e7: {  	s0 =	sshra.s32 s31, $0x2  }
0x3e8: {  	s1 =	sadd.s32 $0x1, s1;
	[tilespmem:s0+$0x3678] =	vst v0  }
.LBB3_47:
0x3e9: {  	s2 =	sadd.s32 $0x1, s2  }
0x3ea: {  	p1 =	sne.s32 s2, $0x20  }
.Ltmp40:
0x3eb: {  	_ = 	snop;
	(pc) =	sbr.rel @!p1 .LBB3_48-.Ltmp40, $1  }
0x3ec: {  	_ =	sdelay $0x3  }
.LBB3_40:
0x3ed: {  	v0 =	vld.msk [tilespmem:s2+$0x3658], $0x1;
	_ =	sdelay $0x4  }
0x3ee: {  	(v2sf) =	vpush v0, $0x0;
	_ =	sdelay $0xe  }
0x3ef: {  	s4 =	spop (v2sf)  }
0x3f0: {  	p1 =	seq.s32 s4, $0xFFFFFFFF  }
.Ltmp41:
0x3f1: {  	_ = 	snop;
	(pc) =	sbr.rel @p1 .LBB3_47-.Ltmp41, $1  }
0x3f2: {  	_ =	sdelay $0x3  }
0x3f3: {  	p1 =	slt.s32 s1, $0x1  }
.Ltmp42:
0x3f4: {  	_ = 	snop;
	(pc) =	sbr.rel @p1 .LBB3_45-.Ltmp42, $1  }
0x3f5: {  	_ =	sdelay $0x3  }
0x3f6: {  	s5 =	simm.s32 $0x3658;
	p1 =	por $0x0, $0x0  }
0x3f7: {  	v1 =	vld.msk @!p1 [tilespmem:s5+$0x0], $0x1;
	_ =	sdelay $0x4  }
0x3f8: {  	(v2sf) =	vpush @!p1 v1, $0x0;
	_ =	sdelay $0xd  }
0x3f9: {  	p3 =	sne.s32 s1, $0x1  }
.Ltmp43:
0x3fa: {  	s0 =	spop @!p1 (v2sf);
	(pc) =	sbr.rel @!p3 .LBB3_44-.Ltmp43, $4  }
0x3fb: {  	p2 =	seq.s32 @!p1 s4, s0  }
0x3fc: {  	s6 =	simm.s32 $0x0;
	p2 =	por !p2, p1  }
0x3fd: {  	s0 =	simm.s32 $0xFFFFFFFF;
	s6 =	simm.s32 @p2 $0xFFFFFFFF  }
0x3fe: {  	s7 =	simm.s32 $0x1;
	s6 =	smov.u32 @p1 s0  }
.LBB3_43:
0x3ff: {  	s0 =	smov.u32 s6;
	p1 =	sne.s32 s6, $0xFFFFFFFF  }
0x400: {  	s5 =	sadd.s32 $0x1, s5;
	s6 =	smov.u32 s7;
	s7 =	sadd.s32 $0x1, s7  }
0x401: {  	p2 =	sne.s32 s1, s7;
	v1 =	vld.msk @!p1 [tilespmem:s5+$0x0], $0x1;
	_ =	sdelay $0x4  }
0x402: {  	(v2sf) =	vpush @!p1 v1, $0x0;
	_ =	sdelay $0xe  }
.Ltmp44:
0x403: {  	s8 =	spop @!p1 (v2sf);
	(pc) =	sbr.rel @p2 .LBB3_43-.Ltmp44, $4  }
0x404: {  	p3 =	seq.s32 @!p1 s4, s8  }
0x405: {  	p3 =	por !p3, p1  }
0x406: {  	s6 =	simm.s32 @p3 $0xFFFFFFFF  }
0x407: {  	s6 =	smov.u32 @p1 s0  }
.LBB3_44:
0x408: {  	p1 =	sne.s32 s6, $0xFFFFFFFF  }
.Ltmp45:
0x409: {  	_ = 	snop;
	(pc) =	sbr.rel @!p1 .LBB3_45-.Ltmp45, $1  }
0x40a: {  	_ =	sdelay $0x3  }
0x40b: {  	s0 =	sshll.u32 s2, $0x4  }
0x40c: {  	s0 =	sand.u32 $0x3FFFFFF0, s0  }
0x40d: {  	v0 =	vld [tilespmem:s0+$0x3678]  }
.Ltmp46:
0x40e: {  	_ = 	snop;
	(pc) =	sbr.rel .LBB3_47-.Ltmp46, $4  }
0x40f: {  	_ = 	snop  }
0x410: {  	s31 =	sshll.u32 s6, $0x6  }
0x411: {  	s0 =	sshra.s32 s31, $0x2  }
0x412: {  	[tilespmem:s0+$0x3678] =	vst.add.f32.msk $0xffff, v0  }
.LBB3_48:
0x413: {  	p1 =	slt.s32 s1, $0x1  }
.Ltmp47:
0x414: {  	_ = 	snop;
	(pc) =	sbr.rel @p1 .LBB3_52-.Ltmp47, $3  }
0x415: {  	_ =	sdelay $0x1  }
0x416: {  	s0 =	simm.s32 $0x8  }
0x417: {  	s2 =	simm.s32 $0x0;
	[sflag:s0] =	ssyncpa.u1 $0x1  }
0x418: {  	s0 =	simm.s32 $0x3658  }
0x419: {  	v0 =	vld.msk [tilespmem:s0+$0x0], $0x1;
	_ =	sdelay $0x4  }
0x41a: {  	(v2sf) =	vpush v0, $0x0;
	_ =	sdelay $0xe  }
0x41b: {  	s1 =	sadd.s32 $0xFFFFFFFF, s1;
	s0 =	spop (v2sf)  }
0x41c: {  	p2 =	sne.s32 s1, $0x0;
	p1 =	sgt.u32 s0, $0xC34FF  }
.Ltmp48:
0x41d: {  	s5 =	sand.u32 @!p1 $0xFFFF8, s0;
	(pc) =	sbr.rel @!p2 .LBB3_51-.Ltmp48, $4  }
0x41e: {  	s4 =	simm.s32 $0x3678;
	s0 =	sand.u32 @!p1 $0x7, s0;
	s5 =	sadd.s32 @!p1 s3, s5  }
0x41f: {  	[hbm4b:s5+s0] =	stream.linear.scatter @!p1 [tilespmem:s4], [sflag:$0x7], $0x4, $0x38;
	[tilespmem:$0x1F0F8] =	vst v63  }
0x420: {  	s0 =	simm.s32 $0x0  }
0x421: {  	s5 =	simm.s32 $0x3659;
	s0 =	simm.s32 @!p1 $0x10  }
.LBB3_50:
0x422: {  	v0 =	vld.msk [tilespmem:s5+$0x0], $0x1;
	s1 =	sadd.s32 $0xFFFFFFFF, s1;
	s2 =	sadd.s32 s2, s0  }
0x423: {  	p1 =	sne.s32 s1, $0x0;
	_ =	sdelay $0x3  }
0x424: {  	(v2sf) =	vpush v0, $0x0;
	_ =	sdelay $0xe  }
.Ltmp49:
0x425: {  	s6 =	spop (v2sf);
	(pc) =	sbr.rel @p1 .LBB3_50-.Ltmp49, $4  }
0x426: {  	s0 =	simm.s32 $0x0;
	p2 =	sgt.u32 s6, $0xC34FF  }
0x427: {  	s4 =	sadd.s32 $0x10, s4;
	s0 =	simm.s32 @!p2 $0x10;
	s7 =	sand.u32 @!p2 $0xFFFF8, s6  }
0x428: {  	s5 =	sadd.s32 $0x1, s5;
	s6 =	sand.u32 @!p2 $0x7, s6;
	s7 =	sadd.s32 @!p2 s3, s7  }
0x429: {  	[hbm4b:s7+s6] =	stream.linear.scatter @!p2 [tilespmem:s4], [sflag:$0x7], $0x4, $0x38;
	[tilespmem:$0x1F0F8] =	vst v63  }
.LBB3_51:
0x42a: {  	s0 =	sadd.s32 s2, s0  }
0x42b: {  	s2 =	sshrl.u32 s0, $0x2  }
.LBB3_52:
0x42c: {  	s0 =	simm.s32 $0x7  }
0x42d: {  	_ =	swait.ge [sflag:s0], s2  }
0x42e: {  	s1 =	ssub.s32 $0x0, s2;
	[sflag:s0] =	ssyncset.done $0x0  }
0x42f: {  	[sflag:s0] =	ssyncadd.s32 s1  }
0x430: {  	[sflag:s0] =	ssyncpa.u1 $0x1  }
.LBB3_53:
0x431: {  	_ =	sfence;
	s0 =	simm.s32 $0x1  }
0x432: {  	[sflag:s0] =	ssyncpa.u1 $0x1  }
0x433: {  	_ =	strace $0x90000056  }
0x434: {  	[bflag:$0x2] =	sbarrier.arrive $0xFFFF  }
0x435: {  	s0 =	rddreg [dreg:$0x3]  }
0x436: {  	s0 =	sadd.s32 @!p0 $0x100000, s0  }
0x437: {  	[sflag:s0] =	ssyncadd.tile.s32 @!p0 $0x1;
	_ =	shalt  }
.Lfunc_end3:
_tile_overlayer_lowered:
.L_overlay_start_3:
0x438: {  	(tag) =	ssettag $0x3  }
0x439: {  	s0 =	rddreg [dreg:$0x0];
	s2 =	stileid.u32  }
0x43a: {  	s1 =	rddreg [dreg:$0x1];
	p0 =	sne.s32 s2, $0x0  }
0x43b: {  	s3 =	rddreg [dreg:$0x2];
	[bflag:$0x3] =	sbarrier.arrive $0xFFFF;
	s2 =	simm.s32 @!p0 $0x1C01  }
0x43c: {  	[timem:s3], [sflag:s2] =	dma.local @!p0 [hbm:s0], s1  }
0x43d: {  	s0 =	simm.s32 @!p0 $0x1  }
0x43e: {  	_ =	swait.ge @!p0 [sflag:s0], s1  }
0x43f: {  	s1 =	ssub.s32 @!p0 $0x0, s1;
	[sflag:s0] =	ssyncset.done @!p0 $0x0  }
0x440: {  	[sflag:s0] =	ssyncadd.s32 @!p0 s1  }
0x441: {  	[bflag:$0x3] =	sbarrier.arrive $0xFFFF  }
0x442: {  	_ =	shalt  }

// kernel: scatter_offload_async_start.3
scs
__scs_entry_jumppad:
0x0: {  	(pc) =	sbr.rel $0x88, $3  }
0x1: {  	(tag) =	ssettag $0x0;
	lr =	simm.s32 $0x1  }
0x2: {  	[smem:$0x3F91] =	sst lr;
	_ =	strace $0xD0000000  }
0x3: {  	_ = 	snop  }
0x4: {  	_ = 	snop  }
0x5: {  	_ = 	snop  }
0x6: {  	_ = 	snop  }
0x7: {  	_ = 	snop  }
__scs_overlays_trampoline_lowered:
0x8: {  	[smem:$0x3FA0] =	sst s0  }
0x9: {  	[smem:$0x3FA1] =	sst s1  }
0xa: {  	[smem:$0x3FA2] =	sst s2  }
0xb: {  	[smem:$0x3FA3] =	sst s3  }
0xc: {  	[smem:$0x3FA4] =	sst s4  }
0xd: {  	[smem:$0x3FA5] =	sst s5  }
0xe: {  	[smem:$0x3FA6] =	sst s6  }
0xf: {  	[smem:$0x3FA7] =	sst s7  }
0x10: {  	[smem:$0x3FA8] =	sst s8  }
0x11: {  	[smem:$0x3FA9] =	sst s9;
	s0 =	simm.s32 @!p0 $0x0  }
0x12: {  	s1 =	sld [smem:$0x3F8F];
	s0 =	simm.s32 @p0 $0x1  }
0x13: {  	[smem:$0x3FAA] =	sst s0;
	s0 =	simm.s32 @!p1 $0x0  }
0x14: {  	s2 =	sld [smem:$0x3F8E];
	s0 =	simm.s32 @p1 $0x1  }
0x15: {  	[smem:$0x3FAB] =	sst s0;
	s0 =	simm.s32 @!p2 $0x0  }
0x16: {  	s3 =	sld [smem:$0x3FDB];
	s0 =	simm.s32 @p2 $0x1  }
0x17: {  	s4 =	simm.s32 $0x1BF5;
	[smem:$0x3FAD] =	sst s0  }
0x18: {  	s0 =	sld [smem:$0x3F90];
	_ =	swait.ge [sflag:s4], $0x0  }
0x19: {  	s7 =	sld [smem:$0x3F91]  }
0x1a: {  	s8 =	sadd.s32 $0xFFFFE003, lr  }
0x1b: {  	s9 =	sadd.s32 $0xFFFFFEF7, lr;
	s5 =	simm.s32 $0xFFFFFFFF;
	p2 =	slt.u32 s8, $0xFFFFF086  }
0x1c: {  	p1 =	slt.u32 s9, $0xF7A;
	s5 =	simm.s32 @!p2 $0x0  }
0x1d: {  	s5 =	simm.s32 @p1 $0x1;
	p0 =	seq.s32 s7, s2  }
0x1e: {  	s7 =	smul.u32 @!p0 $0xF7A, s2;
	p2 =	seq.s32 @!p0 s5, $0x0  }
0x1f: {  	s9 =	smul.u32 $0xF7A, s1;
	s8 =	simm.s32 @!p0 $0x1BF5;
	p2 =	por !p2, p0  }
0x20: {  	[sflag:s8] =	ssyncset.s32 @!p0 $0xFFFFF086;
	s6 =	sadd.s32 @!p0 s3, s7;
	s7 =	simm.s32 @!p0 $0x108  }
0x21: {  	s3 =	sadd.s32 s3, s9;
	s6 =	sadd.s32 @!p0 $0x88, s6;
	s7 =	simm.s32 @p2 $0x1082  }
0x22: {  	[simem:s7], [sflag:s8] =	dma.local @!p0 [hbm:s6], $0xF7A  }
0x23: {  	s9 =	sor.u32 $0xD0000000, s2;
	s6 =	simm.s32 $0x108;
	_ =	swait.ge @!p0 [sflag:s8], $0x0  }
0x24: {  	s3 =	sadd.s32 $0x88, s3;
	s6 =	simm.s32 @!p1 $0x1082;
	[sflag:s4] =	ssyncset.s32 $0xFFFFF086  }
0x25: {  	[simem:s6], [sflag:s4] =	dma.local [hbm:s3], $0xF7A  }
0x26: {  	[smem:$0x3F91] =	sst s1;
	(tag) =	ssettag s2;
	_ =	strace s9  }
0x27: {  	s1 =	sld [smem:$0x3FA1]  }
0x28: {  	s2 =	sld [smem:$0x3FA2]  }
0x29: {  	s4 =	sld [smem:$0x3FA4]  }
0x2a: {  	p0 =	seq.s32 s5, $0x0;
	s5 =	sld [smem:$0x3FA5]  }
0x2b: {  	s6 =	sld [smem:$0x3FA6]  }
0x2c: {  	s7 =	sld [smem:$0x3FA7]  }
0x2d: {  	s3 =	simm.s32 $0x108;
	s8 =	sld [smem:$0x3FA8]  }
0x2e: {  	s3 =	simm.s32 @!p0 $0x1082;
	s9 =	sld [smem:$0x3FA9]  }
0x2f: {  	lr =	sadd.s32 s0, s3;
	s0 =	sld [smem:$0x3FA0]  }
0x30: {  	s3 =	sld [smem:$0x3FA3]  }
0x31: {  	[smem:$0x3FAC] =	sst s10  }
0x32: {  	s10 =	sld [smem:$0x3FAA];
	_ =	sdelay $0x3  }
0x33: {  	p0 =	seq.s32 s10, $0x1;
	s10 =	sld [smem:$0x3FAC];
	_ =	sdelay $0x3  }
0x34: {  	[smem:$0x3FAC] =	sst s10  }
0x35: {  	s10 =	sld [smem:$0x3FAB];
	_ =	sdelay $0x3  }
0x36: {  	p1 =	seq.s32 s10, $0x1;
	s10 =	sld [smem:$0x3FAC];
	_ =	sdelay $0x3  }
0x37: {  	[smem:$0x3FAC] =	sst s10  }
0x38: {  	s10 =	sld [smem:$0x3FAD]  }
0x39: {  	_ = 	snop;
	(pc) =	sbr.ind lr, $3  }
0x3a: {  	_ = 	snop  }
0x3b: {  	_ = 	snop  }
0x3c: {  	p2 =	seq.s32 s10, $0x1;
	s10 =	sld [smem:$0x3FAC]  }
0x3d: {  	_ =	shalt  }
0x3e: {  	_ =	shalt  }
0x3f: {  	_ =	shalt  }
0x40: {  	_ =	shalt  }
0x41: {  	_ =	shalt  }
0x42: {  	_ =	shalt  }
0x43: {  	_ =	shalt  }
0x44: {  	_ =	shalt  }
0x45: {  	_ =	shalt  }
0x46: {  	_ =	shalt  }
0x47: {  	_ =	shalt  }
0x48: {  	_ =	shalt  }
0x49: {  	_ =	shalt  }
0x4a: {  	_ =	shalt  }
0x4b: {  	_ =	shalt  }
0x4c: {  	_ =	shalt  }
0x4d: {  	_ =	shalt  }
0x4e: {  	_ =	shalt  }
0x4f: {  	_ =	shalt  }
0x50: {  	_ =	shalt  }
0x51: {  	_ =	shalt  }
0x52: {  	_ =	shalt  }
0x53: {  	_ =	shalt  }
0x54: {  	_ =	shalt  }
0x55: {  	_ =	shalt  }
0x56: {  	_ =	shalt  }
0x57: {  	_ =	shalt  }
0x58: {  	_ =	shalt  }
0x59: {  	_ =	shalt  }
0x5a: {  	_ =	shalt  }
0x5b: {  	_ =	shalt  }
0x5c: {  	_ =	shalt  }
0x5d: {  	_ =	shalt  }
0x5e: {  	_ =	shalt  }
0x5f: {  	_ =	shalt  }
0x60: {  	_ =	shalt  }
0x61: {  	_ =	shalt  }
0x62: {  	_ =	shalt  }
0x63: {  	_ =	shalt  }
0x64: {  	_ =	shalt  }
0x65: {  	_ =	shalt  }
0x66: {  	_ =	shalt  }
0x67: {  	_ =	shalt  }
0x68: {  	_ =	shalt  }
0x69: {  	_ =	shalt  }
0x6a: {  	_ =	shalt  }
0x6b: {  	_ =	shalt  }
0x6c: {  	_ =	shalt  }
0x6d: {  	_ =	shalt  }
0x6e: {  	_ =	shalt  }
0x6f: {  	_ =	shalt  }
0x70: {  	_ =	shalt  }
0x71: {  	_ =	shalt  }
0x72: {  	_ =	shalt  }
0x73: {  	_ =	shalt  }
0x74: {  	_ =	shalt  }
0x75: {  	_ =	shalt  }
0x76: {  	_ =	shalt  }
0x77: {  	_ =	shalt  }
0x78: {  	_ =	shalt  }
0x79: {  	_ =	shalt  }
0x7a: {  	_ =	shalt  }
0x7b: {  	_ =	shalt  }
0x7c: {  	_ =	shalt  }
0x7d: {  	_ =	shalt  }
0x7e: {  	_ =	shalt  }
0x7f: {  	_ =	shalt  }
0x80: {  	_ =	shalt  }
0x81: {  	_ =	shalt  }
0x82: {  	_ =	shalt  }
0x83: {  	_ =	shalt  }
0x84: {  	_ =	shalt  }
0x85: {  	_ =	shalt  }
0x86: {  	_ =	shalt  }
0x87: {  	_ =	shalt  }
.Lfunc_end0:
.L_simem_size_0:
called_computation.3_lowered:
.L_overlay_start_0:
0x88: {  	s2 =	sld [smem:$0x3FD9]  }
0x89: {  	s3 =	sld [smem:$0x3FFE];
	_ =	sdelay $0x1  }
0x8a: {  	s1 =	srdreg.scid  }
0x8b: {  	s0 =	sand.u32 $0x1, s1  }
0x8c: {  	s10 =	sshll.u32 s0, $0xA;
	s2 =	sadd.s32 s3, s2  }
0x8d: {  	s2 =	sadd.s32 s2, s10  }
0x8e: {  	[smem:$0x3FB8] =	sst s2  }
0x8f: {  	_ = 	snop  }
0x90: {  	s2 =	sld [smem:$0x3FD0];
	_ =	sdelay $0x2  }
0x91: {  	s11 =	simm.s32 $0xD;
	s4 =	simm.s32 $0x10  }
0x92: {  	[smem:s4], [sflag:s11] =	dma.local [hbm:s2], $0x1  }
0x93: {  	_ =	swait.eq [sflag:s11], $0x1  }
0x94: {  	[sflag:s11] =	ssyncset.done $0x0  }
0x95: {  	[sflag:s11] =	ssyncadd.s32 $0xFFFFFFFF  }
0x96: {  	s12 =	sld [smem:$0x10];
	(tm) =	ssettm $0x1  }
0x97: {  	s13 =	sld [smem:$0x3FFB];
	_ =	sdelay $0x3  }
0x98: {  	_ =	strace s13  }
0x99: {  	s2 =	sld [smem:$0x3FFC];
	_ =	sdelay $0x3  }
0x9a: {  	_ =	strace s2  }
0x9b: {  	s2 =	sld [smem:$0x3FFD];
	_ =	sdelay $0x3  }
0x9c: {  	_ =	strace s2  }
0x9d: {  	_ =	strace $0x8FFFFFFF  }
0x9e: {  	s14 =	sld [smem:$0x3FDB];
	_ =	sdelay $0x1  }
0x9f: {  	s15 =	simm.s32 $_scs_section_size  }
0xa0: {  	s5 =	simm.s32 $_size__tile_overlayer_lowered;
	s6 =	simm.s32 $_tile_overlayer_lowered  }
0xa1: {  	s19 =	simm.s32 $0x1BFF;
	s17 =	sshll.u32 s6, $0x1;
	s7 =	sadd.s32 s15, s14  }
0xa2: {  	s20 =	simm.s32 $0x0;
	s16 =	sshll.u32 s5, $0x1;
	s18 =	sadd.s32 s17, s7  }
0xa3: {  	[timem:s20], [sflag:s19] =	dma.local [hbm:s18], s16  }
0xa4: {  	_ =	swait.ge [sflag:s19], s16  }
0xa5: {  	s3 =	ssub.s32 $0x0, s16;
	[sflag:s19] =	ssyncset.done $0x0  }
0xa6: {  	[sflag:s19] =	ssyncadd.s32 s3;
	_ =	sdelay $0x1  }
0xa7: {  	s21 =	simm.s32 $0x1B8B  }
0xa8: {  	_ =	swait.ge [sflag:s21], $0x1  }
0xa9: {  	[sflag:s21] =	ssyncset.done $0x0  }
0xaa: {  	[sflag:s21] =	ssyncadd.s32 $0xFFFFFFFF  }
0xab: {  	s3 =	sld [smem:$0x0]  }
0xac: {  	s5 =	sand.u32 $0xFFFFFFFE, s1  }
0xad: {  	p0 =	sne.s32 s1, s5  }
0xae: {  	s5 =	sshll.u32 @p0 s5, $0xE  }
0xaf: {  	s6 =	sadd.s32 @p0 $0x11B8D, s5;
	s8 =	sshll.u32 @p0 s3, $0x11  }
0xb0: {  	s6 =	sor.u32 @p0 s8, s6  }
0xb1: {  	[sflag:s6] =	ssyncadd.remote.s32 @p0 $0x1;
	_ =	sdelay $0x1  }
0xb2: {  	s6 =	simm.s32 @p0 $0x1B8D  }
0xb3: {  	_ =	swait.eq @p0 [sflag:s6], $0x1  }
0xb4: {  	[sflag:s6] =	ssyncadd.s32 @p0 $0xFFFFFFFF  }
0xb5: {  	s8 =	sshll.u32 @!p0 s1, $0xE  }
0xb6: {  	s8 =	sor.u32 @!p0 $0x4000, s8;
	s6 =	simm.s32 @!p0 $0x1B8D  }
0xb7: {  	s10 =	sshll.u32 @!p0 s3, $0x11;
	s9 =	sadd.s32 @!p0 $0x11B8D, s8;
	_ =	swait.eq @!p0 [sflag:s6], $0x1  }
0xb8: {  	[sflag:s6] =	ssyncadd.s32 @!p0 $0xFFFFFFFF;
	s6 =	sor.u32 @!p0 s10, s9  }
0xb9: {  	s23 =	simm.s32 $0x1B8E;
	s22 =	sld [smem:$0x3FFE];
	[sflag:s6] =	ssyncadd.remote.s32 @!p0 $0x1  }
0xba: {  	s24 =	simm.s32 $execute0_lowered;
	[smem:$0x3FD2] =	sst s23  }
0xbb: {  	s9 =	sshll.u32 s24, $0x1;
	_ =	strace $0x80000058;
	[dreg:$0x1] =	wrdreg $0xFFFFFFFF  }
0xbc: {  	s25 =	simm.s32 $_size_execute0_lowered;
	s9 =	sadd.s32 s7, s9;
	[dreg:$0x0] =	wrdreg $0x0  }
0xbd: {  	s10 =	sshll.u32 s25, $0x1;
	[dreg:$0x2] =	wrdreg s9  }
0xbe: {  	[dreg:$0x3] =	wrdreg s10  }
0xbf: {  	[dreg:$0x4] =	wrdreg $0xC0  }
0xc0: {  	s26 =	simm.s32 $execute1_lowered;
	_ =	task [dreg:s20], $0x5FFFF  }
0xc1: {  	s9 =	sshll.u32 s26, $0x1;
	[dreg:$0x1] =	wrdreg $0xFFFFFFFF  }
0xc2: {  	s7 =	sadd.s32 s7, s9;
	[dreg:$0x0] =	wrdreg $0x60  }
0xc3: {  	[dreg:$0x2] =	wrdreg s7  }
0xc4: {  	[dreg:$0x3] =	wrdreg s12  }
0xc5: {  	[dreg:$0x4] =	wrdreg s22  }
0xc6: {  	[dreg:$0x5] =	wrdreg $0xB  }
0xc7: {  	_ =	task.clear_ibuf [dreg:s20], $0x6FFFF;
	_ =	strace $0x90000058  }
0xc8: {  	s28 =	simm.s32 $0xB;
	_ =	strace $0x8000005A  }
0xc9: {  	_ =	swait.ge [sflag:s28], $0x1  }
0xca: {  	[sflag:s28] =	ssyncadd.s32 $0xFFFFFFFF  }
0xcb: {  	_ =	strace $0x9000005A  }
0xcc: {  	s4 =	sld [smem:$0x0];
	_ =	sdelay $0x3  }
0xcd: {  	s5 =	sadd.s32 @p0 $0x11BF3, s5;
	s7 =	sshll.u32 @p0 s4, $0x11  }
0xce: {  	s5 =	sor.u32 @p0 s7, s5  }
0xcf: {  	[sflag:s5] =	ssyncadd.remote.s32 @p0 $0x1;
	_ =	sdelay $0x1  }
0xd0: {  	s5 =	simm.s32 @p0 $0x1BF3  }
0xd1: {  	_ =	swait.eq @p0 [sflag:s5], $0x1  }
0xd2: {  	[sflag:s5] =	ssyncadd.s32 @p0 $0xFFFFFFFF;
	_ =	sdelay $0x1  }
0xd3: {  	s5 =	simm.s32 @!p0 $0x1BF3  }
0xd4: {  	s4 =	sshll.u32 @!p0 s4, $0x11;
	s7 =	sadd.s32 @!p0 $0x11BF3, s8;
	_ =	swait.eq @!p0 [sflag:s5], $0x1  }
0xd5: {  	s4 =	sor.u32 @!p0 s4, s7;
	[sflag:s5] =	ssyncadd.s32 @!p0 $0xFFFFFFFF  }
0xd6: {  	[sflag:s4] =	ssyncadd.remote.s32 @!p0 $0x1  }
0xd7: {  	_ =	strace $0x8000005B;
	[dreg:$0x1] =	wrdreg $0xFFFFFFFF  }
0xd8: {  	[dreg:$0x0] =	wrdreg $0x2030  }
0xd9: {  	[dreg:$0x2] =	wrdreg s22  }
0xda: {  	[dreg:$0x3] =	wrdreg s1  }
0xdb: {  	[dreg:$0x4] =	wrdreg s3  }
0xdc: {  	[dreg:$0x5] =	wrdreg $0xC  }
0xdd: {  	_ =	task.clear_ibuf [dreg:s20], $0x6FFFF;
	_ =	strace $0x9000005B  }
0xde: {  	s29 =	simm.s32 $0xC;
	_ =	strace $0x8000005D  }
0xdf: {  	_ =	swait.ge [sflag:s29], $0x1  }
0xe0: {  	[sflag:s29] =	ssyncadd.s32 $0xFFFFFFFF  }
0xe1: {  	_ =	strace $0x9000005D  }
0xe2: {  	_ =	sfence  }
0xe3: {  	s30 =	sld [smem:$0x0];
	_ =	sdelay $0x2  }
0xe4: {  	s31 =	sshll.u32 s1, $0xD;
	s1 =	sshrl.u32 s1, $0x2  }
0xe5: {  	s4 =	sand.u32 $0x4000, s31;
	s1 =	sadd.s32 s1, s30  }
0xe6: {  	s0 =	sor.u32 s4, s0;
	s1 =	sshll.u32 s1, $0x11  }
0xe7: {  	s0 =	sor.u32 s1, s0  }
0xe8: {  	s0 =	sadd.s32 $0x8F2B, s0  }
0xe9: {  	[sflag:s0] =	ssyncadd.remote.s32 $0x1  }
0xea: {  	_ =	sfence.sel $0xFFFF  }
0xeb: {  	[dreg:$0x0] =	wrdreg $0xFFFFFFFF;
	(pc) =	sbr.abs _section_cstart, $3  }
0xec: {  	[dreg:$0x1] =	wrdreg $0xFFFFFFFF  }
0xed: {  	_ =	task.clear_ibuf [dreg:s20], $0x2FFFF;
	_ =	strace $0x9FFFFFFF  }
0xee: {  	(tm) =	ssettm $0x7FFFFFFF  }
0xef: {  	_ =	shalt  }
tec
execute0_lowered:
.L_overlay_start_1:
0x0: {  	(tag) =	ssettag $0x1  }
0x1: {  	s3 =	rddreg [dreg:$0x0]  }
0x2: {  	s2 =	rddreg [dreg:$0x1]  }
0x3: {  	s5 =	rddreg [dreg:$0x2]  }
0x4: {  	s0 =	rddreg [dreg:$0x3];
	s4 =	stileid.u32  }
0x5: {  	[bflag:$0x3] =	sbarrier.arrive $0xFFFF;
	s1 =	simm.s32 $_size_execute1_lowered;
	s29 =	srdreg.scid  }
0x6: {  	s30 =	simm.s32 $0x2;
	s13 =	simm.s32 $0x0;
	p0 =	sne.s32 s4, $0x0  }
0x7: {  	s1 =	sshll.u32 s1, $0x1;
	s6 =	simm.s32 @!p0 $0x1C3F;
	s7 =	simm.s32 @!p0 $0x4060  }
0x8: {  	[timem:s7], [sflag:s6] =	dma.local @!p0 [hbm:s3], s1  }
0x9: {  	s8 =	simm.s32 $0x20;
	s9 =	simm.s32 $0x80;
	s3 =	sshll.u32 s29, $0x9  }
.Ltmp0:
0xa: {  	s4 =	sshll.u32 s4, $0xA;
	s3 =	sand.u32 $0x200, s3;
	(pc) =	sbr.rel .LBB2_1-.Ltmp0, $4  }
0xb: {  	s11 =	simm.s32 $0x0;
	s12 =	simm.s32 $0x0;
	s3 =	sor.u32 s4, s3  }
0xc: {  	_ =	strace $0x80000059;
	s4 =	simm.s32 $0x1;
	s31 =	ssub.s32 $0xC200, s3  }
0xd: {  	s5 =	sadd.s32 $0x2E1BC00, s5;
	[sflag:s4] =	ssyncpa.u1 $0x0;
	s6 =	sshrl.u32 s31, $0xE  }
0xe: {  	s10 =	smov.u32 s3;
	[sflag:s30] =	ssyncpa.u1 $0x0;
	s7 =	sadd.s32 $0x2, s6  }
.LBB2_5:
0xf: {  	_ =	sdelay $0x3  }
0x10: {  	[tilespmem:v1+s16+$0x0 ss:$0x1] =	vst.idx.msk $0xffff, v2  }
.LBB2_6:
0x11: {  	s16 =	sand.u32 $0x1FFFFFF, s11  }
0x12: {  	s17 =	smulhi.u32 $0x14F8B59, s16;
	_ =	sdelay $0x1  }
0x13: {  	s17 =	sshrl.u32 s17, $0x8  }
0x14: {  	s17 =	smul.u32 $0xC350, s17;
	_ =	sdelay $0x1  }
0x15: {  	s16 =	ssub.s32 s16, s17  }
0x16: {  	s16 =	sshll.u32 s16, $0x4  }
0x17: {  	s16 =	sadd.s32 s5, s16  }
0x18: {  	[hbm4b:s16+s8] =	stream.strided.scatter [tilespmem:s15], [sflag:$0x2], s14, s9, s8, $0x38;
	[tilespmem:$0x10000] =	vst v63  }
.LBB2_7:
0x19: {  	p1 =	slt.u32 s12, $0x2  }
0x1a: {  	p2 =	sgt.s32 @!p1 s13, $0xC150  }
0x1b: {  	s14 =	smov.u32 s13;
	s15 =	sshra.s32 @!p1 s13, $0x1F;
	p2 =	por !p2, p1  }
0x1c: {  	s13 =	sand.u32 @!p1 s15, s13;
	s14 =	simm.s32 @p2 $0xC150  }
0x1d: {  	s13 =	ssub.s32 @!p1 s14, s13  }
0x1e: {  	s13 =	sadd.s32 @!p1 $0xFFFF3EB0, s13  }
0x1f: {  	s14 =	sshll.u32 @!p1 s13, $0x7  }
0x20: {  	p2 =	sgt.s32 @!p1 s13, $0x1FF;
	s13 =	ssub.s32 @!p1 $0x10000, s14  }
0x21: {  	s15 =	sadd.s32 $0x4000, s10;
	p2 =	por !p2, p1;
	s13 =	sshrl.u32 @!p1 s13, $0x2  }
0x22: {  	s13 =	simm.s32 @!p2 $0x0;
	p2 =	sgt.s32 s15, $0xC34F  }
0x23: {  	s15 =	smov.u32 @p2 s3;
	p2 =	sne.s32 s12, s7  }
.Ltmp1:
0x24: {  	_ = 	snop;
	(pc) =	sbr.rel @!p2 .LBB2_8-.Ltmp1, $4  }
0x25: {  	s14 =	simm.s32 @!p1 $0x2  }
0x26: {  	_ =	swait.ge @!p1 [sflag:s14], s13;
	s16 =	ssub.s32 @!p1 $0x0, s13  }
0x27: {  	s13 =	smov.u32 s11;
	s12 =	sadd.s32 $0x1, s12;
	[sflag:s14] =	ssyncset.done @!p1 $0x0  }
0x28: {  	s11 =	smov.u32 s10;
	s10 =	smov.u32 s15;
	[sflag:s14] =	ssyncadd.s32 @!p1 s16  }
.LBB2_1:
0x29: {  	p1 =	sgt.u32 s12, s6  }
0x2a: {  	s15 =	smov.u32 s10;
	p2 =	sgt.s32 @!p1 s10, $0xC150  }
0x2b: {  	s14 =	sand.u32 @!p1 $0x1FFFFFF, s10;
	s16 =	sshra.s32 @!p1 s10, $0x1F;
	p2 =	por !p2, p1  }
0x2c: {  	s17 =	smulhi.u32 @!p1 $0x14F8B59, s14;
	s16 =	sand.u32 @!p1 s16, s10;
	s15 =	simm.s32 @p2 $0xC150  }
0x2d: {  	s15 =	ssub.s32 @!p1 s15, s16  }
0x2e: {  	s16 =	sshrl.u32 @!p1 s17, $0x8;
	s15 =	sadd.s32 @!p1 $0xFFFF3EB0, s15  }
0x2f: {  	s17 =	sxor.u32 @!p1 $0xFFFFFFFF, s12;
	s16 =	smul.u32 @!p1 $0xC350, s16;
	s18 =	sshll.u32 @!p1 s15, $0x7  }
0x30: {  	s17 =	sshll.u32 @!p1 s17, $0xE;
	p2 =	sgt.s32 @!p1 s15, $0x1FF;
	s15 =	ssub.s32 @!p1 $0x10000, s18  }
0x31: {  	s14 =	ssub.s32 @!p1 s14, s16;
	p2 =	por !p2, p1;
	s16 =	sand.u32 @!p1 $0x4000, s17  }
0x32: {  	s17 =	simm.s32 @!p1 $0x20;
	s15 =	sshrl.u32 @!p1 s15, $0x2;
	s14 =	sshll.u32 @!p1 s14, $0x4  }
0x33: {  	s18 =	simm.s32 @!p1 $0x80;
	s15 =	simm.s32 @!p2 $0x0;
	s14 =	sadd.s32 @!p1 s2, s14  }
0x34: {  	[tilespmem:s16], [sflag:$0x1] =	stream.strided.gather @!p1 [hbm4b:s14+s17], s15, s18, s17, $0x38;
	[tilespmem:$0x10000] =	vst v63  }
0x35: {  	p1 =	seq.s32 s12, $0x0  }
0x36: {  	p2 =	sge.u32 @!p1 s12, s7  }
0x37: {  	p1 =	por p1, p2  }
.Ltmp2:
0x38: {  	_ = 	snop;
	(pc) =	sbr.rel @p1 .LBB2_7-.Ltmp2, $1  }
0x39: {  	_ =	sdelay $0x3  }
0x3a: {  	p1 =	sgt.s32 s11, $0xC150;
	s14 =	smov.u32 s11;
	s15 =	sshra.s32 s11, $0x1F  }
0x3b: {  	s14 =	simm.s32 @!p1 $0xC150;
	s15 =	sand.u32 s15, s11  }
0x3c: {  	s14 =	ssub.s32 s14, s15  }
0x3d: {  	s14 =	sadd.s32 $0xFFFF3EB0, s14  }
0x3e: {  	s31 =	sshll.u32 s14, $0x7  }
0x3f: {  	s15 =	ssub.s32 $0x10000, s31  }
0x40: {  	p1 =	sgt.s32 s14, $0x1FF;
	s14 =	sshrl.u32 s15, $0x2;
	s15 =	sadd.s32 $0x200, s11  }
0x41: {  	s14 =	simm.s32 @p1 $0x0;
	p1 =	slt.s32 s15, $0xC350  }
0x42: {  	s15 =	simm.s32 @!p1 $0xC350  }
0x43: {  	s17 =	ssub.s32 s15, s11  }
0x44: {  	p1 =	slt.s32 s17, $0x1  }
.Ltmp3:
0x45: {  	_ = 	snop;
	(pc) =	sbr.rel @p1 .LBB2_6-.Ltmp3, $4  }
0x46: {  	_ = 	snop  }
0x47: {  	s16 =	sshll.u32 s12, $0xE;
	_ =	swait.ge [sflag:s4], s14  }
0x48: {  	s16 =	sand.u32 $0x4000, s16;
	s18 =	ssub.s32 $0x0, s14;
	[sflag:s4] =	ssyncset.done $0x0  }
0x49: {  	s15 =	sor.u32 $0x8000, s16;
	[sflag:s4] =	ssyncadd.s32 s18  }
0x4a: {  	v0 =	vmov s16;
	_ =	sdelay $0x2  }
0x4b: {  	s31 =	simm.s32 $0x0;
	p1 =	sne.s32 s17, $0x1  }
.Ltmp4:
0x4c: {  	s16 =	sand.u32 $0x3FE0, s31;
	(pc) =	sbr.rel @!p1 .LBB2_5-.Ltmp4, $2  }
0x4d: {  	v1 =	vmov s15;
	v2 =	vld.idx.msk [tilespmem:v0+s16+$0x0 ss:$0x1], $0xffff;
	_ =	sdelay $0x2  }
0x4e: {  	s17 =	sadd.s32 $0xFFFFFFFF, s17;
	s18 =	simm.s32 $0x20  }
.LBB2_4:
0x4f: {  	s19 =	sand.u32 $0x3FE0, s18;
	p1 =	sne.s32 s17, $0x1;
	s17 =	sadd.s32 $0xFFFFFFFF, s17  }
.Ltmp5:
0x50: {  	[tilespmem:v1+s16+$0x0 ss:$0x1] =	vst.idx.msk $0xffff, v2;
	v2 =	vld.idx.msk [tilespmem:v0+s19+$0x0 ss:$0x1], $0xffff;
	s16 =	smov.u32 s19;
	(pc) =	sbr.rel @p1 .LBB2_4-.Ltmp5, $2  }
0x51: {  	_ =	sdelay $0x2  }
0x52: {  	s18 =	sadd.s32 $0x20, s18  }
.Ltmp6:
0x53: {  	_ = 	snop;
	(pc) =	sbr.rel .LBB2_5-.Ltmp6, $1  }
0x54: {  	_ =	sdelay $0x3  }
.LBB2_8:
0x55: {  	_ =	sfence.sel $0x180000  }
0x56: {  	s2 =	simm.s32 $0x1;
	[bflag:$0x0] =	sbarrier.arrive $0xFFFF  }
0x57: {  	s31 =	simm.s32 $0x2;
	[sflag:s2] =	ssyncpa.u1 $0x1  }
0x58: {  	[sflag:s31] =	ssyncpa.u1 $0x1  }
0x59: {  	_ =	strace $0x90000059  }
0x5a: {  	s0 =	sadd.s32 @!p0 $0x100000, s0;
	[bflag:$0x2] =	sbarrier.arrive $0xFFFF  }
0x5b: {  	[sflag:s0] =	ssyncadd.tile.s32 @!p0 $0x1;
	s0 =	simm.s32 @!p0 $0x3F  }
0x5c: {  	_ =	swait.ge @!p0 [sflag:s0], s1  }
0x5d: {  	s1 =	ssub.s32 @!p0 $0x0, s1;
	[sflag:s0] =	ssyncset.done @!p0 $0x0  }
0x5e: {  	[sflag:s0] =	ssyncadd.s32 @!p0 s1  }
0x5f: {  	[bflag:$0x3] =	sbarrier.arrive $0xFFFF  }
0x60: {  	_ =	shalt  }
.Lfunc_end2:
execute1_lowered:
.L_overlay_start_2:
0x61: {  	(tag) =	ssettag $0x2  }
0x62: {  	s11 =	rddreg [dreg:$0x0]  }
0x63: {  	s2 =	rddreg [dreg:$0x1];
	_ =	strace $0x8000005C;
	s12 =	simm.s32 $0x1  }
0x64: {  	v0 =	vimm.s32 $0x0;
	[sflag:s12] =	ssyncpa.u1 $0x0  }
0x65: {  	[tilespmem:$0x28] =	vst v0  }
0x66: {  	[tilespmem:$0x38] =	vst v0  }
0x67: {  	[tilespmem:$0x48] =	vst v0  }
0x68: {  	[tilespmem:$0x58] =	vst v0  }
0x69: {  	[tilespmem:$0x68] =	vst v0  }
0x6a: {  	[tilespmem:$0x78] =	vst v0  }
0x6b: {  	[tilespmem:$0x88] =	vst v0  }
0x6c: {  	[tilespmem:$0x98] =	vst v0  }
0x6d: {  	[tilespmem:$0xA8] =	vst v0  }
0x6e: {  	[tilespmem:$0xB8] =	vst v0  }
0x6f: {  	[tilespmem:$0xC8] =	vst v0  }
0x70: {  	[tilespmem:$0xD8] =	vst v0  }
0x71: {  	[tilespmem:$0xE8] =	vst v0  }
0x72: {  	[tilespmem:$0xF8] =	vst v0  }
0x73: {  	[tilespmem:$0x108] =	vst v0  }
0x74: {  	[tilespmem:$0x118] =	vst v0  }
0x75: {  	[tilespmem:$0x128] =	vst v0  }
0x76: {  	[tilespmem:$0x138] =	vst v0  }
0x77: {  	[tilespmem:$0x148] =	vst v0  }
0x78: {  	[tilespmem:$0x158] =	vst v0  }
0x79: {  	[tilespmem:$0x168] =	vst v0  }
0x7a: {  	[tilespmem:$0x178] =	vst v0  }
0x7b: {  	[tilespmem:$0x188] =	vst v0  }
0x7c: {  	[tilespmem:$0x198] =	vst v0  }
0x7d: {  	[tilespmem:$0x1A8] =	vst v0  }
0x7e: {  	[tilespmem:$0x1B8] =	vst v0  }
0x7f: {  	[tilespmem:$0x1C8] =	vst v0  }
0x80: {  	[tilespmem:$0x1D8] =	vst v0  }
0x81: {  	[tilespmem:$0x1E8] =	vst v0  }
0x82: {  	[tilespmem:$0x1F8] =	vst v0  }
0x83: {  	[tilespmem:$0x208] =	vst v0  }
0x84: {  	[tilespmem:$0x218] =	vst v0  }
0x85: {  	[tilespmem:$0x228] =	vst v0  }
0x86: {  	[tilespmem:$0x238] =	vst v0  }
0x87: {  	[tilespmem:$0x248] =	vst v0  }
0x88: {  	[tilespmem:$0x258] =	vst v0  }
0x89: {  	[tilespmem:$0x268] =	vst v0  }
0x8a: {  	[tilespmem:$0x278] =	vst v0  }
0x8b: {  	[tilespmem:$0x288] =	vst v0  }
0x8c: {  	[tilespmem:$0x298] =	vst v0  }
0x8d: {  	[tilespmem:$0x2A8] =	vst v0  }
0x8e: {  	[tilespmem:$0x2B8] =	vst v0  }
0x8f: {  	[tilespmem:$0x2C8] =	vst v0  }
0x90: {  	[tilespmem:$0x2D8] =	vst v0  }
0x91: {  	[tilespmem:$0x2E8] =	vst v0  }
0x92: {  	[tilespmem:$0x2F8] =	vst v0  }
0x93: {  	[tilespmem:$0x308] =	vst v0  }
0x94: {  	[tilespmem:$0x318] =	vst v0  }
0x95: {  	[tilespmem:$0x328] =	vst v0  }
0x96: {  	[tilespmem:$0x338] =	vst v0  }
0x97: {  	[tilespmem:$0x348] =	vst v0  }
0x98: {  	[tilespmem:$0x358] =	vst v0  }
0x99: {  	[tilespmem:$0x368] =	vst v0  }
0x9a: {  	[tilespmem:$0x378] =	vst v0  }
0x9b: {  	[tilespmem:$0x388] =	vst v0  }
0x9c: {  	[tilespmem:$0x398] =	vst v0  }
0x9d: {  	[tilespmem:$0x3A8] =	vst v0  }
0x9e: {  	[tilespmem:$0x3B8] =	vst v0  }
0x9f: {  	[tilespmem:$0x3C8] =	vst v0  }
0xa0: {  	[tilespmem:$0x3D8] =	vst v0  }
0xa1: {  	[tilespmem:$0x3E8] =	vst v0  }
0xa2: {  	[tilespmem:$0x3F8] =	vst v0  }
0xa3: {  	[tilespmem:$0x408] =	vst v0  }
0xa4: {  	[tilespmem:$0x418] =	vst v0  }
0xa5: {  	[tilespmem:$0x428] =	vst v0  }
0xa6: {  	[tilespmem:$0x438] =	vst v0  }
0xa7: {  	[tilespmem:$0x448] =	vst v0  }
0xa8: {  	[tilespmem:$0x458] =	vst v0  }
0xa9: {  	[tilespmem:$0x468] =	vst v0  }
0xaa: {  	[tilespmem:$0x478] =	vst v0  }
0xab: {  	[tilespmem:$0x488] =	vst v0  }
0xac: {  	[tilespmem:$0x498] =	vst v0  }
0xad: {  	[tilespmem:$0x4A8] =	vst v0  }
0xae: {  	[tilespmem:$0x4B8] =	vst v0  }
0xaf: {  	[tilespmem:$0x4C8] =	vst v0  }
0xb0: {  	[tilespmem:$0x4D8] =	vst v0  }
0xb1: {  	[tilespmem:$0x4E8] =	vst v0  }
0xb2: {  	[tilespmem:$0x4F8] =	vst v0  }
0xb3: {  	[tilespmem:$0x508] =	vst v0  }
0xb4: {  	[tilespmem:$0x518] =	vst v0  }
0xb5: {  	[tilespmem:$0x528] =	vst v0  }
0xb6: {  	[tilespmem:$0x538] =	vst v0  }
0xb7: {  	[tilespmem:$0x548] =	vst v0  }
0xb8: {  	[tilespmem:$0x558] =	vst v0  }
0xb9: {  	[tilespmem:$0x568] =	vst v0  }
0xba: {  	[tilespmem:$0x578] =	vst v0  }
0xbb: {  	[tilespmem:$0x588] =	vst v0  }
0xbc: {  	[tilespmem:$0x598] =	vst v0  }
0xbd: {  	[tilespmem:$0x5A8] =	vst v0  }
0xbe: {  	[tilespmem:$0x5B8] =	vst v0  }
0xbf: {  	[tilespmem:$0x5C8] =	vst v0  }
0xc0: {  	[tilespmem:$0x5D8] =	vst v0  }
0xc1: {  	[tilespmem:$0x5E8] =	vst v0  }
0xc2: {  	[tilespmem:$0x5F8] =	vst v0  }
0xc3: {  	[tilespmem:$0x608] =	vst v0  }
0xc4: {  	[tilespmem:$0x618] =	vst v0  }
0xc5: {  	[tilespmem:$0x628] =	vst v0  }
0xc6: {  	[tilespmem:$0x638] =	vst v0  }
0xc7: {  	[tilespmem:$0x648] =	vst v0  }
0xc8: {  	[tilespmem:$0x658] =	vst v0  }
0xc9: {  	[tilespmem:$0x668] =	vst v0  }
0xca: {  	[tilespmem:$0x678] =	vst v0  }
0xcb: {  	[tilespmem:$0x688] =	vst v0  }
0xcc: {  	[tilespmem:$0x698] =	vst v0  }
0xcd: {  	[tilespmem:$0x6A8] =	vst v0  }
0xce: {  	[tilespmem:$0x6B8] =	vst v0  }
0xcf: {  	[tilespmem:$0x6C8] =	vst v0  }
0xd0: {  	[tilespmem:$0x6D8] =	vst v0  }
0xd1: {  	[tilespmem:$0x6E8] =	vst v0  }
0xd2: {  	[tilespmem:$0x6F8] =	vst v0  }
0xd3: {  	[tilespmem:$0x708] =	vst v0  }
0xd4: {  	[tilespmem:$0x718] =	vst v0  }
0xd5: {  	[tilespmem:$0x728] =	vst v0  }
0xd6: {  	[tilespmem:$0x738] =	vst v0  }
0xd7: {  	[tilespmem:$0x748] =	vst v0  }
0xd8: {  	[tilespmem:$0x758] =	vst v0  }
0xd9: {  	[tilespmem:$0x768] =	vst v0  }
0xda: {  	[tilespmem:$0x778] =	vst v0  }
0xdb: {  	[tilespmem:$0x788] =	vst v0  }
0xdc: {  	[tilespmem:$0x798] =	vst v0  }
0xdd: {  	[tilespmem:$0x7A8] =	vst v0  }
0xde: {  	[tilespmem:$0x7B8] =	vst v0  }
0xdf: {  	[tilespmem:$0x7C8] =	vst v0  }
0xe0: {  	[tilespmem:$0x7D8] =	vst v0  }
0xe1: {  	[tilespmem:$0x7E8] =	vst v0  }
0xe2: {  	[tilespmem:$0x7F8] =	vst v0  }
0xe3: {  	[tilespmem:$0x808] =	vst v0  }
0xe4: {  	[tilespmem:$0x818] =	vst v0  }
0xe5: {  	[tilespmem:$0x828] =	vst v0  }
0xe6: {  	[tilespmem:$0x838] =	vst v0  }
0xe7: {  	[tilespmem:$0x848] =	vst v0  }
0xe8: {  	[tilespmem:$0x858] =	vst v0  }
0xe9: {  	[tilespmem:$0x868] =	vst v0  }
0xea: {  	[tilespmem:$0x878] =	vst v0  }
0xeb: {  	[tilespmem:$0x888] =	vst v0  }
0xec: {  	[tilespmem:$0x898] =	vst v0  }
0xed: {  	[tilespmem:$0x8A8] =	vst v0  }
0xee: {  	[tilespmem:$0x8B8] =	vst v0  }
0xef: {  	[tilespmem:$0x8C8] =	vst v0  }
0xf0: {  	[tilespmem:$0x8D8] =	vst v0  }
0xf1: {  	[tilespmem:$0x8E8] =	vst v0  }
0xf2: {  	[tilespmem:$0x8F8] =	vst v0  }
0xf3: {  	[tilespmem:$0x908] =	vst v0  }
0xf4: {  	[tilespmem:$0x918] =	vst v0  }
0xf5: {  	[tilespmem:$0x928] =	vst v0  }
0xf6: {  	[tilespmem:$0x938] =	vst v0  }
0xf7: {  	[tilespmem:$0x948] =	vst v0  }
0xf8: {  	[tilespmem:$0x958] =	vst v0  }
0xf9: {  	[tilespmem:$0x968] =	vst v0  }
0xfa: {  	[tilespmem:$0x978] =	vst v0  }
0xfb: {  	[tilespmem:$0x988] =	vst v0  }
0xfc: {  	[tilespmem:$0x998] =	vst v0  }
0xfd: {  	[tilespmem:$0x9A8] =	vst v0  }
0xfe: {  	[tilespmem:$0x9B8] =	vst v0  }
0xff: {  	[tilespmem:$0x9C8] =	vst v0  }
0x100: {  	[tilespmem:$0x9D8] =	vst v0  }
0x101: {  	[tilespmem:$0x9E8] =	vst v0  }
0x102: {  	[tilespmem:$0x9F8] =	vst v0  }
0x103: {  	[tilespmem:$0xA08] =	vst v0  }
0x104: {  	[tilespmem:$0xA18] =	vst v0  }
0x105: {  	[tilespmem:$0xA28] =	vst v0  }
0x106: {  	[tilespmem:$0xA38] =	vst v0  }
0x107: {  	[tilespmem:$0xA48] =	vst v0  }
0x108: {  	[tilespmem:$0xA58] =	vst v0  }
0x109: {  	[tilespmem:$0xA68] =	vst v0  }
0x10a: {  	[tilespmem:$0xA78] =	vst v0  }
0x10b: {  	[tilespmem:$0xA88] =	vst v0  }
0x10c: {  	[tilespmem:$0xA98] =	vst v0  }
0x10d: {  	[tilespmem:$0xAA8] =	vst v0  }
0x10e: {  	[tilespmem:$0xAB8] =	vst v0  }
0x10f: {  	[tilespmem:$0xAC8] =	vst v0  }
0x110: {  	[tilespmem:$0xAD8] =	vst v0  }
0x111: {  	[tilespmem:$0xAE8] =	vst v0  }
0x112: {  	[tilespmem:$0xAF8] =	vst v0  }
0x113: {  	[tilespmem:$0xB08] =	vst v0  }
0x114: {  	[tilespmem:$0xB18] =	vst v0  }
0x115: {  	[tilespmem:$0xB28] =	vst v0  }
0x116: {  	[tilespmem:$0xB38] =	vst v0  }
0x117: {  	[tilespmem:$0xB48] =	vst v0  }
0x118: {  	[tilespmem:$0xB58] =	vst v0  }
0x119: {  	[tilespmem:$0xB68] =	vst v0  }
0x11a: {  	[tilespmem:$0xB78] =	vst v0  }
0x11b: {  	[tilespmem:$0xB88] =	vst v0  }
0x11c: {  	[tilespmem:$0xB98] =	vst v0  }
0x11d: {  	[tilespmem:$0xBA8] =	vst v0  }
0x11e: {  	[tilespmem:$0xBB8] =	vst v0  }
0x11f: {  	[tilespmem:$0xBC8] =	vst v0  }
0x120: {  	[tilespmem:$0xBD8] =	vst v0  }
0x121: {  	[tilespmem:$0xBE8] =	vst v0  }
0x122: {  	[tilespmem:$0xBF8] =	vst v0  }
0x123: {  	[tilespmem:$0xC08] =	vst v0  }
0x124: {  	[tilespmem:$0xC18] =	vst v0  }
0x125: {  	[tilespmem:$0xC28] =	vst v0  }
0x126: {  	[tilespmem:$0xC38] =	vst v0  }
0x127: {  	[tilespmem:$0xC48] =	vst v0  }
0x128: {  	[tilespmem:$0xC58] =	vst v0  }
0x129: {  	[tilespmem:$0xC68] =	vst v0  }
0x12a: {  	[tilespmem:$0xC78] =	vst v0  }
0x12b: {  	[tilespmem:$0xC88] =	vst v0  }
0x12c: {  	[tilespmem:$0xC98] =	vst v0  }
0x12d: {  	[tilespmem:$0xCA8] =	vst v0  }
0x12e: {  	[tilespmem:$0xCB8] =	vst v0  }
0x12f: {  	[tilespmem:$0xCC8] =	vst v0  }
0x130: {  	[tilespmem:$0xCD8] =	vst v0  }
0x131: {  	[tilespmem:$0xCE8] =	vst v0  }
0x132: {  	[tilespmem:$0xCF8] =	vst v0  }
0x133: {  	[tilespmem:$0xD08] =	vst v0  }
0x134: {  	[tilespmem:$0xD18] =	vst v0  }
0x135: {  	[tilespmem:$0xD28] =	vst v0  }
0x136: {  	[tilespmem:$0xD38] =	vst v0  }
0x137: {  	[tilespmem:$0xD48] =	vst v0  }
0x138: {  	[tilespmem:$0xD58] =	vst v0  }
0x139: {  	[tilespmem:$0xD68] =	vst v0  }
0x13a: {  	[tilespmem:$0xD78] =	vst v0  }
0x13b: {  	[tilespmem:$0xD88] =	vst v0  }
0x13c: {  	[tilespmem:$0xD98] =	vst v0  }
0x13d: {  	[tilespmem:$0xDA8] =	vst v0  }
0x13e: {  	[tilespmem:$0xDB8] =	vst v0  }
0x13f: {  	[tilespmem:$0xDC8] =	vst v0  }
0x140: {  	[tilespmem:$0xDD8] =	vst v0  }
0x141: {  	[tilespmem:$0xDE8] =	vst v0  }
0x142: {  	[tilespmem:$0xDF8] =	vst v0  }
0x143: {  	[tilespmem:$0xE08] =	vst v0  }
0x144: {  	[tilespmem:$0xE18] =	vst v0  }
0x145: {  	[tilespmem:$0xE28] =	vst v0  }
0x146: {  	[tilespmem:$0xE38] =	vst v0  }
0x147: {  	[tilespmem:$0xE48] =	vst v0  }
0x148: {  	[tilespmem:$0xE58] =	vst v0  }
0x149: {  	[tilespmem:$0xE68] =	vst v0  }
0x14a: {  	[tilespmem:$0xE78] =	vst v0  }
0x14b: {  	[tilespmem:$0xE88] =	vst v0  }
0x14c: {  	[tilespmem:$0xE98] =	vst v0  }
0x14d: {  	[tilespmem:$0xEA8] =	vst v0  }
0x14e: {  	[tilespmem:$0xEB8] =	vst v0  }
0x14f: {  	[tilespmem:$0xEC8] =	vst v0  }
0x150: {  	[tilespmem:$0xED8] =	vst v0  }
0x151: {  	[tilespmem:$0xEE8] =	vst v0  }
0x152: {  	[tilespmem:$0xEF8] =	vst v0  }
0x153: {  	[tilespmem:$0xF08] =	vst v0  }
0x154: {  	[tilespmem:$0xF18] =	vst v0  }
0x155: {  	[tilespmem:$0xF28] =	vst v0  }
0x156: {  	[tilespmem:$0xF38] =	vst v0  }
0x157: {  	[tilespmem:$0xF48] =	vst v0  }
0x158: {  	[tilespmem:$0xF58] =	vst v0  }
0x159: {  	[tilespmem:$0xF68] =	vst v0  }
0x15a: {  	[tilespmem:$0xF78] =	vst v0  }
0x15b: {  	[tilespmem:$0xF88] =	vst v0  }
0x15c: {  	[tilespmem:$0xF98] =	vst v0  }
0x15d: {  	[tilespmem:$0xFA8] =	vst v0  }
0x15e: {  	[tilespmem:$0xFB8] =	vst v0  }
0x15f: {  	[tilespmem:$0xFC8] =	vst v0  }
0x160: {  	[tilespmem:$0xFD8] =	vst v0  }
0x161: {  	[tilespmem:$0xFE8] =	vst v0  }
0x162: {  	[tilespmem:$0xFF8] =	vst v0  }
0x163: {  	[tilespmem:$0x1028] =	vst v0  }
0x164: {  	[tilespmem:$0x10E8] =	vst v0  }
0x165: {  	[tilespmem:$0x1068] =	vst v0  }
0x166: {  	[tilespmem:$0x1B28] =	vst v0  }
0x167: {  	[tilespmem:$0x1B18] =	vst v0  }
0x168: {  	[tilespmem:$0x1B08] =	vst v0  }
0x169: {  	[tilespmem:$0x1AF8] =	vst v0  }
0x16a: {  	[tilespmem:$0x1AE8] =	vst v0  }
0x16b: {  	[tilespmem:$0x1AD8] =	vst v0  }
0x16c: {  	[tilespmem:$0x1AC8] =	vst v0  }
0x16d: {  	[tilespmem:$0x1AB8] =	vst v0  }
0x16e: {  	[tilespmem:$0x1AA8] =	vst v0  }
0x16f: {  	[tilespmem:$0x1A98] =	vst v0  }
0x170: {  	[tilespmem:$0x1A88] =	vst v0  }
0x171: {  	[tilespmem:$0x1A78] =	vst v0  }
0x172: {  	[tilespmem:$0x1A68] =	vst v0  }
0x173: {  	[tilespmem:$0x1A58] =	vst v0  }
0x174: {  	[tilespmem:$0x1A48] =	vst v0  }
0x175: {  	[tilespmem:$0x1A38] =	vst v0  }
0x176: {  	[tilespmem:$0x1A28] =	vst v0  }
0x177: {  	[tilespmem:$0x1A18] =	vst v0  }
0x178: {  	[tilespmem:$0x1A08] =	vst v0  }
0x179: {  	[tilespmem:$0x19F8] =	vst v0  }
0x17a: {  	[tilespmem:$0x19E8] =	vst v0  }
0x17b: {  	[tilespmem:$0x19D8] =	vst v0  }
0x17c: {  	[tilespmem:$0x19C8] =	vst v0  }
0x17d: {  	[tilespmem:$0x19B8] =	vst v0  }
0x17e: {  	[tilespmem:$0x19A8] =	vst v0  }
0x17f: {  	[tilespmem:$0x1998] =	vst v0  }
0x180: {  	[tilespmem:$0x1988] =	vst v0  }
0x181: {  	[tilespmem:$0x1978] =	vst v0  }
0x182: {  	[tilespmem:$0x1968] =	vst v0  }
0x183: {  	[tilespmem:$0x1958] =	vst v0  }
0x184: {  	[tilespmem:$0x1948] =	vst v0  }
0x185: {  	[tilespmem:$0x1938] =	vst v0  }
0x186: {  	[tilespmem:$0x1928] =	vst v0  }
0x187: {  	[tilespmem:$0x1918] =	vst v0  }
0x188: {  	[tilespmem:$0x1908] =	vst v0  }
0x189: {  	[tilespmem:$0x18F8] =	vst v0  }
0x18a: {  	[tilespmem:$0x18E8] =	vst v0  }
0x18b: {  	[tilespmem:$0x18D8] =	vst v0  }
0x18c: {  	[tilespmem:$0x18C8] =	vst v0  }
0x18d: {  	[tilespmem:$0x18B8] =	vst v0  }
0x18e: {  	[tilespmem:$0x18A8] =	vst v0  }
0x18f: {  	[tilespmem:$0x1898] =	vst v0  }
0x190: {  	[tilespmem:$0x1888] =	vst v0  }
0x191: {  	[tilespmem:$0x1878] =	vst v0  }
0x192: {  	[tilespmem:$0x1868] =	vst v0  }
0x193: {  	[tilespmem:$0x1858] =	vst v0  }
0x194: {  	[tilespmem:$0x1848] =	vst v0  }
0x195: {  	[tilespmem:$0x1838] =	vst v0  }
0x196: {  	[tilespmem:$0x1828] =	vst v0  }
0x197: {  	[tilespmem:$0x1818] =	vst v0  }
0x198: {  	[tilespmem:$0x1808] =	vst v0  }
0x199: {  	[tilespmem:$0x17F8] =	vst v0  }
0x19a: {  	[tilespmem:$0x17E8] =	vst v0  }
0x19b: {  	[tilespmem:$0x17D8] =	vst v0  }
0x19c: {  	[tilespmem:$0x17C8] =	vst v0  }
0x19d: {  	[tilespmem:$0x17B8] =	vst v0  }
0x19e: {  	[tilespmem:$0x17A8] =	vst v0  }
0x19f: {  	[tilespmem:$0x1798] =	vst v0  }
0x1a0: {  	[tilespmem:$0x1788] =	vst v0  }
0x1a1: {  	[tilespmem:$0x1778] =	vst v0  }
0x1a2: {  	[tilespmem:$0x1768] =	vst v0  }
0x1a3: {  	[tilespmem:$0x1758] =	vst v0  }
0x1a4: {  	[tilespmem:$0x1748] =	vst v0  }
0x1a5: {  	[tilespmem:$0x1738] =	vst v0  }
0x1a6: {  	[tilespmem:$0x1728] =	vst v0  }
0x1a7: {  	[tilespmem:$0x1718] =	vst v0  }
0x1a8: {  	[tilespmem:$0x1708] =	vst v0  }
0x1a9: {  	[tilespmem:$0x16F8] =	vst v0  }
0x1aa: {  	[tilespmem:$0x16E8] =	vst v0  }
0x1ab: {  	[tilespmem:$0x16D8] =	vst v0  }
0x1ac: {  	[tilespmem:$0x16C8] =	vst v0  }
0x1ad: {  	[tilespmem:$0x16B8] =	vst v0  }
0x1ae: {  	[tilespmem:$0x16A8] =	vst v0  }
0x1af: {  	[tilespmem:$0x1698] =	vst v0  }
0x1b0: {  	[tilespmem:$0x1688] =	vst v0  }
0x1b1: {  	[tilespmem:$0x1678] =	vst v0  }
0x1b2: {  	[tilespmem:$0x1668] =	vst v0  }
0x1b3: {  	[tilespmem:$0x1658] =	vst v0  }
0x1b4: {  	[tilespmem:$0x1648] =	vst v0  }
0x1b5: {  	[tilespmem:$0x1638] =	vst v0  }
0x1b6: {  	[tilespmem:$0x1628] =	vst v0  }
0x1b7: {  	[tilespmem:$0x1618] =	vst v0  }
0x1b8: {  	[tilespmem:$0x1608] =	vst v0  }
0x1b9: {  	[tilespmem:$0x15F8] =	vst v0  }
0x1ba: {  	[tilespmem:$0x15E8] =	vst v0  }
0x1bb: {  	[tilespmem:$0x15D8] =	vst v0  }
0x1bc: {  	[tilespmem:$0x15C8] =	vst v0  }
0x1bd: {  	[tilespmem:$0x15B8] =	vst v0  }
0x1be: {  	[tilespmem:$0x15A8] =	vst v0  }
0x1bf: {  	[tilespmem:$0x1598] =	vst v0  }
0x1c0: {  	[tilespmem:$0x1588] =	vst v0  }
0x1c1: {  	[tilespmem:$0x1578] =	vst v0  }
0x1c2: {  	[tilespmem:$0x1568] =	vst v0  }
0x1c3: {  	[tilespmem:$0x1558] =	vst v0  }
0x1c4: {  	[tilespmem:$0x1548] =	vst v0  }
0x1c5: {  	[tilespmem:$0x1538] =	vst v0  }
0x1c6: {  	[tilespmem:$0x1528] =	vst v0  }
0x1c7: {  	[tilespmem:$0x1518] =	vst v0  }
0x1c8: {  	[tilespmem:$0x1508] =	vst v0  }
0x1c9: {  	[tilespmem:$0x14F8] =	vst v0  }
0x1ca: {  	[tilespmem:$0x14E8] =	vst v0  }
0x1cb: {  	[tilespmem:$0x14D8] =	vst v0  }
0x1cc: {  	[tilespmem:$0x14C8] =	vst v0  }
0x1cd: {  	[tilespmem:$0x14B8] =	vst v0  }
0x1ce: {  	[tilespmem:$0x14A8] =	vst v0  }
0x1cf: {  	[tilespmem:$0x1498] =	vst v0  }
0x1d0: {  	[tilespmem:$0x1488] =	vst v0  }
0x1d1: {  	[tilespmem:$0x1478] =	vst v0  }
0x1d2: {  	[tilespmem:$0x1468] =	vst v0  }
0x1d3: {  	[tilespmem:$0x1458] =	vst v0  }
0x1d4: {  	[tilespmem:$0x1448] =	vst v0  }
0x1d5: {  	[tilespmem:$0x1438] =	vst v0  }
0x1d6: {  	[tilespmem:$0x1428] =	vst v0  }
0x1d7: {  	[tilespmem:$0x1418] =	vst v0  }
0x1d8: {  	[tilespmem:$0x1408] =	vst v0  }
0x1d9: {  	[tilespmem:$0x13F8] =	vst v0  }
0x1da: {  	[tilespmem:$0x13E8] =	vst v0  }
0x1db: {  	[tilespmem:$0x13D8] =	vst v0  }
0x1dc: {  	[tilespmem:$0x13C8] =	vst v0  }
0x1dd: {  	[tilespmem:$0x13B8] =	vst v0  }
0x1de: {  	[tilespmem:$0x13A8] =	vst v0  }
0x1df: {  	[tilespmem:$0x1398] =	vst v0  }
0x1e0: {  	[tilespmem:$0x1388] =	vst v0  }
0x1e1: {  	[tilespmem:$0x1378] =	vst v0  }
0x1e2: {  	[tilespmem:$0x1368] =	vst v0  }
0x1e3: {  	[tilespmem:$0x1358] =	vst v0  }
0x1e4: {  	[tilespmem:$0x1348] =	vst v0  }
0x1e5: {  	[tilespmem:$0x1338] =	vst v0  }
0x1e6: {  	[tilespmem:$0x1328] =	vst v0  }
0x1e7: {  	[tilespmem:$0x1318] =	vst v0  }
0x1e8: {  	[tilespmem:$0x1308] =	vst v0  }
0x1e9: {  	[tilespmem:$0x12F8] =	vst v0  }
0x1ea: {  	[tilespmem:$0x12E8] =	vst v0  }
0x1eb: {  	[tilespmem:$0x12D8] =	vst v0  }
0x1ec: {  	[tilespmem:$0x12C8] =	vst v0  }
0x1ed: {  	[tilespmem:$0x12B8] =	vst v0  }
0x1ee: {  	[tilespmem:$0x12A8] =	vst v0  }
0x1ef: {  	[tilespmem:$0x1298] =	vst v0  }
0x1f0: {  	[tilespmem:$0x1288] =	vst v0  }
0x1f1: {  	[tilespmem:$0x1278] =	vst v0  }
0x1f2: {  	[tilespmem:$0x1268] =	vst v0  }
0x1f3: {  	[tilespmem:$0x1258] =	vst v0  }
0x1f4: {  	[tilespmem:$0x1248] =	vst v0  }
0x1f5: {  	[tilespmem:$0x1238] =	vst v0  }
0x1f6: {  	[tilespmem:$0x1228] =	vst v0  }
0x1f7: {  	[tilespmem:$0x1218] =	vst v0  }
0x1f8: {  	[tilespmem:$0x1208] =	vst v0  }
0x1f9: {  	[tilespmem:$0x11F8] =	vst v0  }
0x1fa: {  	[tilespmem:$0x11E8] =	vst v0  }
0x1fb: {  	[tilespmem:$0x11D8] =	vst v0  }
0x1fc: {  	[tilespmem:$0x11C8] =	vst v0  }
0x1fd: {  	[tilespmem:$0x11B8] =	vst v0  }
0x1fe: {  	[tilespmem:$0x11A8] =	vst v0  }
0x1ff: {  	[tilespmem:$0x1198] =	vst v0  }
0x200: {  	[tilespmem:$0x1188] =	vst v0  }
0x201: {  	[tilespmem:$0x1178] =	vst v0  }
0x202: {  	[tilespmem:$0x1168] =	vst v0  }
0x203: {  	[tilespmem:$0x1158] =	vst v0  }
0x204: {  	[tilespmem:$0x1148] =	vst v0  }
0x205: {  	[tilespmem:$0x1138] =	vst v0  }
0x206: {  	[tilespmem:$0x1128] =	vst v0  }
0x207: {  	[tilespmem:$0x1118] =	vst v0  }
0x208: {  	s4 =	stileid.u32;
	[tilespmem:$0x1108] =	vst v0  }
0x209: {  	s0 =	smul.u32 $0x15, s4;
	[tilespmem:$0x10F8] =	vst v0  }
0x20a: {  	s1 =	smin.u32 s4, $0xC;
	[tilespmem:$0x10C8] =	vst v0  }
0x20b: {  	[tilespmem:$0x10D8] =	vst v0;
	s0 =	sadd.s32 s1, s0  }
0x20c: {  	p0 =	slt.u32 s4, $0xC;
	[tilespmem:$0x10B8] =	vst v0;
	s1 =	simm.s32 $0x2520;
	s6 =	smul.u32 $0x1B0, s0  }
0x20d: {  	s1 =	simm.s32 @!p0 $0x2370;
	[tilespmem:$0x1038] =	vst v0  }
0x20e: {  	[tilespmem:$0x10A8] =	vst v0;
	s0 =	sadd.s32 s1, s6  }
0x20f: {  	s3 =	simm.s32 $0x2;
	s8 =	simm.s32 $0x9;
	[tilespmem:$0x1098] =	vst v0;
	s7 =	smin.u32 s0, $0x249F0  }
0x210: {  	s10 =	simm.s32 $0xA;
	s30 =	simm.s32 $0xB;
	[tilespmem:$0x1088] =	vst v0;
	s0 =	ssub.s32 s7, s6  }
0x211: {  	s16 =	simm.s32 $0x0;
	p4 =	por $0x0, $0x0;
	[tilespmem:$0x1078] =	vst v0;
	p0 =	sgt.s32 s0, $0x0  }
0x212: {  	s17 =	simm.s32 $0xC;
	s21 =	simm.s32 $0x0;
	[tilespmem:$0x1058] =	vst v0;
	s0 =	simm.s32 @!p0 $0x0  }
0x213: {  	s18 =	simm.s32 $0x0;
	s2 =	sand.u32 $0x1, s2;
	[tilespmem:$0x1048] =	vst v0;
	s29 =	smulhi.u32 $0x4BDA12F7, s0  }
0x214: {  	s20 =	simm.s32 $0x0;
	s31 =	sshll.u32 s4, $0x5;
	[tilespmem:$0x1018] =	vst v0;
	[dreg:$0x5] =	wrdreg s2  }
0x215: {  	s2 =	smul.u32 $0x493E, s2;
	[tilespmem:$0x1008] =	vst v0;
	[sflag:s3] =	ssyncpa.u1 $0x0;
	s1 =	sshrl.u32 s29, $0x7  }
0x216: {  	v0 =	vimm.s32 $0xFFFFFFFF;
	s3 =	sadd.s32 $0x2E1BC00, s11;
	[dreg:$0x4] =	wrdreg s31;
	s5 =	smul.u32 $0x1B0, s1  }
.Ltmp7:
0x217: {  	[tilespmem:$0x3648] =	vst v0;
	[sflag:s8] =	ssyncpa.u1 $0x0;
	s2 =	sadd.s32 s2, s11;
	(pc) =	sbr.rel .LBB3_1-.Ltmp7, $4  }
0x218: {  	[sflag:s10] =	ssyncpa.u1 $0x0;
	s11 =	sadd.s32 $0x3436200, s11;
	p0 =	sne.s32 s0, s5  }
0x219: {  	[sflag:s30] =	ssyncpa.u1 $0x0;
	s14 =	sadd.s32 $0x412E00, s2;
	s12 =	simm.s32 @!p0 $0x0  }
0x21a: {  	s15 =	sadd.s32 $0x409A00, s2;
	s19 =	smov.u32 s6;
	s12 =	sadd.s32 s12, s1  }
0x21b: {  	v0 =	vlaneseq.u32;
	[dreg:$0x6] =	wrdreg s6;
	p0 =	por $0x1, $0x1;
	s4 =	sadd.s32 $0x1, s12  }
.LBB3_18:
0x21c: {  	s0 =	simm.s32 $0x2  }
0x21d: {  	_ =	swait.ge [sflag:s0], $0x0  }
0x21e: {  	[sflag:s0] =	ssyncset.done $0x0;
	s0 =	simm.s32 $0x0  }
.LBB3_19:
0x21f: {  	_ =	swait.ge [sflag:s17], s0  }
0x220: {  	s31 =	ssub.s32 $0x0, s0;
	v1 =	vmov s23;
	vm0 =	veq.s32 v0, $0x0;
	[sflag:s17] =	ssyncset.done $0x0  }
0x221: {  	vm15 =	veq.s32 v0, $0x2;
	v1 =	vsel vm0, s28, v1;
	[sflag:s17] =	ssyncadd.s32 s31  }
0x222: {  	v1 =	vsel vm15, s21, v1;
	[sflag:s17] =	ssyncpa.u1 $0x1  }
0x223: {  	[tilespmem:$0x3648] =	vst v1  }
.LBB3_20:
0x224: {  	s0 =	sadd.s32 $0x1B0, s19  }
0x225: {  	s1 =	smov.u32 s6;
	p1 =	slt.s32 s0, s7  }
0x226: {  	s1 =	smov.u32 @p1 s0;
	p1 =	sne.s32 s20, s4  }
.Ltmp8:
0x227: {  	_ = 	snop;
	(pc) =	sbr.rel @!p1 .LBB3_21-.Ltmp8, $4  }
0x228: {  	_ = 	snop  }
0x229: {  	s21 =	smov.u32 s18  }
0x22a: {  	s31 =	sadd.s32 $0x1, s20;
	s18 =	smov.u32 s19;
	p0 =	por !p0, !p0  }
0x22b: {  	p4 =	por !p4, !p4;
	s20 =	smov.u32 s31;
	s19 =	smov.u32 s1  }
.LBB3_1:
0x22c: {  	p2 =	sge.u32 s20, s12  }
0x22d: {  	s0 =	smulhi.u32 @!p2 $0xAAAAAAAB, s20  }
0x22e: {  	s1 =	smov.u32 s19;
	p3 =	sgt.s32 @!p2 s19, $0x24840  }
0x22f: {  	s2 =	sshra.s32 @!p2 s19, $0x1F;
	p3 =	por !p3, p2;
	s0 =	sshrl.u32 @!p2 s0, $0x1  }
0x230: {  	s2 =	sand.u32 @!p2 s2, s19;
	s1 =	simm.s32 @p3 $0x24840;
	s0 =	smul.u32 @!p2 $0x3, s0  }
0x231: {  	s1 =	ssub.s32 @!p2 s1, s2  }
0x232: {  	s23 =	sadd.s32 $0xFFFFFFFF, s20;
	s1 =	sadd.s32 @!p2 $0xFFFDB7C0, s1;
	s0 =	ssub.s32 @!p2 s20, s0  }
0x233: {  	s2 =	sshll.u32 @!p2 s1, $0x2;
	p3 =	sgt.s32 @!p2 s1, $0x1AF;
	s0 =	smul.u32 @!p2 $0x6C0, s0  }
0x234: {  	s5 =	sand.u32 @!p2 $0x7, s19;
	s1 =	ssub.s32 @!p2 $0x6C0, s2;
	p3 =	por !p3, p2  }
0x235: {  	s2 =	sshrl.u32 @!p2 s19, $0x3;
	s1 =	sshrl.u32 @!p2 s1, $0x2;
	s0 =	sshrl.u32 @!p2 s0, $0x2  }
0x236: {  	s2 =	sadd.s32 @!p2 s2, s14;
	s1 =	simm.s32 @!p3 $0x0;
	s0 =	sadd.s32 @!p2 $0x3888, s0  }
0x237: {  	[tilespmem:s0], [sflag:$0xA] =	stream.linear.gather @!p2 [hbm4b:s2+s5], s1, $0x38;
	[tilespmem:$0x1F0F8] =	vst v63  }
0x238: {  	p2 =	sge.u32 s23, s12  }
0x239: {  	p3 =	sgt.s32 @!p2 s18, $0x24840  }
0x23a: {  	s0 =	smov.u32 s18;
	s1 =	sshra.s32 @!p2 s18, $0x1F;
	p3 =	por !p3, p2  }
0x23b: {  	s1 =	sand.u32 @!p2 s1, s18;
	s0 =	simm.s32 @p3 $0x24840  }
0x23c: {  	s0 =	ssub.s32 @!p2 s0, s1  }
0x23d: {  	s0 =	sadd.s32 @!p2 $0xFFFDB7C0, s0  }
0x23e: {  	s1 =	sshll.u32 @!p2 s0, $0x2  }
0x23f: {  	p3 =	sgt.s32 @!p2 s0, $0x1AF;
	s0 =	ssub.s32 @!p2 $0x6C0, s1  }
0x240: {  	s22 =	ssub.s32 @!p2 $0x249F0, s18;
	p3 =	por !p3, p2;
	s0 =	sshrl.u32 @!p2 s0, $0x2  }
0x241: {  	s1 =	sand.u32 @!p2 $0x1, s23;
	s0 =	simm.s32 @!p3 $0x0;
	p3 =	slt.s32 @!p2 s22, $0x1  }
0x242: {  	s2 =	simm.s32 @!p2 $0xA;
	s1 =	smul.u32 @!p2 $0x6C0, s1;
	p3 =	por p2, p3  }
.Ltmp9:
0x243: {  	_ =	swait.ge @!p2 [sflag:s2], s0;
	(pc) =	sbr.rel @p3 .LBB3_7-.Ltmp9, $4  }
0x244: {  	s5 =	ssub.s32 @!p2 $0x0, s0;
	[sflag:s2] =	ssyncset.done @!p2 $0x0  }
0x245: {  	s1 =	sshrl.u32 @!p2 s1, $0x2;
	[sflag:s2] =	ssyncadd.s32 @!p2 s5;
	s2 =	sshrl.u32 @!p2 s18, $0x3  }
0x246: {  	s1 =	sadd.s32 @!p2 $0x3D98, s1;
	s5 =	sand.u32 @!p2 $0x7, s18;
	s2 =	sadd.s32 @!p2 s2, s15  }
0x247: {  	[tilespmem:s1], [sflag:$0xB] =	stream.linear.gather @!p2 [hbm4b:s2+s5], s0, $0x38;
	[tilespmem:$0x1F0F8] =	vst v63  }
0x248: {  	s0 =	smulhi.u32 $0xAAAAAAAB, s23;
	_ =	sdelay $0x1  }
0x249: {  	s0 =	sshrl.u32 s0, $0x1  }
0x24a: {  	s0 =	smul.u32 $0x3, s0;
	_ =	sdelay $0x1  }
0x24b: {  	s0 =	ssub.s32 s23, s0  }
0x24c: {  	s1 =	simm.s32 $0x1;
	s0 =	smul.u32 $0x6C0, s0  }
.Ltmp10:
0x24d: {  	s1 =	simm.s32 @!p0 $0x0;
	(pc) =	sbr.rel .LBB3_4-.Ltmp10, $4  }
0x24e: {  	s1 =	smul.u32 $0x36000, s1  }
0x24f: {  	p3 =	slt.s32 @!p2 s22, $0x1B0;
	s0 =	sshrl.u32 s0, $0x2  }
0x250: {  	p2 =	por !p3, p2;
	s1 =	sshrl.u32 s1, $0x2;
	s0 =	sadd.s32 $0x3888, s0  }
0x251: {  	s24 =	simm.s32 $0x0;
	s22 =	simm.s32 @p2 $0x1B0;
	s23 =	sadd.s32 $0x40F8, s1;
	v1 =	vmov s0  }
.LBB3_3:
0x252: {  	p2 =	sge.s32 s24, s22  }
.Ltmp11:
0x253: {  	_ = 	snop;
	(pc) =	sbr.rel @p2 .LBB3_7-.Ltmp11, $2  }
0x254: {  	_ =	sdelay $0x2  }
0x255: {  	s23 =	sadd.s32 $0x800, s23  }
.LBB3_4:
0x256: {  	p2 =	sle.s32 s22, s24  }
.Ltmp12:
0x257: {  	_ = 	snop;
	(pc) =	sbr.rel @p2 .LBB3_3-.Ltmp12, $2  }
0x258: {  	_ =	sdelay $0x2  }
0x259: {  	s0 =	smov.u32 s24;
	s24 =	sadd.s32 $0x10, s24  }
0x25a: {  	s1 =	ssub.s32 s22, s0  }
0x25b: {  	p2 =	slt.s32 s1, $0x10  }
0x25c: {  	s1 =	simm.s32 @!p2 $0x10  }
0x25d: {  	v2 =	vmov s1  }
0x25e: {  	vm0 =	vgt.s32 v2, v0;
	_ =	sdelay $0x5  }
0x25f: {  	v2 =	vld.idx.msk [tilespmem:v1+s0+$0x0 ss:$0x1], vm0;
	_ =	sdelay $0x2  }
0x260: {  	p2 =	slt.s32 s24, s22;
	s1 =	smov.u32 s22  }
0x261: {  	s2 =	smov.u32 s23;
	s25 =	simm.s32 $0x0;
	s1 =	smov.u32 @p2 s24  }
.LBB3_6:
0x262: {  	(v2sf) =	vpush v2, s25;
	_ =	sdelay $0xc  }
0x263: {  	s25 =	sadd.s32 $0x1, s25  }
0x264: {  	s31 =	sadd.s32 s25, s0  }
0x265: {  	p2 =	slt.s32 s31, s1;
	s5 =	spop (v2sf)  }
.Ltmp13:
0x266: {  	s5 =	sshll.u32 s5, $0x4;
	(pc) =	sbr.rel @p2 .LBB3_6-.Ltmp13, $4  }
0x267: {  	s5 =	sand.u32 $0x1FFFFFF0, s5  }
0x268: {  	s5 =	sadd.s32 s11, s5  }
0x269: {  	[tilespmem:s2], [sflag:$0x9] =	stream.linear.gather [hbm4b:s5+s16], $0x4, $0x38;
	[tilespmem:$0x1F0F8] =	vst v63  }
0x26a: {  	s2 =	sadd.s32 $0x80, s2  }
.Ltmp14:
0x26b: {  	_ = 	snop;
	(pc) =	sbr.rel .LBB3_3-.Ltmp14, $1  }
0x26c: {  	_ =	sdelay $0x3  }
.LBB3_7:
0x26d: {  	p2 =	slt.u32 s20, $0x2  }
.Ltmp15:
0x26e: {  	_ = 	snop;
	(pc) =	sbr.rel @p2 .LBB3_20-.Ltmp15, $1  }
0x26f: {  	_ =	sdelay $0x3  }
0x270: {  	p2 =	sgt.s32 s21, $0x24840  }
0x271: {  	s0 =	smov.u32 s21;
	s1 =	sshra.s32 s21, $0x1F;
	s2 =	ssub.s32 $0x249F0, s21  }
0x272: {  	s0 =	simm.s32 @!p2 $0x24840;
	s1 =	sand.u32 s1, s21;
	p2 =	slt.s32 s2, $0x1B0  }
0x273: {  	s0 =	ssub.s32 s0, s1;
	s2 =	simm.s32 @!p2 $0x1B0  }
0x274: {  	s0 =	sadd.s32 $0xFFFDB7C0, s0;
	s24 =	sshll.u32 s2, $0x2  }
0x275: {  	s28 =	simm.s32 $0x9;
	s25 =	sshll.u32 s0, $0x2;
	s1 =	sand.u32 $0x3FFFFFFC, s24  }
0x276: {  	p2 =	sgt.s32 s0, $0x1AF;
	s26 =	ssub.s32 $0x6C0, s25;
	_ =	swait.ge [sflag:s28], s1  }
0x277: {  	s1 =	ssub.s32 $0x0, s1;
	[sflag:s28] =	ssyncset.done $0x0;
	s0 =	sshrl.u32 s26, $0x2  }
0x278: {  	s30 =	simm.s32 $0xB;
	[sflag:s28] =	ssyncadd.s32 s1;
	s0 =	simm.s32 @p2 $0x0  }
0x279: {  	_ =	swait.ge [sflag:s30], s0  }
0x27a: {  	s0 =	ssub.s32 $0x0, s0;
	[sflag:s30] =	ssyncset.done $0x0  }
0x27b: {  	[sflag:s30] =	ssyncadd.s32 s0  }
0x27c: {  	v1 =	vld [tilespmem:$0x3648];
	_ =	sdelay $0x4  }
0x27d: {  	(v2sf) =	vpush v1, $0x0  }
0x27e: {  	(v2sf) =	vpush v1, $0x1  }
0x27f: {  	(v2sf) =	vpush v1, $0x2;
	_ =	sdelay $0x3  }
0x280: {  	s0 =	sadd.s32 $0x1B0, s21  }
0x281: {  	s1 =	ssub.s32 $0x493E0, s21;
	p2 =	slt.s32 s7, s0  }
0x282: {  	s0 =	smov.u32 @p2 s7;
	p2 =	sgt.s32 s1, $0x0  }
0x283: {  	s25 =	ssub.s32 s0, s21;
	s1 =	simm.s32 @!p2 $0x0  }
0x284: {  	p2 =	slt.s32 s1, s25  }
0x285: {  	s25 =	smov.u32 @p2 s1  }
0x286: {  	s24 =	simm.s32 $0x1;
	p2 =	slt.s32 s25, $0x1  }
.Ltmp16:
0x287: {  	s24 =	simm.s32 @!p4 $0x0;
	(pc) =	sbr.rel @p2 .LBB3_12-.Ltmp16, $4  }
0x288: {  	s31 =	smul.u32 $0x6C0, s24  }
0x289: {  	s26 =	spop (v2sf)  }
0x28a: {  	s0 =	sshrl.u32 s31, $0x2;
	s29 =	spop (v2sf)  }
0x28b: {  	s22 =	sadd.s32 $0x3D98, s0;
	s21 =	spop (v2sf)  }
0x28c: {  	s0 =	smin.u32 s25, $0x10  }
0x28d: {  	v1 =	vmov s0  }
0x28e: {  	p3 =	sgt.s32 s25, $0x10;
	vm1 =	vgt.u32 v1, v0  }
.Ltmp17:
0x28f: {  	_ = 	snop;
	(pc) =	sbr.rel @!p3 .LBB3_11-.Ltmp17, $2  }
0x290: {  	_ =	sdelay $0x2  }
0x291: {  	s23 =	simm.s32 $0x10;
	s28 =	sadd.s32 $0xFFFFFFF0, s25;
	s0 =	smov.u32 s22;
	vm0 =	vmmov vm1  }
.LBB3_10:
0x292: {  	s1 =	smin.u32 s28, $0x10;
	s23 =	sadd.s32 $0x10, s23;
	v1 =	vld.msk [tilespmem:s0+$0x0 ss:$0x1], vm1  }
0x293: {  	v2 =	vmov s1;
	p3 =	slt.s32 s23, s25  }
0x294: {  	vm1 =	vgt.u32 v2, v0  }
.Ltmp18:
0x295: {  	(pc) =	sbr.rel @p3 .LBB3_10-.Ltmp18, $3  }
0x296: {  	_ =	sdelay $0x1  }
0x297: {  	v1 =	vshll.u32 v1, $0x4  }
0x298: {  	s28 =	sadd.s32 $0xFFFFFFF0, s28;
	[tilespmem:s0+$0x0] =	vst.msk vm0, v1;
	s0 =	sadd.s32 $0x10, s0;
	vm0 =	vmmov vm1  }
.LBB3_11:
0x299: {  	_ =	sdelay $0x4  }
0x29a: {  	v1 =	vld.msk [tilespmem:s0+$0x0 ss:$0x1], vm1;
	_ =	sdelay $0x4  }
0x29b: {  	v1 =	vshll.u32 v1, $0x4  }
0x29c: {  	[tilespmem:s0+$0x0] =	vst.msk vm0, v1  }
.LBB3_12:
0x29d: {  	s0 =	sand.u32 $0x1, s20  }
0x29e: {  	s0 =	smul.u32 $0x1B0, s0  }
0x29f: {  	p3 =	sne.s32 s29, $0xFFFFFFFF  }
0x2a0: {  	v1 =	vld.msk @!p3 [tilespmem:s0+$0x3D98], $0x1;
	_ =	sdelay $0x4  }
0x2a1: {  	(v2sf) =	vpush @!p3 v1, $0x0;
	_ =	sdelay $0xc  }
.Ltmp19:
0x2a2: {  	_ = 	snop;
	(pc) =	sbr.rel @p2 .LBB3_18-.Ltmp19, $4  }
0x2a3: {  	_ = 	snop  }
0x2a4: {  	s28 =	spop @!p3 (v2sf)  }
0x2a5: {  	s21 =	simm.s32 @!p3 $0x0;
	s23 =	smov.u32 s28  }
0x2a6: {  	[sflag:s17] =	ssyncpa.u1 $0x0;
	s28 =	smov.u32 @p3 s26;
	s23 =	smov.u32 @p3 s29  }
0x2a7: {  	v1 =	vld.msk [tilespmem:s22+$0x0], $0x1;
	_ =	sdelay $0x4  }
0x2a8: {  	(v2sf) =	vpush v1, $0x0;
	_ =	sdelay $0xe  }
0x2a9: {  	s0 =	simm.s32 @!p4 $0x0;
	s26 =	smul.u32 $0x36000, s24;
	s31 =	spop (v2sf)  }
0x2aa: {  	s29 =	ssub.s32 $0x0, s25;
	s0 =	simm.s32 @p4 $0x1;
	p2 =	seq.s32 s28, s31  }
0x2ab: {  	s1 =	smov.u32 s28;
	[smem:$0x7FD] =	sst s0;
	p3 =	sgt.s32 @!p2 s28, $0x0  }
0x2ac: {  	s0 =	sshrl.u32 s26, $0x2;
	s26 =	sadd.s32 $0x1, s29;
	p3 =	por !p3, p2  }
0x2ad: {  	s1 =	simm.s32 @p3 $0x0;
	p3 =	seq.s32 s26, $0x0  }
.Ltmp20:
0x2ae: {  	_ = 	snop;
	(pc) =	sbr.rel @p3 .LBB3_15-.Ltmp20, $4  }
0x2af: {  	s6 =	smov.u32 s4;
	s25 =	simm.s32 $0x0  }
0x2b0: {  	s24 =	sadd.s32 $0x40F8, s0;
	s0 =	simm.s32 @!p2 $0x1;
	s2 =	smin.u32 @!p2 s1, $0xC34FF  }
0x2b1: {  	s30 =	sadd.s32 $0x1, s22;
	s0 =	smov.u32 @p2 s25;
	s5 =	sand.u32 @!p2 $0xFFFF8, s2  }
0x2b2: {  	s1 =	simm.s32 @!p2 $0x1B38;
	s2 =	sand.u32 @!p2 $0x7, s2;
	s5 =	sadd.s32 @!p2 s3, s5  }
.LBB3_14:
0x2b3: {  	s4 =	smov.u32 s0  }
0x2b4: {  	[tilespmem:s1], [sflag:$0x2] =	stream.linear.gather @!p2 [hbm4b:s5+s2], $0x4, $0x38;
	[tilespmem:$0x1F0F8] =	vst v63  }
0x2b5: {  	s26 =	sadd.s32 $0x1, s26;
	s2 =	smov.u32 s31;
	v1 =	vld.msk [tilespmem:s30+$0x0], $0x1  }
0x2b6: {  	p3 =	seq.s32 s26, $0x0;
	_ =	sdelay $0x3  }
0x2b7: {  	(v2sf) =	vpush v1, $0x0;
	_ =	sdelay $0xe  }
0x2b8: {  	s31 =	spop (v2sf)  }
0x2b9: {  	p2 =	seq.s32 s2, s31  }
0x2ba: {  	p4 =	sgt.s32 @!p2 s2, $0x0;
	s1 =	sshll.u32 @!p2 s0, $0x6;
	s0 =	sadd.s32 @!p2 $0x1, s0  }
.Ltmp21:
0x2bb: {  	p4 =	por !p4, p2;
	s1 =	sshra.s32 @!p2 s1, $0x2;
	(pc) =	sbr.rel @!p3 .LBB3_14-.Ltmp21, $4  }
0x2bc: {  	s0 =	smov.u32 @p2 s4;
	s2 =	simm.s32 @p4 $0x0;
	s1 =	sadd.s32 @!p2 $0x1B38, s1  }
0x2bd: {  	s2 =	smin.u32 @!p2 s2, $0xC34FF  }
0x2be: {  	s4 =	sand.u32 @!p2 $0xFFFF8, s2;
	s2 =	sand.u32 @!p2 $0x7, s2  }
0x2bf: {  	s30 =	sadd.s32 $0x1, s30;
	s5 =	sadd.s32 @!p2 s3, s4  }
.LBB3_15:
0x2c0: {  	[tilespmem:s1], [sflag:$0x2] =	stream.linear.gather @!p2 [hbm4b:s5+s2], $0x4, $0x38;
	[tilespmem:$0x1F0F8] =	vst v63  }
0x2c1: {  	s0 =	sshll.u32 s0, $0x2  }
0x2c2: {  	s31 =	simm.s32 $0x2;
	s0 =	sand.u32 $0x3FFFFFFC, s0  }
0x2c3: {  	_ =	swait.ge [sflag:s31], s0  }
0x2c4: {  	s0 =	ssub.s32 $0x0, s0;
	[sflag:s31] =	ssyncset.done $0x0  }
0x2c5: {  	[sflag:s31] =	ssyncadd.s32 s0  }
0x2c6: {  	v1 =	vld.msk [tilespmem:s22+$0x0], $0x1;
	_ =	sdelay $0x4  }
0x2c7: {  	(v2sf) =	vpush v1, $0x0;
	_ =	sdelay $0xe  }
0x2c8: {  	s26 =	spop (v2sf)  }
0x2c9: {  	p2 =	sne.s32 s28, s26  }
0x2ca: {  	p4 =	sne.s32 @p2 s28, s23  }
0x2cb: {  	p3 =	por !p4, !p2  }
0x2cc: {  	s0 =	simm.s32 @!p3 $0x0  }
0x2cd: {  	v1 =	vld.msk @!p3 [tilespmem:s0+$0x1B38], $0xf  }
0x2ce: {  	p5 =	sgt.u32 @!p3 s28, $0xC34FF  }
0x2cf: {  	s1 =	sshll.u32 @!p3 s21, $0x6;
	p6 =	por @p2 p5, !p4  }
0x2d0: {  	s1 =	sshra.s32 @!p3 s1, $0x2;
	p1 =	por p6, !p2;
	p6 =	por p4, !p2  }
0x2d1: {  	s2 =	sadd.s32 @!p3 $0x28, s1;
	s4 =	sand.u32 @!p1 $0xFFFF8, s28;
	s5 =	sshll.u32 @!p6 s21, $0x6  }
0x2d2: {  	s28 =	sand.u32 @!p1 $0x7, s28;
	[tilespmem:s1+$0x28] =	vst.add.f32.msk @!p3 $0xf, v1;
	s1 =	sadd.s32 @!p1 s3, s4;
	s4 =	sshra.s32 @!p6 s5, $0x2  }
0x2d3: {  	[hbm4b:s1+s28] =	stream.linear.scatter @!p1 [tilespmem:s2], [sflag:$0xC], $0x4, $0x38;
	[tilespmem:$0x1F0F8] =	vst v63  }
0x2d4: {  	s0 =	rddreg [dreg:$0x4];
	s1 =	sadd.s32 @!p6 $0x28, s4;
	s2 =	simm.s32 @!p6 $0x1  }
0x2d5: {  	[spmem:s0] =	stream.linear.scatter @!p6 [tilespmem:s1], [sflag:$0x1], $0x4, $0x38;
	[tilespmem:$0x1F0F8] =	vst v63  }
0x2d6: {  	s0 =	sadd.s32 @p2 $0x1, s21;
	_ =	swait.ge @!p6 [sflag:s2], $0x4  }
0x2d7: {  	s1 =	sshrl.u32 @p2 s0, $0x4;
	[sflag:s2] =	ssyncset.done @!p6 $0x0  }
0x2d8: {  	s1 =	smulhi.u32 @p2 $0x97B425F, s1;
	[sflag:s2] =	ssyncadd.s32 @!p6 $0xFFFFFFFC  }
0x2d9: {  	s28 =	sadd.s32 $0x1, s29;
	v1 =	vld.msk @p2 [tilespmem:s24+$0x0], $0xf  }
0x2da: {  	p1 =	por @p2 !p5, !p4;
	p4 =	seq.s32 s28, $0x0;
	s1 =	smul.u32 @p2 $0x1B0, s1  }
.Ltmp22:
0x2db: {  	p1 =	por !p1, !p2;
	s2 =	simm.s32 @!p3 $0x0;
	(pc) =	sbr.rel @p4 .LBB3_17-.Ltmp22, $4  }
0x2dc: {  	s4 =	sshll.u32 @!p2 s21, $0x6;
	s2 =	simm.s32 @!p1 $0x10;
	s0 =	ssub.s32 @p2 s0, s1  }
0x2dd: {  	s29 =	simm.s32 $0x0;
	s2 =	sadd.s32 @!p3 $0x0, s2;
	s5 =	sshll.u32 @p2 s0, $0x4  }
0x2de: {  	s30 =	sshra.s32 @!p2 s4, $0x2;
	s1 =	simm.s32 @p2 $0x1;
	s2 =	smov.u32 @p3 s25;
	[tilespmem:s5+$0x28] =	vst.msk @p2 $0xf, v1  }
0x2df: {  	s21 =	smov.u32 @p2 s0;
	s29 =	smov.u32 @p2 s2;
	s25 =	smov.u32 @p2 s1;
	v1 =	vld.msk @!p2 [tilespmem:s24+$0x0], $0xf  }
.LBB3_16:
0x2e0: {  	_ =	sdelay $0x3  }
0x2e1: {  	s22 =	sadd.s32 $0x1, s22;
	[tilespmem:s30+$0x28] =	vst.add.f32.msk @!p2 $0xf, v1  }
0x2e2: {  	v1 =	vld.msk [tilespmem:s22+$0x0], $0x1;
	_ =	sdelay $0x4  }
0x2e3: {  	(v2sf) =	vpush v1, $0x0;
	_ =	sdelay $0xe  }
0x2e4: {  	s0 =	smov.u32 s26;
	s26 =	spop (v2sf)  }
0x2e5: {  	p2 =	sne.s32 s0, s26  }
0x2e6: {  	p5 =	sne.s32 @p2 s0, s23  }
0x2e7: {  	s4 =	sshll.u32 @!p2 s21, $0x6;
	p4 =	por !p5, !p2  }
0x2e8: {  	s30 =	sshra.s32 @!p2 s4, $0x2;
	s4 =	sshll.u32 @!p4 s25, $0x6  }
0x2e9: {  	s4 =	sshra.s32 @!p4 s4, $0x2  }
0x2ea: {  	p1 =	sgt.u32 @!p4 s0, $0xC34FF;
	v1 =	vld.msk @!p4 [tilespmem:s4+$0x1B38], $0xf  }
0x2eb: {  	s31 =	sshll.u32 @!p4 s21, $0x6;
	p6 =	por @p2 p1, !p5;
	p1 =	por @p2 !p1, !p5  }
0x2ec: {  	s8 =	simm.s32 @!p4 $0x0;
	s31 =	sshra.s32 @!p4 s31, $0x2;
	p1 =	por !p1, !p2  }
0x2ed: {  	p5 =	por p5, !p2;
	s8 =	simm.s32 @!p1 $0x10;
	p1 =	por p6, !p2  }
0x2ee: {  	s4 =	sadd.s32 @!p4 $0x28, s31;
	s13 =	sshll.u32 @!p5 s21, $0x6;
	s10 =	sand.u32 @!p1 $0xFFFF8, s0  }
0x2ef: {  	s13 =	sshra.s32 @!p5 s13, $0x2;
	s0 =	sand.u32 @!p1 $0x7, s0;
	s10 =	sadd.s32 @!p1 s3, s10;
	[tilespmem:s31+$0x28] =	vst.add.f32.msk @!p4 $0xf, v1  }
0x2f0: {  	[hbm4b:s10+s0] =	stream.linear.scatter @!p1 [tilespmem:s4], [sflag:$0xC], $0x4, $0x38;
	[tilespmem:$0x1F0F8] =	vst v63  }
0x2f1: {  	s1 =	rddreg [dreg:$0x4];
	s0 =	sadd.s32 @!p5 $0x28, s13;
	s4 =	simm.s32 @!p5 $0x1  }
0x2f2: {  	[spmem:s1] =	stream.linear.scatter @!p5 [tilespmem:s0], [sflag:$0x1], $0x4, $0x38;
	[tilespmem:$0x1F0F8] =	vst v63  }
0x2f3: {  	s2 =	sadd.s32 @p2 $0x1, s21;
	_ =	swait.ge @!p5 [sflag:s4], $0x4  }
0x2f4: {  	s5 =	sshrl.u32 @p2 s2, $0x4;
	[sflag:s4] =	ssyncset.done @!p5 $0x0  }
0x2f5: {  	s24 =	sadd.s32 $0x80, s24;
	s5 =	smulhi.u32 @p2 $0x97B425F, s5;
	[sflag:s4] =	ssyncadd.s32 @!p5 $0xFFFFFFFC  }
0x2f6: {  	s28 =	sadd.s32 $0x1, s28;
	v1 =	vld.msk @p2 [tilespmem:s24+$0x0], $0xf  }
0x2f7: {  	p3 =	seq.s32 s28, $0x0;
	s5 =	smul.u32 @p2 $0x1B0, s5  }
.Ltmp23:
0x2f8: {  	_ = 	snop;
	(pc) =	sbr.rel @!p3 .LBB3_16-.Ltmp23, $4  }
0x2f9: {  	s2 =	ssub.s32 @p2 s2, s5  }
0x2fa: {  	s8 =	sadd.s32 @!p4 s8, s29;
	s5 =	sshll.u32 @p2 s2, $0x4  }
0x2fb: {  	s9 =	sadd.s32 @p2 $0x1, s25;
	s8 =	smov.u32 @p4 s29;
	[tilespmem:s5+$0x28] =	vst.msk @p2 $0xf, v1  }
0x2fc: {  	s25 =	smov.u32 @p2 s9;
	s21 =	smov.u32 @p2 s2;
	s29 =	smov.u32 @p2 s8;
	v1 =	vld.msk @!p2 [tilespmem:s24+$0x0], $0xf  }
.LBB3_17:
.Ltmp24:
0x2fd: {  	_ = 	snop;
	(pc) =	sbr.rel .LBB3_19-.Ltmp24, $3  }
0x2fe: {  	s1 =	sld [smem:$0x7FD];
	_ =	sdelay $0x1  }
0x2ff: {  	s0 =	sshrl.u32 s29, $0x2;
	s28 =	smov.u32 s26  }
0x300: {  	s4 =	smov.u32 s6;
	s6 =	rddreg [dreg:$0x6];
	p4 =	seq.s32 s1, $0x1;
	[tilespmem:s30+$0x28] =	vst.add.f32.msk @!p2 $0xf, v1  }
.LBB3_21:
0x301: {  	_ =	sfence.sel $0x180000  }
0x302: {  	s0 =	simm.s32 $0x9;
	[bflag:$0x0] =	sbarrier.arrive $0xFFFF  }
0x303: {  	s24 =	simm.s32 $0xA;
	[sflag:s0] =	ssyncpa.u1 $0x1  }
0x304: {  	s25 =	simm.s32 $0xB;
	[sflag:s24] =	ssyncpa.u1 $0x1  }
0x305: {  	s26 =	simm.s32 $0x2;
	[sflag:s25] =	ssyncpa.u1 $0x1  }
0x306: {  	[sflag:s26] =	ssyncpa.u1 $0x1  }
0x307: {  	v0 =	vld [tilespmem:$0x3648];
	_ =	sdelay $0x4  }
0x308: {  	(v2sf) =	vpush v0, $0x0  }
0x309: {  	(v2sf) =	vpush v0, $0x1;
	_ =	sdelay $0x1  }
0x30a: {  	(v2sf) =	vpush v0, $0x2;
	_ =	sdelay $0xb  }
0x30b: {  	s0 =	spop (v2sf)  }
0x30c: {  	s1 =	spop (v2sf)  }
0x30d: {  	s2 =	smov.u32 s0;
	p0 =	sne.s32 s0, s1  }
0x30e: {  	s4 =	spop (v2sf);
	s2 =	simm.s32 @!p0 $0xFFFFFFFF  }
0x30f: {  	v2 =	vimm.s32 $0x1;
	v3 =	vlaneseq.u32;
	p0 =	seq.s32 s4, $0xFFFFFFFF;
	v1 =	vmov s2  }
0x310: {  	s16 =	stileid.u32;
	v0 =	vperm.xlane v0, v2;
	p1 =	sne.s32 @!p0 s0, s1;
	v1 =	vperm.xlane v1, v3  }
0x311: {  	vm0 =	vcmask $0x3F04;
	s6 =	simm.s32 $0x3648;
	s0 =	simm.s32 @!p0 $0x1;
	p1 =	por !p1, p0  }
0x312: {  	s2 =	sshll.u32 s16, $0x1;
	s1 =	sshll.u32 @!p0 s4, $0x6;
	s0 =	simm.s32 @p1 $0x0;
	v0 =	vsel vm0, v1, v0  }
0x313: {  	s5 =	sor.u32 $0x200, s2;
	s1 =	sshra.s32 @!p0 s1, $0x2;
	s0 =	sor.u32 @!p0 s0, s2;
	[tilespmem:$0x3648] =	vst v0  }
0x314: {  	[spmem:s5] =	stream.linear.scatter [tilespmem:s6], [sflag:$0x1], $0x2, $0x38;
	[tilespmem:$0x1F0F8] =	vst v63  }
0x315: {  	s1 =	sadd.s32 @!p0 $0x28, s1;
	s0 =	sshll.u32 @!p0 s0, $0x4  }
0x316: {  	[spmem:s0] =	stream.linear.scatter @!p0 [tilespmem:s1], [sflag:$0x1], $0x10, $0x38;
	[tilespmem:$0x1F0F8] =	vst v63  }
0x317: {  	s0 =	simm.s32 @!p0 $0x12  }
0x318: {  	s28 =	simm.s32 $0x1;
	s0 =	simm.s32 @p0 $0x2  }
0x319: {  	_ =	swait.ge [sflag:s28], s0  }
0x31a: {  	s0 =	ssub.s32 $0x0, s0;
	[sflag:s28] =	ssyncset.done $0x0  }
0x31b: {  	p0 =	sne.s32 s16, $0x0;
	[sflag:s28] =	ssyncadd.s32 s0  }
.Ltmp25:
0x31c: {  	_ =	sfence.stream.spmem;
	(pc) =	sbr.rel @p0 .LBB3_38-.Ltmp25, $4  }
0x31d: {  	s29 =	simm.s32 $0x3;
	[bflag:$0x0] =	sbarrier.arrive $0xFFFF  }
0x31e: {  	s30 =	simm.s32 $0x4;
	[sflag:s29] =	ssyncpa.u1 $0x1  }
0x31f: {  	s31 =	simm.s32 $0x3C;
	[sflag:s30] =	ssyncpa.u1 $0x1  }
0x320: {  	s17 =	rddreg [dreg:$0x5];
	[sflag:s31] =	ssyncpa.u1 $0x1  }
0x321: {  	_ =	sfence.stream.spmem;
	s0 =	simm.s32 $0x5  }
0x322: {  	s1 =	simm.s32 $0x200;
	s2 =	simm.s32 $0x3658;
	[sflag:s0] =	ssyncpa.u1 $0x0  }
0x323: {  	[tilespmem:s2], [sflag:$0x5] =	stream.linear.gather [spmem:s1], $0x20, $0x38;
	[tilespmem:$0x1F0F8] =	vst v63  }
0x324: {  	s26 =	simm.s32 $0x0;
	s28 =	simm.s32 $0x3678  }
0x325: {  	[tilespmem:s28], [sflag:$0x5] =	stream.linear.gather [spmem:s26], $0x200, $0x38;
	[tilespmem:$0x1F0F8] =	vst v63  }
0x326: {  	_ =	swait.ge [sflag:s0], $0x220  }
0x327: {  	[sflag:s0] =	ssyncset.done $0x0  }
0x328: {  	s29 =	simm.s32 $0x0;
	[sflag:s0] =	ssyncadd.s32 $0xFFFFFDE0  }
0x329: {  	v0 =	vld.msk [tilespmem:s29+$0x3658], $0x1;
	_ =	sdelay $0x1  }
0x32a: {  	s30 =	simm.s32 $0x1  }
0x32b: {  	v1 =	vld.msk [tilespmem:s30+$0x3658], $0x1;
	_ =	sdelay $0x1  }
0x32c: {  	(v2sf) =	vpush v0, $0x0;
	_ =	sdelay $0x2  }
0x32d: {  	(v2sf) =	vpush v1, $0x0;
	_ =	sdelay $0x2  }
0x32e: {  	s31 =	simm.s32 $0x2  }
0x32f: {  	v0 =	vld.msk [tilespmem:s31+$0x3658], $0x1;
	_ =	sdelay $0x2  }
0x330: {  	s6 =	simm.s32 $0xFFFFFFFF;
	s1 =	simm.s32 $0xFFFFFFFF;
	s0 =	simm.s32 $0xC  }
.LBB3_23:
0x331: {  	s2 =	smov.u32 s6;
	s4 =	smov.u32 s1  }
0x332: {  	s1 =	sshra.s32 s0, $0x2;
	p1 =	sne.s32 s0, $0x7C;
	s0 =	sadd.s32 $0x4, s0;
	(v2sf) =	vpush v0, $0x0  }
0x333: {  	v0 =	vld.msk [tilespmem:s1+$0x3658], $0x1  }
.Ltmp26:
0x334: {  	(pc) =	sbr.rel @p1 .LBB3_23-.Ltmp26, $4  }
0x335: {  	s6 =	spop (v2sf)  }
0x336: {  	p2 =	sne.s32 s4, $0xFFFFFFFF;
	s1 =	smov.u32 s6  }
0x337: {  	p3 =	seq.s32 s6, $0xFFFFFFFF;
	s1 =	smov.u32 @p2 s4  }
0x338: {  	s6 =	smov.u32 @p3 s2;
	s1 =	smov.u32 @p3 s4  }
0x339: {  	(v2sf) =	vpush v0, $0x0;
	_ =	sdelay $0x8  }
0x33a: {  	s0 =	spop (v2sf)  }
0x33b: {  	p1 =	sne.s32 s1, $0xFFFFFFFF;
	s2 =	smov.u32 s0  }
0x33c: {  	s9 =	simm.s32 $0x6;
	p2 =	seq.s32 s0, $0xFFFFFFFF;
	s2 =	smov.u32 @p1 s1  }
0x33d: {  	s10 =	simm.s32 $0x3638;
	s2 =	smov.u32 @p2 s1;
	s1 =	spop (v2sf)  }
0x33e: {  	s0 =	smov.u32 @p2 s6;
	p1 =	sne.s32 s2, $0xFFFFFFFF;
	s4 =	smov.u32 s1  }
.Ltmp27:
0x33f: {  	p2 =	seq.s32 s1, $0xFFFFFFFF;
	s4 =	smov.u32 @p1 s2;
	(pc) =	sbr.rel .LBB3_25-.Ltmp27, $4  }
0x340: {  	s11 =	simm.s32 $0x0;
	s4 =	smov.u32 @p2 s2;
	s7 =	spop (v2sf)  }
0x341: {  	[sflag:s9] =	ssyncpa.u1 $0x0;
	p1 =	sne.s32 s4, $0xFFFFFFFF;
	s8 =	smov.u32 s7  }
0x342: {  	s1 =	smov.u32 @p2 s0;
	p2 =	seq.s32 s7, $0xFFFFFFFF;
	s8 =	smov.u32 @p1 s4  }
0x343: {  	s6 =	simm.s32 $0x0;
	s7 =	smov.u32 @p2 s1;
	s8 =	smov.u32 @p2 s4  }
.LBB3_30:
0x344: {  	p1 =	sgt.u32 s12, $0xC34FF  }
0x345: {  	p2 =	seq.s32 @!p1 s12, s8  }
0x346: {  	p1 =	por p1, p2  }
0x347: {  	p2 =	sne.s32 @!p1 s12, s7  }
0x348: {  	p1 =	por p1, !p2  }
0x349: {  	s0 =	sshll.u32 @p1 s11, $0x6  }
0x34a: {  	s0 =	sand.u32 @!p1 $0xFFFF8, s12  }
0x34b: {  	s1 =	sand.u32 @!p1 $0x7, s12;
	s0 =	sadd.s32 @!p1 s3, s0  }
0x34c: {  	[tilespmem:s10], [sflag:$0x6] =	stream.linear.gather @!p1 [hbm4b:s0+s1], $0x4, $0x38;
	[tilespmem:$0x1F0F8] =	vst v63  }
0x34d: {  	_ =	swait.ge @!p1 [sflag:s9], $0x4  }
0x34e: {  	[sflag:s9] =	ssyncset.done @!p1 $0x0  }
0x34f: {  	[sflag:s9] =	ssyncadd.s32 @!p1 $0xFFFFFFFC  }
0x350: {  	v1 =	vld @!p1 [tilespmem:$0x3638];
	_ =	sdelay $0x2  }
0x351: {  	s0 =	sshll.u32 @!p1 s11, $0x6  }
0x352: {  	s1 =	sshrl.u32 @!p1 s0, $0x2  }
0x353: {  	[tilespmem:s1+$0x3678] =	vst.add.f32.msk @!p1 $0xffff, v1  }
0x354: {  	s0 =	sshrl.u32 s0, $0x2;
	[tilespmem:s6+$0x3658] =	vst.msk $0x1, v0  }
0x355: {  	v0 =	vld [tilespmem:s0+$0x3678];
	_ =	sdelay $0x2  }
0x356: {  	s31 =	sshll.u32 s6, $0x6  }
0x357: {  	s0 =	sshra.s32 s31, $0x2  }
0x358: {  	s6 =	sadd.s32 $0x1, s6;
	[tilespmem:s0+$0x3678] =	vst v0  }
.LBB3_32:
0x359: {  	s11 =	sadd.s32 $0x1, s11  }
0x35a: {  	p1 =	sne.s32 s11, $0x20  }
.Ltmp28:
0x35b: {  	_ = 	snop;
	(pc) =	sbr.rel @!p1 .LBB3_33-.Ltmp28, $1  }
0x35c: {  	_ =	sdelay $0x3  }
.LBB3_25:
0x35d: {  	v0 =	vld.msk [tilespmem:s11+$0x3658], $0x1;
	_ =	sdelay $0x4  }
0x35e: {  	(v2sf) =	vpush v0, $0x0;
	_ =	sdelay $0xe  }
0x35f: {  	s12 =	spop (v2sf)  }
0x360: {  	p1 =	seq.s32 s12, $0xFFFFFFFF  }
.Ltmp29:
0x361: {  	_ = 	snop;
	(pc) =	sbr.rel @p1 .LBB3_32-.Ltmp29, $1  }
0x362: {  	_ =	sdelay $0x3  }
0x363: {  	p1 =	slt.s32 s6, $0x1  }
.Ltmp30:
0x364: {  	_ = 	snop;
	(pc) =	sbr.rel @p1 .LBB3_30-.Ltmp30, $1  }
0x365: {  	_ =	sdelay $0x3  }
0x366: {  	s13 =	simm.s32 $0x3658;
	p1 =	por $0x0, $0x0  }
0x367: {  	v1 =	vld.msk @!p1 [tilespmem:s13+$0x0], $0x1;
	_ =	sdelay $0x4  }
0x368: {  	(v2sf) =	vpush @!p1 v1, $0x0;
	_ =	sdelay $0xd  }
0x369: {  	p3 =	sne.s32 s6, $0x1  }
.Ltmp31:
0x36a: {  	s0 =	spop @!p1 (v2sf);
	(pc) =	sbr.rel @!p3 .LBB3_29-.Ltmp31, $4  }
0x36b: {  	p2 =	seq.s32 @!p1 s12, s0  }
0x36c: {  	s14 =	simm.s32 $0x0;
	p2 =	por !p2, p1  }
0x36d: {  	s0 =	simm.s32 $0xFFFFFFFF;
	s14 =	simm.s32 @p2 $0xFFFFFFFF  }
0x36e: {  	s15 =	simm.s32 $0x1;
	s14 =	smov.u32 @p1 s0  }
.LBB3_28:
0x36f: {  	s0 =	smov.u32 s14;
	p1 =	sne.s32 s14, $0xFFFFFFFF  }
0x370: {  	s13 =	sadd.s32 $0x1, s13;
	s14 =	smov.u32 s15;
	s15 =	sadd.s32 $0x1, s15  }
0x371: {  	p2 =	sne.s32 s6, s15;
	v1 =	vld.msk @!p1 [tilespmem:s13+$0x0], $0x1;
	_ =	sdelay $0x4  }
0x372: {  	(v2sf) =	vpush @!p1 v1, $0x0;
	_ =	sdelay $0xe  }
.Ltmp32:
0x373: {  	s1 =	spop @!p1 (v2sf);
	(pc) =	sbr.rel @p2 .LBB3_28-.Ltmp32, $4  }
0x374: {  	p3 =	seq.s32 @!p1 s12, s1  }
0x375: {  	p3 =	por !p3, p1  }
0x376: {  	s14 =	simm.s32 @p3 $0xFFFFFFFF  }
0x377: {  	s14 =	smov.u32 @p1 s0  }
.LBB3_29:
0x378: {  	p1 =	sne.s32 s14, $0xFFFFFFFF  }
.Ltmp33:
0x379: {  	_ = 	snop;
	(pc) =	sbr.rel @!p1 .LBB3_30-.Ltmp33, $1  }
0x37a: {  	_ =	sdelay $0x3  }
0x37b: {  	s0 =	sshll.u32 s11, $0x4  }
0x37c: {  	s0 =	sand.u32 $0x3FFFFFF0, s0  }
0x37d: {  	v0 =	vld [tilespmem:s0+$0x3678]  }
.Ltmp34:
0x37e: {  	_ = 	snop;
	(pc) =	sbr.rel .LBB3_32-.Ltmp34, $4  }
0x37f: {  	_ = 	snop  }
0x380: {  	s31 =	sshll.u32 s14, $0x6  }
0x381: {  	s0 =	sshra.s32 s31, $0x2  }
0x382: {  	[tilespmem:s0+$0x3678] =	vst.add.f32.msk $0xffff, v0  }
.LBB3_33:
0x383: {  	s0 =	simm.s32 $0x6;
	p1 =	seq.s32 s6, $0x0  }
0x384: {  	[sflag:s0] =	ssyncpa.u1 $0x1;
	v0 =	vimm.s32 @p1 $0xFFFFFFFF  }
0x385: {  	s9 =	sadd.s32 $0xFFFFFFFF, s6;
	[tilespmem:$0x3878] =	vst @p1 v0  }
0x386: {  	v0 =	vld.msk @!p1 [tilespmem:s9+$0x3658], $0x1;
	_ =	sdelay $0x1  }
0x387: {  	v1 =	vld.msk @!p1 [tilespmem:$0x3658], $0x1;
	_ =	sdelay $0x2  }
0x388: {  	p2 =	seq.s32 @!p1 s9, $0x0;
	v0 =	vbroadcast @!p1 v0, $0x0  }
0x389: {  	vm0 =	vmmov @!p1 $0x1;
	p2 =	por !p2, p1  }
0x38a: {  	v1 =	vnsel @!p1 vm0, $0xFFFFFFFF, v1;
	vm0 =	vcmask @!p1 $0x308;
	v0 =	vpsel !p2, $0xFFFFFFFF, v0  }
0x38b: {  	p2 =	sne.s32 @!p1 s8, s7;
	v0 =	vsel @!p1 vm0, v1, v0  }
0x38c: {  	s0 =	simm.s32 @!p1 $0x3678;
	s1 =	simm.s32 @!p1 $0x0;
	p3 =	por !p2, p1;
	[tilespmem:$0x3878] =	vst @!p1 v0  }
0x38d: {  	[spmem:s1] =	stream.linear.scatter @!p1 [tilespmem:s0], [sflag:$0x1], $0x10, $0x38;
	[tilespmem:$0x1F0F8] =	vst v63  }
0x38e: {  	s0 =	sshll.u32 @!p3 s9, $0x6  }
0x38f: {  	s0 =	sshra.s32 @!p3 s0, $0x2  }
0x390: {  	s1 =	simm.s32 @!p3 $0x10;
	s0 =	sadd.s32 @!p3 $0x3678, s0  }
0x391: {  	[spmem:s1] =	stream.linear.scatter @!p3 [tilespmem:s0], [sflag:$0x1], $0x10, $0x38;
	[tilespmem:$0x1F0F8] =	vst v63  }
0x392: {  	s0 =	simm.s32 @!p3 $0x1  }
0x393: {  	_ =	swait.ge @!p3 [sflag:s0], $0x20  }
0x394: {  	p1 =	por p2, p1;
	[sflag:s0] =	ssyncset.done @!p3 $0x0  }
0x395: {  	[sflag:s0] =	ssyncadd.s32 @!p3 $0xFFFFFFE0;
	s0 =	simm.s32 @!p1 $0x1  }
0x396: {  	_ =	swait.ge @!p1 [sflag:s0], $0x10  }
0x397: {  	s29 =	simm.s32 $0x3878;
	[sflag:s0] =	ssyncset.done @!p1 $0x0  }
0x398: {  	s30 =	simm.s32 $0x200;
	s31 =	simm.s32 $0x1;
	[sflag:s0] =	ssyncadd.s32 @!p1 $0xFFFFFFF0  }
0x399: {  	[spmem:s30] =	stream.linear.scatter [tilespmem:s29], [sflag:$0x1], $0x10, $0x38;
	[tilespmem:$0x1F0F8] =	vst v63  }
0x39a: {  	_ =	swait.ge [sflag:s31], $0x10  }
0x39b: {  	[sflag:s31] =	ssyncset.done $0x0  }
0x39c: {  	p1 =	seq.s32 s17, $0x0;
	s8 =	rddreg [dreg:$0x1];
	[sflag:s31] =	ssyncadd.s32 $0xFFFFFFF0  }
0x39d: {  	s1 =	sshll.u32 @p1 s8, $0xE;
	s7 =	rddreg [dreg:$0x2]  }
0x39e: {  	s0 =	sadd.s32 @p1 $0x15C3C, s1;
	s1 =	sshll.u32 @p1 s7, $0x11  }
0x39f: {  	_ =	sfence.stream.spmem;
	s0 =	sor.u32 @p1 s1, s0  }
0x3a0: {  	[sflag:s0] =	ssyncadd.remote.s32 @p1 $0x1;
	s0 =	simm.s32 @p1 $0x4  }
0x3a1: {  	s2 =	simm.s32 @!p1 $0x3C;
	s1 =	sand.u32 $0xFFFFFFFE, s8;
	_ =	swait.ge @p1 [sflag:s0], $0x6  }
0x3a2: {  	s4 =	simm.s32 @!p1 $0x0;
	s1 =	sadd.s32 @!p1 $0x4, s1;
	[sflag:s0] =	ssyncset.done @p1 $0x0  }
0x3a3: {  	s5 =	simm.s32 @!p1 $0x20;
	[sflag:s0] =	ssyncadd.s32 @p1 $0xFFFFFFFA;
	s0 =	sshll.u32 @!p1 s1, $0x1A  }
0x3a4: {  	s1 =	sshll.u32 @!p1 s1, $0xD;
	s0 =	sor.u32 @!p1 s0, s7;
	_ =	swait.eq @!p1 [sflag:s2], $0x1  }
0x3a5: {  	s1 =	sor.u32 @!p1 $0x1C04, s1;
	s2 =	simm.s32 @!p1 $0x1C03;
	s0 =	sor.u32 @!p1 $0x80004000, s0  }
0x3a6: {  	[spmem:s5], [sflag:s1] =	dma.general @!p1 [spmem:s4], [sflag:s2], length:$0x4, [dreg:$0x0], stride_count:$0x0, ici_dest:s0, dma_misc:DstOpCode:WRITE  }
0x3a7: {  	p2 =	slt.s32 s9, $0x2;
	s4 =	simm.s32 @!p1 $0x40;
	s5 =	simm.s32 @!p1 $0x42  }
0x3a8: {  	[spmem:s5], [sflag:s1] =	dma.general @!p1 [spmem:s4], [sflag:s2], length:$0x2, [dreg:$0x0], stride_count:$0x0, ici_dest:s0, dma_misc:DstOpCode:WRITE  }
.Ltmp35:
0x3a9: {  	s0 =	simm.s32 @!p1 $0x3;
	(pc) =	sbr.rel @p2 .LBB3_37-.Ltmp35, $4  }
0x3aa: {  	s1 =	sshll.u32 @!p1 s8, $0xE;
	_ =	swait.ge @!p1 [sflag:s0], $0x6  }
0x3ab: {  	s2 =	sshll.u32 @!p1 s7, $0x11;
	s1 =	sadd.s32 @!p1 $0x11C3C, s1;
	[sflag:s0] =	ssyncset.done @!p1 $0x0  }
0x3ac: {  	[sflag:s0] =	ssyncadd.s32 @!p1 $0xFFFFFFFA;
	s0 =	sor.u32 @!p1 s2, s1  }
0x3ad: {  	[sflag:s0] =	ssyncadd.remote.s32 @!p1 $0xFFFFFFFF;
	s0 =	simm.s32 $0x0  }
0x3ae: {  	s0 =	simm.s32 $0x3659  }
0x3af: {  	v0 =	vld.msk [tilespmem:s0+$0x0], $0x1;
	_ =	sdelay $0x4  }
0x3b0: {  	(v2sf) =	vpush v0, $0x0;
	_ =	sdelay $0xd  }
0x3b1: {  	s2 =	sadd.s32 $0xFFFFFFFE, s6  }
0x3b2: {  	s2 =	sadd.s32 $0xFFFFFFFF, s2;
	s0 =	spop (v2sf)  }
0x3b3: {  	p2 =	sne.s32 s2, $0x0;
	p1 =	sgt.u32 s0, $0xC34FF  }
.Ltmp36:
0x3b4: {  	s4 =	sand.u32 @!p1 $0xFFFF8, s0;
	(pc) =	sbr.rel @!p2 .LBB3_36-.Ltmp36, $4  }
0x3b5: {  	s1 =	simm.s32 $0x3688;
	s0 =	sand.u32 @!p1 $0x7, s0;
	s4 =	sadd.s32 @!p1 s3, s4  }
0x3b6: {  	[hbm4b:s4+s0] =	stream.linear.scatter @!p1 [tilespmem:s1], [sflag:$0x5], $0x4, $0x38;
	[tilespmem:$0x1F0F8] =	vst v63  }
0x3b7: {  	s0 =	simm.s32 $0x0  }
0x3b8: {  	s6 =	simm.s32 $0x0;
	s7 =	simm.s32 $0x365A;
	s0 =	simm.s32 @!p1 $0x10  }
.LBB3_35:
0x3b9: {  	v0 =	vld.msk [tilespmem:s7+$0x0], $0x1;
	s2 =	sadd.s32 $0xFFFFFFFF, s2;
	s6 =	sadd.s32 s6, s0  }
0x3ba: {  	p1 =	sne.s32 s2, $0x0;
	_ =	sdelay $0x3  }
0x3bb: {  	(v2sf) =	vpush v0, $0x0;
	_ =	sdelay $0xe  }
.Ltmp37:
0x3bc: {  	s4 =	spop (v2sf);
	(pc) =	sbr.rel @p1 .LBB3_35-.Ltmp37, $4  }
0x3bd: {  	s0 =	simm.s32 $0x0;
	p2 =	sgt.u32 s4, $0xC34FF  }
0x3be: {  	s1 =	sadd.s32 $0x10, s1;
	s0 =	simm.s32 @!p2 $0x10;
	s5 =	sand.u32 @!p2 $0xFFFF8, s4  }
0x3bf: {  	s7 =	sadd.s32 $0x1, s7;
	s4 =	sand.u32 @!p2 $0x7, s4;
	s5 =	sadd.s32 @!p2 s3, s5  }
0x3c0: {  	[hbm4b:s5+s4] =	stream.linear.scatter @!p2 [tilespmem:s1], [sflag:$0x5], $0x4, $0x38;
	[tilespmem:$0x1F0F8] =	vst v63  }
.LBB3_36:
0x3c1: {  	s0 =	sadd.s32 s6, s0  }
0x3c2: {  	s0 =	sshrl.u32 s0, $0x2  }
.LBB3_37:
0x3c3: {  	s1 =	simm.s32 $0x5  }
0x3c4: {  	_ =	swait.ge [sflag:s1], s0  }
0x3c5: {  	s31 =	ssub.s32 $0x0, s0;
	[sflag:s1] =	ssyncset.done $0x0  }
0x3c6: {  	[sflag:s1] =	ssyncadd.s32 s31  }
0x3c7: {  	[sflag:s1] =	ssyncpa.u1 $0x1  }
.LBB3_38:
0x3c8: {  	s0 =	sor.u32 s17, s16  }
0x3c9: {  	p1 =	sne.s32 s0, $0x0  }
.Ltmp38:
0x3ca: {  	_ = 	snop;
	(pc) =	sbr.rel @p1 .LBB3_53-.Ltmp38, $3  }
0x3cb: {  	_ =	sdelay $0x1  }
0x3cc: {  	[bflag:$0x0] =	sbarrier.arrive $0xFFFF  }
0x3cd: {  	_ =	sfence  }
0x3ce: {  	s0 =	simm.s32 $0x7  }
0x3cf: {  	s1 =	simm.s32 $0x200;
	s2 =	simm.s32 $0x3658;
	[sflag:s0] =	ssyncpa.u1 $0x0  }
0x3d0: {  	[tilespmem:s2], [sflag:$0x7] =	stream.linear.gather [spmem:s1], $0x20, $0x38;
	[tilespmem:$0x1F0F8] =	vst v63  }
0x3d1: {  	s30 =	simm.s32 $0x3678;
	s1 =	simm.s32 $0x0  }
0x3d2: {  	[tilespmem:s30], [sflag:$0x7] =	stream.linear.gather [spmem:s1], $0x200, $0x38;
	[tilespmem:$0x1F0F8] =	vst v63  }
.Ltmp39:
0x3d3: {  	_ = 	snop;
	(pc) =	sbr.rel .LBB3_40-.Ltmp39, $4  }
0x3d4: {  	_ =	swait.ge [sflag:s0], $0x220  }
0x3d5: {  	[sflag:s0] =	ssyncset.done $0x0  }
0x3d6: {  	s31 =	simm.s32 $0x8;
	[sflag:s0] =	ssyncadd.s32 $0xFFFFFDE0  }
0x3d7: {  	s2 =	simm.s32 $0x0;
	[sflag:s31] =	ssyncpa.u1 $0x0  }
.LBB3_45:
0x3d8: {  	p1 =	slt.u32 s4, $0xC3500  }
0x3d9: {  	s0 =	sand.u32 @p1 $0xFFFF8, s4  }
0x3da: {  	s4 =	sand.u32 @p1 $0x7, s4;
	s5 =	simm.s32 @p1 $0x3638;
	s0 =	sadd.s32 @p1 s3, s0  }
0x3db: {  	[tilespmem:s5], [sflag:$0x8] =	stream.linear.gather @p1 [hbm4b:s0+s4], $0x4, $0x38;
	[tilespmem:$0x1F0F8] =	vst v63  }
0x3dc: {  	s0 =	simm.s32 @p1 $0x8  }
0x3dd: {  	_ =	swait.ge @p1 [sflag:s0], $0x4  }
0x3de: {  	[sflag:s0] =	ssyncset.done @p1 $0x0  }
0x3df: {  	[sflag:s0] =	ssyncadd.s32 @p1 $0xFFFFFFFC  }
0x3e0: {  	v1 =	vld @p1 [tilespmem:$0x3638];
	_ =	sdelay $0x2  }
0x3e1: {  	s0 =	sshll.u32 @p1 s2, $0x6  }
0x3e2: {  	s5 =	sshll.u32 @!p1 s2, $0x6;
	s4 =	sshrl.u32 @p1 s0, $0x2  }
0x3e3: {  	s5 =	smov.u32 @p1 s0;
	[tilespmem:s4+$0x3678] =	vst.add.f32.msk @p1 $0xffff, v1  }
0x3e4: {  	s0 =	sshrl.u32 s5, $0x2;
	[tilespmem:s1+$0x3658] =	vst.msk $0x1, v0  }
0x3e5: {  	v0 =	vld [tilespmem:s0+$0x3678];
	_ =	sdelay $0x2  }
0x3e6: {  	s31 =	sshll.u32 s1, $0x6  }
0x3e7: {  	s0 =	sshra.s32 s31, $0x2  }
0x3e8: {  	s1 =	sadd.s32 $0x1, s1;
	[tilespmem:s0+$0x3678] =	vst v0  }
.LBB3_47:
0x3e9: {  	s2 =	sadd.s32 $0x1, s2  }
0x3ea: {  	p1 =	sne.s32 s2, $0x20  }
.Ltmp40:
0x3eb: {  	_ = 	snop;
	(pc) =	sbr.rel @!p1 .LBB3_48-.Ltmp40, $1  }
0x3ec: {  	_ =	sdelay $0x3  }
.LBB3_40:
0x3ed: {  	v0 =	vld.msk [tilespmem:s2+$0x3658], $0x1;
	_ =	sdelay $0x4  }
0x3ee: {  	(v2sf) =	vpush v0, $0x0;
	_ =	sdelay $0xe  }
0x3ef: {  	s4 =	spop (v2sf)  }
0x3f0: {  	p1 =	seq.s32 s4, $0xFFFFFFFF  }
.Ltmp41:
0x3f1: {  	_ = 	snop;
	(pc) =	sbr.rel @p1 .LBB3_47-.Ltmp41, $1  }
0x3f2: {  	_ =	sdelay $0x3  }
0x3f3: {  	p1 =	slt.s32 s1, $0x1  }
.Ltmp42:
0x3f4: {  	_ = 	snop;
	(pc) =	sbr.rel @p1 .LBB3_45-.Ltmp42, $1  }
0x3f5: {  	_ =	sdelay $0x3  }
0x3f6: {  	s5 =	simm.s32 $0x3658;
	p1 =	por $0x0, $0x0  }
0x3f7: {  	v1 =	vld.msk @!p1 [tilespmem:s5+$0x0], $0x1;
	_ =	sdelay $0x4  }
0x3f8: {  	(v2sf) =	vpush @!p1 v1, $0x0;
	_ =	sdelay $0xd  }
0x3f9: {  	p3 =	sne.s32 s1, $0x1  }
.Ltmp43:
0x3fa: {  	s0 =	spop @!p1 (v2sf);
	(pc) =	sbr.rel @!p3 .LBB3_44-.Ltmp43, $4  }
0x3fb: {  	p2 =	seq.s32 @!p1 s4, s0  }
0x3fc: {  	s6 =	simm.s32 $0x0;
	p2 =	por !p2, p1  }
0x3fd: {  	s0 =	simm.s32 $0xFFFFFFFF;
	s6 =	simm.s32 @p2 $0xFFFFFFFF  }
0x3fe: {  	s7 =	simm.s32 $0x1;
	s6 =	smov.u32 @p1 s0  }
.LBB3_43:
0x3ff: {  	s0 =	smov.u32 s6;
	p1 =	sne.s32 s6, $0xFFFFFFFF  }
0x400: {  	s5 =	sadd.s32 $0x1, s5;
	s6 =	smov.u32 s7;
	s7 =	sadd.s32 $0x1, s7  }
0x401: {  	p2 =	sne.s32 s1, s7;
	v1 =	vld.msk @!p1 [tilespmem:s5+$0x0], $0x1;
	_ =	sdelay $0x4  }
0x402: {  	(v2sf) =	vpush @!p1 v1, $0x0;
	_ =	sdelay $0xe  }
.Ltmp44:
0x403: {  	s8 =	spop @!p1 (v2sf);
	(pc) =	sbr.rel @p2 .LBB3_43-.Ltmp44, $4  }
0x404: {  	p3 =	seq.s32 @!p1 s4, s8  }
0x405: {  	p3 =	por !p3, p1  }
0x406: {  	s6 =	simm.s32 @p3 $0xFFFFFFFF  }
0x407: {  	s6 =	smov.u32 @p1 s0  }
.LBB3_44:
0x408: {  	p1 =	sne.s32 s6, $0xFFFFFFFF  }
.Ltmp45:
0x409: {  	_ = 	snop;
	(pc) =	sbr.rel @!p1 .LBB3_45-.Ltmp45, $1  }
0x40a: {  	_ =	sdelay $0x3  }
0x40b: {  	s0 =	sshll.u32 s2, $0x4  }
0x40c: {  	s0 =	sand.u32 $0x3FFFFFF0, s0  }
0x40d: {  	v0 =	vld [tilespmem:s0+$0x3678]  }
.Ltmp46:
0x40e: {  	_ = 	snop;
	(pc) =	sbr.rel .LBB3_47-.Ltmp46, $4  }
0x40f: {  	_ = 	snop  }
0x410: {  	s31 =	sshll.u32 s6, $0x6  }
0x411: {  	s0 =	sshra.s32 s31, $0x2  }
0x412: {  	[tilespmem:s0+$0x3678] =	vst.add.f32.msk $0xffff, v0  }
.LBB3_48:
0x413: {  	p1 =	slt.s32 s1, $0x1  }
.Ltmp47:
0x414: {  	_ = 	snop;
	(pc) =	sbr.rel @p1 .LBB3_52-.Ltmp47, $3  }
0x415: {  	_ =	sdelay $0x1  }
0x416: {  	s0 =	simm.s32 $0x8  }
0x417: {  	s2 =	simm.s32 $0x0;
	[sflag:s0] =	ssyncpa.u1 $0x1  }
0x418: {  	s0 =	simm.s32 $0x3658  }
0x419: {  	v0 =	vld.msk [tilespmem:s0+$0x0], $0x1;
	_ =	sdelay $0x4  }
0x41a: {  	(v2sf) =	vpush v0, $0x0;
	_ =	sdelay $0xe  }
0x41b: {  	s1 =	sadd.s32 $0xFFFFFFFF, s1;
	s0 =	spop (v2sf)  }
0x41c: {  	p2 =	sne.s32 s1, $0x0;
	p1 =	sgt.u32 s0, $0xC34FF  }
.Ltmp48:
0x41d: {  	s5 =	sand.u32 @!p1 $0xFFFF8, s0;
	(pc) =	sbr.rel @!p2 .LBB3_51-.Ltmp48, $4  }
0x41e: {  	s4 =	simm.s32 $0x3678;
	s0 =	sand.u32 @!p1 $0x7, s0;
	s5 =	sadd.s32 @!p1 s3, s5  }
0x41f: {  	[hbm4b:s5+s0] =	stream.linear.scatter @!p1 [tilespmem:s4], [sflag:$0x7], $0x4, $0x38;
	[tilespmem:$0x1F0F8] =	vst v63  }
0x420: {  	s0 =	simm.s32 $0x0  }
0x421: {  	s5 =	simm.s32 $0x3659;
	s0 =	simm.s32 @!p1 $0x10  }
.LBB3_50:
0x422: {  	v0 =	vld.msk [tilespmem:s5+$0x0], $0x1;
	s1 =	sadd.s32 $0xFFFFFFFF, s1;
	s2 =	sadd.s32 s2, s0  }
0x423: {  	p1 =	sne.s32 s1, $0x0;
	_ =	sdelay $0x3  }
0x424: {  	(v2sf) =	vpush v0, $0x0;
	_ =	sdelay $0xe  }
.Ltmp49:
0x425: {  	s6 =	spop (v2sf);
	(pc) =	sbr.rel @p1 .LBB3_50-.Ltmp49, $4  }
0x426: {  	s0 =	simm.s32 $0x0;
	p2 =	sgt.u32 s6, $0xC34FF  }
0x427: {  	s4 =	sadd.s32 $0x10, s4;
	s0 =	simm.s32 @!p2 $0x10;
	s7 =	sand.u32 @!p2 $0xFFFF8, s6  }
0x428: {  	s5 =	sadd.s32 $0x1, s5;
	s6 =	sand.u32 @!p2 $0x7, s6;
	s7 =	sadd.s32 @!p2 s3, s7  }
0x429: {  	[hbm4b:s7+s6] =	stream.linear.scatter @!p2 [tilespmem:s4], [sflag:$0x7], $0x4, $0x38;
	[tilespmem:$0x1F0F8] =	vst v63  }
.LBB3_51:
0x42a: {  	s0 =	sadd.s32 s2, s0  }
0x42b: {  	s2 =	sshrl.u32 s0, $0x2  }
.LBB3_52:
0x42c: {  	s0 =	simm.s32 $0x7  }
0x42d: {  	_ =	swait.ge [sflag:s0], s2  }
0x42e: {  	s1 =	ssub.s32 $0x0, s2;
	[sflag:s0] =	ssyncset.done $0x0  }
0x42f: {  	[sflag:s0] =	ssyncadd.s32 s1  }
0x430: {  	[sflag:s0] =	ssyncpa.u1 $0x1  }
.LBB3_53:
0x431: {  	_ =	sfence;
	s0 =	simm.s32 $0x1  }
0x432: {  	[sflag:s0] =	ssyncpa.u1 $0x1  }
0x433: {  	_ =	strace $0x9000005C  }
0x434: {  	[bflag:$0x2] =	sbarrier.arrive $0xFFFF  }
0x435: {  	s0 =	rddreg [dreg:$0x3]  }
0x436: {  	s0 =	sadd.s32 @!p0 $0x100000, s0  }
0x437: {  	[sflag:s0] =	ssyncadd.tile.s32 @!p0 $0x1;
	_ =	shalt  }
.Lfunc_end3:
_tile_overlayer_lowered:
.L_overlay_start_3:
0x438: {  	(tag) =	ssettag $0x3  }
0x439: {  	s0 =	rddreg [dreg:$0x0];
	s2 =	stileid.u32  }
0x43a: {  	s1 =	rddreg [dreg:$0x1];
	p0 =	sne.s32 s2, $0x0  }
0x43b: {  	s3 =	rddreg [dreg:$0x2];
	[bflag:$0x3] =	sbarrier.arrive $0xFFFF;
	s2 =	simm.s32 @!p0 $0x1C01  }
0x43c: {  	[timem:s3], [sflag:s2] =	dma.local @!p0 [hbm:s0], s1  }
0x43d: {  	s0 =	simm.s32 @!p0 $0x1  }
0x43e: {  	_ =	swait.ge @!p0 [sflag:s0], s1  }
0x43f: {  	s1 =	ssub.s32 @!p0 $0x0, s1;
	[sflag:s0] =	ssyncset.done @!p0 $0x0  }
0x440: {  	[sflag:s0] =	ssyncadd.s32 @!p0 s1  }
0x441: {  	[bflag:$0x3] =	sbarrier.arrive $0xFFFF  }
0x442: {  	_ =	shalt  }

// kernel: scatter_offload_async_start
scs
__scs_entry_jumppad:
0x0: {  	(pc) =	sbr.rel $0x88, $3  }
0x1: {  	(tag) =	ssettag $0x0;
	lr =	simm.s32 $0x1  }
0x2: {  	[smem:$0x3F91] =	sst lr;
	_ =	strace $0xD0000000  }
0x3: {  	_ = 	snop  }
0x4: {  	_ = 	snop  }
0x5: {  	_ = 	snop  }
0x6: {  	_ = 	snop  }
0x7: {  	_ = 	snop  }
__scs_overlays_trampoline_lowered:
0x8: {  	[smem:$0x3FA0] =	sst s0  }
0x9: {  	[smem:$0x3FA1] =	sst s1  }
0xa: {  	[smem:$0x3FA2] =	sst s2  }
0xb: {  	[smem:$0x3FA3] =	sst s3  }
0xc: {  	[smem:$0x3FA4] =	sst s4  }
0xd: {  	[smem:$0x3FA5] =	sst s5  }
0xe: {  	[smem:$0x3FA6] =	sst s6  }
0xf: {  	[smem:$0x3FA7] =	sst s7  }
0x10: {  	[smem:$0x3FA8] =	sst s8  }
0x11: {  	[smem:$0x3FA9] =	sst s9;
	s0 =	simm.s32 @!p0 $0x0  }
0x12: {  	s1 =	sld [smem:$0x3F8F];
	s0 =	simm.s32 @p0 $0x1  }
0x13: {  	[smem:$0x3FAA] =	sst s0;
	s0 =	simm.s32 @!p1 $0x0  }
0x14: {  	s2 =	sld [smem:$0x3F8E];
	s0 =	simm.s32 @p1 $0x1  }
0x15: {  	[smem:$0x3FAB] =	sst s0;
	s0 =	simm.s32 @!p2 $0x0  }
0x16: {  	s3 =	sld [smem:$0x3FDB];
	s0 =	simm.s32 @p2 $0x1  }
0x17: {  	s4 =	simm.s32 $0x1BF5;
	[smem:$0x3FAD] =	sst s0  }
0x18: {  	s0 =	sld [smem:$0x3F90];
	_ =	swait.ge [sflag:s4], $0x0  }
0x19: {  	s7 =	sld [smem:$0x3F91]  }
0x1a: {  	s8 =	sadd.s32 $0xFFFFE003, lr  }
0x1b: {  	s9 =	sadd.s32 $0xFFFFFEF7, lr;
	s5 =	simm.s32 $0xFFFFFFFF;
	p2 =	slt.u32 s8, $0xFFFFF086  }
0x1c: {  	p1 =	slt.u32 s9, $0xF7A;
	s5 =	simm.s32 @!p2 $0x0  }
0x1d: {  	s5 =	simm.s32 @p1 $0x1;
	p0 =	seq.s32 s7, s2  }
0x1e: {  	s7 =	smul.u32 @!p0 $0xF7A, s2;
	p2 =	seq.s32 @!p0 s5, $0x0  }
0x1f: {  	s9 =	smul.u32 $0xF7A, s1;
	s8 =	simm.s32 @!p0 $0x1BF5;
	p2 =	por !p2, p0  }
0x20: {  	[sflag:s8] =	ssyncset.s32 @!p0 $0xFFFFF086;
	s6 =	sadd.s32 @!p0 s3, s7;
	s7 =	simm.s32 @!p0 $0x108  }
0x21: {  	s3 =	sadd.s32 s3, s9;
	s6 =	sadd.s32 @!p0 $0x88, s6;
	s7 =	simm.s32 @p2 $0x1082  }
0x22: {  	[simem:s7], [sflag:s8] =	dma.local @!p0 [hbm:s6], $0xF7A  }
0x23: {  	s9 =	sor.u32 $0xD0000000, s2;
	s6 =	simm.s32 $0x108;
	_ =	swait.ge @!p0 [sflag:s8], $0x0  }
0x24: {  	s3 =	sadd.s32 $0x88, s3;
	s6 =	simm.s32 @!p1 $0x1082;
	[sflag:s4] =	ssyncset.s32 $0xFFFFF086  }
0x25: {  	[simem:s6], [sflag:s4] =	dma.local [hbm:s3], $0xF7A  }
0x26: {  	[smem:$0x3F91] =	sst s1;
	(tag) =	ssettag s2;
	_ =	strace s9  }
0x27: {  	s1 =	sld [smem:$0x3FA1]  }
0x28: {  	s2 =	sld [smem:$0x3FA2]  }
0x29: {  	s4 =	sld [smem:$0x3FA4]  }
0x2a: {  	p0 =	seq.s32 s5, $0x0;
	s5 =	sld [smem:$0x3FA5]  }
0x2b: {  	s6 =	sld [smem:$0x3FA6]  }
0x2c: {  	s7 =	sld [smem:$0x3FA7]  }
0x2d: {  	s3 =	simm.s32 $0x108;
	s8 =	sld [smem:$0x3FA8]  }
0x2e: {  	s3 =	simm.s32 @!p0 $0x1082;
	s9 =	sld [smem:$0x3FA9]  }
0x2f: {  	lr =	sadd.s32 s0, s3;
	s0 =	sld [smem:$0x3FA0]  }
0x30: {  	s3 =	sld [smem:$0x3FA3]  }
0x31: {  	[smem:$0x3FAC] =	sst s10  }
0x32: {  	s10 =	sld [smem:$0x3FAA];
	_ =	sdelay $0x3  }
0x33: {  	p0 =	seq.s32 s10, $0x1;
	s10 =	sld [smem:$0x3FAC];
	_ =	sdelay $0x3  }
0x34: {  	[smem:$0x3FAC] =	sst s10  }
0x35: {  	s10 =	sld [smem:$0x3FAB];
	_ =	sdelay $0x3  }
0x36: {  	p1 =	seq.s32 s10, $0x1;
	s10 =	sld [smem:$0x3FAC];
	_ =	sdelay $0x3  }
0x37: {  	[smem:$0x3FAC] =	sst s10  }
0x38: {  	s10 =	sld [smem:$0x3FAD]  }
0x39: {  	_ = 	snop;
	(pc) =	sbr.ind lr, $3  }
0x3a: {  	_ = 	snop  }
0x3b: {  	_ = 	snop  }
0x3c: {  	p2 =	seq.s32 s10, $0x1;
	s10 =	sld [smem:$0x3FAC]  }
0x3d: {  	_ =	shalt  }
0x3e: {  	_ =	shalt  }
0x3f: {  	_ =	shalt  }
0x40: {  	_ =	shalt  }
0x41: {  	_ =	shalt  }
0x42: {  	_ =	shalt  }
0x43: {  	_ =	shalt  }
0x44: {  	_ =	shalt  }
0x45: {  	_ =	shalt  }
0x46: {  	_ =	shalt  }
0x47: {  	_ =	shalt  }
0x48: {  	_ =	shalt  }
0x49: {  	_ =	shalt  }
0x4a: {  	_ =	shalt  }
0x4b: {  	_ =	shalt  }
0x4c: {  	_ =	shalt  }
0x4d: {  	_ =	shalt  }
0x4e: {  	_ =	shalt  }
0x4f: {  	_ =	shalt  }
0x50: {  	_ =	shalt  }
0x51: {  	_ =	shalt  }
0x52: {  	_ =	shalt  }
0x53: {  	_ =	shalt  }
0x54: {  	_ =	shalt  }
0x55: {  	_ =	shalt  }
0x56: {  	_ =	shalt  }
0x57: {  	_ =	shalt  }
0x58: {  	_ =	shalt  }
0x59: {  	_ =	shalt  }
0x5a: {  	_ =	shalt  }
0x5b: {  	_ =	shalt  }
0x5c: {  	_ =	shalt  }
0x5d: {  	_ =	shalt  }
0x5e: {  	_ =	shalt  }
0x5f: {  	_ =	shalt  }
0x60: {  	_ =	shalt  }
0x61: {  	_ =	shalt  }
0x62: {  	_ =	shalt  }
0x63: {  	_ =	shalt  }
0x64: {  	_ =	shalt  }
0x65: {  	_ =	shalt  }
0x66: {  	_ =	shalt  }
0x67: {  	_ =	shalt  }
0x68: {  	_ =	shalt  }
0x69: {  	_ =	shalt  }
0x6a: {  	_ =	shalt  }
0x6b: {  	_ =	shalt  }
0x6c: {  	_ =	shalt  }
0x6d: {  	_ =	shalt  }
0x6e: {  	_ =	shalt  }
0x6f: {  	_ =	shalt  }
0x70: {  	_ =	shalt  }
0x71: {  	_ =	shalt  }
0x72: {  	_ =	shalt  }
0x73: {  	_ =	shalt  }
0x74: {  	_ =	shalt  }
0x75: {  	_ =	shalt  }
0x76: {  	_ =	shalt  }
0x77: {  	_ =	shalt  }
0x78: {  	_ =	shalt  }
0x79: {  	_ =	shalt  }
0x7a: {  	_ =	shalt  }
0x7b: {  	_ =	shalt  }
0x7c: {  	_ =	shalt  }
0x7d: {  	_ =	shalt  }
0x7e: {  	_ =	shalt  }
0x7f: {  	_ =	shalt  }
0x80: {  	_ =	shalt  }
0x81: {  	_ =	shalt  }
0x82: {  	_ =	shalt  }
0x83: {  	_ =	shalt  }
0x84: {  	_ =	shalt  }
0x85: {  	_ =	shalt  }
0x86: {  	_ =	shalt  }
0x87: {  	_ =	shalt  }
.Lfunc_end0:
.L_simem_size_0:
called_computation_lowered:
.L_overlay_start_0:
0x88: {  	s2 =	sld [smem:$0x3FD9]  }
0x89: {  	s3 =	sld [smem:$0x3FFE];
	_ =	sdelay $0x1  }
0x8a: {  	s1 =	srdreg.scid  }
0x8b: {  	s0 =	sand.u32 $0x1, s1  }
0x8c: {  	s10 =	sshll.u32 s0, $0xA;
	s2 =	sadd.s32 s3, s2  }
0x8d: {  	s2 =	sadd.s32 s2, s10  }
0x8e: {  	[smem:$0x3FB8] =	sst s2  }
0x8f: {  	_ = 	snop  }
0x90: {  	s2 =	sld [smem:$0x3FD0];
	_ =	sdelay $0x2  }
0x91: {  	s11 =	simm.s32 $0xD;
	s4 =	simm.s32 $0x10  }
0x92: {  	[smem:s4], [sflag:s11] =	dma.local [hbm:s2], $0x1  }
0x93: {  	_ =	swait.eq [sflag:s11], $0x1  }
0x94: {  	[sflag:s11] =	ssyncset.done $0x0  }
0x95: {  	[sflag:s11] =	ssyncadd.s32 $0xFFFFFFFF  }
0x96: {  	s12 =	sld [smem:$0x10];
	(tm) =	ssettm $0x1  }
0x97: {  	s13 =	sld [smem:$0x3FFB];
	_ =	sdelay $0x3  }
0x98: {  	_ =	strace s13  }
0x99: {  	s2 =	sld [smem:$0x3FFC];
	_ =	sdelay $0x3  }
0x9a: {  	_ =	strace s2  }
0x9b: {  	s2 =	sld [smem:$0x3FFD];
	_ =	sdelay $0x3  }
0x9c: {  	_ =	strace s2  }
0x9d: {  	_ =	strace $0x8FFFFFFF  }
0x9e: {  	s14 =	sld [smem:$0x3FDB];
	_ =	sdelay $0x1  }
0x9f: {  	s15 =	simm.s32 $_scs_section_size  }
0xa0: {  	s5 =	simm.s32 $_size__tile_overlayer_lowered;
	s6 =	simm.s32 $_tile_overlayer_lowered  }
0xa1: {  	s19 =	simm.s32 $0x1BFF;
	s17 =	sshll.u32 s6, $0x1;
	s7 =	sadd.s32 s15, s14  }
0xa2: {  	s20 =	simm.s32 $0x0;
	s16 =	sshll.u32 s5, $0x1;
	s18 =	sadd.s32 s17, s7  }
0xa3: {  	[timem:s20], [sflag:s19] =	dma.local [hbm:s18], s16  }
0xa4: {  	_ =	swait.ge [sflag:s19], s16  }
0xa5: {  	s3 =	ssub.s32 $0x0, s16;
	[sflag:s19] =	ssyncset.done $0x0  }
0xa6: {  	[sflag:s19] =	ssyncadd.s32 s3;
	_ =	sdelay $0x1  }
0xa7: {  	s21 =	simm.s32 $0x1B8B  }
0xa8: {  	_ =	swait.ge [sflag:s21], $0x1  }
0xa9: {  	[sflag:s21] =	ssyncset.done $0x0  }
0xaa: {  	[sflag:s21] =	ssyncadd.s32 $0xFFFFFFFF  }
0xab: {  	s3 =	sld [smem:$0x0]  }
0xac: {  	s5 =	sand.u32 $0xFFFFFFFE, s1  }
0xad: {  	p0 =	sne.s32 s1, s5  }
0xae: {  	s5 =	sshll.u32 @p0 s5, $0xE  }
0xaf: {  	s6 =	sadd.s32 @p0 $0x11B8D, s5;
	s8 =	sshll.u32 @p0 s3, $0x11  }
0xb0: {  	s6 =	sor.u32 @p0 s8, s6  }
0xb1: {  	[sflag:s6] =	ssyncadd.remote.s32 @p0 $0x1;
	_ =	sdelay $0x1  }
0xb2: {  	s6 =	simm.s32 @p0 $0x1B8D  }
0xb3: {  	_ =	swait.eq @p0 [sflag:s6], $0x1  }
0xb4: {  	[sflag:s6] =	ssyncadd.s32 @p0 $0xFFFFFFFF  }
0xb5: {  	s8 =	sshll.u32 @!p0 s1, $0xE  }
0xb6: {  	s8 =	sor.u32 @!p0 $0x4000, s8;
	s6 =	simm.s32 @!p0 $0x1B8D  }
0xb7: {  	s10 =	sshll.u32 @!p0 s3, $0x11;
	s9 =	sadd.s32 @!p0 $0x11B8D, s8;
	_ =	swait.eq @!p0 [sflag:s6], $0x1  }
0xb8: {  	[sflag:s6] =	ssyncadd.s32 @!p0 $0xFFFFFFFF;
	s6 =	sor.u32 @!p0 s10, s9  }
0xb9: {  	s23 =	simm.s32 $0x1B8E;
	s22 =	sld [smem:$0x3FFE];
	[sflag:s6] =	ssyncadd.remote.s32 @!p0 $0x1  }
0xba: {  	s24 =	simm.s32 $execute0_lowered;
	[smem:$0x3FD2] =	sst s23  }
0xbb: {  	s9 =	sshll.u32 s24, $0x1;
	_ =	strace $0x8000004C;
	[dreg:$0x1] =	wrdreg $0xFFFFFFFF  }
0xbc: {  	s25 =	simm.s32 $_size_execute0_lowered;
	s9 =	sadd.s32 s7, s9;
	[dreg:$0x0] =	wrdreg $0x0  }
0xbd: {  	s10 =	sshll.u32 s25, $0x1;
	[dreg:$0x2] =	wrdreg s9  }
0xbe: {  	[dreg:$0x3] =	wrdreg s10  }
0xbf: {  	[dreg:$0x4] =	wrdreg $0xC0  }
0xc0: {  	s26 =	simm.s32 $execute1_lowered;
	_ =	task [dreg:s20], $0x5FFFF  }
0xc1: {  	s9 =	sshll.u32 s26, $0x1;
	[dreg:$0x1] =	wrdreg $0xFFFFFFFF  }
0xc2: {  	s7 =	sadd.s32 s7, s9;
	[dreg:$0x0] =	wrdreg $0x60  }
0xc3: {  	[dreg:$0x2] =	wrdreg s7  }
0xc4: {  	[dreg:$0x3] =	wrdreg s12  }
0xc5: {  	[dreg:$0x4] =	wrdreg s22  }
0xc6: {  	[dreg:$0x5] =	wrdreg $0x9  }
0xc7: {  	_ =	task.clear_ibuf [dreg:s20], $0x6FFFF;
	_ =	strace $0x9000004C  }
0xc8: {  	s28 =	simm.s32 $0x9;
	_ =	strace $0x8000004E  }
0xc9: {  	_ =	swait.ge [sflag:s28], $0x1  }
0xca: {  	[sflag:s28] =	ssyncadd.s32 $0xFFFFFFFF  }
0xcb: {  	_ =	strace $0x9000004E  }
0xcc: {  	s4 =	sld [smem:$0x0];
	_ =	sdelay $0x3  }
0xcd: {  	s5 =	sadd.s32 @p0 $0x11BF3, s5;
	s7 =	sshll.u32 @p0 s4, $0x11  }
0xce: {  	s5 =	sor.u32 @p0 s7, s5  }
0xcf: {  	[sflag:s5] =	ssyncadd.remote.s32 @p0 $0x1;
	_ =	sdelay $0x1  }
0xd0: {  	s5 =	simm.s32 @p0 $0x1BF3  }
0xd1: {  	_ =	swait.eq @p0 [sflag:s5], $0x1  }
0xd2: {  	[sflag:s5] =	ssyncadd.s32 @p0 $0xFFFFFFFF;
	_ =	sdelay $0x1  }
0xd3: {  	s5 =	simm.s32 @!p0 $0x1BF3  }
0xd4: {  	s4 =	sshll.u32 @!p0 s4, $0x11;
	s7 =	sadd.s32 @!p0 $0x11BF3, s8;
	_ =	swait.eq @!p0 [sflag:s5], $0x1  }
0xd5: {  	s4 =	sor.u32 @!p0 s4, s7;
	[sflag:s5] =	ssyncadd.s32 @!p0 $0xFFFFFFFF  }
0xd6: {  	[sflag:s4] =	ssyncadd.remote.s32 @!p0 $0x1  }
0xd7: {  	_ =	strace $0x8000004F;
	[dreg:$0x1] =	wrdreg $0xFFFFFFFF  }
0xd8: {  	[dreg:$0x0] =	wrdreg $0x2030  }
0xd9: {  	[dreg:$0x2] =	wrdreg s22  }
0xda: {  	[dreg:$0x3] =	wrdreg s1  }
0xdb: {  	[dreg:$0x4] =	wrdreg s3  }
0xdc: {  	[dreg:$0x5] =	wrdreg $0xA  }
0xdd: {  	_ =	task.clear_ibuf [dreg:s20], $0x6FFFF;
	_ =	strace $0x9000004F  }
0xde: {  	s29 =	simm.s32 $0xA;
	_ =	strace $0x80000051  }
0xdf: {  	_ =	swait.ge [sflag:s29], $0x1  }
0xe0: {  	[sflag:s29] =	ssyncadd.s32 $0xFFFFFFFF  }
0xe1: {  	_ =	strace $0x90000051  }
0xe2: {  	_ =	sfence  }
0xe3: {  	s30 =	sld [smem:$0x0];
	_ =	sdelay $0x2  }
0xe4: {  	s31 =	sshll.u32 s1, $0xD;
	s1 =	sshrl.u32 s1, $0x2  }
0xe5: {  	s4 =	sand.u32 $0x4000, s31;
	s1 =	sadd.s32 s1, s30  }
0xe6: {  	s0 =	sor.u32 s4, s0;
	s1 =	sshll.u32 s1, $0x11  }
0xe7: {  	s0 =	sor.u32 s1, s0  }
0xe8: {  	s0 =	sadd.s32 $0x8F2B, s0  }
0xe9: {  	[sflag:s0] =	ssyncadd.remote.s32 $0x1  }
0xea: {  	_ =	sfence.sel $0xFFFF  }
0xeb: {  	[dreg:$0x0] =	wrdreg $0xFFFFFFFF;
	(pc) =	sbr.abs _section_cstart, $3  }
0xec: {  	[dreg:$0x1] =	wrdreg $0xFFFFFFFF  }
0xed: {  	_ =	task.clear_ibuf [dreg:s20], $0x2FFFF;
	_ =	strace $0x9FFFFFFF  }
0xee: {  	(tm) =	ssettm $0x7FFFFFFF  }
0xef: {  	_ =	shalt  }
tec
execute0_lowered:
.L_overlay_start_1:
0x0: {  	(tag) =	ssettag $0x1  }
0x1: {  	s3 =	rddreg [dreg:$0x0]  }
0x2: {  	s2 =	rddreg [dreg:$0x1]  }
0x3: {  	s5 =	rddreg [dreg:$0x2]  }
0x4: {  	s0 =	rddreg [dreg:$0x3];
	s4 =	stileid.u32  }
0x5: {  	[bflag:$0x3] =	sbarrier.arrive $0xFFFF;
	s1 =	simm.s32 $_size_execute1_lowered;
	s29 =	srdreg.scid  }
0x6: {  	s30 =	simm.s32 $0x2;
	s13 =	simm.s32 $0x0;
	p0 =	sne.s32 s4, $0x0  }
0x7: {  	s1 =	sshll.u32 s1, $0x1;
	s6 =	simm.s32 @!p0 $0x1C3F;
	s7 =	simm.s32 @!p0 $0x4060  }
0x8: {  	[timem:s7], [sflag:s6] =	dma.local @!p0 [hbm:s3], s1  }
0x9: {  	s8 =	simm.s32 $0x20;
	s9 =	simm.s32 $0x80;
	s3 =	sshll.u32 s29, $0x9  }
.Ltmp0:
0xa: {  	s4 =	sshll.u32 s4, $0xA;
	s3 =	sand.u32 $0x200, s3;
	(pc) =	sbr.rel .LBB2_1-.Ltmp0, $4  }
0xb: {  	s11 =	simm.s32 $0x0;
	s12 =	simm.s32 $0x0;
	s3 =	sor.u32 s4, s3  }
0xc: {  	_ =	strace $0x8000004D;
	s4 =	simm.s32 $0x1;
	s31 =	ssub.s32 $0xC200, s3  }
0xd: {  	s5 =	sadd.s32 $0x108800, s5;
	[sflag:s4] =	ssyncpa.u1 $0x0;
	s6 =	sshrl.u32 s31, $0xE  }
0xe: {  	s10 =	smov.u32 s3;
	[sflag:s30] =	ssyncpa.u1 $0x0;
	s7 =	sadd.s32 $0x2, s6  }
.LBB2_5:
0xf: {  	_ =	sdelay $0x3  }
0x10: {  	[tilespmem:v1+s16+$0x0 ss:$0x1] =	vst.idx.msk $0xffff, v2  }
.LBB2_6:
0x11: {  	s16 =	sand.u32 $0x1FFFFFF, s11  }
0x12: {  	s17 =	smulhi.u32 $0x14F8B59, s16;
	_ =	sdelay $0x1  }
0x13: {  	s17 =	sshrl.u32 s17, $0x8  }
0x14: {  	s17 =	smul.u32 $0xC350, s17;
	_ =	sdelay $0x1  }
0x15: {  	s16 =	ssub.s32 s16, s17  }
0x16: {  	s16 =	sshll.u32 s16, $0x4  }
0x17: {  	s16 =	sadd.s32 s5, s16  }
0x18: {  	[hbm4b:s16+s8] =	stream.strided.scatter [tilespmem:s15], [sflag:$0x2], s14, s9, s8, $0x38;
	[tilespmem:$0x10000] =	vst v63  }
.LBB2_7:
0x19: {  	p1 =	slt.u32 s12, $0x2  }
0x1a: {  	p2 =	sgt.s32 @!p1 s13, $0xC150  }
0x1b: {  	s14 =	smov.u32 s13;
	s15 =	sshra.s32 @!p1 s13, $0x1F;
	p2 =	por !p2, p1  }
0x1c: {  	s13 =	sand.u32 @!p1 s15, s13;
	s14 =	simm.s32 @p2 $0xC150  }
0x1d: {  	s13 =	ssub.s32 @!p1 s14, s13  }
0x1e: {  	s13 =	sadd.s32 @!p1 $0xFFFF3EB0, s13  }
0x1f: {  	s14 =	sshll.u32 @!p1 s13, $0x7  }
0x20: {  	p2 =	sgt.s32 @!p1 s13, $0x1FF;
	s13 =	ssub.s32 @!p1 $0x10000, s14  }
0x21: {  	s15 =	sadd.s32 $0x4000, s10;
	p2 =	por !p2, p1;
	s13 =	sshrl.u32 @!p1 s13, $0x2  }
0x22: {  	s13 =	simm.s32 @!p2 $0x0;
	p2 =	sgt.s32 s15, $0xC34F  }
0x23: {  	s15 =	smov.u32 @p2 s3;
	p2 =	sne.s32 s12, s7  }
.Ltmp1:
0x24: {  	_ = 	snop;
	(pc) =	sbr.rel @!p2 .LBB2_8-.Ltmp1, $4  }
0x25: {  	s14 =	simm.s32 @!p1 $0x2  }
0x26: {  	_ =	swait.ge @!p1 [sflag:s14], s13;
	s16 =	ssub.s32 @!p1 $0x0, s13  }
0x27: {  	s13 =	smov.u32 s11;
	s12 =	sadd.s32 $0x1, s12;
	[sflag:s14] =	ssyncset.done @!p1 $0x0  }
0x28: {  	s11 =	smov.u32 s10;
	s10 =	smov.u32 s15;
	[sflag:s14] =	ssyncadd.s32 @!p1 s16  }
.LBB2_1:
0x29: {  	p1 =	sgt.u32 s12, s6  }
0x2a: {  	s15 =	smov.u32 s10;
	p2 =	sgt.s32 @!p1 s10, $0xC150  }
0x2b: {  	s14 =	sand.u32 @!p1 $0x1FFFFFF, s10;
	s16 =	sshra.s32 @!p1 s10, $0x1F;
	p2 =	por !p2, p1  }
0x2c: {  	s17 =	smulhi.u32 @!p1 $0x14F8B59, s14;
	s16 =	sand.u32 @!p1 s16, s10;
	s15 =	simm.s32 @p2 $0xC150  }
0x2d: {  	s15 =	ssub.s32 @!p1 s15, s16  }
0x2e: {  	s16 =	sshrl.u32 @!p1 s17, $0x8;
	s15 =	sadd.s32 @!p1 $0xFFFF3EB0, s15  }
0x2f: {  	s17 =	sxor.u32 @!p1 $0xFFFFFFFF, s12;
	s16 =	smul.u32 @!p1 $0xC350, s16;
	s18 =	sshll.u32 @!p1 s15, $0x7  }
0x30: {  	s17 =	sshll.u32 @!p1 s17, $0xE;
	p2 =	sgt.s32 @!p1 s15, $0x1FF;
	s15 =	ssub.s32 @!p1 $0x10000, s18  }
0x31: {  	s14 =	ssub.s32 @!p1 s14, s16;
	p2 =	por !p2, p1;
	s16 =	sand.u32 @!p1 $0x4000, s17  }
0x32: {  	s17 =	simm.s32 @!p1 $0x20;
	s15 =	sshrl.u32 @!p1 s15, $0x2;
	s14 =	sshll.u32 @!p1 s14, $0x4  }
0x33: {  	s18 =	simm.s32 @!p1 $0x80;
	s15 =	simm.s32 @!p2 $0x0;
	s14 =	sadd.s32 @!p1 s2, s14  }
0x34: {  	[tilespmem:s16], [sflag:$0x1] =	stream.strided.gather @!p1 [hbm4b:s14+s17], s15, s18, s17, $0x38;
	[tilespmem:$0x10000] =	vst v63  }
0x35: {  	p1 =	seq.s32 s12, $0x0  }
0x36: {  	p2 =	sge.u32 @!p1 s12, s7  }
0x37: {  	p1 =	por p1, p2  }
.Ltmp2:
0x38: {  	_ = 	snop;
	(pc) =	sbr.rel @p1 .LBB2_7-.Ltmp2, $1  }
0x39: {  	_ =	sdelay $0x3  }
0x3a: {  	p1 =	sgt.s32 s11, $0xC150;
	s14 =	smov.u32 s11;
	s15 =	sshra.s32 s11, $0x1F  }
0x3b: {  	s14 =	simm.s32 @!p1 $0xC150;
	s15 =	sand.u32 s15, s11  }
0x3c: {  	s14 =	ssub.s32 s14, s15  }
0x3d: {  	s14 =	sadd.s32 $0xFFFF3EB0, s14  }
0x3e: {  	s31 =	sshll.u32 s14, $0x7  }
0x3f: {  	s15 =	ssub.s32 $0x10000, s31  }
0x40: {  	p1 =	sgt.s32 s14, $0x1FF;
	s14 =	sshrl.u32 s15, $0x2;
	s15 =	sadd.s32 $0x200, s11  }
0x41: {  	s14 =	simm.s32 @p1 $0x0;
	p1 =	slt.s32 s15, $0xC350  }
0x42: {  	s15 =	simm.s32 @!p1 $0xC350  }
0x43: {  	s17 =	ssub.s32 s15, s11  }
0x44: {  	p1 =	slt.s32 s17, $0x1  }
.Ltmp3:
0x45: {  	_ = 	snop;
	(pc) =	sbr.rel @p1 .LBB2_6-.Ltmp3, $4  }
0x46: {  	_ = 	snop  }
0x47: {  	s16 =	sshll.u32 s12, $0xE;
	_ =	swait.ge [sflag:s4], s14  }
0x48: {  	s16 =	sand.u32 $0x4000, s16;
	s18 =	ssub.s32 $0x0, s14;
	[sflag:s4] =	ssyncset.done $0x0  }
0x49: {  	s15 =	sor.u32 $0x8000, s16;
	[sflag:s4] =	ssyncadd.s32 s18  }
0x4a: {  	v0 =	vmov s16;
	_ =	sdelay $0x2  }
0x4b: {  	s31 =	simm.s32 $0x0;
	p1 =	sne.s32 s17, $0x1  }
.Ltmp4:
0x4c: {  	s16 =	sand.u32 $0x3FE0, s31;
	(pc) =	sbr.rel @!p1 .LBB2_5-.Ltmp4, $2  }
0x4d: {  	v1 =	vmov s15;
	v2 =	vld.idx.msk [tilespmem:v0+s16+$0x0 ss:$0x1], $0xffff;
	_ =	sdelay $0x2  }
0x4e: {  	s17 =	sadd.s32 $0xFFFFFFFF, s17;
	s18 =	simm.s32 $0x20  }
.LBB2_4:
0x4f: {  	s19 =	sand.u32 $0x3FE0, s18;
	p1 =	sne.s32 s17, $0x1;
	s17 =	sadd.s32 $0xFFFFFFFF, s17  }
.Ltmp5:
0x50: {  	[tilespmem:v1+s16+$0x0 ss:$0x1] =	vst.idx.msk $0xffff, v2;
	v2 =	vld.idx.msk [tilespmem:v0+s19+$0x0 ss:$0x1], $0xffff;
	s16 =	smov.u32 s19;
	(pc) =	sbr.rel @p1 .LBB2_4-.Ltmp5, $2  }
0x51: {  	_ =	sdelay $0x2  }
0x52: {  	s18 =	sadd.s32 $0x20, s18  }
.Ltmp6:
0x53: {  	_ = 	snop;
	(pc) =	sbr.rel .LBB2_5-.Ltmp6, $1  }
0x54: {  	_ =	sdelay $0x3  }
.LBB2_8:
0x55: {  	_ =	sfence.sel $0x180000  }
0x56: {  	s2 =	simm.s32 $0x1;
	[bflag:$0x0] =	sbarrier.arrive $0xFFFF  }
0x57: {  	s31 =	simm.s32 $0x2;
	[sflag:s2] =	ssyncpa.u1 $0x1  }
0x58: {  	[sflag:s31] =	ssyncpa.u1 $0x1  }
0x59: {  	_ =	strace $0x9000004D  }
0x5a: {  	s0 =	sadd.s32 @!p0 $0x100000, s0;
	[bflag:$0x2] =	sbarrier.arrive $0xFFFF  }
0x5b: {  	[sflag:s0] =	ssyncadd.tile.s32 @!p0 $0x1;
	s0 =	simm.s32 @!p0 $0x3F  }
0x5c: {  	_ =	swait.ge @!p0 [sflag:s0], s1  }
0x5d: {  	s1 =	ssub.s32 @!p0 $0x0, s1;
	[sflag:s0] =	ssyncset.done @!p0 $0x0  }
0x5e: {  	[sflag:s0] =	ssyncadd.s32 @!p0 s1  }
0x5f: {  	[bflag:$0x3] =	sbarrier.arrive $0xFFFF  }
0x60: {  	_ =	shalt  }
.Lfunc_end2:
execute1_lowered:
.L_overlay_start_2:
0x61: {  	(tag) =	ssettag $0x2  }
0x62: {  	s11 =	rddreg [dreg:$0x0]  }
0x63: {  	s2 =	rddreg [dreg:$0x1];
	_ =	strace $0x80000050;
	s12 =	simm.s32 $0x1  }
0x64: {  	v0 =	vimm.s32 $0x0;
	[sflag:s12] =	ssyncpa.u1 $0x0  }
0x65: {  	[tilespmem:$0x28] =	vst v0  }
0x66: {  	[tilespmem:$0x38] =	vst v0  }
0x67: {  	[tilespmem:$0x48] =	vst v0  }
0x68: {  	[tilespmem:$0x58] =	vst v0  }
0x69: {  	[tilespmem:$0x68] =	vst v0  }
0x6a: {  	[tilespmem:$0x78] =	vst v0  }
0x6b: {  	[tilespmem:$0x88] =	vst v0  }
0x6c: {  	[tilespmem:$0x98] =	vst v0  }
0x6d: {  	[tilespmem:$0xA8] =	vst v0  }
0x6e: {  	[tilespmem:$0xB8] =	vst v0  }
0x6f: {  	[tilespmem:$0xC8] =	vst v0  }
0x70: {  	[tilespmem:$0xD8] =	vst v0  }
0x71: {  	[tilespmem:$0xE8] =	vst v0  }
0x72: {  	[tilespmem:$0xF8] =	vst v0  }
0x73: {  	[tilespmem:$0x108] =	vst v0  }
0x74: {  	[tilespmem:$0x118] =	vst v0  }
0x75: {  	[tilespmem:$0x128] =	vst v0  }
0x76: {  	[tilespmem:$0x138] =	vst v0  }
0x77: {  	[tilespmem:$0x148] =	vst v0  }
0x78: {  	[tilespmem:$0x158] =	vst v0  }
0x79: {  	[tilespmem:$0x168] =	vst v0  }
0x7a: {  	[tilespmem:$0x178] =	vst v0  }
0x7b: {  	[tilespmem:$0x188] =	vst v0  }
0x7c: {  	[tilespmem:$0x198] =	vst v0  }
0x7d: {  	[tilespmem:$0x1A8] =	vst v0  }
0x7e: {  	[tilespmem:$0x1B8] =	vst v0  }
0x7f: {  	[tilespmem:$0x1C8] =	vst v0  }
0x80: {  	[tilespmem:$0x1D8] =	vst v0  }
0x81: {  	[tilespmem:$0x1E8] =	vst v0  }
0x82: {  	[tilespmem:$0x1F8] =	vst v0  }
0x83: {  	[tilespmem:$0x208] =	vst v0  }
0x84: {  	[tilespmem:$0x218] =	vst v0  }
0x85: {  	[tilespmem:$0x228] =	vst v0  }
0x86: {  	[tilespmem:$0x238] =	vst v0  }
0x87: {  	[tilespmem:$0x248] =	vst v0  }
0x88: {  	[tilespmem:$0x258] =	vst v0  }
0x89: {  	[tilespmem:$0x268] =	vst v0  }
0x8a: {  	[tilespmem:$0x278] =	vst v0  }
0x8b: {  	[tilespmem:$0x288] =	vst v0  }
0x8c: {  	[tilespmem:$0x298] =	vst v0  }
0x8d: {  	[tilespmem:$0x2A8] =	vst v0  }
0x8e: {  	[tilespmem:$0x2B8] =	vst v0  }
0x8f: {  	[tilespmem:$0x2C8] =	vst v0  }
0x90: {  	[tilespmem:$0x2D8] =	vst v0  }
0x91: {  	[tilespmem:$0x2E8] =	vst v0  }
0x92: {  	[tilespmem:$0x2F8] =	vst v0  }
0x93: {  	[tilespmem:$0x308] =	vst v0  }
0x94: {  	[tilespmem:$0x318] =	vst v0  }
0x95: {  	[tilespmem:$0x328] =	vst v0  }
0x96: {  	[tilespmem:$0x338] =	vst v0  }
0x97: {  	[tilespmem:$0x348] =	vst v0  }
0x98: {  	[tilespmem:$0x358] =	vst v0  }
0x99: {  	[tilespmem:$0x368] =	vst v0  }
0x9a: {  	[tilespmem:$0x378] =	vst v0  }
0x9b: {  	[tilespmem:$0x388] =	vst v0  }
0x9c: {  	[tilespmem:$0x398] =	vst v0  }
0x9d: {  	[tilespmem:$0x3A8] =	vst v0  }
0x9e: {  	[tilespmem:$0x3B8] =	vst v0  }
0x9f: {  	[tilespmem:$0x3C8] =	vst v0  }
0xa0: {  	[tilespmem:$0x3D8] =	vst v0  }
0xa1: {  	[tilespmem:$0x3E8] =	vst v0  }
0xa2: {  	[tilespmem:$0x3F8] =	vst v0  }
0xa3: {  	[tilespmem:$0x408] =	vst v0  }
0xa4: {  	[tilespmem:$0x418] =	vst v0  }
0xa5: {  	[tilespmem:$0x428] =	vst v0  }
0xa6: {  	[tilespmem:$0x438] =	vst v0  }
0xa7: {  	[tilespmem:$0x448] =	vst v0  }
0xa8: {  	[tilespmem:$0x458] =	vst v0  }
0xa9: {  	[tilespmem:$0x468] =	vst v0  }
0xaa: {  	[tilespmem:$0x478] =	vst v0  }
0xab: {  	[tilespmem:$0x488] =	vst v0  }
0xac: {  	[tilespmem:$0x498] =	vst v0  }
0xad: {  	[tilespmem:$0x4A8] =	vst v0  }
0xae: {  	[tilespmem:$0x4B8] =	vst v0  }
0xaf: {  	[tilespmem:$0x4C8] =	vst v0  }
0xb0: {  	[tilespmem:$0x4D8] =	vst v0  }
0xb1: {  	[tilespmem:$0x4E8] =	vst v0  }
0xb2: {  	[tilespmem:$0x4F8] =	vst v0  }
0xb3: {  	[tilespmem:$0x508] =	vst v0  }
0xb4: {  	[tilespmem:$0x518] =	vst v0  }
0xb5: {  	[tilespmem:$0x528] =	vst v0  }
0xb6: {  	[tilespmem:$0x538] =	vst v0  }
0xb7: {  	[tilespmem:$0x548] =	vst v0  }
0xb8: {  	[tilespmem:$0x558] =	vst v0  }
0xb9: {  	[tilespmem:$0x568] =	vst v0  }
0xba: {  	[tilespmem:$0x578] =	vst v0  }
0xbb: {  	[tilespmem:$0x588] =	vst v0  }
0xbc: {  	[tilespmem:$0x598] =	vst v0  }
0xbd: {  	[tilespmem:$0x5A8] =	vst v0  }
0xbe: {  	[tilespmem:$0x5B8] =	vst v0  }
0xbf: {  	[tilespmem:$0x5C8] =	vst v0  }
0xc0: {  	[tilespmem:$0x5D8] =	vst v0  }
0xc1: {  	[tilespmem:$0x5E8] =	vst v0  }
0xc2: {  	[tilespmem:$0x5F8] =	vst v0  }
0xc3: {  	[tilespmem:$0x608] =	vst v0  }
0xc4: {  	[tilespmem:$0x618] =	vst v0  }
0xc5: {  	[tilespmem:$0x628] =	vst v0  }
0xc6: {  	[tilespmem:$0x638] =	vst v0  }
0xc7: {  	[tilespmem:$0x648] =	vst v0  }
0xc8: {  	[tilespmem:$0x658] =	vst v0  }
0xc9: {  	[tilespmem:$0x668] =	vst v0  }
0xca: {  	[tilespmem:$0x678] =	vst v0  }
0xcb: {  	[tilespmem:$0x688] =	vst v0  }
0xcc: {  	[tilespmem:$0x698] =	vst v0  }
0xcd: {  	[tilespmem:$0x6A8] =	vst v0  }
0xce: {  	[tilespmem:$0x6B8] =	vst v0  }
0xcf: {  	[tilespmem:$0x6C8] =	vst v0  }
0xd0: {  	[tilespmem:$0x6D8] =	vst v0  }
0xd1: {  	[tilespmem:$0x6E8] =	vst v0  }
0xd2: {  	[tilespmem:$0x6F8] =	vst v0  }
0xd3: {  	[tilespmem:$0x708] =	vst v0  }
0xd4: {  	[tilespmem:$0x718] =	vst v0  }
0xd5: {  	[tilespmem:$0x728] =	vst v0  }
0xd6: {  	[tilespmem:$0x738] =	vst v0  }
0xd7: {  	[tilespmem:$0x748] =	vst v0  }
0xd8: {  	[tilespmem:$0x758] =	vst v0  }
0xd9: {  	[tilespmem:$0x768] =	vst v0  }
0xda: {  	[tilespmem:$0x778] =	vst v0  }
0xdb: {  	[tilespmem:$0x788] =	vst v0  }
0xdc: {  	[tilespmem:$0x798] =	vst v0  }
0xdd: {  	[tilespmem:$0x7A8] =	vst v0  }
0xde: {  	[tilespmem:$0x7B8] =	vst v0  }
0xdf: {  	[tilespmem:$0x7C8] =	vst v0  }
0xe0: {  	[tilespmem:$0x7D8] =	vst v0  }
0xe1: {  	[tilespmem:$0x7E8] =	vst v0  }
0xe2: {  	[tilespmem:$0x7F8] =	vst v0  }
0xe3: {  	[tilespmem:$0x808] =	vst v0  }
0xe4: {  	[tilespmem:$0x818] =	vst v0  }
0xe5: {  	[tilespmem:$0x828] =	vst v0  }
0xe6: {  	[tilespmem:$0x838] =	vst v0  }
0xe7: {  	[tilespmem:$0x848] =	vst v0  }
0xe8: {  	[tilespmem:$0x858] =	vst v0  }
0xe9: {  	[tilespmem:$0x868] =	vst v0  }
0xea: {  	[tilespmem:$0x878] =	vst v0  }
0xeb: {  	[tilespmem:$0x888] =	vst v0  }
0xec: {  	[tilespmem:$0x898] =	vst v0  }
0xed: {  	[tilespmem:$0x8A8] =	vst v0  }
0xee: {  	[tilespmem:$0x8B8] =	vst v0  }
0xef: {  	[tilespmem:$0x8C8] =	vst v0  }
0xf0: {  	[tilespmem:$0x8D8] =	vst v0  }
0xf1: {  	[tilespmem:$0x8E8] =	vst v0  }
0xf2: {  	[tilespmem:$0x8F8] =	vst v0  }
0xf3: {  	[tilespmem:$0x908] =	vst v0  }
0xf4: {  	[tilespmem:$0x918] =	vst v0  }
0xf5: {  	[tilespmem:$0x928] =	vst v0  }
0xf6: {  	[tilespmem:$0x938] =	vst v0  }
0xf7: {  	[tilespmem:$0x948] =	vst v0  }
0xf8: {  	[tilespmem:$0x958] =	vst v0  }
0xf9: {  	[tilespmem:$0x968] =	vst v0  }
0xfa: {  	[tilespmem:$0x978] =	vst v0  }
0xfb: {  	[tilespmem:$0x988] =	vst v0  }
0xfc: {  	[tilespmem:$0x998] =	vst v0  }
0xfd: {  	[tilespmem:$0x9A8] =	vst v0  }
0xfe: {  	[tilespmem:$0x9B8] =	vst v0  }
0xff: {  	[tilespmem:$0x9C8] =	vst v0  }
0x100: {  	[tilespmem:$0x9D8] =	vst v0  }
0x101: {  	[tilespmem:$0x9E8] =	vst v0  }
0x102: {  	[tilespmem:$0x9F8] =	vst v0  }
0x103: {  	[tilespmem:$0xA08] =	vst v0  }
0x104: {  	[tilespmem:$0xA18] =	vst v0  }
0x105: {  	[tilespmem:$0xA28] =	vst v0  }
0x106: {  	[tilespmem:$0xA38] =	vst v0  }
0x107: {  	[tilespmem:$0xA48] =	vst v0  }
0x108: {  	[tilespmem:$0xA58] =	vst v0  }
0x109: {  	[tilespmem:$0xA68] =	vst v0  }
0x10a: {  	[tilespmem:$0xA78] =	vst v0  }
0x10b: {  	[tilespmem:$0xA88] =	vst v0  }
0x10c: {  	[tilespmem:$0xA98] =	vst v0  }
0x10d: {  	[tilespmem:$0xAA8] =	vst v0  }
0x10e: {  	[tilespmem:$0xAB8] =	vst v0  }
0x10f: {  	[tilespmem:$0xAC8] =	vst v0  }
0x110: {  	[tilespmem:$0xAD8] =	vst v0  }
0x111: {  	[tilespmem:$0xAE8] =	vst v0  }
0x112: {  	[tilespmem:$0xAF8] =	vst v0  }
0x113: {  	[tilespmem:$0xB08] =	vst v0  }
0x114: {  	[tilespmem:$0xB18] =	vst v0  }
0x115: {  	[tilespmem:$0xB28] =	vst v0  }
0x116: {  	[tilespmem:$0xB38] =	vst v0  }
0x117: {  	[tilespmem:$0xB48] =	vst v0  }
0x118: {  	[tilespmem:$0xB58] =	vst v0  }
0x119: {  	[tilespmem:$0xB68] =	vst v0  }
0x11a: {  	[tilespmem:$0xB78] =	vst v0  }
0x11b: {  	[tilespmem:$0xB88] =	vst v0  }
0x11c: {  	[tilespmem:$0xB98] =	vst v0  }
0x11d: {  	[tilespmem:$0xBA8] =	vst v0  }
0x11e: {  	[tilespmem:$0xBB8] =	vst v0  }
0x11f: {  	[tilespmem:$0xBC8] =	vst v0  }
0x120: {  	[tilespmem:$0xBD8] =	vst v0  }
0x121: {  	[tilespmem:$0xBE8] =	vst v0  }
0x122: {  	[tilespmem:$0xBF8] =	vst v0  }
0x123: {  	[tilespmem:$0xC08] =	vst v0  }
0x124: {  	[tilespmem:$0xC18] =	vst v0  }
0x125: {  	[tilespmem:$0xC28] =	vst v0  }
0x126: {  	[tilespmem:$0xC38] =	vst v0  }
0x127: {  	[tilespmem:$0xC48] =	vst v0  }
0x128: {  	[tilespmem:$0xC58] =	vst v0  }
0x129: {  	[tilespmem:$0xC68] =	vst v0  }
0x12a: {  	[tilespmem:$0xC78] =	vst v0  }
0x12b: {  	[tilespmem:$0xC88] =	vst v0  }
0x12c: {  	[tilespmem:$0xC98] =	vst v0  }
0x12d: {  	[tilespmem:$0xCA8] =	vst v0  }
0x12e: {  	[tilespmem:$0xCB8] =	vst v0  }
0x12f: {  	[tilespmem:$0xCC8] =	vst v0  }
0x130: {  	[tilespmem:$0xCD8] =	vst v0  }
0x131: {  	[tilespmem:$0xCE8] =	vst v0  }
0x132: {  	[tilespmem:$0xCF8] =	vst v0  }
0x133: {  	[tilespmem:$0xD08] =	vst v0  }
0x134: {  	[tilespmem:$0xD18] =	vst v0  }
0x135: {  	[tilespmem:$0xD28] =	vst v0  }
0x136: {  	[tilespmem:$0xD38] =	vst v0  }
0x137: {  	[tilespmem:$0xD48] =	vst v0  }
0x138: {  	[tilespmem:$0xD58] =	vst v0  }
0x139: {  	[tilespmem:$0xD68] =	vst v0  }
0x13a: {  	[tilespmem:$0xD78] =	vst v0  }
0x13b: {  	[tilespmem:$0xD88] =	vst v0  }
0x13c: {  	[tilespmem:$0xD98] =	vst v0  }
0x13d: {  	[tilespmem:$0xDA8] =	vst v0  }
0x13e: {  	[tilespmem:$0xDB8] =	vst v0  }
0x13f: {  	[tilespmem:$0xDC8] =	vst v0  }
0x140: {  	[tilespmem:$0xDD8] =	vst v0  }
0x141: {  	[tilespmem:$0xDE8] =	vst v0  }
0x142: {  	[tilespmem:$0xDF8] =	vst v0  }
0x143: {  	[tilespmem:$0xE08] =	vst v0  }
0x144: {  	[tilespmem:$0xE18] =	vst v0  }
0x145: {  	[tilespmem:$0xE28] =	vst v0  }
0x146: {  	[tilespmem:$0xE38] =	vst v0  }
0x147: {  	[tilespmem:$0xE48] =	vst v0  }
0x148: {  	[tilespmem:$0xE58] =	vst v0  }
0x149: {  	[tilespmem:$0xE68] =	vst v0  }
0x14a: {  	[tilespmem:$0xE78] =	vst v0  }
0x14b: {  	[tilespmem:$0xE88] =	vst v0  }
0x14c: {  	[tilespmem:$0xE98] =	vst v0  }
0x14d: {  	[tilespmem:$0xEA8] =	vst v0  }
0x14e: {  	[tilespmem:$0xEB8] =	vst v0  }
0x14f: {  	[tilespmem:$0xEC8] =	vst v0  }
0x150: {  	[tilespmem:$0xED8] =	vst v0  }
0x151: {  	[tilespmem:$0xEE8] =	vst v0  }
0x152: {  	[tilespmem:$0xEF8] =	vst v0  }
0x153: {  	[tilespmem:$0xF08] =	vst v0  }
0x154: {  	[tilespmem:$0xF18] =	vst v0  }
0x155: {  	[tilespmem:$0xF28] =	vst v0  }
0x156: {  	[tilespmem:$0xF38] =	vst v0  }
0x157: {  	[tilespmem:$0xF48] =	vst v0  }
0x158: {  	[tilespmem:$0xF58] =	vst v0  }
0x159: {  	[tilespmem:$0xF68] =	vst v0  }
0x15a: {  	[tilespmem:$0xF78] =	vst v0  }
0x15b: {  	[tilespmem:$0xF88] =	vst v0  }
0x15c: {  	[tilespmem:$0xF98] =	vst v0  }
0x15d: {  	[tilespmem:$0xFA8] =	vst v0  }
0x15e: {  	[tilespmem:$0xFB8] =	vst v0  }
0x15f: {  	[tilespmem:$0xFC8] =	vst v0  }
0x160: {  	[tilespmem:$0xFD8] =	vst v0  }
0x161: {  	[tilespmem:$0xFE8] =	vst v0  }
0x162: {  	[tilespmem:$0xFF8] =	vst v0  }
0x163: {  	[tilespmem:$0x1028] =	vst v0  }
0x164: {  	[tilespmem:$0x10E8] =	vst v0  }
0x165: {  	[tilespmem:$0x1068] =	vst v0  }
0x166: {  	[tilespmem:$0x1B28] =	vst v0  }
0x167: {  	[tilespmem:$0x1B18] =	vst v0  }
0x168: {  	[tilespmem:$0x1B08] =	vst v0  }
0x169: {  	[tilespmem:$0x1AF8] =	vst v0  }
0x16a: {  	[tilespmem:$0x1AE8] =	vst v0  }
0x16b: {  	[tilespmem:$0x1AD8] =	vst v0  }
0x16c: {  	[tilespmem:$0x1AC8] =	vst v0  }
0x16d: {  	[tilespmem:$0x1AB8] =	vst v0  }
0x16e: {  	[tilespmem:$0x1AA8] =	vst v0  }
0x16f: {  	[tilespmem:$0x1A98] =	vst v0  }
0x170: {  	[tilespmem:$0x1A88] =	vst v0  }
0x171: {  	[tilespmem:$0x1A78] =	vst v0  }
0x172: {  	[tilespmem:$0x1A68] =	vst v0  }
0x173: {  	[tilespmem:$0x1A58] =	vst v0  }
0x174: {  	[tilespmem:$0x1A48] =	vst v0  }
0x175: {  	[tilespmem:$0x1A38] =	vst v0  }
0x176: {  	[tilespmem:$0x1A28] =	vst v0  }
0x177: {  	[tilespmem:$0x1A18] =	vst v0  }
0x178: {  	[tilespmem:$0x1A08] =	vst v0  }
0x179: {  	[tilespmem:$0x19F8] =	vst v0  }
0x17a: {  	[tilespmem:$0x19E8] =	vst v0  }
0x17b: {  	[tilespmem:$0x19D8] =	vst v0  }
0x17c: {  	[tilespmem:$0x19C8] =	vst v0  }
0x17d: {  	[tilespmem:$0x19B8] =	vst v0  }
0x17e: {  	[tilespmem:$0x19A8] =	vst v0  }
0x17f: {  	[tilespmem:$0x1998] =	vst v0  }
0x180: {  	[tilespmem:$0x1988] =	vst v0  }
0x181: {  	[tilespmem:$0x1978] =	vst v0  }
0x182: {  	[tilespmem:$0x1968] =	vst v0  }
0x183: {  	[tilespmem:$0x1958] =	vst v0  }
0x184: {  	[tilespmem:$0x1948] =	vst v0  }
0x185: {  	[tilespmem:$0x1938] =	vst v0  }
0x186: {  	[tilespmem:$0x1928] =	vst v0  }
0x187: {  	[tilespmem:$0x1918] =	vst v0  }
0x188: {  	[tilespmem:$0x1908] =	vst v0  }
0x189: {  	[tilespmem:$0x18F8] =	vst v0  }
0x18a: {  	[tilespmem:$0x18E8] =	vst v0  }
0x18b: {  	[tilespmem:$0x18D8] =	vst v0  }
0x18c: {  	[tilespmem:$0x18C8] =	vst v0  }
0x18d: {  	[tilespmem:$0x18B8] =	vst v0  }
0x18e: {  	[tilespmem:$0x18A8] =	vst v0  }
0x18f: {  	[tilespmem:$0x1898] =	vst v0  }
0x190: {  	[tilespmem:$0x1888] =	vst v0  }
0x191: {  	[tilespmem:$0x1878] =	vst v0  }
0x192: {  	[tilespmem:$0x1868] =	vst v0  }
0x193: {  	[tilespmem:$0x1858] =	vst v0  }
0x194: {  	[tilespmem:$0x1848] =	vst v0  }
0x195: {  	[tilespmem:$0x1838] =	vst v0  }
0x196: {  	[tilespmem:$0x1828] =	vst v0  }
0x197: {  	[tilespmem:$0x1818] =	vst v0  }
0x198: {  	[tilespmem:$0x1808] =	vst v0  }
0x199: {  	[tilespmem:$0x17F8] =	vst v0  }
0x19a: {  	[tilespmem:$0x17E8] =	vst v0  }
0x19b: {  	[tilespmem:$0x17D8] =	vst v0  }
0x19c: {  	[tilespmem:$0x17C8] =	vst v0  }
0x19d: {  	[tilespmem:$0x17B8] =	vst v0  }
0x19e: {  	[tilespmem:$0x17A8] =	vst v0  }
0x19f: {  	[tilespmem:$0x1798] =	vst v0  }
0x1a0: {  	[tilespmem:$0x1788] =	vst v0  }
0x1a1: {  	[tilespmem:$0x1778] =	vst v0  }
0x1a2: {  	[tilespmem:$0x1768] =	vst v0  }
0x1a3: {  	[tilespmem:$0x1758] =	vst v0  }
0x1a4: {  	[tilespmem:$0x1748] =	vst v0  }
0x1a5: {  	[tilespmem:$0x1738] =	vst v0  }
0x1a6: {  	[tilespmem:$0x1728] =	vst v0  }
0x1a7: {  	[tilespmem:$0x1718] =	vst v0  }
0x1a8: {  	[tilespmem:$0x1708] =	vst v0  }
0x1a9: {  	[tilespmem:$0x16F8] =	vst v0  }
0x1aa: {  	[tilespmem:$0x16E8] =	vst v0  }
0x1ab: {  	[tilespmem:$0x16D8] =	vst v0  }
0x1ac: {  	[tilespmem:$0x16C8] =	vst v0  }
0x1ad: {  	[tilespmem:$0x16B8] =	vst v0  }
0x1ae: {  	[tilespmem:$0x16A8] =	vst v0  }
0x1af: {  	[tilespmem:$0x1698] =	vst v0  }
0x1b0: {  	[tilespmem:$0x1688] =	vst v0  }
0x1b1: {  	[tilespmem:$0x1678] =	vst v0  }
0x1b2: {  	[tilespmem:$0x1668] =	vst v0  }
0x1b3: {  	[tilespmem:$0x1658] =	vst v0  }
0x1b4: {  	[tilespmem:$0x1648] =	vst v0  }
0x1b5: {  	[tilespmem:$0x1638] =	vst v0  }
0x1b6: {  	[tilespmem:$0x1628] =	vst v0  }
0x1b7: {  	[tilespmem:$0x1618] =	vst v0  }
0x1b8: {  	[tilespmem:$0x1608] =	vst v0  }
0x1b9: {  	[tilespmem:$0x15F8] =	vst v0  }
0x1ba: {  	[tilespmem:$0x15E8] =	vst v0  }
0x1bb: {  	[tilespmem:$0x15D8] =	vst v0  }
0x1bc: {  	[tilespmem:$0x15C8] =	vst v0  }
0x1bd: {  	[tilespmem:$0x15B8] =	vst v0  }
0x1be: {  	[tilespmem:$0x15A8] =	vst v0  }
0x1bf: {  	[tilespmem:$0x1598] =	vst v0  }
0x1c0: {  	[tilespmem:$0x1588] =	vst v0  }
0x1c1: {  	[tilespmem:$0x1578] =	vst v0  }
0x1c2: {  	[tilespmem:$0x1568] =	vst v0  }
0x1c3: {  	[tilespmem:$0x1558] =	vst v0  }
0x1c4: {  	[tilespmem:$0x1548] =	vst v0  }
0x1c5: {  	[tilespmem:$0x1538] =	vst v0  }
0x1c6: {  	[tilespmem:$0x1528] =	vst v0  }
0x1c7: {  	[tilespmem:$0x1518] =	vst v0  }
0x1c8: {  	[tilespmem:$0x1508] =	vst v0  }
0x1c9: {  	[tilespmem:$0x14F8] =	vst v0  }
0x1ca: {  	[tilespmem:$0x14E8] =	vst v0  }
0x1cb: {  	[tilespmem:$0x14D8] =	vst v0  }
0x1cc: {  	[tilespmem:$0x14C8] =	vst v0  }
0x1cd: {  	[tilespmem:$0x14B8] =	vst v0  }
0x1ce: {  	[tilespmem:$0x14A8] =	vst v0  }
0x1cf: {  	[tilespmem:$0x1498] =	vst v0  }
0x1d0: {  	[tilespmem:$0x1488] =	vst v0  }
0x1d1: {  	[tilespmem:$0x1478] =	vst v0  }
0x1d2: {  	[tilespmem:$0x1468] =	vst v0  }
0x1d3: {  	[tilespmem:$0x1458] =	vst v0  }
0x1d4: {  	[tilespmem:$0x1448] =	vst v0  }
0x1d5: {  	[tilespmem:$0x1438] =	vst v0  }
0x1d6: {  	[tilespmem:$0x1428] =	vst v0  }
0x1d7: {  	[tilespmem:$0x1418] =	vst v0  }
0x1d8: {  	[tilespmem:$0x1408] =	vst v0  }
0x1d9: {  	[tilespmem:$0x13F8] =	vst v0  }
0x1da: {  	[tilespmem:$0x13E8] =	vst v0  }
0x1db: {  	[tilespmem:$0x13D8] =	vst v0  }
0x1dc: {  	[tilespmem:$0x13C8] =	vst v0  }
0x1dd: {  	[tilespmem:$0x13B8] =	vst v0  }
0x1de: {  	[tilespmem:$0x13A8] =	vst v0  }
0x1df: {  	[tilespmem:$0x1398] =	vst v0  }
0x1e0: {  	[tilespmem:$0x1388] =	vst v0  }
0x1e1: {  	[tilespmem:$0x1378] =	vst v0  }
0x1e2: {  	[tilespmem:$0x1368] =	vst v0  }
0x1e3: {  	[tilespmem:$0x1358] =	vst v0  }
0x1e4: {  	[tilespmem:$0x1348] =	vst v0  }
0x1e5: {  	[tilespmem:$0x1338] =	vst v0  }
0x1e6: {  	[tilespmem:$0x1328] =	vst v0  }
0x1e7: {  	[tilespmem:$0x1318] =	vst v0  }
0x1e8: {  	[tilespmem:$0x1308] =	vst v0  }
0x1e9: {  	[tilespmem:$0x12F8] =	vst v0  }
0x1ea: {  	[tilespmem:$0x12E8] =	vst v0  }
0x1eb: {  	[tilespmem:$0x12D8] =	vst v0  }
0x1ec: {  	[tilespmem:$0x12C8] =	vst v0  }
0x1ed: {  	[tilespmem:$0x12B8] =	vst v0  }
0x1ee: {  	[tilespmem:$0x12A8] =	vst v0  }
0x1ef: {  	[tilespmem:$0x1298] =	vst v0  }
0x1f0: {  	[tilespmem:$0x1288] =	vst v0  }
0x1f1: {  	[tilespmem:$0x1278] =	vst v0  }
0x1f2: {  	[tilespmem:$0x1268] =	vst v0  }
0x1f3: {  	[tilespmem:$0x1258] =	vst v0  }
0x1f4: {  	[tilespmem:$0x1248] =	vst v0  }
0x1f5: {  	[tilespmem:$0x1238] =	vst v0  }
0x1f6: {  	[tilespmem:$0x1228] =	vst v0  }
0x1f7: {  	[tilespmem:$0x1218] =	vst v0  }
0x1f8: {  	[tilespmem:$0x1208] =	vst v0  }
0x1f9: {  	[tilespmem:$0x11F8] =	vst v0  }
0x1fa: {  	[tilespmem:$0x11E8] =	vst v0  }
0x1fb: {  	[tilespmem:$0x11D8] =	vst v0  }
0x1fc: {  	[tilespmem:$0x11C8] =	vst v0  }
0x1fd: {  	[tilespmem:$0x11B8] =	vst v0  }
0x1fe: {  	[tilespmem:$0x11A8] =	vst v0  }
0x1ff: {  	[tilespmem:$0x1198] =	vst v0  }
0x200: {  	[tilespmem:$0x1188] =	vst v0  }
0x201: {  	[tilespmem:$0x1178] =	vst v0  }
0x202: {  	[tilespmem:$0x1168] =	vst v0  }
0x203: {  	[tilespmem:$0x1158] =	vst v0  }
0x204: {  	[tilespmem:$0x1148] =	vst v0  }
0x205: {  	[tilespmem:$0x1138] =	vst v0  }
0x206: {  	[tilespmem:$0x1128] =	vst v0  }
0x207: {  	[tilespmem:$0x1118] =	vst v0  }
0x208: {  	s4 =	stileid.u32;
	[tilespmem:$0x1108] =	vst v0  }
0x209: {  	s0 =	smul.u32 $0x15, s4;
	[tilespmem:$0x10F8] =	vst v0  }
0x20a: {  	s1 =	smin.u32 s4, $0xC;
	[tilespmem:$0x10C8] =	vst v0  }
0x20b: {  	[tilespmem:$0x10D8] =	vst v0;
	s0 =	sadd.s32 s1, s0  }
0x20c: {  	p0 =	slt.u32 s4, $0xC;
	[tilespmem:$0x10B8] =	vst v0;
	s1 =	simm.s32 $0x2520;
	s6 =	smul.u32 $0x1B0, s0  }
0x20d: {  	s1 =	simm.s32 @!p0 $0x2370;
	[tilespmem:$0x1038] =	vst v0  }
0x20e: {  	[tilespmem:$0x10A8] =	vst v0;
	s0 =	sadd.s32 s1, s6  }
0x20f: {  	s3 =	simm.s32 $0x2;
	s8 =	simm.s32 $0x9;
	[tilespmem:$0x1098] =	vst v0;
	s7 =	smin.u32 s0, $0x249F0  }
0x210: {  	s10 =	simm.s32 $0xA;
	s30 =	simm.s32 $0xB;
	[tilespmem:$0x1088] =	vst v0;
	s0 =	ssub.s32 s7, s6  }
0x211: {  	s16 =	simm.s32 $0x0;
	p4 =	por $0x0, $0x0;
	[tilespmem:$0x1078] =	vst v0;
	p0 =	sgt.s32 s0, $0x0  }
0x212: {  	s17 =	simm.s32 $0xC;
	s21 =	simm.s32 $0x0;
	[tilespmem:$0x1058] =	vst v0;
	s0 =	simm.s32 @!p0 $0x0  }
0x213: {  	s18 =	simm.s32 $0x0;
	s2 =	sand.u32 $0x1, s2;
	[tilespmem:$0x1048] =	vst v0;
	s29 =	smulhi.u32 $0x4BDA12F7, s0  }
0x214: {  	s20 =	simm.s32 $0x0;
	s31 =	sshll.u32 s4, $0x5;
	[tilespmem:$0x1018] =	vst v0;
	[dreg:$0x5] =	wrdreg s2  }
0x215: {  	s2 =	smul.u32 $0x493E, s2;
	[tilespmem:$0x1008] =	vst v0;
	[sflag:s3] =	ssyncpa.u1 $0x0;
	s1 =	sshrl.u32 s29, $0x7  }
0x216: {  	v0 =	vimm.s32 $0xFFFFFFFF;
	s3 =	sadd.s32 $0x108800, s11;
	[dreg:$0x4] =	wrdreg s31;
	s5 =	smul.u32 $0x1B0, s1  }
.Ltmp7:
0x217: {  	[tilespmem:$0x3648] =	vst v0;
	[sflag:s8] =	ssyncpa.u1 $0x0;
	s2 =	sadd.s32 s2, s11;
	(pc) =	sbr.rel .LBB3_1-.Ltmp7, $4  }
0x218: {  	[sflag:s10] =	ssyncpa.u1 $0x0;
	s11 =	sadd.s32 $0x4404400, s11;
	p0 =	sne.s32 s0, s5  }
0x219: {  	[sflag:s30] =	ssyncpa.u1 $0x0;
	s14 =	sadd.s32 $0x1D400, s2;
	s12 =	simm.s32 @!p0 $0x0  }
0x21a: {  	s15 =	sadd.s32 $0x14000, s2;
	s19 =	smov.u32 s6;
	s12 =	sadd.s32 s12, s1  }
0x21b: {  	v0 =	vlaneseq.u32;
	[dreg:$0x6] =	wrdreg s6;
	p0 =	por $0x1, $0x1;
	s4 =	sadd.s32 $0x1, s12  }
.LBB3_18:
0x21c: {  	s0 =	simm.s32 $0x2  }
0x21d: {  	_ =	swait.ge [sflag:s0], $0x0  }
0x21e: {  	[sflag:s0] =	ssyncset.done $0x0;
	s0 =	simm.s32 $0x0  }
.LBB3_19:
0x21f: {  	_ =	swait.ge [sflag:s17], s0  }
0x220: {  	s31 =	ssub.s32 $0x0, s0;
	v1 =	vmov s23;
	vm0 =	veq.s32 v0, $0x0;
	[sflag:s17] =	ssyncset.done $0x0  }
0x221: {  	vm15 =	veq.s32 v0, $0x2;
	v1 =	vsel vm0, s28, v1;
	[sflag:s17] =	ssyncadd.s32 s31  }
0x222: {  	v1 =	vsel vm15, s21, v1;
	[sflag:s17] =	ssyncpa.u1 $0x1  }
0x223: {  	[tilespmem:$0x3648] =	vst v1  }
.LBB3_20:
0x224: {  	s0 =	sadd.s32 $0x1B0, s19  }
0x225: {  	s1 =	smov.u32 s6;
	p1 =	slt.s32 s0, s7  }
0x226: {  	s1 =	smov.u32 @p1 s0;
	p1 =	sne.s32 s20, s4  }
.Ltmp8:
0x227: {  	_ = 	snop;
	(pc) =	sbr.rel @!p1 .LBB3_21-.Ltmp8, $4  }
0x228: {  	_ = 	snop  }
0x229: {  	s21 =	smov.u32 s18  }
0x22a: {  	s31 =	sadd.s32 $0x1, s20;
	s18 =	smov.u32 s19;
	p0 =	por !p0, !p0  }
0x22b: {  	p4 =	por !p4, !p4;
	s20 =	smov.u32 s31;
	s19 =	smov.u32 s1  }
.LBB3_1:
0x22c: {  	p2 =	sge.u32 s20, s12  }
0x22d: {  	s0 =	smulhi.u32 @!p2 $0xAAAAAAAB, s20  }
0x22e: {  	s1 =	smov.u32 s19;
	p3 =	sgt.s32 @!p2 s19, $0x24840  }
0x22f: {  	s2 =	sshra.s32 @!p2 s19, $0x1F;
	p3 =	por !p3, p2;
	s0 =	sshrl.u32 @!p2 s0, $0x1  }
0x230: {  	s2 =	sand.u32 @!p2 s2, s19;
	s1 =	simm.s32 @p3 $0x24840;
	s0 =	smul.u32 @!p2 $0x3, s0  }
0x231: {  	s1 =	ssub.s32 @!p2 s1, s2  }
0x232: {  	s23 =	sadd.s32 $0xFFFFFFFF, s20;
	s1 =	sadd.s32 @!p2 $0xFFFDB7C0, s1;
	s0 =	ssub.s32 @!p2 s20, s0  }
0x233: {  	s2 =	sshll.u32 @!p2 s1, $0x2;
	p3 =	sgt.s32 @!p2 s1, $0x1AF;
	s0 =	smul.u32 @!p2 $0x6C0, s0  }
0x234: {  	s5 =	sand.u32 @!p2 $0x7, s19;
	s1 =	ssub.s32 @!p2 $0x6C0, s2;
	p3 =	por !p3, p2  }
0x235: {  	s2 =	sshrl.u32 @!p2 s19, $0x3;
	s1 =	sshrl.u32 @!p2 s1, $0x2;
	s0 =	sshrl.u32 @!p2 s0, $0x2  }
0x236: {  	s2 =	sadd.s32 @!p2 s2, s14;
	s1 =	simm.s32 @!p3 $0x0;
	s0 =	sadd.s32 @!p2 $0x3888, s0  }
0x237: {  	[tilespmem:s0], [sflag:$0xA] =	stream.linear.gather @!p2 [hbm4b:s2+s5], s1, $0x38;
	[tilespmem:$0x1F0F8] =	vst v63  }
0x238: {  	p2 =	sge.u32 s23, s12  }
0x239: {  	p3 =	sgt.s32 @!p2 s18, $0x24840  }
0x23a: {  	s0 =	smov.u32 s18;
	s1 =	sshra.s32 @!p2 s18, $0x1F;
	p3 =	por !p3, p2  }
0x23b: {  	s1 =	sand.u32 @!p2 s1, s18;
	s0 =	simm.s32 @p3 $0x24840  }
0x23c: {  	s0 =	ssub.s32 @!p2 s0, s1  }
0x23d: {  	s0 =	sadd.s32 @!p2 $0xFFFDB7C0, s0  }
0x23e: {  	s1 =	sshll.u32 @!p2 s0, $0x2  }
0x23f: {  	p3 =	sgt.s32 @!p2 s0, $0x1AF;
	s0 =	ssub.s32 @!p2 $0x6C0, s1  }
0x240: {  	s22 =	ssub.s32 @!p2 $0x249F0, s18;
	p3 =	por !p3, p2;
	s0 =	sshrl.u32 @!p2 s0, $0x2  }
0x241: {  	s1 =	sand.u32 @!p2 $0x1, s23;
	s0 =	simm.s32 @!p3 $0x0;
	p3 =	slt.s32 @!p2 s22, $0x1  }
0x242: {  	s2 =	simm.s32 @!p2 $0xA;
	s1 =	smul.u32 @!p2 $0x6C0, s1;
	p3 =	por p2, p3  }
.Ltmp9:
0x243: {  	_ =	swait.ge @!p2 [sflag:s2], s0;
	(pc) =	sbr.rel @p3 .LBB3_7-.Ltmp9, $4  }
0x244: {  	s5 =	ssub.s32 @!p2 $0x0, s0;
	[sflag:s2] =	ssyncset.done @!p2 $0x0  }
0x245: {  	s1 =	sshrl.u32 @!p2 s1, $0x2;
	[sflag:s2] =	ssyncadd.s32 @!p2 s5;
	s2 =	sshrl.u32 @!p2 s18, $0x3  }
0x246: {  	s1 =	sadd.s32 @!p2 $0x3D98, s1;
	s5 =	sand.u32 @!p2 $0x7, s18;
	s2 =	sadd.s32 @!p2 s2, s15  }
0x247: {  	[tilespmem:s1], [sflag:$0xB] =	stream.linear.gather @!p2 [hbm4b:s2+s5], s0, $0x38;
	[tilespmem:$0x1F0F8] =	vst v63  }
0x248: {  	s0 =	smulhi.u32 $0xAAAAAAAB, s23;
	_ =	sdelay $0x1  }
0x249: {  	s0 =	sshrl.u32 s0, $0x1  }
0x24a: {  	s0 =	smul.u32 $0x3, s0;
	_ =	sdelay $0x1  }
0x24b: {  	s0 =	ssub.s32 s23, s0  }
0x24c: {  	s1 =	simm.s32 $0x1;
	s0 =	smul.u32 $0x6C0, s0  }
.Ltmp10:
0x24d: {  	s1 =	simm.s32 @!p0 $0x0;
	(pc) =	sbr.rel .LBB3_4-.Ltmp10, $4  }
0x24e: {  	s1 =	smul.u32 $0x36000, s1  }
0x24f: {  	p3 =	slt.s32 @!p2 s22, $0x1B0;
	s0 =	sshrl.u32 s0, $0x2  }
0x250: {  	p2 =	por !p3, p2;
	s1 =	sshrl.u32 s1, $0x2;
	s0 =	sadd.s32 $0x3888, s0  }
0x251: {  	s24 =	simm.s32 $0x0;
	s22 =	simm.s32 @p2 $0x1B0;
	s23 =	sadd.s32 $0x40F8, s1;
	v1 =	vmov s0  }
.LBB3_3:
0x252: {  	p2 =	sge.s32 s24, s22  }
.Ltmp11:
0x253: {  	_ = 	snop;
	(pc) =	sbr.rel @p2 .LBB3_7-.Ltmp11, $2  }
0x254: {  	_ =	sdelay $0x2  }
0x255: {  	s23 =	sadd.s32 $0x800, s23  }
.LBB3_4:
0x256: {  	p2 =	sle.s32 s22, s24  }
.Ltmp12:
0x257: {  	_ = 	snop;
	(pc) =	sbr.rel @p2 .LBB3_3-.Ltmp12, $2  }
0x258: {  	_ =	sdelay $0x2  }
0x259: {  	s0 =	smov.u32 s24;
	s24 =	sadd.s32 $0x10, s24  }
0x25a: {  	s1 =	ssub.s32 s22, s0  }
0x25b: {  	p2 =	slt.s32 s1, $0x10  }
0x25c: {  	s1 =	simm.s32 @!p2 $0x10  }
0x25d: {  	v2 =	vmov s1  }
0x25e: {  	vm0 =	vgt.s32 v2, v0;
	_ =	sdelay $0x5  }
0x25f: {  	v2 =	vld.idx.msk [tilespmem:v1+s0+$0x0 ss:$0x1], vm0;
	_ =	sdelay $0x2  }
0x260: {  	p2 =	slt.s32 s24, s22;
	s1 =	smov.u32 s22  }
0x261: {  	s2 =	smov.u32 s23;
	s25 =	simm.s32 $0x0;
	s1 =	smov.u32 @p2 s24  }
.LBB3_6:
0x262: {  	(v2sf) =	vpush v2, s25;
	_ =	sdelay $0xc  }
0x263: {  	s25 =	sadd.s32 $0x1, s25  }
0x264: {  	s31 =	sadd.s32 s25, s0  }
0x265: {  	p2 =	slt.s32 s31, s1;
	s5 =	spop (v2sf)  }
.Ltmp13:
0x266: {  	s5 =	sshll.u32 s5, $0x4;
	(pc) =	sbr.rel @p2 .LBB3_6-.Ltmp13, $4  }
0x267: {  	s5 =	sand.u32 $0x1FFFFFF0, s5  }
0x268: {  	s5 =	sadd.s32 s11, s5  }
0x269: {  	[tilespmem:s2], [sflag:$0x9] =	stream.linear.gather [hbm4b:s5+s16], $0x4, $0x38;
	[tilespmem:$0x1F0F8] =	vst v63  }
0x26a: {  	s2 =	sadd.s32 $0x80, s2  }
.Ltmp14:
0x26b: {  	_ = 	snop;
	(pc) =	sbr.rel .LBB3_3-.Ltmp14, $1  }
0x26c: {  	_ =	sdelay $0x3  }
.LBB3_7:
0x26d: {  	p2 =	slt.u32 s20, $0x2  }
.Ltmp15:
0x26e: {  	_ = 	snop;
	(pc) =	sbr.rel @p2 .LBB3_20-.Ltmp15, $1  }
0x26f: {  	_ =	sdelay $0x3  }
0x270: {  	p2 =	sgt.s32 s21, $0x24840  }
0x271: {  	s0 =	smov.u32 s21;
	s1 =	sshra.s32 s21, $0x1F;
	s2 =	ssub.s32 $0x249F0, s21  }
0x272: {  	s0 =	simm.s32 @!p2 $0x24840;
	s1 =	sand.u32 s1, s21;
	p2 =	slt.s32 s2, $0x1B0  }
0x273: {  	s0 =	ssub.s32 s0, s1;
	s2 =	simm.s32 @!p2 $0x1B0  }
0x274: {  	s0 =	sadd.s32 $0xFFFDB7C0, s0;
	s24 =	sshll.u32 s2, $0x2  }
0x275: {  	s28 =	simm.s32 $0x9;
	s25 =	sshll.u32 s0, $0x2;
	s1 =	sand.u32 $0x3FFFFFFC, s24  }
0x276: {  	p2 =	sgt.s32 s0, $0x1AF;
	s26 =	ssub.s32 $0x6C0, s25;
	_ =	swait.ge [sflag:s28], s1  }
0x277: {  	s1 =	ssub.s32 $0x0, s1;
	[sflag:s28] =	ssyncset.done $0x0;
	s0 =	sshrl.u32 s26, $0x2  }
0x278: {  	s30 =	simm.s32 $0xB;
	[sflag:s28] =	ssyncadd.s32 s1;
	s0 =	simm.s32 @p2 $0x0  }
0x279: {  	_ =	swait.ge [sflag:s30], s0  }
0x27a: {  	s0 =	ssub.s32 $0x0, s0;
	[sflag:s30] =	ssyncset.done $0x0  }
0x27b: {  	[sflag:s30] =	ssyncadd.s32 s0  }
0x27c: {  	v1 =	vld [tilespmem:$0x3648];
	_ =	sdelay $0x4  }
0x27d: {  	(v2sf) =	vpush v1, $0x0  }
0x27e: {  	(v2sf) =	vpush v1, $0x1  }
0x27f: {  	(v2sf) =	vpush v1, $0x2;
	_ =	sdelay $0x3  }
0x280: {  	s0 =	sadd.s32 $0x1B0, s21  }
0x281: {  	s1 =	ssub.s32 $0x493E0, s21;
	p2 =	slt.s32 s7, s0  }
0x282: {  	s0 =	smov.u32 @p2 s7;
	p2 =	sgt.s32 s1, $0x0  }
0x283: {  	s25 =	ssub.s32 s0, s21;
	s1 =	simm.s32 @!p2 $0x0  }
0x284: {  	p2 =	slt.s32 s1, s25  }
0x285: {  	s25 =	smov.u32 @p2 s1  }
0x286: {  	s24 =	simm.s32 $0x1;
	p2 =	slt.s32 s25, $0x1  }
.Ltmp16:
0x287: {  	s24 =	simm.s32 @!p4 $0x0;
	(pc) =	sbr.rel @p2 .LBB3_12-.Ltmp16, $4  }
0x288: {  	s31 =	smul.u32 $0x6C0, s24  }
0x289: {  	s26 =	spop (v2sf)  }
0x28a: {  	s0 =	sshrl.u32 s31, $0x2;
	s29 =	spop (v2sf)  }
0x28b: {  	s22 =	sadd.s32 $0x3D98, s0;
	s21 =	spop (v2sf)  }
0x28c: {  	s0 =	smin.u32 s25, $0x10  }
0x28d: {  	v1 =	vmov s0  }
0x28e: {  	p3 =	sgt.s32 s25, $0x10;
	vm1 =	vgt.u32 v1, v0  }
.Ltmp17:
0x28f: {  	_ = 	snop;
	(pc) =	sbr.rel @!p3 .LBB3_11-.Ltmp17, $2  }
0x290: {  	_ =	sdelay $0x2  }
0x291: {  	s23 =	simm.s32 $0x10;
	s28 =	sadd.s32 $0xFFFFFFF0, s25;
	s0 =	smov.u32 s22;
	vm0 =	vmmov vm1  }
.LBB3_10:
0x292: {  	s1 =	smin.u32 s28, $0x10;
	s23 =	sadd.s32 $0x10, s23;
	v1 =	vld.msk [tilespmem:s0+$0x0 ss:$0x1], vm1  }
0x293: {  	v2 =	vmov s1;
	p3 =	slt.s32 s23, s25  }
0x294: {  	vm1 =	vgt.u32 v2, v0  }
.Ltmp18:
0x295: {  	(pc) =	sbr.rel @p3 .LBB3_10-.Ltmp18, $3  }
0x296: {  	_ =	sdelay $0x1  }
0x297: {  	v1 =	vshll.u32 v1, $0x4  }
0x298: {  	s28 =	sadd.s32 $0xFFFFFFF0, s28;
	[tilespmem:s0+$0x0] =	vst.msk vm0, v1;
	s0 =	sadd.s32 $0x10, s0;
	vm0 =	vmmov vm1  }
.LBB3_11:
0x299: {  	_ =	sdelay $0x4  }
0x29a: {  	v1 =	vld.msk [tilespmem:s0+$0x0 ss:$0x1], vm1;
	_ =	sdelay $0x4  }
0x29b: {  	v1 =	vshll.u32 v1, $0x4  }
0x29c: {  	[tilespmem:s0+$0x0] =	vst.msk vm0, v1  }
.LBB3_12:
0x29d: {  	s0 =	sand.u32 $0x1, s20  }
0x29e: {  	s0 =	smul.u32 $0x1B0, s0  }
0x29f: {  	p3 =	sne.s32 s29, $0xFFFFFFFF  }
0x2a0: {  	v1 =	vld.msk @!p3 [tilespmem:s0+$0x3D98], $0x1;
	_ =	sdelay $0x4  }
0x2a1: {  	(v2sf) =	vpush @!p3 v1, $0x0;
	_ =	sdelay $0xc  }
.Ltmp19:
0x2a2: {  	_ = 	snop;
	(pc) =	sbr.rel @p2 .LBB3_18-.Ltmp19, $4  }
0x2a3: {  	_ = 	snop  }
0x2a4: {  	s28 =	spop @!p3 (v2sf)  }
0x2a5: {  	s21 =	simm.s32 @!p3 $0x0;
	s23 =	smov.u32 s28  }
0x2a6: {  	[sflag:s17] =	ssyncpa.u1 $0x0;
	s28 =	smov.u32 @p3 s26;
	s23 =	smov.u32 @p3 s29  }
0x2a7: {  	v1 =	vld.msk [tilespmem:s22+$0x0], $0x1;
	_ =	sdelay $0x4  }
0x2a8: {  	(v2sf) =	vpush v1, $0x0;
	_ =	sdelay $0xe  }
0x2a9: {  	s0 =	simm.s32 @!p4 $0x0;
	s26 =	smul.u32 $0x36000, s24;
	s31 =	spop (v2sf)  }
0x2aa: {  	s29 =	ssub.s32 $0x0, s25;
	s0 =	simm.s32 @p4 $0x1;
	p2 =	seq.s32 s28, s31  }
0x2ab: {  	s1 =	smov.u32 s28;
	[smem:$0x7FD] =	sst s0;
	p3 =	sgt.s32 @!p2 s28, $0x0  }
0x2ac: {  	s0 =	sshrl.u32 s26, $0x2;
	s26 =	sadd.s32 $0x1, s29;
	p3 =	por !p3, p2  }
0x2ad: {  	s1 =	simm.s32 @p3 $0x0;
	p3 =	seq.s32 s26, $0x0  }
.Ltmp20:
0x2ae: {  	_ = 	snop;
	(pc) =	sbr.rel @p3 .LBB3_15-.Ltmp20, $4  }
0x2af: {  	s6 =	smov.u32 s4;
	s25 =	simm.s32 $0x0  }
0x2b0: {  	s24 =	sadd.s32 $0x40F8, s0;
	s0 =	simm.s32 @!p2 $0x1;
	s2 =	smin.u32 @!p2 s1, $0xC34FF  }
0x2b1: {  	s30 =	sadd.s32 $0x1, s22;
	s0 =	smov.u32 @p2 s25;
	s5 =	sand.u32 @!p2 $0xFFFF8, s2  }
0x2b2: {  	s1 =	simm.s32 @!p2 $0x1B38;
	s2 =	sand.u32 @!p2 $0x7, s2;
	s5 =	sadd.s32 @!p2 s3, s5  }
.LBB3_14:
0x2b3: {  	s4 =	smov.u32 s0  }
0x2b4: {  	[tilespmem:s1], [sflag:$0x2] =	stream.linear.gather @!p2 [hbm4b:s5+s2], $0x4, $0x38;
	[tilespmem:$0x1F0F8] =	vst v63  }
0x2b5: {  	s26 =	sadd.s32 $0x1, s26;
	s2 =	smov.u32 s31;
	v1 =	vld.msk [tilespmem:s30+$0x0], $0x1  }
0x2b6: {  	p3 =	seq.s32 s26, $0x0;
	_ =	sdelay $0x3  }
0x2b7: {  	(v2sf) =	vpush v1, $0x0;
	_ =	sdelay $0xe  }
0x2b8: {  	s31 =	spop (v2sf)  }
0x2b9: {  	p2 =	seq.s32 s2, s31  }
0x2ba: {  	p4 =	sgt.s32 @!p2 s2, $0x0;
	s1 =	sshll.u32 @!p2 s0, $0x6;
	s0 =	sadd.s32 @!p2 $0x1, s0  }
.Ltmp21:
0x2bb: {  	p4 =	por !p4, p2;
	s1 =	sshra.s32 @!p2 s1, $0x2;
	(pc) =	sbr.rel @!p3 .LBB3_14-.Ltmp21, $4  }
0x2bc: {  	s0 =	smov.u32 @p2 s4;
	s2 =	simm.s32 @p4 $0x0;
	s1 =	sadd.s32 @!p2 $0x1B38, s1  }
0x2bd: {  	s2 =	smin.u32 @!p2 s2, $0xC34FF  }
0x2be: {  	s4 =	sand.u32 @!p2 $0xFFFF8, s2;
	s2 =	sand.u32 @!p2 $0x7, s2  }
0x2bf: {  	s30 =	sadd.s32 $0x1, s30;
	s5 =	sadd.s32 @!p2 s3, s4  }
.LBB3_15:
0x2c0: {  	[tilespmem:s1], [sflag:$0x2] =	stream.linear.gather @!p2 [hbm4b:s5+s2], $0x4, $0x38;
	[tilespmem:$0x1F0F8] =	vst v63  }
0x2c1: {  	s0 =	sshll.u32 s0, $0x2  }
0x2c2: {  	s31 =	simm.s32 $0x2;
	s0 =	sand.u32 $0x3FFFFFFC, s0  }
0x2c3: {  	_ =	swait.ge [sflag:s31], s0  }
0x2c4: {  	s0 =	ssub.s32 $0x0, s0;
	[sflag:s31] =	ssyncset.done $0x0  }
0x2c5: {  	[sflag:s31] =	ssyncadd.s32 s0  }
0x2c6: {  	v1 =	vld.msk [tilespmem:s22+$0x0], $0x1;
	_ =	sdelay $0x4  }
0x2c7: {  	(v2sf) =	vpush v1, $0x0;
	_ =	sdelay $0xe  }
0x2c8: {  	s26 =	spop (v2sf)  }
0x2c9: {  	p2 =	sne.s32 s28, s26  }
0x2ca: {  	p4 =	sne.s32 @p2 s28, s23  }
0x2cb: {  	p3 =	por !p4, !p2  }
0x2cc: {  	s0 =	simm.s32 @!p3 $0x0  }
0x2cd: {  	v1 =	vld.msk @!p3 [tilespmem:s0+$0x1B38], $0xf  }
0x2ce: {  	p5 =	sgt.u32 @!p3 s28, $0xC34FF  }
0x2cf: {  	s1 =	sshll.u32 @!p3 s21, $0x6;
	p6 =	por @p2 p5, !p4  }
0x2d0: {  	s1 =	sshra.s32 @!p3 s1, $0x2;
	p1 =	por p6, !p2;
	p6 =	por p4, !p2  }
0x2d1: {  	s2 =	sadd.s32 @!p3 $0x28, s1;
	s4 =	sand.u32 @!p1 $0xFFFF8, s28;
	s5 =	sshll.u32 @!p6 s21, $0x6  }
0x2d2: {  	s28 =	sand.u32 @!p1 $0x7, s28;
	[tilespmem:s1+$0x28] =	vst.add.f32.msk @!p3 $0xf, v1;
	s1 =	sadd.s32 @!p1 s3, s4;
	s4 =	sshra.s32 @!p6 s5, $0x2  }
0x2d3: {  	[hbm4b:s1+s28] =	stream.linear.scatter @!p1 [tilespmem:s2], [sflag:$0xC], $0x4, $0x38;
	[tilespmem:$0x1F0F8] =	vst v63  }
0x2d4: {  	s0 =	rddreg [dreg:$0x4];
	s1 =	sadd.s32 @!p6 $0x28, s4;
	s2 =	simm.s32 @!p6 $0x1  }
0x2d5: {  	[spmem:s0] =	stream.linear.scatter @!p6 [tilespmem:s1], [sflag:$0x1], $0x4, $0x38;
	[tilespmem:$0x1F0F8] =	vst v63  }
0x2d6: {  	s0 =	sadd.s32 @p2 $0x1, s21;
	_ =	swait.ge @!p6 [sflag:s2], $0x4  }
0x2d7: {  	s1 =	sshrl.u32 @p2 s0, $0x4;
	[sflag:s2] =	ssyncset.done @!p6 $0x0  }
0x2d8: {  	s1 =	smulhi.u32 @p2 $0x97B425F, s1;
	[sflag:s2] =	ssyncadd.s32 @!p6 $0xFFFFFFFC  }
0x2d9: {  	s28 =	sadd.s32 $0x1, s29;
	v1 =	vld.msk @p2 [tilespmem:s24+$0x0], $0xf  }
0x2da: {  	p1 =	por @p2 !p5, !p4;
	p4 =	seq.s32 s28, $0x0;
	s1 =	smul.u32 @p2 $0x1B0, s1  }
.Ltmp22:
0x2db: {  	p1 =	por !p1, !p2;
	s2 =	simm.s32 @!p3 $0x0;
	(pc) =	sbr.rel @p4 .LBB3_17-.Ltmp22, $4  }
0x2dc: {  	s4 =	sshll.u32 @!p2 s21, $0x6;
	s2 =	simm.s32 @!p1 $0x10;
	s0 =	ssub.s32 @p2 s0, s1  }
0x2dd: {  	s29 =	simm.s32 $0x0;
	s2 =	sadd.s32 @!p3 $0x0, s2;
	s5 =	sshll.u32 @p2 s0, $0x4  }
0x2de: {  	s30 =	sshra.s32 @!p2 s4, $0x2;
	s1 =	simm.s32 @p2 $0x1;
	s2 =	smov.u32 @p3 s25;
	[tilespmem:s5+$0x28] =	vst.msk @p2 $0xf, v1  }
0x2df: {  	s21 =	smov.u32 @p2 s0;
	s29 =	smov.u32 @p2 s2;
	s25 =	smov.u32 @p2 s1;
	v1 =	vld.msk @!p2 [tilespmem:s24+$0x0], $0xf  }
.LBB3_16:
0x2e0: {  	_ =	sdelay $0x3  }
0x2e1: {  	s22 =	sadd.s32 $0x1, s22;
	[tilespmem:s30+$0x28] =	vst.add.f32.msk @!p2 $0xf, v1  }
0x2e2: {  	v1 =	vld.msk [tilespmem:s22+$0x0], $0x1;
	_ =	sdelay $0x4  }
0x2e3: {  	(v2sf) =	vpush v1, $0x0;
	_ =	sdelay $0xe  }
0x2e4: {  	s0 =	smov.u32 s26;
	s26 =	spop (v2sf)  }
0x2e5: {  	p2 =	sne.s32 s0, s26  }
0x2e6: {  	p5 =	sne.s32 @p2 s0, s23  }
0x2e7: {  	s4 =	sshll.u32 @!p2 s21, $0x6;
	p4 =	por !p5, !p2  }
0x2e8: {  	s30 =	sshra.s32 @!p2 s4, $0x2;
	s4 =	sshll.u32 @!p4 s25, $0x6  }
0x2e9: {  	s4 =	sshra.s32 @!p4 s4, $0x2  }
0x2ea: {  	p1 =	sgt.u32 @!p4 s0, $0xC34FF;
	v1 =	vld.msk @!p4 [tilespmem:s4+$0x1B38], $0xf  }
0x2eb: {  	s31 =	sshll.u32 @!p4 s21, $0x6;
	p6 =	por @p2 p1, !p5;
	p1 =	por @p2 !p1, !p5  }
0x2ec: {  	s8 =	simm.s32 @!p4 $0x0;
	s31 =	sshra.s32 @!p4 s31, $0x2;
	p1 =	por !p1, !p2  }
0x2ed: {  	p5 =	por p5, !p2;
	s8 =	simm.s32 @!p1 $0x10;
	p1 =	por p6, !p2  }
0x2ee: {  	s4 =	sadd.s32 @!p4 $0x28, s31;
	s13 =	sshll.u32 @!p5 s21, $0x6;
	s10 =	sand.u32 @!p1 $0xFFFF8, s0  }
0x2ef: {  	s13 =	sshra.s32 @!p5 s13, $0x2;
	s0 =	sand.u32 @!p1 $0x7, s0;
	s10 =	sadd.s32 @!p1 s3, s10;
	[tilespmem:s31+$0x28] =	vst.add.f32.msk @!p4 $0xf, v1  }
0x2f0: {  	[hbm4b:s10+s0] =	stream.linear.scatter @!p1 [tilespmem:s4], [sflag:$0xC], $0x4, $0x38;
	[tilespmem:$0x1F0F8] =	vst v63  }
0x2f1: {  	s1 =	rddreg [dreg:$0x4];
	s0 =	sadd.s32 @!p5 $0x28, s13;
	s4 =	simm.s32 @!p5 $0x1  }
0x2f2: {  	[spmem:s1] =	stream.linear.scatter @!p5 [tilespmem:s0], [sflag:$0x1], $0x4, $0x38;
	[tilespmem:$0x1F0F8] =	vst v63  }
0x2f3: {  	s2 =	sadd.s32 @p2 $0x1, s21;
	_ =	swait.ge @!p5 [sflag:s4], $0x4  }
0x2f4: {  	s5 =	sshrl.u32 @p2 s2, $0x4;
	[sflag:s4] =	ssyncset.done @!p5 $0x0  }
0x2f5: {  	s24 =	sadd.s32 $0x80, s24;
	s5 =	smulhi.u32 @p2 $0x97B425F, s5;
	[sflag:s4] =	ssyncadd.s32 @!p5 $0xFFFFFFFC  }
0x2f6: {  	s28 =	sadd.s32 $0x1, s28;
	v1 =	vld.msk @p2 [tilespmem:s24+$0x0], $0xf  }
0x2f7: {  	p3 =	seq.s32 s28, $0x0;
	s5 =	smul.u32 @p2 $0x1B0, s5  }
.Ltmp23:
0x2f8: {  	_ = 	snop;
	(pc) =	sbr.rel @!p3 .LBB3_16-.Ltmp23, $4  }
0x2f9: {  	s2 =	ssub.s32 @p2 s2, s5  }
0x2fa: {  	s8 =	sadd.s32 @!p4 s8, s29;
	s5 =	sshll.u32 @p2 s2, $0x4  }
0x2fb: {  	s9 =	sadd.s32 @p2 $0x1, s25;
	s8 =	smov.u32 @p4 s29;
	[tilespmem:s5+$0x28] =	vst.msk @p2 $0xf, v1  }
0x2fc: {  	s25 =	smov.u32 @p2 s9;
	s21 =	smov.u32 @p2 s2;
	s29 =	smov.u32 @p2 s8;
	v1 =	vld.msk @!p2 [tilespmem:s24+$0x0], $0xf  }
.LBB3_17:
.Ltmp24:
0x2fd: {  	_ = 	snop;
	(pc) =	sbr.rel .LBB3_19-.Ltmp24, $3  }
0x2fe: {  	s1 =	sld [smem:$0x7FD];
	_ =	sdelay $0x1  }
0x2ff: {  	s0 =	sshrl.u32 s29, $0x2;
	s28 =	smov.u32 s26  }
0x300: {  	s4 =	smov.u32 s6;
	s6 =	rddreg [dreg:$0x6];
	p4 =	seq.s32 s1, $0x1;
	[tilespmem:s30+$0x28] =	vst.add.f32.msk @!p2 $0xf, v1  }
.LBB3_21:
0x301: {  	_ =	sfence.sel $0x180000  }
0x302: {  	s0 =	simm.s32 $0x9;
	[bflag:$0x0] =	sbarrier.arrive $0xFFFF  }
0x303: {  	s24 =	simm.s32 $0xA;
	[sflag:s0] =	ssyncpa.u1 $0x1  }
0x304: {  	s25 =	simm.s32 $0xB;
	[sflag:s24] =	ssyncpa.u1 $0x1  }
0x305: {  	s26 =	simm.s32 $0x2;
	[sflag:s25] =	ssyncpa.u1 $0x1  }
0x306: {  	[sflag:s26] =	ssyncpa.u1 $0x1  }
0x307: {  	v0 =	vld [tilespmem:$0x3648];
	_ =	sdelay $0x4  }
0x308: {  	(v2sf) =	vpush v0, $0x0  }
0x309: {  	(v2sf) =	vpush v0, $0x1;
	_ =	sdelay $0x1  }
0x30a: {  	(v2sf) =	vpush v0, $0x2;
	_ =	sdelay $0xb  }
0x30b: {  	s0 =	spop (v2sf)  }
0x30c: {  	s1 =	spop (v2sf)  }
0x30d: {  	s2 =	smov.u32 s0;
	p0 =	sne.s32 s0, s1  }
0x30e: {  	s4 =	spop (v2sf);
	s2 =	simm.s32 @!p0 $0xFFFFFFFF  }
0x30f: {  	v2 =	vimm.s32 $0x1;
	v3 =	vlaneseq.u32;
	p0 =	seq.s32 s4, $0xFFFFFFFF;
	v1 =	vmov s2  }
0x310: {  	s16 =	stileid.u32;
	v0 =	vperm.xlane v0, v2;
	p1 =	sne.s32 @!p0 s0, s1;
	v1 =	vperm.xlane v1, v3  }
0x311: {  	vm0 =	vcmask $0x3F04;
	s6 =	simm.s32 $0x3648;
	s0 =	simm.s32 @!p0 $0x1;
	p1 =	por !p1, p0  }
0x312: {  	s2 =	sshll.u32 s16, $0x1;
	s1 =	sshll.u32 @!p0 s4, $0x6;
	s0 =	simm.s32 @p1 $0x0;
	v0 =	vsel vm0, v1, v0  }
0x313: {  	s5 =	sor.u32 $0x200, s2;
	s1 =	sshra.s32 @!p0 s1, $0x2;
	s0 =	sor.u32 @!p0 s0, s2;
	[tilespmem:$0x3648] =	vst v0  }
0x314: {  	[spmem:s5] =	stream.linear.scatter [tilespmem:s6], [sflag:$0x1], $0x2, $0x38;
	[tilespmem:$0x1F0F8] =	vst v63  }
0x315: {  	s1 =	sadd.s32 @!p0 $0x28, s1;
	s0 =	sshll.u32 @!p0 s0, $0x4  }
0x316: {  	[spmem:s0] =	stream.linear.scatter @!p0 [tilespmem:s1], [sflag:$0x1], $0x10, $0x38;
	[tilespmem:$0x1F0F8] =	vst v63  }
0x317: {  	s0 =	simm.s32 @!p0 $0x12  }
0x318: {  	s28 =	simm.s32 $0x1;
	s0 =	simm.s32 @p0 $0x2  }
0x319: {  	_ =	swait.ge [sflag:s28], s0  }
0x31a: {  	s0 =	ssub.s32 $0x0, s0;
	[sflag:s28] =	ssyncset.done $0x0  }
0x31b: {  	p0 =	sne.s32 s16, $0x0;
	[sflag:s28] =	ssyncadd.s32 s0  }
.Ltmp25:
0x31c: {  	_ =	sfence.stream.spmem;
	(pc) =	sbr.rel @p0 .LBB3_38-.Ltmp25, $4  }
0x31d: {  	s29 =	simm.s32 $0x3;
	[bflag:$0x0] =	sbarrier.arrive $0xFFFF  }
0x31e: {  	s30 =	simm.s32 $0x4;
	[sflag:s29] =	ssyncpa.u1 $0x1  }
0x31f: {  	s31 =	simm.s32 $0x3C;
	[sflag:s30] =	ssyncpa.u1 $0x1  }
0x320: {  	s17 =	rddreg [dreg:$0x5];
	[sflag:s31] =	ssyncpa.u1 $0x1  }
0x321: {  	_ =	sfence.stream.spmem;
	s0 =	simm.s32 $0x5  }
0x322: {  	s1 =	simm.s32 $0x200;
	s2 =	simm.s32 $0x3658;
	[sflag:s0] =	ssyncpa.u1 $0x0  }
0x323: {  	[tilespmem:s2], [sflag:$0x5] =	stream.linear.gather [spmem:s1], $0x20, $0x38;
	[tilespmem:$0x1F0F8] =	vst v63  }
0x324: {  	s26 =	simm.s32 $0x0;
	s28 =	simm.s32 $0x3678  }
0x325: {  	[tilespmem:s28], [sflag:$0x5] =	stream.linear.gather [spmem:s26], $0x200, $0x38;
	[tilespmem:$0x1F0F8] =	vst v63  }
0x326: {  	_ =	swait.ge [sflag:s0], $0x220  }
0x327: {  	[sflag:s0] =	ssyncset.done $0x0  }
0x328: {  	s29 =	simm.s32 $0x0;
	[sflag:s0] =	ssyncadd.s32 $0xFFFFFDE0  }
0x329: {  	v0 =	vld.msk [tilespmem:s29+$0x3658], $0x1;
	_ =	sdelay $0x1  }
0x32a: {  	s30 =	simm.s32 $0x1  }
0x32b: {  	v1 =	vld.msk [tilespmem:s30+$0x3658], $0x1;
	_ =	sdelay $0x1  }
0x32c: {  	(v2sf) =	vpush v0, $0x0;
	_ =	sdelay $0x2  }
0x32d: {  	(v2sf) =	vpush v1, $0x0;
	_ =	sdelay $0x2  }
0x32e: {  	s31 =	simm.s32 $0x2  }
0x32f: {  	v0 =	vld.msk [tilespmem:s31+$0x3658], $0x1;
	_ =	sdelay $0x2  }
0x330: {  	s6 =	simm.s32 $0xFFFFFFFF;
	s1 =	simm.s32 $0xFFFFFFFF;
	s0 =	simm.s32 $0xC  }
.LBB3_23:
0x331: {  	s2 =	smov.u32 s6;
	s4 =	smov.u32 s1  }
0x332: {  	s1 =	sshra.s32 s0, $0x2;
	p1 =	sne.s32 s0, $0x7C;
	s0 =	sadd.s32 $0x4, s0;
	(v2sf) =	vpush v0, $0x0  }
0x333: {  	v0 =	vld.msk [tilespmem:s1+$0x3658], $0x1  }
.Ltmp26:
0x334: {  	(pc) =	sbr.rel @p1 .LBB3_23-.Ltmp26, $4  }
0x335: {  	s6 =	spop (v2sf)  }
0x336: {  	p2 =	sne.s32 s4, $0xFFFFFFFF;
	s1 =	smov.u32 s6  }
0x337: {  	p3 =	seq.s32 s6, $0xFFFFFFFF;
	s1 =	smov.u32 @p2 s4  }
0x338: {  	s6 =	smov.u32 @p3 s2;
	s1 =	smov.u32 @p3 s4  }
0x339: {  	(v2sf) =	vpush v0, $0x0;
	_ =	sdelay $0x8  }
0x33a: {  	s0 =	spop (v2sf)  }
0x33b: {  	p1 =	sne.s32 s1, $0xFFFFFFFF;
	s2 =	smov.u32 s0  }
0x33c: {  	s9 =	simm.s32 $0x6;
	p2 =	seq.s32 s0, $0xFFFFFFFF;
	s2 =	smov.u32 @p1 s1  }
0x33d: {  	s10 =	simm.s32 $0x3638;
	s2 =	smov.u32 @p2 s1;
	s1 =	spop (v2sf)  }
0x33e: {  	s0 =	smov.u32 @p2 s6;
	p1 =	sne.s32 s2, $0xFFFFFFFF;
	s4 =	smov.u32 s1  }
.Ltmp27:
0x33f: {  	p2 =	seq.s32 s1, $0xFFFFFFFF;
	s4 =	smov.u32 @p1 s2;
	(pc) =	sbr.rel .LBB3_25-.Ltmp27, $4  }
0x340: {  	s11 =	simm.s32 $0x0;
	s4 =	smov.u32 @p2 s2;
	s7 =	spop (v2sf)  }
0x341: {  	[sflag:s9] =	ssyncpa.u1 $0x0;
	p1 =	sne.s32 s4, $0xFFFFFFFF;
	s8 =	smov.u32 s7  }
0x342: {  	s1 =	smov.u32 @p2 s0;
	p2 =	seq.s32 s7, $0xFFFFFFFF;
	s8 =	smov.u32 @p1 s4  }
0x343: {  	s6 =	simm.s32 $0x0;
	s7 =	smov.u32 @p2 s1;
	s8 =	smov.u32 @p2 s4  }
.LBB3_30:
0x344: {  	p1 =	sgt.u32 s12, $0xC34FF  }
0x345: {  	p2 =	seq.s32 @!p1 s12, s8  }
0x346: {  	p1 =	por p1, p2  }
0x347: {  	p2 =	sne.s32 @!p1 s12, s7  }
0x348: {  	p1 =	por p1, !p2  }
0x349: {  	s0 =	sshll.u32 @p1 s11, $0x6  }
0x34a: {  	s0 =	sand.u32 @!p1 $0xFFFF8, s12  }
0x34b: {  	s1 =	sand.u32 @!p1 $0x7, s12;
	s0 =	sadd.s32 @!p1 s3, s0  }
0x34c: {  	[tilespmem:s10], [sflag:$0x6] =	stream.linear.gather @!p1 [hbm4b:s0+s1], $0x4, $0x38;
	[tilespmem:$0x1F0F8] =	vst v63  }
0x34d: {  	_ =	swait.ge @!p1 [sflag:s9], $0x4  }
0x34e: {  	[sflag:s9] =	ssyncset.done @!p1 $0x0  }
0x34f: {  	[sflag:s9] =	ssyncadd.s32 @!p1 $0xFFFFFFFC  }
0x350: {  	v1 =	vld @!p1 [tilespmem:$0x3638];
	_ =	sdelay $0x2  }
0x351: {  	s0 =	sshll.u32 @!p1 s11, $0x6  }
0x352: {  	s1 =	sshrl.u32 @!p1 s0, $0x2  }
0x353: {  	[tilespmem:s1+$0x3678] =	vst.add.f32.msk @!p1 $0xffff, v1  }
0x354: {  	s0 =	sshrl.u32 s0, $0x2;
	[tilespmem:s6+$0x3658] =	vst.msk $0x1, v0  }
0x355: {  	v0 =	vld [tilespmem:s0+$0x3678];
	_ =	sdelay $0x2  }
0x356: {  	s31 =	sshll.u32 s6, $0x6  }
0x357: {  	s0 =	sshra.s32 s31, $0x2  }
0x358: {  	s6 =	sadd.s32 $0x1, s6;
	[tilespmem:s0+$0x3678] =	vst v0  }
.LBB3_32:
0x359: {  	s11 =	sadd.s32 $0x1, s11  }
0x35a: {  	p1 =	sne.s32 s11, $0x20  }
.Ltmp28:
0x35b: {  	_ = 	snop;
	(pc) =	sbr.rel @!p1 .LBB3_33-.Ltmp28, $1  }
0x35c: {  	_ =	sdelay $0x3  }
.LBB3_25:
0x35d: {  	v0 =	vld.msk [tilespmem:s11+$0x3658], $0x1;
	_ =	sdelay $0x4  }
0x35e: {  	(v2sf) =	vpush v0, $0x0;
	_ =	sdelay $0xe  }
0x35f: {  	s12 =	spop (v2sf)  }
0x360: {  	p1 =	seq.s32 s12, $0xFFFFFFFF  }
.Ltmp29:
0x361: {  	_ = 	snop;
	(pc) =	sbr.rel @p1 .LBB3_32-.Ltmp29, $1  }
0x362: {  	_ =	sdelay $0x3  }
0x363: {  	p1 =	slt.s32 s6, $0x1  }
.Ltmp30:
0x364: {  	_ = 	snop;
	(pc) =	sbr.rel @p1 .LBB3_30-.Ltmp30, $1  }
0x365: {  	_ =	sdelay $0x3  }
0x366: {  	s13 =	simm.s32 $0x3658;
	p1 =	por $0x0, $0x0  }
0x367: {  	v1 =	vld.msk @!p1 [tilespmem:s13+$0x0], $0x1;
	_ =	sdelay $0x4  }
0x368: {  	(v2sf) =	vpush @!p1 v1, $0x0;
	_ =	sdelay $0xd  }
0x369: {  	p3 =	sne.s32 s6, $0x1  }
.Ltmp31:
0x36a: {  	s0 =	spop @!p1 (v2sf);
	(pc) =	sbr.rel @!p3 .LBB3_29-.Ltmp31, $4  }
0x36b: {  	p2 =	seq.s32 @!p1 s12, s0  }
0x36c: {  	s14 =	simm.s32 $0x0;
	p2 =	por !p2, p1  }
0x36d: {  	s0 =	simm.s32 $0xFFFFFFFF;
	s14 =	simm.s32 @p2 $0xFFFFFFFF  }
0x36e: {  	s15 =	simm.s32 $0x1;
	s14 =	smov.u32 @p1 s0  }
.LBB3_28:
0x36f: {  	s0 =	smov.u32 s14;
	p1 =	sne.s32 s14, $0xFFFFFFFF  }
0x370: {  	s13 =	sadd.s32 $0x1, s13;
	s14 =	smov.u32 s15;
	s15 =	sadd.s32 $0x1, s15  }
0x371: {  	p2 =	sne.s32 s6, s15;
	v1 =	vld.msk @!p1 [tilespmem:s13+$0x0], $0x1;
	_ =	sdelay $0x4  }
0x372: {  	(v2sf) =	vpush @!p1 v1, $0x0;
	_ =	sdelay $0xe  }
.Ltmp32:
0x373: {  	s1 =	spop @!p1 (v2sf);
	(pc) =	sbr.rel @p2 .LBB3_28-.Ltmp32, $4  }
0x374: {  	p3 =	seq.s32 @!p1 s12, s1  }
0x375: {  	p3 =	por !p3, p1  }
0x376: {  	s14 =	simm.s32 @p3 $0xFFFFFFFF  }
0x377: {  	s14 =	smov.u32 @p1 s0  }
.LBB3_29:
0x378: {  	p1 =	sne.s32 s14, $0xFFFFFFFF  }
.Ltmp33:
0x379: {  	_ = 	snop;
	(pc) =	sbr.rel @!p1 .LBB3_30-.Ltmp33, $1  }
0x37a: {  	_ =	sdelay $0x3  }
0x37b: {  	s0 =	sshll.u32 s11, $0x4  }
0x37c: {  	s0 =	sand.u32 $0x3FFFFFF0, s0  }
0x37d: {  	v0 =	vld [tilespmem:s0+$0x3678]  }
.Ltmp34:
0x37e: {  	_ = 	snop;
	(pc) =	sbr.rel .LBB3_32-.Ltmp34, $4  }
0x37f: {  	_ = 	snop  }
0x380: {  	s31 =	sshll.u32 s14, $0x6  }
0x381: {  	s0 =	sshra.s32 s31, $0x2  }
0x382: {  	[tilespmem:s0+$0x3678] =	vst.add.f32.msk $0xffff, v0  }
.LBB3_33:
0x383: {  	s0 =	simm.s32 $0x6;
	p1 =	seq.s32 s6, $0x0  }
0x384: {  	[sflag:s0] =	ssyncpa.u1 $0x1;
	v0 =	vimm.s32 @p1 $0xFFFFFFFF  }
0x385: {  	s9 =	sadd.s32 $0xFFFFFFFF, s6;
	[tilespmem:$0x3878] =	vst @p1 v0  }
0x386: {  	v0 =	vld.msk @!p1 [tilespmem:s9+$0x3658], $0x1;
	_ =	sdelay $0x1  }
0x387: {  	v1 =	vld.msk @!p1 [tilespmem:$0x3658], $0x1;
	_ =	sdelay $0x2  }
0x388: {  	p2 =	seq.s32 @!p1 s9, $0x0;
	v0 =	vbroadcast @!p1 v0, $0x0  }
0x389: {  	vm0 =	vmmov @!p1 $0x1;
	p2 =	por !p2, p1  }
0x38a: {  	v1 =	vnsel @!p1 vm0, $0xFFFFFFFF, v1;
	vm0 =	vcmask @!p1 $0x308;
	v0 =	vpsel !p2, $0xFFFFFFFF, v0  }
0x38b: {  	p2 =	sne.s32 @!p1 s8, s7;
	v0 =	vsel @!p1 vm0, v1, v0  }
0x38c: {  	s0 =	simm.s32 @!p1 $0x3678;
	s1 =	simm.s32 @!p1 $0x0;
	p3 =	por !p2, p1;
	[tilespmem:$0x3878] =	vst @!p1 v0  }
0x38d: {  	[spmem:s1] =	stream.linear.scatter @!p1 [tilespmem:s0], [sflag:$0x1], $0x10, $0x38;
	[tilespmem:$0x1F0F8] =	vst v63  }
0x38e: {  	s0 =	sshll.u32 @!p3 s9, $0x6  }
0x38f: {  	s0 =	sshra.s32 @!p3 s0, $0x2  }
0x390: {  	s1 =	simm.s32 @!p3 $0x10;
	s0 =	sadd.s32 @!p3 $0x3678, s0  }
0x391: {  	[spmem:s1] =	stream.linear.scatter @!p3 [tilespmem:s0], [sflag:$0x1], $0x10, $0x38;
	[tilespmem:$0x1F0F8] =	vst v63  }
0x392: {  	s0 =	simm.s32 @!p3 $0x1  }
0x393: {  	_ =	swait.ge @!p3 [sflag:s0], $0x20  }
0x394: {  	p1 =	por p2, p1;
	[sflag:s0] =	ssyncset.done @!p3 $0x0  }
0x395: {  	[sflag:s0] =	ssyncadd.s32 @!p3 $0xFFFFFFE0;
	s0 =	simm.s32 @!p1 $0x1  }
0x396: {  	_ =	swait.ge @!p1 [sflag:s0], $0x10  }
0x397: {  	s29 =	simm.s32 $0x3878;
	[sflag:s0] =	ssyncset.done @!p1 $0x0  }
0x398: {  	s30 =	simm.s32 $0x200;
	s31 =	simm.s32 $0x1;
	[sflag:s0] =	ssyncadd.s32 @!p1 $0xFFFFFFF0  }
0x399: {  	[spmem:s30] =	stream.linear.scatter [tilespmem:s29], [sflag:$0x1], $0x10, $0x38;
	[tilespmem:$0x1F0F8] =	vst v63  }
0x39a: {  	_ =	swait.ge [sflag:s31], $0x10  }
0x39b: {  	[sflag:s31] =	ssyncset.done $0x0  }
0x39c: {  	p1 =	seq.s32 s17, $0x0;
	s8 =	rddreg [dreg:$0x1];
	[sflag:s31] =	ssyncadd.s32 $0xFFFFFFF0  }
0x39d: {  	s1 =	sshll.u32 @p1 s8, $0xE;
	s7 =	rddreg [dreg:$0x2]  }
0x39e: {  	s0 =	sadd.s32 @p1 $0x15C3C, s1;
	s1 =	sshll.u32 @p1 s7, $0x11  }
0x39f: {  	_ =	sfence.stream.spmem;
	s0 =	sor.u32 @p1 s1, s0  }
0x3a0: {  	[sflag:s0] =	ssyncadd.remote.s32 @p1 $0x1;
	s0 =	simm.s32 @p1 $0x4  }
0x3a1: {  	s2 =	simm.s32 @!p1 $0x3C;
	s1 =	sand.u32 $0xFFFFFFFE, s8;
	_ =	swait.ge @p1 [sflag:s0], $0x6  }
0x3a2: {  	s4 =	simm.s32 @!p1 $0x0;
	s1 =	sadd.s32 @!p1 $0x4, s1;
	[sflag:s0] =	ssyncset.done @p1 $0x0  }
0x3a3: {  	s5 =	simm.s32 @!p1 $0x20;
	[sflag:s0] =	ssyncadd.s32 @p1 $0xFFFFFFFA;
	s0 =	sshll.u32 @!p1 s1, $0x1A  }
0x3a4: {  	s1 =	sshll.u32 @!p1 s1, $0xD;
	s0 =	sor.u32 @!p1 s0, s7;
	_ =	swait.eq @!p1 [sflag:s2], $0x1  }
0x3a5: {  	s1 =	sor.u32 @!p1 $0x1C04, s1;
	s2 =	simm.s32 @!p1 $0x1C03;
	s0 =	sor.u32 @!p1 $0x80004000, s0  }
0x3a6: {  	[spmem:s5], [sflag:s1] =	dma.general @!p1 [spmem:s4], [sflag:s2], length:$0x4, [dreg:$0x0], stride_count:$0x0, ici_dest:s0, dma_misc:DstOpCode:WRITE  }
0x3a7: {  	p2 =	slt.s32 s9, $0x2;
	s4 =	simm.s32 @!p1 $0x40;
	s5 =	simm.s32 @!p1 $0x42  }
0x3a8: {  	[spmem:s5], [sflag:s1] =	dma.general @!p1 [spmem:s4], [sflag:s2], length:$0x2, [dreg:$0x0], stride_count:$0x0, ici_dest:s0, dma_misc:DstOpCode:WRITE  }
.Ltmp35:
0x3a9: {  	s0 =	simm.s32 @!p1 $0x3;
	(pc) =	sbr.rel @p2 .LBB3_37-.Ltmp35, $4  }
0x3aa: {  	s1 =	sshll.u32 @!p1 s8, $0xE;
	_ =	swait.ge @!p1 [sflag:s0], $0x6  }
0x3ab: {  	s2 =	sshll.u32 @!p1 s7, $0x11;
	s1 =	sadd.s32 @!p1 $0x11C3C, s1;
	[sflag:s0] =	ssyncset.done @!p1 $0x0  }
0x3ac: {  	[sflag:s0] =	ssyncadd.s32 @!p1 $0xFFFFFFFA;
	s0 =	sor.u32 @!p1 s2, s1  }
0x3ad: {  	[sflag:s0] =	ssyncadd.remote.s32 @!p1 $0xFFFFFFFF;
	s0 =	simm.s32 $0x0  }
0x3ae: {  	s0 =	simm.s32 $0x3659  }
0x3af: {  	v0 =	vld.msk [tilespmem:s0+$0x0], $0x1;
	_ =	sdelay $0x4  }
0x3b0: {  	(v2sf) =	vpush v0, $0x0;
	_ =	sdelay $0xd  }
0x3b1: {  	s2 =	sadd.s32 $0xFFFFFFFE, s6  }
0x3b2: {  	s2 =	sadd.s32 $0xFFFFFFFF, s2;
	s0 =	spop (v2sf)  }
0x3b3: {  	p2 =	sne.s32 s2, $0x0;
	p1 =	sgt.u32 s0, $0xC34FF  }
.Ltmp36:
0x3b4: {  	s4 =	sand.u32 @!p1 $0xFFFF8, s0;
	(pc) =	sbr.rel @!p2 .LBB3_36-.Ltmp36, $4  }
0x3b5: {  	s1 =	simm.s32 $0x3688;
	s0 =	sand.u32 @!p1 $0x7, s0;
	s4 =	sadd.s32 @!p1 s3, s4  }
0x3b6: {  	[hbm4b:s4+s0] =	stream.linear.scatter @!p1 [tilespmem:s1], [sflag:$0x5], $0x4, $0x38;
	[tilespmem:$0x1F0F8] =	vst v63  }
0x3b7: {  	s0 =	simm.s32 $0x0  }
0x3b8: {  	s6 =	simm.s32 $0x0;
	s7 =	simm.s32 $0x365A;
	s0 =	simm.s32 @!p1 $0x10  }
.LBB3_35:
0x3b9: {  	v0 =	vld.msk [tilespmem:s7+$0x0], $0x1;
	s2 =	sadd.s32 $0xFFFFFFFF, s2;
	s6 =	sadd.s32 s6, s0  }
0x3ba: {  	p1 =	sne.s32 s2, $0x0;
	_ =	sdelay $0x3  }
0x3bb: {  	(v2sf) =	vpush v0, $0x0;
	_ =	sdelay $0xe  }
.Ltmp37:
0x3bc: {  	s4 =	spop (v2sf);
	(pc) =	sbr.rel @p1 .LBB3_35-.Ltmp37, $4  }
0x3bd: {  	s0 =	simm.s32 $0x0;
	p2 =	sgt.u32 s4, $0xC34FF  }
0x3be: {  	s1 =	sadd.s32 $0x10, s1;
	s0 =	simm.s32 @!p2 $0x10;
	s5 =	sand.u32 @!p2 $0xFFFF8, s4  }
0x3bf: {  	s7 =	sadd.s32 $0x1, s7;
	s4 =	sand.u32 @!p2 $0x7, s4;
	s5 =	sadd.s32 @!p2 s3, s5  }
0x3c0: {  	[hbm4b:s5+s4] =	stream.linear.scatter @!p2 [tilespmem:s1], [sflag:$0x5], $0x4, $0x38;
	[tilespmem:$0x1F0F8] =	vst v63  }
.LBB3_36:
0x3c1: {  	s0 =	sadd.s32 s6, s0  }
0x3c2: {  	s0 =	sshrl.u32 s0, $0x2  }
.LBB3_37:
0x3c3: {  	s1 =	simm.s32 $0x5  }
0x3c4: {  	_ =	swait.ge [sflag:s1], s0  }
0x3c5: {  	s31 =	ssub.s32 $0x0, s0;
	[sflag:s1] =	ssyncset.done $0x0  }
0x3c6: {  	[sflag:s1] =	ssyncadd.s32 s31  }
0x3c7: {  	[sflag:s1] =	ssyncpa.u1 $0x1  }
.LBB3_38:
0x3c8: {  	s0 =	sor.u32 s17, s16  }
0x3c9: {  	p1 =	sne.s32 s0, $0x0  }
.Ltmp38:
0x3ca: {  	_ = 	snop;
	(pc) =	sbr.rel @p1 .LBB3_53-.Ltmp38, $3  }
0x3cb: {  	_ =	sdelay $0x1  }
0x3cc: {  	[bflag:$0x0] =	sbarrier.arrive $0xFFFF  }
0x3cd: {  	_ =	sfence  }
0x3ce: {  	s0 =	simm.s32 $0x7  }
0x3cf: {  	s1 =	simm.s32 $0x200;
	s2 =	simm.s32 $0x3658;
	[sflag:s0] =	ssyncpa.u1 $0x0  }
0x3d0: {  	[tilespmem:s2], [sflag:$0x7] =	stream.linear.gather [spmem:s1], $0x20, $0x38;
	[tilespmem:$0x1F0F8] =	vst v63  }
0x3d1: {  	s30 =	simm.s32 $0x3678;
	s1 =	simm.s32 $0x0  }
0x3d2: {  	[tilespmem:s30], [sflag:$0x7] =	stream.linear.gather [spmem:s1], $0x200, $0x38;
	[tilespmem:$0x1F0F8] =	vst v63  }
.Ltmp39:
0x3d3: {  	_ = 	snop;
	(pc) =	sbr.rel .LBB3_40-.Ltmp39, $4  }
0x3d4: {  	_ =	swait.ge [sflag:s0], $0x220  }
0x3d5: {  	[sflag:s0] =	ssyncset.done $0x0  }
0x3d6: {  	s31 =	simm.s32 $0x8;
	[sflag:s0] =	ssyncadd.s32 $0xFFFFFDE0  }
0x3d7: {  	s2 =	simm.s32 $0x0;
	[sflag:s31] =	ssyncpa.u1 $0x0  }
.LBB3_45:
0x3d8: {  	p1 =	slt.u32 s4, $0xC3500  }
0x3d9: {  	s0 =	sand.u32 @p1 $0xFFFF8, s4  }
0x3da: {  	s4 =	sand.u32 @p1 $0x7, s4;
	s5 =	simm.s32 @p1 $0x3638;
	s0 =	sadd.s32 @p1 s3, s0  }
0x3db: {  	[tilespmem:s5], [sflag:$0x8] =	stream.linear.gather @p1 [hbm4b:s0+s4], $0x4, $0x38;
	[tilespmem:$0x1F0F8] =	vst v63  }
0x3dc: {  	s0 =	simm.s32 @p1 $0x8  }
0x3dd: {  	_ =	swait.ge @p1 [sflag:s0], $0x4  }
0x3de: {  	[sflag:s0] =	ssyncset.done @p1 $0x0  }
0x3df: {  	[sflag:s0] =	ssyncadd.s32 @p1 $0xFFFFFFFC  }
0x3e0: {  	v1 =	vld @p1 [tilespmem:$0x3638];
	_ =	sdelay $0x2  }
0x3e1: {  	s0 =	sshll.u32 @p1 s2, $0x6  }
0x3e2: {  	s5 =	sshll.u32 @!p1 s2, $0x6;
	s4 =	sshrl.u32 @p1 s0, $0x2  }
0x3e3: {  	s5 =	smov.u32 @p1 s0;
	[tilespmem:s4+$0x3678] =	vst.add.f32.msk @p1 $0xffff, v1  }
0x3e4: {  	s0 =	sshrl.u32 s5, $0x2;
	[tilespmem:s1+$0x3658] =	vst.msk $0x1, v0  }
0x3e5: {  	v0 =	vld [tilespmem:s0+$0x3678];
	_ =	sdelay $0x2  }
0x3e6: {  	s31 =	sshll.u32 s1, $0x6  }
0x3e7: {  	s0 =	sshra.s32 s31, $0x2  }
0x3e8: {  	s1 =	sadd.s32 $0x1, s1;
	[tilespmem:s0+$0x3678] =	vst v0  }
.LBB3_47:
0x3e9: {  	s2 =	sadd.s32 $0x1, s2  }
0x3ea: {  	p1 =	sne.s32 s2, $0x20  }
.Ltmp40:
0x3eb: {  	_ = 	snop;
	(pc) =	sbr.rel @!p1 .LBB3_48-.Ltmp40, $1  }
0x3ec: {  	_ =	sdelay $0x3  }
.LBB3_40:
0x3ed: {  	v0 =	vld.msk [tilespmem:s2+$0x3658], $0x1;
	_ =	sdelay $0x4  }
0x3ee: {  	(v2sf) =	vpush v0, $0x0;
	_ =	sdelay $0xe  }
0x3ef: {  	s4 =	spop (v2sf)  }
0x3f0: {  	p1 =	seq.s32 s4, $0xFFFFFFFF  }
.Ltmp41:
0x3f1: {  	_ = 	snop;
	(pc) =	sbr.rel @p1 .LBB3_47-.Ltmp41, $1  }
0x3f2: {  	_ =	sdelay $0x3  }
0x3f3: {  	p1 =	slt.s32 s1, $0x1  }
.Ltmp42:
0x3f4: {  	_ = 	snop;
	(pc) =	sbr.rel @p1 .LBB3_45-.Ltmp42, $1  }
0x3f5: {  	_ =	sdelay $0x3  }
0x3f6: {  	s5 =	simm.s32 $0x3658;
	p1 =	por $0x0, $0x0  }
0x3f7: {  	v1 =	vld.msk @!p1 [tilespmem:s5+$0x0], $0x1;
	_ =	sdelay $0x4  }
0x3f8: {  	(v2sf) =	vpush @!p1 v1, $0x0;
	_ =	sdelay $0xd  }
0x3f9: {  	p3 =	sne.s32 s1, $0x1  }
.Ltmp43:
0x3fa: {  	s0 =	spop @!p1 (v2sf);
	(pc) =	sbr.rel @!p3 .LBB3_44-.Ltmp43, $4  }
0x3fb: {  	p2 =	seq.s32 @!p1 s4, s0  }
0x3fc: {  	s6 =	simm.s32 $0x0;
	p2 =	por !p2, p1  }
0x3fd: {  	s0 =	simm.s32 $0xFFFFFFFF;
	s6 =	simm.s32 @p2 $0xFFFFFFFF  }
0x3fe: {  	s7 =	simm.s32 $0x1;
	s6 =	smov.u32 @p1 s0  }
.LBB3_43:
0x3ff: {  	s0 =	smov.u32 s6;
	p1 =	sne.s32 s6, $0xFFFFFFFF  }
0x400: {  	s5 =	sadd.s32 $0x1, s5;
	s6 =	smov.u32 s7;
	s7 =	sadd.s32 $0x1, s7  }
0x401: {  	p2 =	sne.s32 s1, s7;
	v1 =	vld.msk @!p1 [tilespmem:s5+$0x0], $0x1;
	_ =	sdelay $0x4  }
0x402: {  	(v2sf) =	vpush @!p1 v1, $0x0;
	_ =	sdelay $0xe  }
.Ltmp44:
0x403: {  	s8 =	spop @!p1 (v2sf);
	(pc) =	sbr.rel @p2 .LBB3_43-.Ltmp44, $4  }
0x404: {  	p3 =	seq.s32 @!p1 s4, s8  }
0x405: {  	p3 =	por !p3, p1  }
0x406: {  	s6 =	simm.s32 @p3 $0xFFFFFFFF  }
0x407: {  	s6 =	smov.u32 @p1 s0  }
.LBB3_44:
0x408: {  	p1 =	sne.s32 s6, $0xFFFFFFFF  }
.Ltmp45:
0x409: {  	_ = 	snop;
	(pc) =	sbr.rel @!p1 .LBB3_45-.Ltmp45, $1  }
0x40a: {  	_ =	sdelay $0x3  }
0x40b: {  	s0 =	sshll.u32 s2, $0x4  }
0x40c: {  	s0 =	sand.u32 $0x3FFFFFF0, s0  }
0x40d: {  	v0 =	vld [tilespmem:s0+$0x3678]  }
.Ltmp46:
0x40e: {  	_ = 	snop;
	(pc) =	sbr.rel .LBB3_47-.Ltmp46, $4  }
0x40f: {  	_ = 	snop  }
0x410: {  	s31 =	sshll.u32 s6, $0x6  }
0x411: {  	s0 =	sshra.s32 s31, $0x2  }
0x412: {  	[tilespmem:s0+$0x3678] =	vst.add.f32.msk $0xffff, v0  }
.LBB3_48:
0x413: {  	p1 =	slt.s32 s1, $0x1  }
.Ltmp47:
0x414: {  	_ = 	snop;
	(pc) =	sbr.rel @p1 .LBB3_52-.Ltmp47, $3  }
0x415: {  	_ =	sdelay $0x1  }
0x416: {  	s0 =	simm.s32 $0x8  }
0x417: {  	s2 =	simm.s32 $0x0;
	[sflag:s0] =	ssyncpa.u1 $0x1  }
0x418: {  	s0 =	simm.s32 $0x3658  }
0x419: {  	v0 =	vld.msk [tilespmem:s0+$0x0], $0x1;
	_ =	sdelay $0x4  }
0x41a: {  	(v2sf) =	vpush v0, $0x0;
	_ =	sdelay $0xe  }
0x41b: {  	s1 =	sadd.s32 $0xFFFFFFFF, s1;
	s0 =	spop (v2sf)  }
0x41c: {  	p2 =	sne.s32 s1, $0x0;
	p1 =	sgt.u32 s0, $0xC34FF  }
.Ltmp48:
0x41d: {  	s5 =	sand.u32 @!p1 $0xFFFF8, s0;
	(pc) =	sbr.rel @!p2 .LBB3_51-.Ltmp48, $4  }
0x41e: {  	s4 =	simm.s32 $0x3678;
	s0 =	sand.u32 @!p1 $0x7, s0;
	s5 =	sadd.s32 @!p1 s3, s5  }
0x41f: {  	[hbm4b:s5+s0] =	stream.linear.scatter @!p1 [tilespmem:s4], [sflag:$0x7], $0x4, $0x38;
	[tilespmem:$0x1F0F8] =	vst v63  }
0x420: {  	s0 =	simm.s32 $0x0  }
0x421: {  	s5 =	simm.s32 $0x3659;
	s0 =	simm.s32 @!p1 $0x10  }
.LBB3_50:
0x422: {  	v0 =	vld.msk [tilespmem:s5+$0x0], $0x1;
	s1 =	sadd.s32 $0xFFFFFFFF, s1;
	s2 =	sadd.s32 s2, s0  }
0x423: {  	p1 =	sne.s32 s1, $0x0;
	_ =	sdelay $0x3  }
0x424: {  	(v2sf) =	vpush v0, $0x0;
	_ =	sdelay $0xe  }
.Ltmp49:
0x425: {  	s6 =	spop (v2sf);
	(pc) =	sbr.rel @p1 .LBB3_50-.Ltmp49, $4  }
0x426: {  	s0 =	simm.s32 $0x0;
	p2 =	sgt.u32 s6, $0xC34FF  }
0x427: {  	s4 =	sadd.s32 $0x10, s4;
	s0 =	simm.s32 @!p2 $0x10;
	s7 =	sand.u32 @!p2 $0xFFFF8, s6  }
0x428: {  	s5 =	sadd.s32 $0x1, s5;
	s6 =	sand.u32 @!p2 $0x7, s6;
	s7 =	sadd.s32 @!p2 s3, s7  }
0x429: {  	[hbm4b:s7+s6] =	stream.linear.scatter @!p2 [tilespmem:s4], [sflag:$0x7], $0x4, $0x38;
	[tilespmem:$0x1F0F8] =	vst v63  }
.LBB3_51:
0x42a: {  	s0 =	sadd.s32 s2, s0  }
0x42b: {  	s2 =	sshrl.u32 s0, $0x2  }
.LBB3_52:
0x42c: {  	s0 =	simm.s32 $0x7  }
0x42d: {  	_ =	swait.ge [sflag:s0], s2  }
0x42e: {  	s1 =	ssub.s32 $0x0, s2;
	[sflag:s0] =	ssyncset.done $0x0  }
0x42f: {  	[sflag:s0] =	ssyncadd.s32 s1  }
0x430: {  	[sflag:s0] =	ssyncpa.u1 $0x1  }
.LBB3_53:
0x431: {  	_ =	sfence;
	s0 =	simm.s32 $0x1  }
0x432: {  	[sflag:s0] =	ssyncpa.u1 $0x1  }
0x433: {  	_ =	strace $0x90000050  }
0x434: {  	[bflag:$0x2] =	sbarrier.arrive $0xFFFF  }
0x435: {  	s0 =	rddreg [dreg:$0x3]  }
0x436: {  	s0 =	sadd.s32 @!p0 $0x100000, s0  }
0x437: {  	[sflag:s0] =	ssyncadd.tile.s32 @!p0 $0x1;
	_ =	shalt  }
.Lfunc_end3:
_tile_overlayer_lowered:
.L_overlay_start_3:
0x438: {  	(tag) =	ssettag $0x3  }
0x439: {  	s0 =	rddreg [dreg:$0x0];
	s2 =	stileid.u32  }
0x43a: {  	s1 =	rddreg [dreg:$0x1];
	p0 =	sne.s32 s2, $0x0  }
0x43b: {  	s3 =	rddreg [dreg:$0x2];
	[bflag:$0x3] =	sbarrier.arrive $0xFFFF;
	s2 =	simm.s32 @!p0 $0x1C01  }
0x43c: {  	[timem:s3], [sflag:s2] =	dma.local @!p0 [hbm:s0], s1  }
0x43d: {  	s0 =	simm.s32 @!p0 $0x1  }
0x43e: {  	_ =	swait.ge @!p0 [sflag:s0], s1  }
0x43f: {  	s1 =	ssub.s32 @!p0 $0x0, s1;
	[sflag:s0] =	ssyncset.done @!p0 $0x0  }
0x440: {  	[sflag:s0] =	ssyncadd.s32 @!p0 s1  }
0x441: {  	[bflag:$0x3] =	sbarrier.arrive $0xFFFF  }
0x442: {  	_ =	shalt  }

</sc_bundles>
